<compile_context>
chip_gen: v7x
topology: tpu7x:2x2x1
jax: 0.10.2.dev20260603
libtpu: 0.0.44.dev20260713+nightly
codegen_flags: <defaults>
</compile_context>

<pallas_src>
import functools

import jax
import jax.numpy as jnp
from jax import lax
from jax.experimental import pallas as pl
from jax.experimental.pallas import tpu as pltpu
from jax.experimental.pallas import tpu_sc as plsc

_Q = 1000000
_D = 64
_SALT = 1000003
_NC = 2
_NS = 16
_NW = _NC * _NS
_CH = 32
_NBUF = 3
_WR = 256


def kernel(inputs, table):
    nf, b, _ = inputs.shape
    n = nf * b
    per_w = n // _NW
    nchunk = per_w // _CH
    agg = _WR // _CH

    flat_in = inputs.reshape(n).astype(jnp.int32)
    table3 = table.reshape(_Q // 8, 8, _D)

    mesh = plsc.VectorSubcoreMesh(core_axis_name="c", subcore_axis_name="s")

    @functools.partial(
        pl.kernel,
        out_type=jax.ShapeDtypeStruct((nf, _D, b), jnp.float32),
        mesh=mesh,
        compiler_params=pltpu.CompilerParams(needs_layout_passes=False),
        scratch_types=[
            pltpu.VMEM((per_w,), jnp.int32),
            pltpu.VMEM((per_w,), jnp.int32),
            pltpu.VMEM((_NBUF, _CH, 8, _D), jnp.float32),
            pltpu.VMEM((_D, _WR), jnp.float32),
            pltpu.SemaphoreType.DMA((_NBUF,)),
        ],
    )
    def sc_kernel(in_hbm, table_hbm, out_hbm, raw_ref, idx_ref, grp_ref,
                  rows_ref, gsem):
        wid = lax.axis_index("s") * _NC + lax.axis_index("c")
        wbase = wid * per_w

        pltpu.sync_copy(in_hbm.at[pl.ds(wbase, per_w)], raw_ref)

        def issue_chunk(r):
            f = (wbase + r * _CH) // b
            salt = (f + 1) * _SALT
            bb = lax.rem(r, _NBUF)

            def issue_vec(c, _):
                v = raw_ref[pl.ds(r * _CH + c * 16, 16)]
                vidx = (v + salt) % _Q
                idx_ref[pl.ds(r * _CH + c * 16, 16)] = vidx
                for jj in range(16):
                    g = vidx[jj] // 8
                    pltpu.make_async_copy(
                        table_hbm.at[pl.ds(g, 1)],
                        grp_ref.at[bb].at[pl.ds(c * 16 + jj, 1)],
                        gsem.at[bb]).start()
                return 0

            lax.fori_loop(0, _CH // 16, issue_vec, 0, unroll=True)

        def drain_chunk(r):
            bb = lax.rem(r, _NBUF)
            pltpu.make_async_copy(
                table_hbm.at[pl.ds(0, _CH)], grp_ref.at[bb],
                gsem.at[bb]).wait()

        def select_chunk(r):
            bb = lax.rem(r, _NBUF)
            col0 = lax.rem(r, agg) * _CH
            bb_v = jnp.full((16,), 0, jnp.int32) + bb
            j_iota = lax.iota(jnp.int32, 16)

            def sel_vec(c, _):
                s_v = lax.rem(idx_ref[pl.ds(r * _CH + c * 16, 16)], 8)
                j_v = j_iota + c * 16
                for d in range(_D):
                    d_v = jnp.full((16,), d, jnp.int32)
                    val = plsc.load_gather(grp_ref, [bb_v, j_v, s_v, d_v])
                    rows_ref[d, pl.ds(col0 + c * 16, 16)] = val
                return 0

            lax.fori_loop(0, _CH // 16, sel_vec, 0)

        def prologue(r, _):
            issue_chunk(r)
            return 0

        lax.fori_loop(0, _NBUF, prologue, 0)

        def main(r, _):
            drain_chunk(r)
            select_chunk(r)

            @pl.when(r + _NBUF < nchunk)
            def _():
                issue_chunk(r + _NBUF)

            @pl.when(lax.rem(r, agg) == agg - 1)
            def _():
                flat0 = wbase + (r - (agg - 1)) * _CH
                f = flat0 // b
                b0 = pl.multiple_of(flat0 - f * b, _WR)
                pltpu.sync_copy(rows_ref,
                                out_hbm.at[f].at[:, pl.ds(b0, _WR)])

            return 0

        lax.fori_loop(0, nchunk, main, 0)

    out = sc_kernel(flat_in, table3)
    return out.transpose(0, 2, 1)

# --- scband reference (transcript-rebuilt; emitter-appended) ---
"""Pipeline reference for scband-unified-embeddings-encoder-21371757265410 (READ-ONLY COPY).

The authoritative reference and input builder live on the scoring server;
editing this copy changes nothing except your own understanding.
"""

import jax, jax.numpy as jnp
import numpy as np

Q = 1000000
D = 64
NF = 26
B = 4096
SALT = 1000003


def setup_inputs(seed: int = 0) -> dict:
    key = jax.random.key(seed)
    k1, k2 = jax.random.split(key)
    inputs = jax.random.randint(k1, (NF, B, 1), 0, 1000000)
    table = jax.random.normal(k2, (Q, D), dtype=jnp.float32) * 0.02
    return {"inputs": inputs, "table": table}


def reference(inputs, table):
    # UnifiedEmbedding: one shared table of q buckets; each feature slot i
    # hashes its raw id together with the feature number (fnum=[i]) into the
    # shared bucket space, then looks up and reshapes (B,1,D)->(B,D).
    embeds = []
    nf = inputs.shape[0]
    for i in range(nf):
        raw = inputs[i, :, 0]  # [B]
        idx = (raw + (i + 1) * SALT) % Q  # salted hash into unified bucket space
        e = jnp.take(table, idx, axis=0)  # [B, D]
        embeds.append(e)
    return jnp.stack(embeds, axis=0)  # [NF, B, D], list of per-feature embeddings

if __name__ == "__main__":
    import jax
    _d = setup_inputs()
    print(jax.jit(kernel)(*tuple(_d.values())))

</pallas_src>

<mosaic_0001>
#map = affine_map<(d0, d1) -> (0)>
#map1 = affine_map<(d0, d1) -> (0, 0, 0)>
module attributes {stable_mosaic.version = 14 : i64} {
  func.func @sc_kernel(%arg0: i32, %arg1: i32, %arg2: memref<106496xi32, #tpu.memory_space<hbm>>, %arg3: memref<125000x8x64xf32, #tpu.memory_space<hbm>>, %arg4: memref<26x64x4096xf32, #tpu.memory_space<hbm>>, %arg5: memref<3328xi32, #tpu.memory_space<vmem>>, %arg6: memref<3328xi32, #tpu.memory_space<vmem>>, %arg7: memref<3x32x8x64xf32, #tpu.memory_space<vmem>>, %arg8: memref<64x256xf32, #tpu.memory_space<vmem>>, %arg9: memref<3x!tpu.dma_semaphore, #tpu.memory_space<semaphore_mem>>) attributes {dimension_semantics = [#tpu.dimension_semantics<core_parallel>, #tpu.dimension_semantics<subcore_parallel>], iteration_bounds = array<i64: 2, 16>, scalar_prefetch = 0 : i64, scratch_operands = 5 : i64, tpu.core_type = #tpu.core_type<sc_vector_subcore>, window_params = [{transform_indices = #map}, {transform_indices = #map1}, {transform_indices = #map1}]} {
    %mul3A = arith.constant 2 : i32
    %mul3A_0 = arith.muli %arg1, %mul3A : i32
    %add3A = arith.addi %mul3A_0, %arg0 : i32
    %mul3A_1 = arith.constant 3328 : i32
    %mul3A_2 = arith.muli %add3A, %mul3A_1 : i32
    "tpu.region"() ({
      %run_scoped3A = tpu.sem_alloc : memref<!tpu.dma_semaphore, #tpu.memory_space<semaphore_mem>>
      %dma_start3A = tpu.memref_slice %arg2[%mul3A_2] : memref<106496xi32, #tpu.memory_space<hbm>> -> memref<3328xi32, #tpu.memory_space<hbm>>
      %dma_start3A_16 = tpu.memref_slice %arg2[%mul3A_2] : memref<106496xi32, #tpu.memory_space<hbm>> -> memref<3328xi32, #tpu.memory_space<hbm>>
      tpu.enqueue_dma source(%dma_start3A_16 : memref<3328xi32, #tpu.memory_space<hbm>>) target(%arg5 : memref<3328xi32, #tpu.memory_space<vmem>>) target_semaphore(%run_scoped3A : memref<!tpu.dma_semaphore, #tpu.memory_space<semaphore_mem>>)
      %dma_wait3A = tpu.memref_slice %arg2[%mul3A_2] : memref<106496xi32, #tpu.memory_space<hbm>> -> memref<3328xi32, #tpu.memory_space<hbm>>
      %dma_wait3A_17 = tpu.memref_slice %arg2[%mul3A_2] : memref<106496xi32, #tpu.memory_space<hbm>> -> memref<3328xi32, #tpu.memory_space<hbm>>
      tpu.wait_dma2 semaphore(%run_scoped3A : memref<!tpu.dma_semaphore, #tpu.memory_space<semaphore_mem>>) src(%dma_wait3A_17 : memref<3328xi32, #tpu.memory_space<hbm>>) dst(%arg5 : memref<3328xi32, #tpu.memory_space<vmem>>)
      tpu.yield
    }) : () -> ()
    %scan3A = arith.constant 0 : i32
    %scan3A_3 = arith.constant 0 : i32
    %scan3A_4 = arith.constant 3 : i32
    %scan3A_5 = arith.addi %scan3A_3, %scan3A_4 : i32
    %scan3A_6 = arith.constant 1 : i32
    %scan3A_7 = scf.for %scan3A_16 = %scan3A_3 to %scan3A_5 step %scan3A_6 iter_args(%scan3A_17 = %scan3A) -> (i32)  : i32 {
      %mul3A_18 = arith.constant 32 : i32
      %mul3A_19 = arith.muli %scan3A_16, %mul3A_18 : i32
      %add3A_20 = arith.addi %mul3A_2, %mul3A_19 : i32
      %jit3A = arith.constant 4096 : i32
      %div3A = arith.divsi %add3A_20, %jit3A : i32
      %sign3A = arith.constant 0 : i32
      %sign3A_21 = arith.cmpi sgt, %add3A_20, %sign3A : i32
      %sign3A_22 = arith.extui %sign3A_21 : i1 to i32
      %sign3A_23 = arith.constant 0 : i32
      %sign3A_24 = arith.cmpi slt, %add3A_20, %sign3A_23 : i32
      %sign3A_25 = arith.extui %sign3A_24 : i1 to i32
      %sign3A_26 = arith.subi %sign3A_22, %sign3A_25 : i32
      %sign3A_27 = arith.constant 0 : i32
      %sign3A_28 = arith.cmpi sgt, %jit3A, %sign3A_27 : i32
      %sign3A_29 = arith.extui %sign3A_28 : i1 to i32
      %sign3A_30 = arith.constant 0 : i32
      %sign3A_31 = arith.cmpi slt, %jit3A, %sign3A_30 : i32
      %sign3A_32 = arith.extui %sign3A_31 : i1 to i32
      %sign3A_33 = arith.subi %sign3A_29, %sign3A_32 : i32
      %ne3A = arith.cmpi ne, %sign3A_26, %sign3A_33 : i32
      %rem3A = arith.remsi %add3A_20, %jit3A : i32
      %ne3A_34 = arith.constant 0 : i32
      %ne3A_35 = arith.cmpi ne, %rem3A, %ne3A_34 : i32
      %and3A = arith.andi %ne3A, %ne3A_35 : i1
      %sub3A = arith.constant 1 : i32
      %sub3A_36 = arith.subi %div3A, %sub3A : i32
      %select_n3A = arith.select %and3A, %sub3A_36, %div3A : i32
      %add3A_37 = arith.constant 1 : i32
      %add3A_38 = arith.addi %select_n3A, %add3A_37 : i32
      %mul3A_39 = arith.constant 1000003 : i32
      %mul3A_40 = arith.muli %add3A_38, %mul3A_39 : i32
      %rem3A_41 = arith.constant 3 : i32
      %rem3A_42 = arith.remsi %scan3A_16, %rem3A_41 : i32
      %scan3A_43 = arith.constant 0 : i32
      %scan3A_44 = arith.constant 0 : i32
      %mul3A_45 = arith.constant 32 : i32
      %mul3A_46 = arith.muli %scan3A_16, %mul3A_45 : i32
      %mul3A_47 = arith.constant 16 : i32
      %mul3A_48 = arith.muli %scan3A_44, %mul3A_47 : i32
      %add3A_49 = arith.addi %mul3A_46, %mul3A_48 : i32
      %get3A = arith.index_cast %add3A_49 : i32 to index
      %get3A_50 = tpu.vector_load %arg5[%get3A] {strides = array<i32>} : memref<3328xi32, #tpu.memory_space<vmem>>, vector<16xi32>,
      %add3A_51 = vector.broadcast %mul3A_40 : i32 to vector<16xi32>
      %add3A_52 = arith.addi %get3A_50, %add3A_51 : vector<16xi32>
      %jit3A_53 = arith.constant 1000000 : i32
      %eq3A = arith.constant 0 : i32
      %eq3A_54 = arith.cmpi eq, %jit3A_53, %eq3A : i32
      %jit3A_55 = arith.constant 1 : i32
      %select_n3A_56 = arith.select %eq3A_54, %jit3A_55, %jit3A_53 : i32
      %rem3A_57 = vector.broadcast %select_n3A_56 : i32 to vector<16xi32>
      %rem3A_58 = arith.remsi %add3A_52, %rem3A_57 : vector<16xi32>
      %ne3A_59 = arith.constant 0 : i32
      %ne3A_60 = vector.broadcast %ne3A_59 : i32 to vector<16xi32>
      %ne3A_61 = arith.cmpi ne, %rem3A_58, %ne3A_60 : vector<16xi32>
      %lt3A = arith.constant 0 : i32
      %lt3A_62 = vector.broadcast %lt3A : i32 to vector<16xi32>
      %lt3A_63 = arith.cmpi slt, %rem3A_58, %lt3A_62 : vector<16xi32>
      %lt3A_64 = arith.constant 0 : i32
      %lt3A_65 = arith.cmpi slt, %select_n3A_56, %lt3A_64 : i32
      %ne3A_66 = vector.broadcast %lt3A_65 : i1 to vector<16xi1>
      %ne3A_67 = vector.broadcast %ne3A_66 : vector<16xi1> to vector<16xi1>
      %ne3A_68 = arith.xori %lt3A_63, %ne3A_67 : vector<16xi1>
      %and3A_69 = arith.andi %ne3A_68, %ne3A_61 : vector<16xi1>
      %add3A_70 = vector.broadcast %select_n3A_56 : i32 to vector<16xi32>
      %add3A_71 = arith.addi %rem3A_58, %add3A_70 : vector<16xi32>
      %select_n3A_72 = arith.select %and3A_69, %add3A_71, %rem3A_58 : vector<16xi1>, vector<16xi32>
      %mul3A_73 = arith.constant 32 : i32
      %mul3A_74 = arith.muli %scan3A_16, %mul3A_73 : i32
      %mul3A_75 = arith.constant 16 : i32
      %mul3A_76 = arith.muli %scan3A_44, %mul3A_75 : i32
      %add3A_77 = arith.addi %mul3A_74, %mul3A_76 : i32
      %swap3A = arith.index_cast %add3A_77 : i32 to index
      %swap3A_78 = tpu.vector_load %arg6[%swap3A] {strides = array<i32>} : memref<3328xi32, #tpu.memory_space<vmem>>, vector<16xi32>,
      tpu.vector_store %arg6[%swap3A], %select_n3A_72 {strides = array<i32>} : memref<3328xi32, #tpu.memory_space<vmem>>, vector<16xi32>,
      %slice3A = vector.extract_strided_slice %select_n3A_72 {offsets = [0], sizes = [1], strides = [1]} : vector<16xi32> to vector<1xi32>
      %squeeze3A = vector.extract %slice3A[0] : i32 from vector<1xi32>
      %jit3A_79 = arith.constant 8 : i32
      %div3A_80 = arith.divsi %squeeze3A, %jit3A_79 : i32
      %sign3A_81 = arith.constant 0 : i32
      %sign3A_82 = arith.cmpi sgt, %squeeze3A, %sign3A_81 : i32
      %sign3A_83 = arith.extui %sign3A_82 : i1 to i32
      %sign3A_84 = arith.constant 0 : i32
      %sign3A_85 = arith.cmpi slt, %squeeze3A, %sign3A_84 : i32
      %sign3A_86 = arith.extui %sign3A_85 : i1 to i32
      %sign3A_87 = arith.subi %sign3A_83, %sign3A_86 : i32
      %sign3A_88 = arith.constant 0 : i32
      %sign3A_89 = arith.cmpi sgt, %jit3A_79, %sign3A_88 : i32
      %sign3A_90 = arith.extui %sign3A_89 : i1 to i32
      %sign3A_91 = arith.constant 0 : i32
      %sign3A_92 = arith.cmpi slt, %jit3A_79, %sign3A_91 : i32
      %sign3A_93 = arith.extui %sign3A_92 : i1 to i32
      %sign3A_94 = arith.subi %sign3A_90, %sign3A_93 : i32
      %ne3A_95 = arith.cmpi ne, %sign3A_87, %sign3A_94 : i32
      %rem3A_96 = arith.remsi %squeeze3A, %jit3A_79 : i32
      %ne3A_97 = arith.constant 0 : i32
      %ne3A_98 = arith.cmpi ne, %rem3A_96, %ne3A_97 : i32
      %and3A_99 = arith.andi %ne3A_95, %ne3A_98 : i1
      %sub3A_100 = arith.constant 1 : i32
      %sub3A_101 = arith.subi %div3A_80, %sub3A_100 : i32
      %select_n3A_102 = arith.select %and3A_99, %sub3A_101, %div3A_80 : i32
      %mul3A_103 = arith.constant 16 : i32
      %mul3A_104 = arith.muli %scan3A_44, %mul3A_103 : i32
      %add3A_105 = arith.constant 0 : i32
      %add3A_106 = arith.addi %mul3A_104, %add3A_105 : i32
      %dma_start3A = arith.constant 0 : i32
      %dma_start3A_107 = arith.constant 0 : i32
      %dma_start3A_108 = arith.constant 0 : i32
      %dma_start3A_109 = tpu.memref_slice %arg7[%rem3A_42, %dma_start3A, %dma_start3A_107, %dma_start3A_108] : memref<3x32x8x64xf32, #tpu.memory_space<vmem>> -> memref<1x32x8x64xf32, #tpu.memory_space<vmem>>
      %dma_start3A_110 = tpu.memref_squeeze %dma_start3A_109 : memref<1x32x8x64xf32, #tpu.memory_space<vmem>> -> memref<32x8x64xf32, #tpu.memory_space<vmem>>
      %dma_start3A_111 = arith.constant 0 : i32
      %dma_start3A_112 = arith.constant 0 : i32
      %dma_start3A_113 = tpu.memref_slice %dma_start3A_110[%add3A_106, %dma_start3A_111, %dma_start3A_112] : memref<32x8x64xf32, #tpu.memory_space<vmem>> -> memref<1x8x64xf32, #tpu.memory_space<vmem>>
      %dma_start3A_114 = arith.constant 0 : i32
      %dma_start3A_115 = arith.constant 0 : i32
      %dma_start3A_116 = tpu.memref_slice %arg3[%select_n3A_102, %dma_start3A_114, %dma_start3A_115] : memref<125000x8x64xf32, #tpu.memory_space<hbm>> -> memref<1x8x64xf32, #tpu.memory_space<hbm>>
      %dma_start3A_117 = tpu.memref_slice %arg9[%rem3A_42] : memref<3x!tpu.dma_semaphore, #tpu.memory_space<semaphore_mem>> -> memref<1x!tpu.dma_semaphore, #tpu.memory_space<semaphore_mem>>
      %dma_start3A_118 = tpu.memref_squeeze %dma_start3A_117 : memref<1x!tpu.dma_semaphore, #tpu.memory_space<semaphore_mem>> -> memref<!tpu.dma_semaphore, #tpu.memory_space<semaphore_mem>>
      %dma_start3A_119 = arith.constant 0 : i32
      %dma_start3A_120 = arith.constant 0 : i32
      %dma_start3A_121 = arith.constant 0 : i32
      %dma_start3A_122 = tpu.memref_slice %arg7[%rem3A_42, %dma_start3A_119, %dma_start3A_120, %dma_start3A_121] : memref<3x32x8x64xf32, #tpu.memory_space<vmem>> -> memref<1x32x8x64xf32, #tpu.memory_space<vmem>>
      %dma_start3A_123 = tpu.memref_squeeze %dma_start3A_122 : memref<1x32x8x64xf32, #tpu.memory_space<vmem>> -> memref<32x8x64xf32, #tpu.memory_space<vmem>>
      %dma_start3A_124 = arith.constant 0 : i32
      %dma_start3A_125 = arith.constant 0 : i32
      %dma_start3A_126 = tpu.memref_slice %dma_start3A_123[%add3A_106, %dma_start3A_124, %dma_start3A_125] : memref<32x8x64xf32, #tpu.memory_space<vmem>> -> memref<1x8x64xf32, #tpu.memory_space<vmem>>
      %dma_start3A_127 = arith.constant 0 : i32
      %dma_start3A_128 = arith.constant 0 : i32
      %dma_start3A_129 = tpu.memref_slice %arg3[%select_n3A_102, %dma_start3A_127, %dma_start3A_128] : memref<125000x8x64xf32, #tpu.memory_space<hbm>> -> memref<1x8x64xf32, #tpu.memory_space<hbm>>
      tpu.enqueue_dma source(%dma_start3A_129 : memref<1x8x64xf32, #tpu.memory_space<hbm>>) target(%dma_start3A_126 : memref<1x8x64xf32, #tpu.memory_space<vmem>>) target_semaphore(%dma_start3A_118 : memref<!tpu.dma_semaphore, #tpu.memory_space<semaphore_mem>>)
      %slice3A_130 = vector.extract_strided_slice %select_n3A_72 {offsets = [1], sizes = [1], strides = [1]} : vector<16xi32> to vector<1xi32>
      %squeeze3A_131 = vector.extract %slice3A_130[0] : i32 from vector<1xi32>
      %jit3A_132 = arith.constant 8 : i32
      %div3A_133 = arith.divsi %squeeze3A_131, %jit3A_132 : i32
      %sign3A_134 = arith.constant 0 : i32
      %sign3A_135 = arith.cmpi sgt, %squeeze3A_131, %sign3A_134 : i32
      %sign3A_136 = arith.extui %sign3A_135 : i1 to i32
      %sign3A_137 = arith.constant 0 : i32
      %sign3A_138 = arith.cmpi slt, %squeeze3A_131, %sign3A_137 : i32
      %sign3A_139 = arith.extui %sign3A_138 : i1 to i32
      %sign3A_140 = arith.subi %sign3A_136, %sign3A_139 : i32
      %sign3A_141 = arith.constant 0 : i32
      %sign3A_142 = arith.cmpi sgt, %jit3A_132, %sign3A_141 : i32
      %sign3A_143 = arith.extui %sign3A_142 : i1 to i32
      %sign3A_144 = arith.constant 0 : i32
      %sign3A_145 = arith.cmpi slt, %jit3A_132, %sign3A_144 : i32
      %sign3A_146 = arith.extui %sign3A_145 : i1 to i32
      %sign3A_147 = arith.subi %sign3A_143, %sign3A_146 : i32
      %ne3A_148 = arith.cmpi ne, %sign3A_140, %sign3A_147 : i32
      %rem3A_149 = arith.remsi %squeeze3A_131, %jit3A_132 : i32
      %ne3A_150 = arith.constant 0 : i32
      %ne3A_151 = arith.cmpi ne, %rem3A_149, %ne3A_150 : i32
      %and3A_152 = arith.andi %ne3A_148, %ne3A_151 : i1
      %sub3A_153 = arith.constant 1 : i32
      %sub3A_154 = arith.subi %div3A_133, %sub3A_153 : i32
      %select_n3A_155 = arith.select %and3A_152, %sub3A_154, %div3A_133 : i32
      %mul3A_156 = arith.constant 16 : i32
      %mul3A_157 = arith.muli %scan3A_44, %mul3A_156 : i32
      %add3A_158 = arith.constant 1 : i32
      %add3A_159 = arith.addi %mul3A_157, %add3A_158 : i32
      %dma_start3A_160 = arith.constant 0 : i32
      %dma_start3A_161 = arith.constant 0 : i32
      %dma_start3A_162 = arith.constant 0 : i32
      %dma_start3A_163 = tpu.memref_slice %arg7[%rem3A_42, %dma_start3A_160, %dma_start3A_161, %dma_start3A_162] : memref<3x32x8x64xf32, #tpu.memory_space<vmem>> -> memref<1x32x8x64xf32, #tpu.memory_space<vmem>>
      %dma_start3A_164 = tpu.memref_squeeze %dma_start3A_163 : memref<1x32x8x64xf32, #tpu.memory_space<vmem>> -> memref<32x8x64xf32, #tpu.memory_space<vmem>>
      %dma_start3A_165 = arith.constant 0 : i32
      %dma_start3A_166 = arith.constant 0 : i32
      %dma_start3A_167 = tpu.memref_slice %dma_start3A_164[%add3A_159, %dma_start3A_165, %dma_start3A_166] : memref<32x8x64xf32, #tpu.memory_space<vmem>> -> memref<1x8x64xf32, #tpu.memory_space<vmem>>
      %dma_start3A_168 = arith.constant 0 : i32
      %dma_start3A_169 = arith.constant 0 : i32
      %dma_start3A_170 = tpu.memref_slice %arg3[%select_n3A_155, %dma_start3A_168, %dma_start3A_169] : memref<125000x8x64xf32, #tpu.memory_space<hbm>> -> memref<1x8x64xf32, #tpu.memory_space<hbm>>
      %dma_start3A_171 = tpu.memref_slice %arg9[%rem3A_42] : memref<3x!tpu.dma_semaphore, #tpu.memory_space<semaphore_mem>> -> memref<1x!tpu.dma_semaphore, #tpu.memory_space<semaphore_mem>>
      %dma_start3A_172 = tpu.memref_squeeze %dma_start3A_171 : memref<1x!tpu.dma_semaphore, #tpu.memory_space<semaphore_mem>> -> memref<!tpu.dma_semaphore, #tpu.memory_space<semaphore_mem>>
      %dma_start3A_173 = arith.constant 0 : i32
      %dma_start3A_174 = arith.constant 0 : i32
      %dma_start3A_175 = arith.constant 0 : i32
      %dma_start3A_176 = tpu.memref_slice %arg7[%rem3A_42, %dma_start3A_173, %dma_start3A_174, %dma_start3A_175] : memref<3x32x8x64xf32, #tpu.memory_space<vmem>> -> memref<1x32x8x64xf32, #tpu.memory_space<vmem>>
      %dma_start3A_177 = tpu.memref_squeeze %dma_start3A_176 : memref<1x32x8x64xf32, #tpu.memory_space<vmem>> -> memref<32x8x64xf32, #tpu.memory_space<vmem>>
      %dma_start3A_178 = arith.constant 0 : i32
      %dma_start3A_179 = arith.constant 0 : i32
      %dma_start3A_180 = tpu.memref_slice %dma_start3A_177[%add3A_159, %dma_start3A_178, %dma_start3A_179] : memref<32x8x64xf32, #tpu.memory_space<vmem>> -> memref<1x8x64xf32, #tpu.memory_space<vmem>>
      %dma_start3A_181 = arith.constant 0 : i32
      %dma_start3A_182 = arith.constant 0 : i32
      %dma_start3A_183 = tpu.memref_slice %arg3[%select_n3A_155, %dma_start3A_181, %dma_start3A_182] : memref<125000x8x64xf32, #tpu.memory_space<hbm>> -> memref<1x8x64xf32, #tpu.memory_space<hbm>>
      tpu.enqueue_dma source(%dma_start3A_183 : memref<1x8x64xf32, #tpu.memory_space<hbm>>) target(%dma_start3A_180 : memref<1x8x64xf32, #tpu.memory_space<vmem>>) target_semaphore(%dma_start3A_172 : memref<!tpu.dma_semaphore, #tpu.memory_space<semaphore_mem>>)
      %slice3A_184 = vector.extract_strided_slice %select_n3A_72 {offsets = [2], sizes = [1], strides = [1]} : vector<16xi32> to vector<1xi32>
      %squeeze3A_185 = vector.extract %slice3A_184[0] : i32 from vector<1xi32>
      %jit3A_186 = arith.constant 8 : i32
      %div3A_187 = arith.divsi %squeeze3A_185, %jit3A_186 : i32
      %sign3A_188 = arith.constant 0 : i32
      %sign3A_189 = arith.cmpi sgt, %squeeze3A_185, %sign3A_188 : i32
      %sign3A_190 = arith.extui %sign3A_189 : i1 to i32
      %sign3A_191 = arith.constant 0 : i32
      %sign3A_192 = arith.cmpi slt, %squeeze3A_185, %sign3A_191 : i32
      %sign3A_193 = arith.extui %sign3A_192 : i1 to i32
      %sign3A_194 = arith.subi %sign3A_190, %sign3A_193 : i32
      %sign3A_195 = arith.constant 0 : i32
      %sign3A_196 = arith.cmpi sgt, %jit3A_186, %sign3A_195 : i32
      %sign3A_197 = arith.extui %sign3A_196 : i1 to i32
      %sign3A_198 = arith.constant 0 : i32
      %sign3A_199 = arith.cmpi slt, %jit3A_186, %sign3A_198 : i32
      %sign3A_200 = arith.extui %sign3A_199 : i1 to i32
      %sign3A_201 = arith.subi %sign3A_197, %sign3A_200 : i32
      %ne3A_202 = arith.cmpi ne, %sign3A_194, %sign3A_201 : i32
      %rem3A_203 = arith.remsi %squeeze3A_185, %jit3A_186 : i32
      %ne3A_204 = arith.constant 0 : i32
      %ne3A_205 = arith.cmpi ne, %rem3A_203, %ne3A_204 : i32
      %and3A_206 = arith.andi %ne3A_202, %ne3A_205 : i1
      %sub3A_207 = arith.constant 1 : i32
      %sub3A_208 = arith.subi %div3A_187, %sub3A_207 : i32
      %select_n3A_209 = arith.select %and3A_206, %sub3A_208, %div3A_187 : i32
      %mul3A_210 = arith.constant 16 : i32
      %mul3A_211 = arith.muli %scan3A_44, %mul3A_210 : i32
      %add3A_212 = arith.constant 2 : i32
      %add3A_213 = arith.addi %mul3A_211, %add3A_212 : i32
      %dma_start3A_214 = arith.constant 0 : i32
      %dma_start3A_215 = arith.constant 0 : i32
      %dma_start3A_216 = arith.constant 0 : i32
      %dma_start3A_217 = tpu.memref_slice %arg7[%rem3A_42, %dma_start3A_214, %dma_start3A_215, %dma_start3A_216] : memref<3x32x8x64xf32, #tpu.memory_space<vmem>> -> memref<1x32x8x64xf32, #tpu.memory_space<vmem>>
      %dma_start3A_218 = tpu.memref_squeeze %dma_start3A_217 : memref<1x32x8x64xf32, #tpu.memory_space<vmem>> -> memref<32x8x64xf32, #tpu.memory_space<vmem>>
      %dma_start3A_219 = arith.constant 0 : i32
      %dma_start3A_220 = arith.constant 0 : i32
      %dma_start3A_221 = tpu.memref_slice %dma_start3A_218[%add3A_213, %dma_start3A_219, %dma_start3A_220] : memref<32x8x64xf32, #tpu.memory_space<vmem>> -> memref<1x8x64xf32, #tpu.memory_space<vmem>>
      %dma_start3A_222 = arith.constant 0 : i32
      %dma_start3A_223 = arith.constant 0 : i32
      %dma_start3A_224 = tpu.memref_slice %arg3[%select_n3A_209, %dma_start3A_222, %dma_start3A_223] : memref<125000x8x64xf32, #tpu.memory_space<hbm>> -> memref<1x8x64xf32, #tpu.memory_space<hbm>>
      %dma_start3A_225 = tpu.memref_slice %arg9[%rem3A_42] : memref<3x!tpu.dma_semaphore, #tpu.memory_space<semaphore_mem>> -> memref<1x!tpu.dma_semaphore, #tpu.memory_space<semaphore_mem>>
      %dma_start3A_226 = tpu.memref_squeeze %dma_start3A_225 : memref<1x!tpu.dma_semaphore, #tpu.memory_space<semaphore_mem>> -> memref<!tpu.dma_semaphore, #tpu.memory_space<semaphore_mem>>
      %dma_start3A_227 = arith.constant 0 : i32
      %dma_start3A_228 = arith.constant 0 : i32
      %dma_start3A_229 = arith.constant 0 : i32
      %dma_start3A_230 = tpu.memref_slice %arg7[%rem3A_42, %dma_start3A_227, %dma_start3A_228, %dma_start3A_229] : memref<3x32x8x64xf32, #tpu.memory_space<vmem>> -> memref<1x32x8x64xf32, #tpu.memory_space<vmem>>
      %dma_start3A_231 = tpu.memref_squeeze %dma_start3A_230 : memref<1x32x8x64xf32, #tpu.memory_space<vmem>> -> memref<32x8x64xf32, #tpu.memory_space<vmem>>
      %dma_start3A_232 = arith.constant 0 : i32
      %dma_start3A_233 = arith.constant 0 : i32
      %dma_start3A_234 = tpu.memref_slice %dma_start3A_231[%add3A_213, %dma_start3A_232, %dma_start3A_233] : memref<32x8x64xf32, #tpu.memory_space<vmem>> -> memref<1x8x64xf32, #tpu.memory_space<vmem>>
      %dma_start3A_235 = arith.constant 0 : i32
      %dma_start3A_236 = arith.constant 0 : i32
      %dma_start3A_237 = tpu.memref_slice %arg3[%select_n3A_209, %dma_start3A_235, %dma_start3A_236] : memref<125000x8x64xf32, #tpu.memory_space<hbm>> -> memref<1x8x64xf32, #tpu.memory_space<hbm>>
      tpu.enqueue_dma source(%dma_start3A_237 : memref<1x8x64xf32, #tpu.memory_space<hbm>>) target(%dma_start3A_234 : memref<1x8x64xf32, #tpu.memory_space<vmem>>) target_semaphore(%dma_start3A_226 : memref<!tpu.dma_semaphore, #tpu.memory_space<semaphore_mem>>)
      %slice3A_238 = vector.extract_strided_slice %select_n3A_72 {offsets = [3], sizes = [1], strides = [1]} : vector<16xi32> to vector<1xi32>
      %squeeze3A_239 = vector.extract %slice3A_238[0] : i32 from vector<1xi32>
      %jit3A_240 = arith.constant 8 : i32
      %div3A_241 = arith.divsi %squeeze3A_239, %jit3A_240 : i32
      %sign3A_242 = arith.constant 0 : i32
      %sign3A_243 = arith.cmpi sgt, %squeeze3A_239, %sign3A_242 : i32
      %sign3A_244 = arith.extui %sign3A_243 : i1 to i32
      %sign3A_245 = arith.constant 0 : i32
      %sign3A_246 = arith.cmpi slt, %squeeze3A_239, %sign3A_245 : i32
      %sign3A_247 = arith.extui %sign3A_246 : i1 to i32
      %sign3A_248 = arith.subi %sign3A_244, %sign3A_247 : i32
      %sign3A_249 = arith.constant 0 : i32
      %sign3A_250 = arith.cmpi sgt, %jit3A_240, %sign3A_249 : i32
      %sign3A_251 = arith.extui %sign3A_250 : i1 to i32
      %sign3A_252 = arith.constant 0 : i32
      %sign3A_253 = arith.cmpi slt, %jit3A_240, %sign3A_252 : i32
      %sign3A_254 = arith.extui %sign3A_253 : i1 to i32
      %sign3A_255 = arith.subi %sign3A_251, %sign3A_254 : i32
      %ne3A_256 = arith.cmpi ne, %sign3A_248, %sign3A_255 : i32
      %rem3A_257 = arith.remsi %squeeze3A_239, %jit3A_240 : i32
      %ne3A_258 = arith.constant 0 : i32
      %ne3A_259 = arith.cmpi ne, %rem3A_257, %ne3A_258 : i32
      %and3A_260 = arith.andi %ne3A_256, %ne3A_259 : i1
      %sub3A_261 = arith.constant 1 : i32
      %sub3A_262 = arith.subi %div3A_241, %sub3A_261 : i32
      %select_n3A_263 = arith.select %and3A_260, %sub3A_262, %div3A_241 : i32
      %mul3A_264 = arith.constant 16 : i32
      %mul3A_265 = arith.muli %scan3A_44, %mul3A_264 : i32
      %add3A_266 = arith.constant 3 : i32
      %add3A_267 = arith.addi %mul3A_265, %add3A_266 : i32
      %dma_start3A_268 = arith.constant 0 : i32
      %dma_start3A_269 = arith.constant 0 : i32
      %dma_start3A_270 = arith.constant 0 : i32
      %dma_start3A_271 = tpu.memref_slice %arg7[%rem3A_42, %dma_start3A_268, %dma_start3A_269, %dma_start3A_270] : memref<3x32x8x64xf32, #tpu.memory_space<vmem>> -> memref<1x32x8x64xf32, #tpu.memory_space<vmem>>
      %dma_start3A_272 = tpu.memref_squeeze %dma_start3A_271 : memref<1x32x8x64xf32, #tpu.memory_space<vmem>> -> memref<32x8x64xf32, #tpu.memory_space<vmem>>
      %dma_start3A_273 = arith.constant 0 : i32
      %dma_start3A_274 = arith.constant 0 : i32
      %dma_start3A_275 = tpu.memref_slice %dma_start3A_272[%add3A_267, %dma_start3A_273, %dma_start3A_274] : memref<32x8x64xf32, #tpu.memory_space<vmem>> -> memref<1x8x64xf32, #tpu.memory_space<vmem>>
      %dma_start3A_276 = arith.constant 0 : i32
      %dma_start3A_277 = arith.constant 0 : i32
      %dma_start3A_278 = tpu.memref_slice %arg3[%select_n3A_263, %dma_start3A_276, %dma_start3A_277] : memref<125000x8x64xf32, #tpu.memory_space<hbm>> -> memref<1x8x64xf32, #tpu.memory_space<hbm>>
      %dma_start3A_279 = tpu.memref_slice %arg9[%rem3A_42] : memref<3x!tpu.dma_semaphore, #tpu.memory_space<semaphore_mem>> -> memref<1x!tpu.dma_semaphore, #tpu.memory_space<semaphore_mem>>
      %dma_start3A_280 = tpu.memref_squeeze %dma_start3A_279 : memref<1x!tpu.dma_semaphore, #tpu.memory_space<semaphore_mem>> -> memref<!tpu.dma_semaphore, #tpu.memory_space<semaphore_mem>>
      %dma_start3A_281 = arith.constant 0 : i32
      %dma_start3A_282 = arith.constant 0 : i32
      %dma_start3A_283 = arith.constant 0 : i32
      %dma_start3A_284 = tpu.memref_slice %arg7[%rem3A_42, %dma_start3A_281, %dma_start3A_282, %dma_start3A_283] : memref<3x32x8x64xf32, #tpu.memory_space<vmem>> -> memref<1x32x8x64xf32, #tpu.memory_space<vmem>>
      %dma_start3A_285 = tpu.memref_squeeze %dma_start3A_284 : memref<1x32x8x64xf32, #tpu.memory_space<vmem>> -> memref<32x8x64xf32, #tpu.memory_space<vmem>>
      %dma_start3A_286 = arith.constant 0 : i32
      %dma_start3A_287 = arith.constant 0 : i32
      %dma_start3A_288 = tpu.memref_slice %dma_start3A_285[%add3A_267, %dma_start3A_286, %dma_start3A_287] : memref<32x8x64xf32, #tpu.memory_space<vmem>> -> memref<1x8x64xf32, #tpu.memory_space<vmem>>
      %dma_start3A_289 = arith.constant 0 : i32
      %dma_start3A_290 = arith.constant 0 : i32
      %dma_start3A_291 = tpu.memref_slice %arg3[%select_n3A_263, %dma_start3A_289, %dma_start3A_290] : memref<125000x8x64xf32, #tpu.memory_space<hbm>> -> memref<1x8x64xf32, #tpu.memory_space<hbm>>
      tpu.enqueue_dma source(%dma_start3A_291 : memref<1x8x64xf32, #tpu.memory_space<hbm>>) target(%dma_start3A_288 : memref<1x8x64xf32, #tpu.memory_space<vmem>>) target_semaphore(%dma_start3A_280 : memref<!tpu.dma_semaphore, #tpu.memory_space<semaphore_mem>>)
      %slice3A_292 = vector.extract_strided_slice %select_n3A_72 {offsets = [4], sizes = [1], strides = [1]} : vector<16xi32> to vector<1xi32>
      %squeeze3A_293 = vector.extract %slice3A_292[0] : i32 from vector<1xi32>
      %jit3A_294 = arith.constant 8 : i32
      %div3A_295 = arith.divsi %squeeze3A_293, %jit3A_294 : i32
      %sign3A_296 = arith.constant 0 : i32
      %sign3A_297 = arith.cmpi sgt, %squeeze3A_293, %sign3A_296 : i32
      %sign3A_298 = arith.extui %sign3A_297 : i1 to i32
      %sign3A_299 = arith.constant 0 : i32
      %sign3A_300 = arith.cmpi slt, %squeeze3A_293, %sign3A_299 : i32
      %sign3A_301 = arith.extui %sign3A_300 : i1 to i32
      %sign3A_302 = arith.subi %sign3A_298, %sign3A_301 : i32
      %sign3A_303 = arith.constant 0 : i32
      %sign3A_304 = arith.cmpi sgt, %jit3A_294, %sign3A_303 : i32
      %sign3A_305 = arith.extui %sign3A_304 : i1 to i32
      %sign3A_306 = arith.constant 0 : i32
      %sign3A_307 = arith.cmpi slt, %jit3A_294, %sign3A_306 : i32
      %sign3A_308 = arith.extui %sign3A_307 : i1 to i32
      %sign3A_309 = arith.subi %sign3A_305, %sign3A_308 : i32
      %ne3A_310 = arith.cmpi ne, %sign3A_302, %sign3A_309 : i32
      %rem3A_311 = arith.remsi %squeeze3A_293, %jit3A_294 : i32
      %ne3A_312 = arith.constant 0 : i32
      %ne3A_313 = arith.cmpi ne, %rem3A_311, %ne3A_312 : i32
      %and3A_314 = arith.andi %ne3A_310, %ne3A_313 : i1
      %sub3A_315 = arith.constant 1 : i32
      %sub3A_316 = arith.subi %div3A_295, %sub3A_315 : i32
      %select_n3A_317 = arith.select %and3A_314, %sub3A_316, %div3A_295 : i32
      %mul3A_318 = arith.constant 16 : i32
      %mul3A_319 = arith.muli %scan3A_44, %mul3A_318 : i32
      %add3A_320 = arith.constant 4 : i32
      %add3A_321 = arith.addi %mul3A_319, %add3A_320 : i32
      %dma_start3A_322 = arith.constant 0 : i32
      %dma_start3A_323 = arith.constant 0 : i32
      %dma_start3A_324 = arith.constant 0 : i32
      %dma_start3A_325 = tpu.memref_slice %arg7[%rem3A_42, %dma_start3A_322, %dma_start3A_323, %dma_start3A_324] : memref<3x32x8x64xf32, #tpu.memory_space<vmem>> -> memref<1x32x8x64xf32, #tpu.memory_space<vmem>>
      %dma_start3A_326 = tpu.memref_squeeze %dma_start3A_325 : memref<1x32x8x64xf32, #tpu.memory_space<vmem>> -> memref<32x8x64xf32, #tpu.memory_space<vmem>>
      %dma_start3A_327 = arith.constant 0 : i32
      %dma_start3A_328 = arith.constant 0 : i32
      %dma_start3A_329 = tpu.memref_slice %dma_start3A_326[%add3A_321, %dma_start3A_327, %dma_start3A_328] : memref<32x8x64xf32, #tpu.memory_space<vmem>> -> memref<1x8x64xf32, #tpu.memory_space<vmem>>
      %dma_start3A_330 = arith.constant 0 : i32
      %dma_start3A_331 = arith.constant 0 : i32
      %dma_start3A_332 = tpu.memref_slice %arg3[%select_n3A_317, %dma_start3A_330, %dma_start3A_331] : memref<125000x8x64xf32, #tpu.memory_space<hbm>> -> memref<1x8x64xf32, #tpu.memory_space<hbm>>
      %dma_start3A_333 = tpu.memref_slice %arg9[%rem3A_42] : memref<3x!tpu.dma_semaphore, #tpu.memory_space<semaphore_mem>> -> memref<1x!tpu.dma_semaphore, #tpu.memory_space<semaphore_mem>>
      %dma_start3A_334 = tpu.memref_squeeze %dma_start3A_333 : memref<1x!tpu.dma_semaphore, #tpu.memory_space<semaphore_mem>> -> memref<!tpu.dma_semaphore, #tpu.memory_space<semaphore_mem>>
      %dma_start3A_335 = arith.constant 0 : i32
      %dma_start3A_336 = arith.constant 0 : i32
      %dma_start3A_337 = arith.constant 0 : i32
      %dma_start3A_338 = tpu.memref_slice %arg7[%rem3A_42, %dma_start3A_335, %dma_start3A_336, %dma_start3A_337] : memref<3x32x8x64xf32, #tpu.memory_space<vmem>> -> memref<1x32x8x64xf32, #tpu.memory_space<vmem>>
      %dma_start3A_339 = tpu.memref_squeeze %dma_start3A_338 : memref<1x32x8x64xf32, #tpu.memory_space<vmem>> -> memref<32x8x64xf32, #tpu.memory_space<vmem>>
      %dma_start3A_340 = arith.constant 0 : i32
      %dma_start3A_341 = arith.constant 0 : i32
      %dma_start3A_342 = tpu.memref_slice %dma_start3A_339[%add3A_321, %dma_start3A_340, %dma_start3A_341] : memref<32x8x64xf32, #tpu.memory_space<vmem>> -> memref<1x8x64xf32, #tpu.memory_space<vmem>>
      %dma_start3A_343 = arith.constant 0 : i32
      %dma_start3A_344 = arith.constant 0 : i32
      %dma_start3A_345 = tpu.memref_slice %arg3[%select_n3A_317, %dma_start3A_343, %dma_start3A_344] : memref<125000x8x64xf32, #tpu.memory_space<hbm>> -> memref<1x8x64xf32, #tpu.memory_space<hbm>>
      tpu.enqueue_dma source(%dma_start3A_345 : memref<1x8x64xf32, #tpu.memory_space<hbm>>) target(%dma_start3A_342 : memref<1x8x64xf32, #tpu.memory_space<vmem>>) target_semaphore(%dma_start3A_334 : memref<!tpu.dma_semaphore, #tpu.memory_space<semaphore_mem>>)
      %slice3A_346 = vector.extract_strided_slice %select_n3A_72 {offsets = [5], sizes = [1], strides = [1]} : vector<16xi32> to vector<1xi32>
      %squeeze3A_347 = vector.extract %slice3A_346[0] : i32 from vector<1xi32>
      %jit3A_348 = arith.constant 8 : i32
      %div3A_349 = arith.divsi %squeeze3A_347, %jit3A_348 : i32
      %sign3A_350 = arith.constant 0 : i32
      %sign3A_351 = arith.cmpi sgt, %squeeze3A_347, %sign3A_350 : i32
      %sign3A_352 = arith.extui %sign3A_351 : i1 to i32
      %sign3A_353 = arith.constant 0 : i32
      %sign3A_354 = arith.cmpi slt, %squeeze3A_347, %sign3A_353 : i32
      %sign3A_355 = arith.extui %sign3A_354 : i1 to i32
      %sign3A_356 = arith.subi %sign3A_352, %sign3A_355 : i32
      %sign3A_357 = arith.constant 0 : i32
      %sign3A_358 = arith.cmpi sgt, %jit3A_348, %sign3A_357 : i32
      %sign3A_359 = arith.extui %sign3A_358 : i1 to i32
      %sign3A_360 = arith.constant 0 : i32
      %sign3A_361 = arith.cmpi slt, %jit3A_348, %sign3A_360 : i32
      %sign3A_362 = arith.extui %sign3A_361 : i1 to i32
      %sign3A_363 = arith.subi %sign3A_359, %sign3A_362 : i32
      %ne3A_364 = arith.cmpi ne, %sign3A_356, %sign3A_363 : i32
      %rem3A_365 = arith.remsi %squeeze3A_347, %jit3A_348 : i32
      %ne3A_366 = arith.constant 0 : i32
      %ne3A_367 = arith.cmpi ne, %rem3A_365, %ne3A_366 : i32
      %and3A_368 = arith.andi %ne3A_364, %ne3A_367 : i1
      %sub3A_369 = arith.constant 1 : i32
      %sub3A_370 = arith.subi %div3A_349, %sub3A_369 : i32
      %select_n3A_371 = arith.select %and3A_368, %sub3A_370, %div3A_349 : i32
      %mul3A_372 = arith.constant 16 : i32
      %mul3A_373 = arith.muli %scan3A_44, %mul3A_372 : i32
      %add3A_374 = arith.constant 5 : i32
      %add3A_375 = arith.addi %mul3A_373, %add3A_374 : i32
      %dma_start3A_376 = arith.constant 0 : i32
      %dma_start3A_377 = arith.constant 0 : i32
      %dma_start3A_378 = arith.constant 0 : i32
      %dma_start3A_379 = tpu.memref_slice %arg7[%rem3A_42, %dma_start3A_376, %dma_start3A_377, %dma_start3A_378] : memref<3x32x8x64xf32, #tpu.memory_space<vmem>> -> memref<1x32x8x64xf32, #tpu.memory_space<vmem>>
      %dma_start3A_380 = tpu.memref_squeeze %dma_start3A_379 : memref<1x32x8x64xf32, #tpu.memory_space<vmem>> -> memref<32x8x64xf32, #tpu.memory_space<vmem>>
      %dma_start3A_381 = arith.constant 0 : i32
      %dma_start3A_382 = arith.constant 0 : i32
      %dma_start3A_383 = tpu.memref_slice %dma_start3A_380[%add3A_375, %dma_start3A_381, %dma_start3A_382] : memref<32x8x64xf32, #tpu.memory_space<vmem>> -> memref<1x8x64xf32, #tpu.memory_space<vmem>>
      %dma_start3A_384 = arith.constant 0 : i32
      %dma_start3A_385 = arith.constant 0 : i32
      %dma_start3A_386 = tpu.memref_slice %arg3[%select_n3A_371, %dma_start3A_384, %dma_start3A_385] : memref<125000x8x64xf32, #tpu.memory_space<hbm>> -> memref<1x8x64xf32, #tpu.memory_space<hbm>>
      %dma_start3A_387 = tpu.memref_slice %arg9[%rem3A_42] : memref<3x!tpu.dma_semaphore, #tpu.memory_space<semaphore_mem>> -> memref<1x!tpu.dma_semaphore, #tpu.memory_space<semaphore_mem>>
      %dma_start3A_388 = tpu.memref_squeeze %dma_start3A_387 : memref<1x!tpu.dma_semaphore, #tpu.memory_space<semaphore_mem>> -> memref<!tpu.dma_semaphore, #tpu.memory_space<semaphore_mem>>
      %dma_start3A_389 = arith.constant 0 : i32
      %dma_start3A_390 = arith.constant 0 : i32
      %dma_start3A_391 = arith.constant 0 : i32
      %dma_start3A_392 = tpu.memref_slice %arg7[%rem3A_42, %dma_start3A_389, %dma_start3A_390, %dma_start3A_391] : memref<3x32x8x64xf32, #tpu.memory_space<vmem>> -> memref<1x32x8x64xf32, #tpu.memory_space<vmem>>
      %dma_start3A_393 = tpu.memref_squeeze %dma_start3A_392 : memref<1x32x8x64xf32, #tpu.memory_space<vmem>> -> memref<32x8x64xf32, #tpu.memory_space<vmem>>
      %dma_start3A_394 = arith.constant 0 : i32
      %dma_start3A_395 = arith.constant 0 : i32
      %dma_start3A_396 = tpu.memref_slice %dma_start3A_393[%add3A_375, %dma_start3A_394, %dma_start3A_395] : memref<32x8x64xf32, #tpu.memory_space<vmem>> -> memref<1x8x64xf32, #tpu.memory_space<vmem>>
      %dma_start3A_397 = arith.constant 0 : i32
      %dma_start3A_398 = arith.constant 0 : i32
      %dma_start3A_399 = tpu.memref_slice %arg3[%select_n3A_371, %dma_start3A_397, %dma_start3A_398] : memref<125000x8x64xf32, #tpu.memory_space<hbm>> -> memref<1x8x64xf32, #tpu.memory_space<hbm>>
      tpu.enqueue_dma source(%dma_start3A_399 : memref<1x8x64xf32, #tpu.memory_space<hbm>>) target(%dma_start3A_396 : memref<1x8x64xf32, #tpu.memory_space<vmem>>) target_semaphore(%dma_start3A_388 : memref<!tpu.dma_semaphore, #tpu.memory_space<semaphore_mem>>)
      %slice3A_400 = vector.extract_strided_slice %select_n3A_72 {offsets = [6], sizes = [1], strides = [1]} : vector<16xi32> to vector<1xi32>
      %squeeze3A_401 = vector.extract %slice3A_400[0] : i32 from vector<1xi32>
      %jit3A_402 = arith.constant 8 : i32
      %div3A_403 = arith.divsi %squeeze3A_401, %jit3A_402 : i32
      %sign3A_404 = arith.constant 0 : i32
      %sign3A_405 = arith.cmpi sgt, %squeeze3A_401, %sign3A_404 : i32
      %sign3A_406 = arith.extui %sign3A_405 : i1 to i32
      %sign3A_407 = arith.constant 0 : i32
      %sign3A_408 = arith.cmpi slt, %squeeze3A_401, %sign3A_407 : i32
      %sign3A_409 = arith.extui %sign3A_408 : i1 to i32
      %sign3A_410 = arith.subi %sign3A_406, %sign3A_409 : i32
      %sign3A_411 = arith.constant 0 : i32
      %sign3A_412 = arith.cmpi sgt, %jit3A_402, %sign3A_411 : i32
      %sign3A_413 = arith.extui %sign3A_412 : i1 to i32
      %sign3A_414 = arith.constant 0 : i32
      %sign3A_415 = arith.cmpi slt, %jit3A_402, %sign3A_414 : i32
      %sign3A_416 = arith.extui %sign3A_415 : i1 to i32
      %sign3A_417 = arith.subi %sign3A_413, %sign3A_416 : i32
      %ne3A_418 = arith.cmpi ne, %sign3A_410, %sign3A_417 : i32
      %rem3A_419 = arith.remsi %squeeze3A_401, %jit3A_402 : i32
      %ne3A_420 = arith.constant 0 : i32
      %ne3A_421 = arith.cmpi ne, %rem3A_419, %ne3A_420 : i32
      %and3A_422 = arith.andi %ne3A_418, %ne3A_421 : i1
      %sub3A_423 = arith.constant 1 : i32
      %sub3A_424 = arith.subi %div3A_403, %sub3A_423 : i32
      %select_n3A_425 = arith.select %and3A_422, %sub3A_424, %div3A_403 : i32
      %mul3A_426 = arith.constant 16 : i32
      %mul3A_427 = arith.muli %scan3A_44, %mul3A_426 : i32
      %add3A_428 = arith.constant 6 : i32
      %add3A_429 = arith.addi %mul3A_427, %add3A_428 : i32
      %dma_start3A_430 = arith.constant 0 : i32
      %dma_start3A_431 = arith.constant 0 : i32
      %dma_start3A_432 = arith.constant 0 : i32
      %dma_start3A_433 = tpu.memref_slice %arg7[%rem3A_42, %dma_start3A_430, %dma_start3A_431, %dma_start3A_432] : memref<3x32x8x64xf32, #tpu.memory_space<vmem>> -> memref<1x32x8x64xf32, #tpu.memory_space<vmem>>
      %dma_start3A_434 = tpu.memref_squeeze %dma_start3A_433 : memref<1x32x8x64xf32, #tpu.memory_space<vmem>> -> memref<32x8x64xf32, #tpu.memory_space<vmem>>
      %dma_start3A_435 = arith.constant 0 : i32
      %dma_start3A_436 = arith.constant 0 : i32
      %dma_start3A_437 = tpu.memref_slice %dma_start3A_434[%add3A_429, %dma_start3A_435, %dma_start3A_436] : memref<32x8x64xf32, #tpu.memory_space<vmem>> -> memref<1x8x64xf32, #tpu.memory_space<vmem>>
      %dma_start3A_438 = arith.constant 0 : i32
      %dma_start3A_439 = arith.constant 0 : i32
      %dma_start3A_440 = tpu.memref_slice %arg3[%select_n3A_425, %dma_start3A_438, %dma_start3A_439] : memref<125000x8x64xf32, #tpu.memory_space<hbm>> -> memref<1x8x64xf32, #tpu.memory_space<hbm>>
      %dma_start3A_441 = tpu.memref_slice %arg9[%rem3A_42] : memref<3x!tpu.dma_semaphore, #tpu.memory_space<semaphore_mem>> -> memref<1x!tpu.dma_semaphore, #tpu.memory_space<semaphore_mem>>
      %dma_start3A_442 = tpu.memref_squeeze %dma_start3A_441 : memref<1x!tpu.dma_semaphore, #tpu.memory_space<semaphore_mem>> -> memref<!tpu.dma_semaphore, #tpu.memory_space<semaphore_mem>>
      %dma_start3A_443 = arith.constant 0 : i32
      %dma_start3A_444 = arith.constant 0 : i32
      %dma_start3A_445 = arith.constant 0 : i32
      %dma_start3A_446 = tpu.memref_slice %arg7[%rem3A_42, %dma_start3A_443, %dma_start3A_444, %dma_start3A_445] : memref<3x32x8x64xf32, #tpu.memory_space<vmem>> -> memref<1x32x8x64xf32, #tpu.memory_space<vmem>>
      %dma_start3A_447 = tpu.memref_squeeze %dma_start3A_446 : memref<1x32x8x64xf32, #tpu.memory_space<vmem>> -> memref<32x8x64xf32, #tpu.memory_space<vmem>>
      %dma_start3A_448 = arith.constant 0 : i32
      %dma_start3A_449 = arith.constant 0 : i32
      %dma_start3A_450 = tpu.memref_slice %dma_start3A_447[%add3A_429, %dma_start3A_448, %dma_start3A_449] : memref<32x8x64xf32, #tpu.memory_space<vmem>> -> memref<1x8x64xf32, #tpu.memory_space<vmem>>
      %dma_start3A_451 = arith.constant 0 : i32
      %dma_start3A_452 = arith.constant 0 : i32
      %dma_start3A_453 = tpu.memref_slice %arg3[%select_n3A_425, %dma_start3A_451, %dma_start3A_452] : memref<125000x8x64xf32, #tpu.memory_space<hbm>> -> memref<1x8x64xf32, #tpu.memory_space<hbm>>
      tpu.enqueue_dma source(%dma_start3A_453 : memref<1x8x64xf32, #tpu.memory_space<hbm>>) target(%dma_start3A_450 : memref<1x8x64xf32, #tpu.memory_space<vmem>>) target_semaphore(%dma_start3A_442 : memref<!tpu.dma_semaphore, #tpu.memory_space<semaphore_mem>>)
      %slice3A_454 = vector.extract_strided_slice %select_n3A_72 {offsets = [7], sizes = [1], strides = [1]} : vector<16xi32> to vector<1xi32>
      %squeeze3A_455 = vector.extract %slice3A_454[0] : i32 from vector<1xi32>
      %jit3A_456 = arith.constant 8 : i32
      %div3A_457 = arith.divsi %squeeze3A_455, %jit3A_456 : i32
      %sign3A_458 = arith.constant 0 : i32
      %sign3A_459 = arith.cmpi sgt, %squeeze3A_455, %sign3A_458 : i32
      %sign3A_460 = arith.extui %sign3A_459 : i1 to i32
      %sign3A_461 = arith.constant 0 : i32
      %sign3A_462 = arith.cmpi slt, %squeeze3A_455, %sign3A_461 : i32
      %sign3A_463 = arith.extui %sign3A_462 : i1 to i32
      %sign3A_464 = arith.subi %sign3A_460, %sign3A_463 : i32
      %sign3A_465 = arith.constant 0 : i32
      %sign3A_466 = arith.cmpi sgt, %jit3A_456, %sign3A_465 : i32
      %sign3A_467 = arith.extui %sign3A_466 : i1 to i32
      %sign3A_468 = arith.constant 0 : i32
      %sign3A_469 = arith.cmpi slt, %jit3A_456, %sign3A_468 : i32
      %sign3A_470 = arith.extui %sign3A_469 : i1 to i32
      %sign3A_471 = arith.subi %sign3A_467, %sign3A_470 : i32
      %ne3A_472 = arith.cmpi ne, %sign3A_464, %sign3A_471 : i32
      %rem3A_473 = arith.remsi %squeeze3A_455, %jit3A_456 : i32
      %ne3A_474 = arith.constant 0 : i32
      %ne3A_475 = arith.cmpi ne, %rem3A_473, %ne3A_474 : i32
      %and3A_476 = arith.andi %ne3A_472, %ne3A_475 : i1
      %sub3A_477 = arith.constant 1 : i32
      %sub3A_478 = arith.subi %div3A_457, %sub3A_477 : i32
      %select_n3A_479 = arith.select %and3A_476, %sub3A_478, %div3A_457 : i32
      %mul3A_480 = arith.constant 16 : i32
      %mul3A_481 = arith.muli %scan3A_44, %mul3A_480 : i32
      %add3A_482 = arith.constant 7 : i32
      %add3A_483 = arith.addi %mul3A_481, %add3A_482 : i32
      %dma_start3A_484 = arith.constant 0 : i32
      %dma_start3A_485 = arith.constant 0 : i32
      %dma_start3A_486 = arith.constant 0 : i32
      %dma_start3A_487 = tpu.memref_slice %arg7[%rem3A_42, %dma_start3A_484, %dma_start3A_485, %dma_start3A_486] : memref<3x32x8x64xf32, #tpu.memory_space<vmem>> -> memref<1x32x8x64xf32, #tpu.memory_space<vmem>>
      %dma_start3A_488 = tpu.memref_squeeze %dma_start3A_487 : memref<1x32x8x64xf32, #tpu.memory_space<vmem>> -> memref<32x8x64xf32, #tpu.memory_space<vmem>>
      %dma_start3A_489 = arith.constant 0 : i32
      %dma_start3A_490 = arith.constant 0 : i32
      %dma_start3A_491 = tpu.memref_slice %dma_start3A_488[%add3A_483, %dma_start3A_489, %dma_start3A_490] : memref<32x8x64xf32, #tpu.memory_space<vmem>> -> memref<1x8x64xf32, #tpu.memory_space<vmem>>
      %dma_start3A_492 = arith.constant 0 : i32
      %dma_start3A_493 = arith.constant 0 : i32
      %dma_start3A_494 = tpu.memref_slice %arg3[%select_n3A_479, %dma_start3A_492, %dma_start3A_493] : memref<125000x8x64xf32, #tpu.memory_space<hbm>> -> memref<1x8x64xf32, #tpu.memory_space<hbm>>
      %dma_start3A_495 = tpu.memref_slice %arg9[%rem3A_42] : memref<3x!tpu.dma_semaphore, #tpu.memory_space<semaphore_mem>> -> memref<1x!tpu.dma_semaphore, #tpu.memory_space<semaphore_mem>>
      %dma_start3A_496 = tpu.memref_squeeze %dma_start3A_495 : memref<1x!tpu.dma_semaphore, #tpu.memory_space<semaphore_mem>> -> memref<!tpu.dma_semaphore, #tpu.memory_space<semaphore_mem>>
      %dma_start3A_497 = arith.constant 0 : i32
      %dma_start3A_498 = arith.constant 0 : i32
      %dma_start3A_499 = arith.constant 0 : i32
      %dma_start3A_500 = tpu.memref_slice %arg7[%rem3A_42, %dma_start3A_497, %dma_start3A_498, %dma_start3A_499] : memref<3x32x8x64xf32, #tpu.memory_space<vmem>> -> memref<1x32x8x64xf32, #tpu.memory_space<vmem>>
      %dma_start3A_501 = tpu.memref_squeeze %dma_start3A_500 : memref<1x32x8x64xf32, #tpu.memory_space<vmem>> -> memref<32x8x64xf32, #tpu.memory_space<vmem>>
      %dma_start3A_502 = arith.constant 0 : i32
      %dma_start3A_503 = arith.constant 0 : i32
      %dma_start3A_504 = tpu.memref_slice %dma_start3A_501[%add3A_483, %dma_start3A_502, %dma_start3A_503] : memref<32x8x64xf32, #tpu.memory_space<vmem>> -> memref<1x8x64xf32, #tpu.memory_space<vmem>>
      %dma_start3A_505 = arith.constant 0 : i32
      %dma_start3A_506 = arith.constant 0 : i32
      %dma_start3A_507 = tpu.memref_slice %arg3[%select_n3A_479, %dma_start3A_505, %dma_start3A_506] : memref<125000x8x64xf32, #tpu.memory_space<hbm>> -> memref<1x8x64xf32, #tpu.memory_space<hbm>>
      tpu.enqueue_dma source(%dma_start3A_507 : memref<1x8x64xf32, #tpu.memory_space<hbm>>) target(%dma_start3A_504 : memref<1x8x64xf32, #tpu.memory_space<vmem>>) target_semaphore(%dma_start3A_496 : memref<!tpu.dma_semaphore, #tpu.memory_space<semaphore_mem>>)
      %slice3A_508 = vector.extract_strided_slice %select_n3A_72 {offsets = [8], sizes = [1], strides = [1]} : vector<16xi32> to vector<1xi32>
      %squeeze3A_509 = vector.extract %slice3A_508[0] : i32 from vector<1xi32>
      %jit3A_510 = arith.constant 8 : i32
      %div3A_511 = arith.divsi %squeeze3A_509, %jit3A_510 : i32
      %sign3A_512 = arith.constant 0 : i32
      %sign3A_513 = arith.cmpi sgt, %squeeze3A_509, %sign3A_512 : i32
      %sign3A_514 = arith.extui %sign3A_513 : i1 to i32
      %sign3A_515 = arith.constant 0 : i32
      %sign3A_516 = arith.cmpi slt, %squeeze3A_509, %sign3A_515 : i32
      %sign3A_517 = arith.extui %sign3A_516 : i1 to i32
      %sign3A_518 = arith.subi %sign3A_514, %sign3A_517 : i32
      %sign3A_519 = arith.constant 0 : i32
      %sign3A_520 = arith.cmpi sgt, %jit3A_510, %sign3A_519 : i32
      %sign3A_521 = arith.extui %sign3A_520 : i1 to i32
      %sign3A_522 = arith.constant 0 : i32
      %sign3A_523 = arith.cmpi slt, %jit3A_510, %sign3A_522 : i32
      %sign3A_524 = arith.extui %sign3A_523 : i1 to i32
      %sign3A_525 = arith.subi %sign3A_521, %sign3A_524 : i32
      %ne3A_526 = arith.cmpi ne, %sign3A_518, %sign3A_525 : i32
      %rem3A_527 = arith.remsi %squeeze3A_509, %jit3A_510 : i32
      %ne3A_528 = arith.constant 0 : i32
      %ne3A_529 = arith.cmpi ne, %rem3A_527, %ne3A_528 : i32
      %and3A_530 = arith.andi %ne3A_526, %ne3A_529 : i1
      %sub3A_531 = arith.constant 1 : i32
      %sub3A_532 = arith.subi %div3A_511, %sub3A_531 : i32
      %select_n3A_533 = arith.select %and3A_530, %sub3A_532, %div3A_511 : i32
      %mul3A_534 = arith.constant 16 : i32
      %mul3A_535 = arith.muli %scan3A_44, %mul3A_534 : i32
      %add3A_536 = arith.constant 8 : i32
      %add3A_537 = arith.addi %mul3A_535, %add3A_536 : i32
      %dma_start3A_538 = arith.constant 0 : i32
      %dma_start3A_539 = arith.constant 0 : i32
      %dma_start3A_540 = arith.constant 0 : i32
      %dma_start3A_541 = tpu.memref_slice %arg7[%rem3A_42, %dma_start3A_538, %dma_start3A_539, %dma_start3A_540] : memref<3x32x8x64xf32, #tpu.memory_space<vmem>> -> memref<1x32x8x64xf32, #tpu.memory_space<vmem>>
      %dma_start3A_542 = tpu.memref_squeeze %dma_start3A_541 : memref<1x32x8x64xf32, #tpu.memory_space<vmem>> -> memref<32x8x64xf32, #tpu.memory_space<vmem>>
      %dma_start3A_543 = arith.constant 0 : i32
      %dma_start3A_544 = arith.constant 0 : i32
      %dma_start3A_545 = tpu.memref_slice %dma_start3A_542[%add3A_537, %dma_start3A_543, %dma_start3A_544] : memref<32x8x64xf32, #tpu.memory_space<vmem>> -> memref<1x8x64xf32, #tpu.memory_space<vmem>>
      %dma_start3A_546 = arith.constant 0 : i32
      %dma_start3A_547 = arith.constant 0 : i32
      %dma_start3A_548 = tpu.memref_slice %arg3[%select_n3A_533, %dma_start3A_546, %dma_start3A_547] : memref<125000x8x64xf32, #tpu.memory_space<hbm>> -> memref<1x8x64xf32, #tpu.memory_space<hbm>>
      %dma_start3A_549 = tpu.memref_slice %arg9[%rem3A_42] : memref<3x!tpu.dma_semaphore, #tpu.memory_space<semaphore_mem>> -> memref<1x!tpu.dma_semaphore, #tpu.memory_space<semaphore_mem>>
      %dma_start3A_550 = tpu.memref_squeeze %dma_start3A_549 : memref<1x!tpu.dma_semaphore, #tpu.memory_space<semaphore_mem>> -> memref<!tpu.dma_semaphore, #tpu.memory_space<semaphore_mem>>
      %dma_start3A_551 = arith.constant 0 : i32
      %dma_start3A_552 = arith.constant 0 : i32
      %dma_start3A_553 = arith.constant 0 : i32
      %dma_start3A_554 = tpu.memref_slice %arg7[%rem3A_42, %dma_start3A_551, %dma_start3A_552, %dma_start3A_553] : memref<3x32x8x64xf32, #tpu.memory_space<vmem>> -> memref<1x32x8x64xf32, #tpu.memory_space<vmem>>
      %dma_start3A_555 = tpu.memref_squeeze %dma_start3A_554 : memref<1x32x8x64xf32, #tpu.memory_space<vmem>> -> memref<32x8x64xf32, #tpu.memory_space<vmem>>
      %dma_start3A_556 = arith.constant 0 : i32
      %dma_start3A_557 = arith.constant 0 : i32
      %dma_start3A_558 = tpu.memref_slice %dma_start3A_555[%add3A_537, %dma_start3A_556, %dma_start3A_557] : memref<32x8x64xf32, #tpu.memory_space<vmem>> -> memref<1x8x64xf32, #tpu.memory_space<vmem>>
      %dma_start3A_559 = arith.constant 0 : i32
      %dma_start3A_560 = arith.constant 0 : i32
      %dma_start3A_561 = tpu.memref_slice %arg3[%select_n3A_533, %dma_start3A_559, %dma_start3A_560] : memref<125000x8x64xf32, #tpu.memory_space<hbm>> -> memref<1x8x64xf32, #tpu.memory_space<hbm>>
      tpu.enqueue_dma source(%dma_start3A_561 : memref<1x8x64xf32, #tpu.memory_space<hbm>>) target(%dma_start3A_558 : memref<1x8x64xf32, #tpu.memory_space<vmem>>) target_semaphore(%dma_start3A_550 : memref<!tpu.dma_semaphore, #tpu.memory_space<semaphore_mem>>)
      %slice3A_562 = vector.extract_strided_slice %select_n3A_72 {offsets = [9], sizes = [1], strides = [1]} : vector<16xi32> to vector<1xi32>
      %squeeze3A_563 = vector.extract %slice3A_562[0] : i32 from vector<1xi32>
      %jit3A_564 = arith.constant 8 : i32
      %div3A_565 = arith.divsi %squeeze3A_563, %jit3A_564 : i32
      %sign3A_566 = arith.constant 0 : i32
      %sign3A_567 = arith.cmpi sgt, %squeeze3A_563, %sign3A_566 : i32
      %sign3A_568 = arith.extui %sign3A_567 : i1 to i32
      %sign3A_569 = arith.constant 0 : i32
      %sign3A_570 = arith.cmpi slt, %squeeze3A_563, %sign3A_569 : i32
      %sign3A_571 = arith.extui %sign3A_570 : i1 to i32
      %sign3A_572 = arith.subi %sign3A_568, %sign3A_571 : i32
      %sign3A_573 = arith.constant 0 : i32
      %sign3A_574 = arith.cmpi sgt, %jit3A_564, %sign3A_573 : i32
      %sign3A_575 = arith.extui %sign3A_574 : i1 to i32
      %sign3A_576 = arith.constant 0 : i32
      %sign3A_577 = arith.cmpi slt, %jit3A_564, %sign3A_576 : i32
      %sign3A_578 = arith.extui %sign3A_577 : i1 to i32
      %sign3A_579 = arith.subi %sign3A_575, %sign3A_578 : i32
      %ne3A_580 = arith.cmpi ne, %sign3A_572, %sign3A_579 : i32
      %rem3A_581 = arith.remsi %squeeze3A_563, %jit3A_564 : i32
      %ne3A_582 = arith.constant 0 : i32
      %ne3A_583 = arith.cmpi ne, %rem3A_581, %ne3A_582 : i32
      %and3A_584 = arith.andi %ne3A_580, %ne3A_583 : i1
      %sub3A_585 = arith.constant 1 : i32
      %sub3A_586 = arith.subi %div3A_565, %sub3A_585 : i32
      %select_n3A_587 = arith.select %and3A_584, %sub3A_586, %div3A_565 : i32
      %mul3A_588 = arith.constant 16 : i32
      %mul3A_589 = arith.muli %scan3A_44, %mul3A_588 : i32
      %add3A_590 = arith.constant 9 : i32
      %add3A_591 = arith.addi %mul3A_589, %add3A_590 : i32
      %dma_start3A_592 = arith.constant 0 : i32
      %dma_start3A_593 = arith.constant 0 : i32
      %dma_start3A_594 = arith.constant 0 : i32
      %dma_start3A_595 = tpu.memref_slice %arg7[%rem3A_42, %dma_start3A_592, %dma_start3A_593, %dma_start3A_594] : memref<3x32x8x64xf32, #tpu.memory_space<vmem>> -> memref<1x32x8x64xf32, #tpu.memory_space<vmem>>
      %dma_start3A_596 = tpu.memref_squeeze %dma_start3A_595 : memref<1x32x8x64xf32, #tpu.memory_space<vmem>> -> memref<32x8x64xf32, #tpu.memory_space<vmem>>
      %dma_start3A_597 = arith.constant 0 : i32
      %dma_start3A_598 = arith.constant 0 : i32
      %dma_start3A_599 = tpu.memref_slice %dma_start3A_596[%add3A_591, %dma_start3A_597, %dma_start3A_598] : memref<32x8x64xf32, #tpu.memory_space<vmem>> -> memref<1x8x64xf32, #tpu.memory_space<vmem>>
      %dma_start3A_600 = arith.constant 0 : i32
      %dma_start3A_601 = arith.constant 0 : i32
      %dma_start3A_602 = tpu.memref_slice %arg3[%select_n3A_587, %dma_start3A_600, %dma_start3A_601] : memref<125000x8x64xf32, #tpu.memory_space<hbm>> -> memref<1x8x64xf32, #tpu.memory_space<hbm>>
      %dma_start3A_603 = tpu.memref_slice %arg9[%rem3A_42] : memref<3x!tpu.dma_semaphore, #tpu.memory_space<semaphore_mem>> -> memref<1x!tpu.dma_semaphore, #tpu.memory_space<semaphore_mem>>
      %dma_start3A_604 = tpu.memref_squeeze %dma_start3A_603 : memref<1x!tpu.dma_semaphore, #tpu.memory_space<semaphore_mem>> -> memref<!tpu.dma_semaphore, #tpu.memory_space<semaphore_mem>>
      %dma_start3A_605 = arith.constant 0 : i32
      %dma_start3A_606 = arith.constant 0 : i32
      %dma_start3A_607 = arith.constant 0 : i32
      %dma_start3A_608 = tpu.memref_slice %arg7[%rem3A_42, %dma_start3A_605, %dma_start3A_606, %dma_start3A_607] : memref<3x32x8x64xf32, #tpu.memory_space<vmem>> -> memref<1x32x8x64xf32, #tpu.memory_space<vmem>>
      %dma_start3A_609 = tpu.memref_squeeze %dma_start3A_608 : memref<1x32x8x64xf32, #tpu.memory_space<vmem>> -> memref<32x8x64xf32, #tpu.memory_space<vmem>>
      %dma_start3A_610 = arith.constant 0 : i32
      %dma_start3A_611 = arith.constant 0 : i32
      %dma_start3A_612 = tpu.memref_slice %dma_start3A_609[%add3A_591, %dma_start3A_610, %dma_start3A_611] : memref<32x8x64xf32, #tpu.memory_space<vmem>> -> memref<1x8x64xf32, #tpu.memory_space<vmem>>
      %dma_start3A_613 = arith.constant 0 : i32
      %dma_start3A_614 = arith.constant 0 : i32
      %dma_start3A_615 = tpu.memref_slice %arg3[%select_n3A_587, %dma_start3A_613, %dma_start3A_614] : memref<125000x8x64xf32, #tpu.memory_space<hbm>> -> memref<1x8x64xf32, #tpu.memory_space<hbm>>
      tpu.enqueue_dma source(%dma_start3A_615 : memref<1x8x64xf32, #tpu.memory_space<hbm>>) target(%dma_start3A_612 : memref<1x8x64xf32, #tpu.memory_space<vmem>>) target_semaphore(%dma_start3A_604 : memref<!tpu.dma_semaphore, #tpu.memory_space<semaphore_mem>>)
      %slice3A_616 = vector.extract_strided_slice %select_n3A_72 {offsets = [10], sizes = [1], strides = [1]} : vector<16xi32> to vector<1xi32>
      %squeeze3A_617 = vector.extract %slice3A_616[0] : i32 from vector<1xi32>
      %jit3A_618 = arith.constant 8 : i32
      %div3A_619 = arith.divsi %squeeze3A_617, %jit3A_618 : i32
      %sign3A_620 = arith.constant 0 : i32
      %sign3A_621 = arith.cmpi sgt, %squeeze3A_617, %sign3A_620 : i32
      %sign3A_622 = arith.extui %sign3A_621 : i1 to i32
      %sign3A_623 = arith.constant 0 : i32
      %sign3A_624 = arith.cmpi slt, %squeeze3A_617, %sign3A_623 : i32
      %sign3A_625 = arith.extui %sign3A_624 : i1 to i32
      %sign3A_626 = arith.subi %sign3A_622, %sign3A_625 : i32
      %sign3A_627 = arith.constant 0 : i32
      %sign3A_628 = arith.cmpi sgt, %jit3A_618, %sign3A_627 : i32
      %sign3A_629 = arith.extui %sign3A_628 : i1 to i32
      %sign3A_630 = arith.constant 0 : i32
      %sign3A_631 = arith.cmpi slt, %jit3A_618, %sign3A_630 : i32
      %sign3A_632 = arith.extui %sign3A_631 : i1 to i32
      %sign3A_633 = arith.subi %sign3A_629, %sign3A_632 : i32
      %ne3A_634 = arith.cmpi ne, %sign3A_626, %sign3A_633 : i32
      %rem3A_635 = arith.remsi %squeeze3A_617, %jit3A_618 : i32
      %ne3A_636 = arith.constant 0 : i32
      %ne3A_637 = arith.cmpi ne, %rem3A_635, %ne3A_636 : i32
      %and3A_638 = arith.andi %ne3A_634, %ne3A_637 : i1
      %sub3A_639 = arith.constant 1 : i32
      %sub3A_640 = arith.subi %div3A_619, %sub3A_639 : i32
      %select_n3A_641 = arith.select %and3A_638, %sub3A_640, %div3A_619 : i32
      %mul3A_642 = arith.constant 16 : i32
      %mul3A_643 = arith.muli %scan3A_44, %mul3A_642 : i32
      %add3A_644 = arith.constant 10 : i32
      %add3A_645 = arith.addi %mul3A_643, %add3A_644 : i32
      %dma_start3A_646 = arith.constant 0 : i32
      %dma_start3A_647 = arith.constant 0 : i32
      %dma_start3A_648 = arith.constant 0 : i32
      %dma_start3A_649 = tpu.memref_slice %arg7[%rem3A_42, %dma_start3A_646, %dma_start3A_647, %dma_start3A_648] : memref<3x32x8x64xf32, #tpu.memory_space<vmem>> -> memref<1x32x8x64xf32, #tpu.memory_space<vmem>>
      %dma_start3A_650 = tpu.memref_squeeze %dma_start3A_649 : memref<1x32x8x64xf32, #tpu.memory_space<vmem>> -> memref<32x8x64xf32, #tpu.memory_space<vmem>>
      %dma_start3A_651 = arith.constant 0 : i32
      %dma_start3A_652 = arith.constant 0 : i32
      %dma_start3A_653 = tpu.memref_slice %dma_start3A_650[%add3A_645, %dma_start3A_651, %dma_start3A_652] : memref<32x8x64xf32, #tpu.memory_space<vmem>> -> memref<1x8x64xf32, #tpu.memory_space<vmem>>
      %dma_start3A_654 = arith.constant 0 : i32
      %dma_start3A_655 = arith.constant 0 : i32
      %dma_start3A_656 = tpu.memref_slice %arg3[%select_n3A_641, %dma_start3A_654, %dma_start3A_655] : memref<125000x8x64xf32, #tpu.memory_space<hbm>> -> memref<1x8x64xf32, #tpu.memory_space<hbm>>
      %dma_start3A_657 = tpu.memref_slice %arg9[%rem3A_42] : memref<3x!tpu.dma_semaphore, #tpu.memory_space<semaphore_mem>> -> memref<1x!tpu.dma_semaphore, #tpu.memory_space<semaphore_mem>>
      %dma_start3A_658 = tpu.memref_squeeze %dma_start3A_657 : memref<1x!tpu.dma_semaphore, #tpu.memory_space<semaphore_mem>> -> memref<!tpu.dma_semaphore, #tpu.memory_space<semaphore_mem>>
      %dma_start3A_659 = arith.constant 0 : i32
      %dma_start3A_660 = arith.constant 0 : i32
      %dma_start3A_661 = arith.constant 0 : i32
      %dma_start3A_662 = tpu.memref_slice %arg7[%rem3A_42, %dma_start3A_659, %dma_start3A_660, %dma_start3A_661] : memref<3x32x8x64xf32, #tpu.memory_space<vmem>> -> memref<1x32x8x64xf32, #tpu.memory_space<vmem>>
      %dma_start3A_663 = tpu.memref_squeeze %dma_start3A_662 : memref<1x32x8x64xf32, #tpu.memory_space<vmem>> -> memref<32x8x64xf32, #tpu.memory_space<vmem>>
      %dma_start3A_664 = arith.constant 0 : i32
      %dma_start3A_665 = arith.constant 0 : i32
      %dma_start3A_666 = tpu.memref_slice %dma_start3A_663[%add3A_645, %dma_start3A_664, %dma_start3A_665] : memref<32x8x64xf32, #tpu.memory_space<vmem>> -> memref<1x8x64xf32, #tpu.memory_space<vmem>>
      %dma_start3A_667 = arith.constant 0 : i32
      %dma_start3A_668 = arith.constant 0 : i32
      %dma_start3A_669 = tpu.memref_slice %arg3[%select_n3A_641, %dma_start3A_667, %dma_start3A_668] : memref<125000x8x64xf32, #tpu.memory_space<hbm>> -> memref<1x8x64xf32, #tpu.memory_space<hbm>>
      tpu.enqueue_dma source(%dma_start3A_669 : memref<1x8x64xf32, #tpu.memory_space<hbm>>) target(%dma_start3A_666 : memref<1x8x64xf32, #tpu.memory_space<vmem>>) target_semaphore(%dma_start3A_658 : memref<!tpu.dma_semaphore, #tpu.memory_space<semaphore_mem>>)
      %slice3A_670 = vector.extract_strided_slice %select_n3A_72 {offsets = [11], sizes = [1], strides = [1]} : vector<16xi32> to vector<1xi32>
      %squeeze3A_671 = vector.extract %slice3A_670[0] : i32 from vector<1xi32>
      %jit3A_672 = arith.constant 8 : i32
      %div3A_673 = arith.divsi %squeeze3A_671, %jit3A_672 : i32
      %sign3A_674 = arith.constant 0 : i32
      %sign3A_675 = arith.cmpi sgt, %squeeze3A_671, %sign3A_674 : i32
      %sign3A_676 = arith.extui %sign3A_675 : i1 to i32
      %sign3A_677 = arith.constant 0 : i32
      %sign3A_678 = arith.cmpi slt, %squeeze3A_671, %sign3A_677 : i32
      %sign3A_679 = arith.extui %sign3A_678 : i1 to i32
      %sign3A_680 = arith.subi %sign3A_676, %sign3A_679 : i32
      %sign3A_681 = arith.constant 0 : i32
      %sign3A_682 = arith.cmpi sgt, %jit3A_672, %sign3A_681 : i32
      %sign3A_683 = arith.extui %sign3A_682 : i1 to i32
      %sign3A_684 = arith.constant 0 : i32
      %sign3A_685 = arith.cmpi slt, %jit3A_672, %sign3A_684 : i32
      %sign3A_686 = arith.extui %sign3A_685 : i1 to i32
      %sign3A_687 = arith.subi %sign3A_683, %sign3A_686 : i32
      %ne3A_688 = arith.cmpi ne, %sign3A_680, %sign3A_687 : i32
      %rem3A_689 = arith.remsi %squeeze3A_671, %jit3A_672 : i32
      %ne3A_690 = arith.constant 0 : i32
      %ne3A_691 = arith.cmpi ne, %rem3A_689, %ne3A_690 : i32
      %and3A_692 = arith.andi %ne3A_688, %ne3A_691 : i1
      %sub3A_693 = arith.constant 1 : i32
      %sub3A_694 = arith.subi %div3A_673, %sub3A_693 : i32
      %select_n3A_695 = arith.select %and3A_692, %sub3A_694, %div3A_673 : i32
      %mul3A_696 = arith.constant 16 : i32
      %mul3A_697 = arith.muli %scan3A_44, %mul3A_696 : i32
      %add3A_698 = arith.constant 11 : i32
      %add3A_699 = arith.addi %mul3A_697, %add3A_698 : i32
      %dma_start3A_700 = arith.constant 0 : i32
      %dma_start3A_701 = arith.constant 0 : i32
      %dma_start3A_702 = arith.constant 0 : i32
      %dma_start3A_703 = tpu.memref_slice %arg7[%rem3A_42, %dma_start3A_700, %dma_start3A_701, %dma_start3A_702] : memref<3x32x8x64xf32, #tpu.memory_space<vmem>> -> memref<1x32x8x64xf32, #tpu.memory_space<vmem>>
      %dma_start3A_704 = tpu.memref_squeeze %dma_start3A_703 : memref<1x32x8x64xf32, #tpu.memory_space<vmem>> -> memref<32x8x64xf32, #tpu.memory_space<vmem>>
      %dma_start3A_705 = arith.constant 0 : i32
      %dma_start3A_706 = arith.constant 0 : i32
      %dma_start3A_707 = tpu.memref_slice %dma_start3A_704[%add3A_699, %dma_start3A_705, %dma_start3A_706] : memref<32x8x64xf32, #tpu.memory_space<vmem>> -> memref<1x8x64xf32, #tpu.memory_space<vmem>>
      %dma_start3A_708 = arith.constant 0 : i32
      %dma_start3A_709 = arith.constant 0 : i32
      %dma_start3A_710 = tpu.memref_slice %arg3[%select_n3A_695, %dma_start3A_708, %dma_start3A_709] : memref<125000x8x64xf32, #tpu.memory_space<hbm>> -> memref<1x8x64xf32, #tpu.memory_space<hbm>>
      %dma_start3A_711 = tpu.memref_slice %arg9[%rem3A_42] : memref<3x!tpu.dma_semaphore, #tpu.memory_space<semaphore_mem>> -> memref<1x!tpu.dma_semaphore, #tpu.memory_space<semaphore_mem>>
      %dma_start3A_712 = tpu.memref_squeeze %dma_start3A_711 : memref<1x!tpu.dma_semaphore, #tpu.memory_space<semaphore_mem>> -> memref<!tpu.dma_semaphore, #tpu.memory_space<semaphore_mem>>
      %dma_start3A_713 = arith.constant 0 : i32
      %dma_start3A_714 = arith.constant 0 : i32
      %dma_start3A_715 = arith.constant 0 : i32
      %dma_start3A_716 = tpu.memref_slice %arg7[%rem3A_42, %dma_start3A_713, %dma_start3A_714, %dma_start3A_715] : memref<3x32x8x64xf32, #tpu.memory_space<vmem>> -> memref<1x32x8x64xf32, #tpu.memory_space<vmem>>
      %dma_start3A_717 = tpu.memref_squeeze %dma_start3A_716 : memref<1x32x8x64xf32, #tpu.memory_space<vmem>> -> memref<32x8x64xf32, #tpu.memory_space<vmem>>
      %dma_start3A_718 = arith.constant 0 : i32
      %dma_start3A_719 = arith.constant 0 : i32
      %dma_start3A_720 = tpu.memref_slice %dma_start3A_717[%add3A_699, %dma_start3A_718, %dma_start3A_719] : memref<32x8x64xf32, #tpu.memory_space<vmem>> -> memref<1x8x64xf32, #tpu.memory_space<vmem>>
      %dma_start3A_721 = arith.constant 0 : i32
      %dma_start3A_722 = arith.constant 0 : i32
      %dma_start3A_723 = tpu.memref_slice %arg3[%select_n3A_695, %dma_start3A_721, %dma_start3A_722] : memref<125000x8x64xf32, #tpu.memory_space<hbm>> -> memref<1x8x64xf32, #tpu.memory_space<hbm>>
      tpu.enqueue_dma source(%dma_start3A_723 : memref<1x8x64xf32, #tpu.memory_space<hbm>>) target(%dma_start3A_720 : memref<1x8x64xf32, #tpu.memory_space<vmem>>) target_semaphore(%dma_start3A_712 : memref<!tpu.dma_semaphore, #tpu.memory_space<semaphore_mem>>)
      %slice3A_724 = vector.extract_strided_slice %select_n3A_72 {offsets = [12], sizes = [1], strides = [1]} : vector<16xi32> to vector<1xi32>
      %squeeze3A_725 = vector.extract %slice3A_724[0] : i32 from vector<1xi32>
      %jit3A_726 = arith.constant 8 : i32
      %div3A_727 = arith.divsi %squeeze3A_725, %jit3A_726 : i32
      %sign3A_728 = arith.constant 0 : i32
      %sign3A_729 = arith.cmpi sgt, %squeeze3A_725, %sign3A_728 : i32
      %sign3A_730 = arith.extui %sign3A_729 : i1 to i32
      %sign3A_731 = arith.constant 0 : i32
      %sign3A_732 = arith.cmpi slt, %squeeze3A_725, %sign3A_731 : i32
      %sign3A_733 = arith.extui %sign3A_732 : i1 to i32
      %sign3A_734 = arith.subi %sign3A_730, %sign3A_733 : i32
      %sign3A_735 = arith.constant 0 : i32
      %sign3A_736 = arith.cmpi sgt, %jit3A_726, %sign3A_735 : i32
      %sign3A_737 = arith.extui %sign3A_736 : i1 to i32
      %sign3A_738 = arith.constant 0 : i32
      %sign3A_739 = arith.cmpi slt, %jit3A_726, %sign3A_738 : i32
      %sign3A_740 = arith.extui %sign3A_739 : i1 to i32
      %sign3A_741 = arith.subi %sign3A_737, %sign3A_740 : i32
      %ne3A_742 = arith.cmpi ne, %sign3A_734, %sign3A_741 : i32
      %rem3A_743 = arith.remsi %squeeze3A_725, %jit3A_726 : i32
      %ne3A_744 = arith.constant 0 : i32
      %ne3A_745 = arith.cmpi ne, %rem3A_743, %ne3A_744 : i32
      %and3A_746 = arith.andi %ne3A_742, %ne3A_745 : i1
      %sub3A_747 = arith.constant 1 : i32
      %sub3A_748 = arith.subi %div3A_727, %sub3A_747 : i32
      %select_n3A_749 = arith.select %and3A_746, %sub3A_748, %div3A_727 : i32
      %mul3A_750 = arith.constant 16 : i32
      %mul3A_751 = arith.muli %scan3A_44, %mul3A_750 : i32
      %add3A_752 = arith.constant 12 : i32
      %add3A_753 = arith.addi %mul3A_751, %add3A_752 : i32
      %dma_start3A_754 = arith.constant 0 : i32
      %dma_start3A_755 = arith.constant 0 : i32
      %dma_start3A_756 = arith.constant 0 : i32
      %dma_start3A_757 = tpu.memref_slice %arg7[%rem3A_42, %dma_start3A_754, %dma_start3A_755, %dma_start3A_756] : memref<3x32x8x64xf32, #tpu.memory_space<vmem>> -> memref<1x32x8x64xf32, #tpu.memory_space<vmem>>
      %dma_start3A_758 = tpu.memref_squeeze %dma_start3A_757 : memref<1x32x8x64xf32, #tpu.memory_space<vmem>> -> memref<32x8x64xf32, #tpu.memory_space<vmem>>
      %dma_start3A_759 = arith.constant 0 : i32
      %dma_start3A_760 = arith.constant 0 : i32
      %dma_start3A_761 = tpu.memref_slice %dma_start3A_758[%add3A_753, %dma_start3A_759, %dma_start3A_760] : memref<32x8x64xf32, #tpu.memory_space<vmem>> -> memref<1x8x64xf32, #tpu.memory_space<vmem>>
      %dma_start3A_762 = arith.constant 0 : i32
      %dma_start3A_763 = arith.constant 0 : i32
      %dma_start3A_764 = tpu.memref_slice %arg3[%select_n3A_749, %dma_start3A_762, %dma_start3A_763] : memref<125000x8x64xf32, #tpu.memory_space<hbm>> -> memref<1x8x64xf32, #tpu.memory_space<hbm>>
      %dma_start3A_765 = tpu.memref_slice %arg9[%rem3A_42] : memref<3x!tpu.dma_semaphore, #tpu.memory_space<semaphore_mem>> -> memref<1x!tpu.dma_semaphore, #tpu.memory_space<semaphore_mem>>
      %dma_start3A_766 = tpu.memref_squeeze %dma_start3A_765 : memref<1x!tpu.dma_semaphore, #tpu.memory_space<semaphore_mem>> -> memref<!tpu.dma_semaphore, #tpu.memory_space<semaphore_mem>>
      %dma_start3A_767 = arith.constant 0 : i32
      %dma_start3A_768 = arith.constant 0 : i32
      %dma_start3A_769 = arith.constant 0 : i32
      %dma_start3A_770 = tpu.memref_slice %arg7[%rem3A_42, %dma_start3A_767, %dma_start3A_768, %dma_start3A_769] : memref<3x32x8x64xf32, #tpu.memory_space<vmem>> -> memref<1x32x8x64xf32, #tpu.memory_space<vmem>>
      %dma_start3A_771 = tpu.memref_squeeze %dma_start3A_770 : memref<1x32x8x64xf32, #tpu.memory_space<vmem>> -> memref<32x8x64xf32, #tpu.memory_space<vmem>>
      %dma_start3A_772 = arith.constant 0 : i32
      %dma_start3A_773 = arith.constant 0 : i32
      %dma_start3A_774 = tpu.memref_slice %dma_start3A_771[%add3A_753, %dma_start3A_772, %dma_start3A_773] : memref<32x8x64xf32, #tpu.memory_space<vmem>> -> memref<1x8x64xf32, #tpu.memory_space<vmem>>
      %dma_start3A_775 = arith.constant 0 : i32
      %dma_start3A_776 = arith.constant 0 : i32
      %dma_start3A_777 = tpu.memref_slice %arg3[%select_n3A_749, %dma_start3A_775, %dma_start3A_776] : memref<125000x8x64xf32, #tpu.memory_space<hbm>> -> memref<1x8x64xf32, #tpu.memory_space<hbm>>
      tpu.enqueue_dma source(%dma_start3A_777 : memref<1x8x64xf32, #tpu.memory_space<hbm>>) target(%dma_start3A_774 : memref<1x8x64xf32, #tpu.memory_space<vmem>>) target_semaphore(%dma_start3A_766 : memref<!tpu.dma_semaphore, #tpu.memory_space<semaphore_mem>>)
      %slice3A_778 = vector.extract_strided_slice %select_n3A_72 {offsets = [13], sizes = [1], strides = [1]} : vector<16xi32> to vector<1xi32>
      %squeeze3A_779 = vector.extract %slice3A_778[0] : i32 from vector<1xi32>
      %jit3A_780 = arith.constant 8 : i32
      %div3A_781 = arith.divsi %squeeze3A_779, %jit3A_780 : i32
      %sign3A_782 = arith.constant 0 : i32
      %sign3A_783 = arith.cmpi sgt, %squeeze3A_779, %sign3A_782 : i32
      %sign3A_784 = arith.extui %sign3A_783 : i1 to i32
      %sign3A_785 = arith.constant 0 : i32
      %sign3A_786 = arith.cmpi slt, %squeeze3A_779, %sign3A_785 : i32
      %sign3A_787 = arith.extui %sign3A_786 : i1 to i32
      %sign3A_788 = arith.subi %sign3A_784, %sign3A_787 : i32
      %sign3A_789 = arith.constant 0 : i32
      %sign3A_790 = arith.cmpi sgt, %jit3A_780, %sign3A_789 : i32
      %sign3A_791 = arith.extui %sign3A_790 : i1 to i32
      %sign3A_792 = arith.constant 0 : i32
      %sign3A_793 = arith.cmpi slt, %jit3A_780, %sign3A_792 : i32
      %sign3A_794 = arith.extui %sign3A_793 : i1 to i32
      %sign3A_795 = arith.subi %sign3A_791, %sign3A_794 : i32
      %ne3A_796 = arith.cmpi ne, %sign3A_788, %sign3A_795 : i32
      %rem3A_797 = arith.remsi %squeeze3A_779, %jit3A_780 : i32
      %ne3A_798 = arith.constant 0 : i32
      %ne3A_799 = arith.cmpi ne, %rem3A_797, %ne3A_798 : i32
      %and3A_800 = arith.andi %ne3A_796, %ne3A_799 : i1
      %sub3A_801 = arith.constant 1 : i32
      %sub3A_802 = arith.subi %div3A_781, %sub3A_801 : i32
      %select_n3A_803 = arith.select %and3A_800, %sub3A_802, %div3A_781 : i32
      %mul3A_804 = arith.constant 16 : i32
      %mul3A_805 = arith.muli %scan3A_44, %mul3A_804 : i32
      %add3A_806 = arith.constant 13 : i32
      %add3A_807 = arith.addi %mul3A_805, %add3A_806 : i32
      %dma_start3A_808 = arith.constant 0 : i32
      %dma_start3A_809 = arith.constant 0 : i32
      %dma_start3A_810 = arith.constant 0 : i32
      %dma_start3A_811 = tpu.memref_slice %arg7[%rem3A_42, %dma_start3A_808, %dma_start3A_809, %dma_start3A_810] : memref<3x32x8x64xf32, #tpu.memory_space<vmem>> -> memref<1x32x8x64xf32, #tpu.memory_space<vmem>>
      %dma_start3A_812 = tpu.memref_squeeze %dma_start3A_811 : memref<1x32x8x64xf32, #tpu.memory_space<vmem>> -> memref<32x8x64xf32, #tpu.memory_space<vmem>>
      %dma_start3A_813 = arith.constant 0 : i32
      %dma_start3A_814 = arith.constant 0 : i32
      %dma_start3A_815 = tpu.memref_slice %dma_start3A_812[%add3A_807, %dma_start3A_813, %dma_start3A_814] : memref<32x8x64xf32, #tpu.memory_space<vmem>> -> memref<1x8x64xf32, #tpu.memory_space<vmem>>
      %dma_start3A_816 = arith.constant 0 : i32
      %dma_start3A_817 = arith.constant 0 : i32
      %dma_start3A_818 = tpu.memref_slice %arg3[%select_n3A_803, %dma_start3A_816, %dma_start3A_817] : memref<125000x8x64xf32, #tpu.memory_space<hbm>> -> memref<1x8x64xf32, #tpu.memory_space<hbm>>
      %dma_start3A_819 = tpu.memref_slice %arg9[%rem3A_42] : memref<3x!tpu.dma_semaphore, #tpu.memory_space<semaphore_mem>> -> memref<1x!tpu.dma_semaphore, #tpu.memory_space<semaphore_mem>>
      %dma_start3A_820 = tpu.memref_squeeze %dma_start3A_819 : memref<1x!tpu.dma_semaphore, #tpu.memory_space<semaphore_mem>> -> memref<!tpu.dma_semaphore, #tpu.memory_space<semaphore_mem>>
      %dma_start3A_821 = arith.constant 0 : i32
      %dma_start3A_822 = arith.constant 0 : i32
      %dma_start3A_823 = arith.constant 0 : i32
      %dma_start3A_824 = tpu.memref_slice %arg7[%rem3A_42, %dma_start3A_821, %dma_start3A_822, %dma_start3A_823] : memref<3x32x8x64xf32, #tpu.memory_space<vmem>> -> memref<1x32x8x64xf32, #tpu.memory_space<vmem>>
      %dma_start3A_825 = tpu.memref_squeeze %dma_start3A_824 : memref<1x32x8x64xf32, #tpu.memory_space<vmem>> -> memref<32x8x64xf32, #tpu.memory_space<vmem>>
      %dma_start3A_826 = arith.constant 0 : i32
      %dma_start3A_827 = arith.constant 0 : i32
      %dma_start3A_828 = tpu.memref_slice %dma_start3A_825[%add3A_807, %dma_start3A_826, %dma_start3A_827] : memref<32x8x64xf32, #tpu.memory_space<vmem>> -> memref<1x8x64xf32, #tpu.memory_space<vmem>>
      %dma_start3A_829 = arith.constant 0 : i32
      %dma_start3A_830 = arith.constant 0 : i32
      %dma_start3A_831 = tpu.memref_slice %arg3[%select_n3A_803, %dma_start3A_829, %dma_start3A_830] : memref<125000x8x64xf32, #tpu.memory_space<hbm>> -> memref<1x8x64xf32, #tpu.memory_space<hbm>>
      tpu.enqueue_dma source(%dma_start3A_831 : memref<1x8x64xf32, #tpu.memory_space<hbm>>) target(%dma_start3A_828 : memref<1x8x64xf32, #tpu.memory_space<vmem>>) target_semaphore(%dma_start3A_820 : memref<!tpu.dma_semaphore, #tpu.memory_space<semaphore_mem>>)
      %slice3A_832 = vector.extract_strided_slice %select_n3A_72 {offsets = [14], sizes = [1], strides = [1]} : vector<16xi32> to vector<1xi32>
      %squeeze3A_833 = vector.extract %slice3A_832[0] : i32 from vector<1xi32>
      %jit3A_834 = arith.constant 8 : i32
      %div3A_835 = arith.divsi %squeeze3A_833, %jit3A_834 : i32
      %sign3A_836 = arith.constant 0 : i32
      %sign3A_837 = arith.cmpi sgt, %squeeze3A_833, %sign3A_836 : i32
      %sign3A_838 = arith.extui %sign3A_837 : i1 to i32
      %sign3A_839 = arith.constant 0 : i32
      %sign3A_840 = arith.cmpi slt, %squeeze3A_833, %sign3A_839 : i32
      %sign3A_841 = arith.extui %sign3A_840 : i1 to i32
      %sign3A_842 = arith.subi %sign3A_838, %sign3A_841 : i32
      %sign3A_843 = arith.constant 0 : i32
      %sign3A_844 = arith.cmpi sgt, %jit3A_834, %sign3A_843 : i32
      %sign3A_845 = arith.extui %sign3A_844 : i1 to i32
      %sign3A_846 = arith.constant 0 : i32
      %sign3A_847 = arith.cmpi slt, %jit3A_834, %sign3A_846 : i32
      %sign3A_848 = arith.extui %sign3A_847 : i1 to i32
      %sign3A_849 = arith.subi %sign3A_845, %sign3A_848 : i32
      %ne3A_850 = arith.cmpi ne, %sign3A_842, %sign3A_849 : i32
      %rem3A_851 = arith.remsi %squeeze3A_833, %jit3A_834 : i32
      %ne3A_852 = arith.constant 0 : i32
      %ne3A_853 = arith.cmpi ne, %rem3A_851, %ne3A_852 : i32
      %and3A_854 = arith.andi %ne3A_850, %ne3A_853 : i1
      %sub3A_855 = arith.constant 1 : i32
      %sub3A_856 = arith.subi %div3A_835, %sub3A_855 : i32
      %select_n3A_857 = arith.select %and3A_854, %sub3A_856, %div3A_835 : i32
      %mul3A_858 = arith.constant 16 : i32
      %mul3A_859 = arith.muli %scan3A_44, %mul3A_858 : i32
      %add3A_860 = arith.constant 14 : i32
      %add3A_861 = arith.addi %mul3A_859, %add3A_860 : i32
      %dma_start3A_862 = arith.constant 0 : i32
      %dma_start3A_863 = arith.constant 0 : i32
      %dma_start3A_864 = arith.constant 0 : i32
      %dma_start3A_865 = tpu.memref_slice %arg7[%rem3A_42, %dma_start3A_862, %dma_start3A_863, %dma_start3A_864] : memref<3x32x8x64xf32, #tpu.memory_space<vmem>> -> memref<1x32x8x64xf32, #tpu.memory_space<vmem>>
      %dma_start3A_866 = tpu.memref_squeeze %dma_start3A_865 : memref<1x32x8x64xf32, #tpu.memory_space<vmem>> -> memref<32x8x64xf32, #tpu.memory_space<vmem>>
      %dma_start3A_867 = arith.constant 0 : i32
      %dma_start3A_868 = arith.constant 0 : i32
      %dma_start3A_869 = tpu.memref_slice %dma_start3A_866[%add3A_861, %dma_start3A_867, %dma_start3A_868] : memref<32x8x64xf32, #tpu.memory_space<vmem>> -> memref<1x8x64xf32, #tpu.memory_space<vmem>>
      %dma_start3A_870 = arith.constant 0 : i32
      %dma_start3A_871 = arith.constant 0 : i32
      %dma_start3A_872 = tpu.memref_slice %arg3[%select_n3A_857, %dma_start3A_870, %dma_start3A_871] : memref<125000x8x64xf32, #tpu.memory_space<hbm>> -> memref<1x8x64xf32, #tpu.memory_space<hbm>>
      %dma_start3A_873 = tpu.memref_slice %arg9[%rem3A_42] : memref<3x!tpu.dma_semaphore, #tpu.memory_space<semaphore_mem>> -> memref<1x!tpu.dma_semaphore, #tpu.memory_space<semaphore_mem>>
      %dma_start3A_874 = tpu.memref_squeeze %dma_start3A_873 : memref<1x!tpu.dma_semaphore, #tpu.memory_space<semaphore_mem>> -> memref<!tpu.dma_semaphore, #tpu.memory_space<semaphore_mem>>
      %dma_start3A_875 = arith.constant 0 : i32
      %dma_start3A_876 = arith.constant 0 : i32
      %dma_start3A_877 = arith.constant 0 : i32
      %dma_start3A_878 = tpu.memref_slice %arg7[%rem3A_42, %dma_start3A_875, %dma_start3A_876, %dma_start3A_877] : memref<3x32x8x64xf32, #tpu.memory_space<vmem>> -> memref<1x32x8x64xf32, #tpu.memory_space<vmem>>
      %dma_start3A_879 = tpu.memref_squeeze %dma_start3A_878 : memref<1x32x8x64xf32, #tpu.memory_space<vmem>> -> memref<32x8x64xf32, #tpu.memory_space<vmem>>
      %dma_start3A_880 = arith.constant 0 : i32
      %dma_start3A_881 = arith.constant 0 : i32
      %dma_start3A_882 = tpu.memref_slice %dma_start3A_879[%add3A_861, %dma_start3A_880, %dma_start3A_881] : memref<32x8x64xf32, #tpu.memory_space<vmem>> -> memref<1x8x64xf32, #tpu.memory_space<vmem>>
      %dma_start3A_883 = arith.constant 0 : i32
      %dma_start3A_884 = arith.constant 0 : i32
      %dma_start3A_885 = tpu.memref_slice %arg3[%select_n3A_857, %dma_start3A_883, %dma_start3A_884] : memref<125000x8x64xf32, #tpu.memory_space<hbm>> -> memref<1x8x64xf32, #tpu.memory_space<hbm>>
      tpu.enqueue_dma source(%dma_start3A_885 : memref<1x8x64xf32, #tpu.memory_space<hbm>>) target(%dma_start3A_882 : memref<1x8x64xf32, #tpu.memory_space<vmem>>) target_semaphore(%dma_start3A_874 : memref<!tpu.dma_semaphore, #tpu.memory_space<semaphore_mem>>)
      %slice3A_886 = vector.extract_strided_slice %select_n3A_72 {offsets = [15], sizes = [1], strides = [1]} : vector<16xi32> to vector<1xi32>
      %squeeze3A_887 = vector.extract %slice3A_886[0] : i32 from vector<1xi32>
      %jit3A_888 = arith.constant 8 : i32
      %div3A_889 = arith.divsi %squeeze3A_887, %jit3A_888 : i32
      %sign3A_890 = arith.constant 0 : i32
      %sign3A_891 = arith.cmpi sgt, %squeeze3A_887, %sign3A_890 : i32
      %sign3A_892 = arith.extui %sign3A_891 : i1 to i32
      %sign3A_893 = arith.constant 0 : i32
      %sign3A_894 = arith.cmpi slt, %squeeze3A_887, %sign3A_893 : i32
      %sign3A_895 = arith.extui %sign3A_894 : i1 to i32
      %sign3A_896 = arith.subi %sign3A_892, %sign3A_895 : i32
      %sign3A_897 = arith.constant 0 : i32
      %sign3A_898 = arith.cmpi sgt, %jit3A_888, %sign3A_897 : i32
      %sign3A_899 = arith.extui %sign3A_898 : i1 to i32
      %sign3A_900 = arith.constant 0 : i32
      %sign3A_901 = arith.cmpi slt, %jit3A_888, %sign3A_900 : i32
      %sign3A_902 = arith.extui %sign3A_901 : i1 to i32
      %sign3A_903 = arith.subi %sign3A_899, %sign3A_902 : i32
      %ne3A_904 = arith.cmpi ne, %sign3A_896, %sign3A_903 : i32
      %rem3A_905 = arith.remsi %squeeze3A_887, %jit3A_888 : i32
      %ne3A_906 = arith.constant 0 : i32
      %ne3A_907 = arith.cmpi ne, %rem3A_905, %ne3A_906 : i32
      %and3A_908 = arith.andi %ne3A_904, %ne3A_907 : i1
      %sub3A_909 = arith.constant 1 : i32
      %sub3A_910 = arith.subi %div3A_889, %sub3A_909 : i32
      %select_n3A_911 = arith.select %and3A_908, %sub3A_910, %div3A_889 : i32
      %mul3A_912 = arith.constant 16 : i32
      %mul3A_913 = arith.muli %scan3A_44, %mul3A_912 : i32
      %add3A_914 = arith.constant 15 : i32
      %add3A_915 = arith.addi %mul3A_913, %add3A_914 : i32
      %dma_start3A_916 = arith.constant 0 : i32
      %dma_start3A_917 = arith.constant 0 : i32
      %dma_start3A_918 = arith.constant 0 : i32
      %dma_start3A_919 = tpu.memref_slice %arg7[%rem3A_42, %dma_start3A_916, %dma_start3A_917, %dma_start3A_918] : memref<3x32x8x64xf32, #tpu.memory_space<vmem>> -> memref<1x32x8x64xf32, #tpu.memory_space<vmem>>
      %dma_start3A_920 = tpu.memref_squeeze %dma_start3A_919 : memref<1x32x8x64xf32, #tpu.memory_space<vmem>> -> memref<32x8x64xf32, #tpu.memory_space<vmem>>
      %dma_start3A_921 = arith.constant 0 : i32
      %dma_start3A_922 = arith.constant 0 : i32
      %dma_start3A_923 = tpu.memref_slice %dma_start3A_920[%add3A_915, %dma_start3A_921, %dma_start3A_922] : memref<32x8x64xf32, #tpu.memory_space<vmem>> -> memref<1x8x64xf32, #tpu.memory_space<vmem>>
      %dma_start3A_924 = arith.constant 0 : i32
      %dma_start3A_925 = arith.constant 0 : i32
      %dma_start3A_926 = tpu.memref_slice %arg3[%select_n3A_911, %dma_start3A_924, %dma_start3A_925] : memref<125000x8x64xf32, #tpu.memory_space<hbm>> -> memref<1x8x64xf32, #tpu.memory_space<hbm>>
      %dma_start3A_927 = tpu.memref_slice %arg9[%rem3A_42] : memref<3x!tpu.dma_semaphore, #tpu.memory_space<semaphore_mem>> -> memref<1x!tpu.dma_semaphore, #tpu.memory_space<semaphore_mem>>
      %dma_start3A_928 = tpu.memref_squeeze %dma_start3A_927 : memref<1x!tpu.dma_semaphore, #tpu.memory_space<semaphore_mem>> -> memref<!tpu.dma_semaphore, #tpu.memory_space<semaphore_mem>>
      %dma_start3A_929 = arith.constant 0 : i32
      %dma_start3A_930 = arith.constant 0 : i32
      %dma_start3A_931 = arith.constant 0 : i32
      %dma_start3A_932 = tpu.memref_slice %arg7[%rem3A_42, %dma_start3A_929, %dma_start3A_930, %dma_start3A_931] : memref<3x32x8x64xf32, #tpu.memory_space<vmem>> -> memref<1x32x8x64xf32, #tpu.memory_space<vmem>>
      %dma_start3A_933 = tpu.memref_squeeze %dma_start3A_932 : memref<1x32x8x64xf32, #tpu.memory_space<vmem>> -> memref<32x8x64xf32, #tpu.memory_space<vmem>>
      %dma_start3A_934 = arith.constant 0 : i32
      %dma_start3A_935 = arith.constant 0 : i32
      %dma_start3A_936 = tpu.memref_slice %dma_start3A_933[%add3A_915, %dma_start3A_934, %dma_start3A_935] : memref<32x8x64xf32, #tpu.memory_space<vmem>> -> memref<1x8x64xf32, #tpu.memory_space<vmem>>
      %dma_start3A_937 = arith.constant 0 : i32
      %dma_start3A_938 = arith.constant 0 : i32
      %dma_start3A_939 = tpu.memref_slice %arg3[%select_n3A_911, %dma_start3A_937, %dma_start3A_938] : memref<125000x8x64xf32, #tpu.memory_space<hbm>> -> memref<1x8x64xf32, #tpu.memory_space<hbm>>
      tpu.enqueue_dma source(%dma_start3A_939 : memref<1x8x64xf32, #tpu.memory_space<hbm>>) target(%dma_start3A_936 : memref<1x8x64xf32, #tpu.memory_space<vmem>>) target_semaphore(%dma_start3A_928 : memref<!tpu.dma_semaphore, #tpu.memory_space<semaphore_mem>>)
      %scan3A_940 = arith.constant 0 : i32
      %scan3A_941 = arith.constant 1 : i32
      %mul3A_942 = arith.constant 32 : i32
      %mul3A_943 = arith.muli %scan3A_16, %mul3A_942 : i32
      %mul3A_944 = arith.constant 16 : i32
      %mul3A_945 = arith.muli %scan3A_941, %mul3A_944 : i32
      %add3A_946 = arith.addi %mul3A_943, %mul3A_945 : i32
      %get3A_947 = arith.index_cast %add3A_946 : i32 to index
      %get3A_948 = tpu.vector_load %arg5[%get3A_947] {strides = array<i32>} : memref<3328xi32, #tpu.memory_space<vmem>>, vector<16xi32>,
      %add3A_949 = vector.broadcast %mul3A_40 : i32 to vector<16xi32>
      %add3A_950 = arith.addi %get3A_948, %add3A_949 : vector<16xi32>
      %jit3A_951 = arith.constant 1000000 : i32
      %eq3A_952 = arith.constant 0 : i32
      %eq3A_953 = arith.cmpi eq, %jit3A_951, %eq3A_952 : i32
      %jit3A_954 = arith.constant 1 : i32
      %select_n3A_955 = arith.select %eq3A_953, %jit3A_954, %jit3A_951 : i32
      %rem3A_956 = vector.broadcast %select_n3A_955 : i32 to vector<16xi32>
      %rem3A_957 = arith.remsi %add3A_950, %rem3A_956 : vector<16xi32>
      %ne3A_958 = arith.constant 0 : i32
      %ne3A_959 = vector.broadcast %ne3A_958 : i32 to vector<16xi32>
      %ne3A_960 = arith.cmpi ne, %rem3A_957, %ne3A_959 : vector<16xi32>
      %lt3A_961 = arith.constant 0 : i32
      %lt3A_962 = vector.broadcast %lt3A_961 : i32 to vector<16xi32>
      %lt3A_963 = arith.cmpi slt, %rem3A_957, %lt3A_962 : vector<16xi32>
      %lt3A_964 = arith.constant 0 : i32
      %lt3A_965 = arith.cmpi slt, %select_n3A_955, %lt3A_964 : i32
      %ne3A_966 = vector.broadcast %lt3A_965 : i1 to vector<16xi1>
      %ne3A_967 = vector.broadcast %ne3A_966 : vector<16xi1> to vector<16xi1>
      %ne3A_968 = arith.xori %lt3A_963, %ne3A_967 : vector<16xi1>
      %and3A_969 = arith.andi %ne3A_968, %ne3A_960 : vector<16xi1>
      %add3A_970 = vector.broadcast %select_n3A_955 : i32 to vector<16xi32>
      %add3A_971 = arith.addi %rem3A_957, %add3A_970 : vector<16xi32>
      %select_n3A_972 = arith.select %and3A_969, %add3A_971, %rem3A_957 : vector<16xi1>, vector<16xi32>
      %mul3A_973 = arith.constant 32 : i32
      %mul3A_974 = arith.muli %scan3A_16, %mul3A_973 : i32
      %mul3A_975 = arith.constant 16 : i32
      %mul3A_976 = arith.muli %scan3A_941, %mul3A_975 : i32
      %add3A_977 = arith.addi %mul3A_974, %mul3A_976 : i32
      %swap3A_978 = arith.index_cast %add3A_977 : i32 to index
      %swap3A_979 = tpu.vector_load %arg6[%swap3A_978] {strides = array<i32>} : memref<3328xi32, #tpu.memory_space<vmem>>, vector<16xi32>,
      tpu.vector_store %arg6[%swap3A_978], %select_n3A_972 {strides = array<i32>} : memref<3328xi32, #tpu.memory_space<vmem>>, vector<16xi32>,
      %slice3A_980 = vector.extract_strided_slice %select_n3A_972 {offsets = [0], sizes = [1], strides = [1]} : vector<16xi32> to vector<1xi32>
      %squeeze3A_981 = vector.extract %slice3A_980[0] : i32 from vector<1xi32>
      %jit3A_982 = arith.constant 8 : i32
      %div3A_983 = arith.divsi %squeeze3A_981, %jit3A_982 : i32
      %sign3A_984 = arith.constant 0 : i32
      %sign3A_985 = arith.cmpi sgt, %squeeze3A_981, %sign3A_984 : i32
      %sign3A_986 = arith.extui %sign3A_985 : i1 to i32
      %sign3A_987 = arith.constant 0 : i32
      %sign3A_988 = arith.cmpi slt, %squeeze3A_981, %sign3A_987 : i32
      %sign3A_989 = arith.extui %sign3A_988 : i1 to i32
      %sign3A_990 = arith.subi %sign3A_986, %sign3A_989 : i32
      %sign3A_991 = arith.constant 0 : i32
      %sign3A_992 = arith.cmpi sgt, %jit3A_982, %sign3A_991 : i32
      %sign3A_993 = arith.extui %sign3A_992 : i1 to i32
      %sign3A_994 = arith.constant 0 : i32
      %sign3A_995 = arith.cmpi slt, %jit3A_982, %sign3A_994 : i32
      %sign3A_996 = arith.extui %sign3A_995 : i1 to i32
      %sign3A_997 = arith.subi %sign3A_993, %sign3A_996 : i32
      %ne3A_998 = arith.cmpi ne, %sign3A_990, %sign3A_997 : i32
      %rem3A_999 = arith.remsi %squeeze3A_981, %jit3A_982 : i32
      %ne3A_1000 = arith.constant 0 : i32
      %ne3A_1001 = arith.cmpi ne, %rem3A_999, %ne3A_1000 : i32
      %and3A_1002 = arith.andi %ne3A_998, %ne3A_1001 : i1
      %sub3A_1003 = arith.constant 1 : i32
      %sub3A_1004 = arith.subi %div3A_983, %sub3A_1003 : i32
      %select_n3A_1005 = arith.select %and3A_1002, %sub3A_1004, %div3A_983 : i32
      %mul3A_1006 = arith.constant 16 : i32
      %mul3A_1007 = arith.muli %scan3A_941, %mul3A_1006 : i32
      %add3A_1008 = arith.constant 0 : i32
      %add3A_1009 = arith.addi %mul3A_1007, %add3A_1008 : i32
      %dma_start3A_1010 = arith.constant 0 : i32
      %dma_start3A_1011 = arith.constant 0 : i32
      %dma_start3A_1012 = arith.constant 0 : i32
      %dma_start3A_1013 = tpu.memref_slice %arg7[%rem3A_42, %dma_start3A_1010, %dma_start3A_1011, %dma_start3A_1012] : memref<3x32x8x64xf32, #tpu.memory_space<vmem>> -> memref<1x32x8x64xf32, #tpu.memory_space<vmem>>
      %dma_start3A_1014 = tpu.memref_squeeze %dma_start3A_1013 : memref<1x32x8x64xf32, #tpu.memory_space<vmem>> -> memref<32x8x64xf32, #tpu.memory_space<vmem>>
      %dma_start3A_1015 = arith.constant 0 : i32
      %dma_start3A_1016 = arith.constant 0 : i32
      %dma_start3A_1017 = tpu.memref_slice %dma_start3A_1014[%add3A_1009, %dma_start3A_1015, %dma_start3A_1016] : memref<32x8x64xf32, #tpu.memory_space<vmem>> -> memref<1x8x64xf32, #tpu.memory_space<vmem>>
      %dma_start3A_1018 = arith.constant 0 : i32
      %dma_start3A_1019 = arith.constant 0 : i32
      %dma_start3A_1020 = tpu.memref_slice %arg3[%select_n3A_1005, %dma_start3A_1018, %dma_start3A_1019] : memref<125000x8x64xf32, #tpu.memory_space<hbm>> -> memref<1x8x64xf32, #tpu.memory_space<hbm>>
      %dma_start3A_1021 = tpu.memref_slice %arg9[%rem3A_42] : memref<3x!tpu.dma_semaphore, #tpu.memory_space<semaphore_mem>> -> memref<1x!tpu.dma_semaphore, #tpu.memory_space<semaphore_mem>>
      %dma_start3A_1022 = tpu.memref_squeeze %dma_start3A_1021 : memref<1x!tpu.dma_semaphore, #tpu.memory_space<semaphore_mem>> -> memref<!tpu.dma_semaphore, #tpu.memory_space<semaphore_mem>>
      %dma_start3A_1023 = arith.constant 0 : i32
      %dma_start3A_1024 = arith.constant 0 : i32
      %dma_start3A_1025 = arith.constant 0 : i32
      %dma_start3A_1026 = tpu.memref_slice %arg7[%rem3A_42, %dma_start3A_1023, %dma_start3A_1024, %dma_start3A_1025] : memref<3x32x8x64xf32, #tpu.memory_space<vmem>> -> memref<1x32x8x64xf32, #tpu.memory_space<vmem>>
      %dma_start3A_1027 = tpu.memref_squeeze %dma_start3A_1026 : memref<1x32x8x64xf32, #tpu.memory_space<vmem>> -> memref<32x8x64xf32, #tpu.memory_space<vmem>>
      %dma_start3A_1028 = arith.constant 0 : i32
      %dma_start3A_1029 = arith.constant 0 : i32
      %dma_start3A_1030 = tpu.memref_slice %dma_start3A_1027[%add3A_1009, %dma_start3A_1028, %dma_start3A_1029] : memref<32x8x64xf32, #tpu.memory_space<vmem>> -> memref<1x8x64xf32, #tpu.memory_space<vmem>>
      %dma_start3A_1031 = arith.constant 0 : i32
      %dma_start3A_1032 = arith.constant 0 : i32
      %dma_start3A_1033 = tpu.memref_slice %arg3[%select_n3A_1005, %dma_start3A_1031, %dma_start3A_1032] : memref<125000x8x64xf32, #tpu.memory_space<hbm>> -> memref<1x8x64xf32, #tpu.memory_space<hbm>>
      tpu.enqueue_dma source(%dma_start3A_1033 : memref<1x8x64xf32, #tpu.memory_space<hbm>>) target(%dma_start3A_1030 : memref<1x8x64xf32, #tpu.memory_space<vmem>>) target_semaphore(%dma_start3A_1022 : memref<!tpu.dma_semaphore, #tpu.memory_space<semaphore_mem>>)
      %slice3A_1034 = vector.extract_strided_slice %select_n3A_972 {offsets = [1], sizes = [1], strides = [1]} : vector<16xi32> to vector<1xi32>
      %squeeze3A_1035 = vector.extract %slice3A_1034[0] : i32 from vector<1xi32>
      %jit3A_1036 = arith.constant 8 : i32
      %div3A_1037 = arith.divsi %squeeze3A_1035, %jit3A_1036 : i32
      %sign3A_1038 = arith.constant 0 : i32
      %sign3A_1039 = arith.cmpi sgt, %squeeze3A_1035, %sign3A_1038 : i32
      %sign3A_1040 = arith.extui %sign3A_1039 : i1 to i32
      %sign3A_1041 = arith.constant 0 : i32
      %sign3A_1042 = arith.cmpi slt, %squeeze3A_1035, %sign3A_1041 : i32
      %sign3A_1043 = arith.extui %sign3A_1042 : i1 to i32
      %sign3A_1044 = arith.subi %sign3A_1040, %sign3A_1043 : i32
      %sign3A_1045 = arith.constant 0 : i32
      %sign3A_1046 = arith.cmpi sgt, %jit3A_1036, %sign3A_1045 : i32
      %sign3A_1047 = arith.extui %sign3A_1046 : i1 to i32
      %sign3A_1048 = arith.constant 0 : i32
      %sign3A_1049 = arith.cmpi slt, %jit3A_1036, %sign3A_1048 : i32
      %sign3A_1050 = arith.extui %sign3A_1049 : i1 to i32
      %sign3A_1051 = arith.subi %sign3A_1047, %sign3A_1050 : i32
      %ne3A_1052 = arith.cmpi ne, %sign3A_1044, %sign3A_1051 : i32
      %rem3A_1053 = arith.remsi %squeeze3A_1035, %jit3A_1036 : i32
      %ne3A_1054 = arith.constant 0 : i32
      %ne3A_1055 = arith.cmpi ne, %rem3A_1053, %ne3A_1054 : i32
      %and3A_1056 = arith.andi %ne3A_1052, %ne3A_1055 : i1
      %sub3A_1057 = arith.constant 1 : i32
      %sub3A_1058 = arith.subi %div3A_1037, %sub3A_1057 : i32
      %select_n3A_1059 = arith.select %and3A_1056, %sub3A_1058, %div3A_1037 : i32
      %mul3A_1060 = arith.constant 16 : i32
      %mul3A_1061 = arith.muli %scan3A_941, %mul3A_1060 : i32
      %add3A_1062 = arith.constant 1 : i32
      %add3A_1063 = arith.addi %mul3A_1061, %add3A_1062 : i32
      %dma_start3A_1064 = arith.constant 0 : i32
      %dma_start3A_1065 = arith.constant 0 : i32
      %dma_start3A_1066 = arith.constant 0 : i32
      %dma_start3A_1067 = tpu.memref_slice %arg7[%rem3A_42, %dma_start3A_1064, %dma_start3A_1065, %dma_start3A_1066] : memref<3x32x8x64xf32, #tpu.memory_space<vmem>> -> memref<1x32x8x64xf32, #tpu.memory_space<vmem>>
      %dma_start3A_1068 = tpu.memref_squeeze %dma_start3A_1067 : memref<1x32x8x64xf32, #tpu.memory_space<vmem>> -> memref<32x8x64xf32, #tpu.memory_space<vmem>>
      %dma_start3A_1069 = arith.constant 0 : i32
      %dma_start3A_1070 = arith.constant 0 : i32
      %dma_start3A_1071 = tpu.memref_slice %dma_start3A_1068[%add3A_1063, %dma_start3A_1069, %dma_start3A_1070] : memref<32x8x64xf32, #tpu.memory_space<vmem>> -> memref<1x8x64xf32, #tpu.memory_space<vmem>>
      %dma_start3A_1072 = arith.constant 0 : i32
      %dma_start3A_1073 = arith.constant 0 : i32
      %dma_start3A_1074 = tpu.memref_slice %arg3[%select_n3A_1059, %dma_start3A_1072, %dma_start3A_1073] : memref<125000x8x64xf32, #tpu.memory_space<hbm>> -> memref<1x8x64xf32, #tpu.memory_space<hbm>>
      %dma_start3A_1075 = tpu.memref_slice %arg9[%rem3A_42] : memref<3x!tpu.dma_semaphore, #tpu.memory_space<semaphore_mem>> -> memref<1x!tpu.dma_semaphore, #tpu.memory_space<semaphore_mem>>
      %dma_start3A_1076 = tpu.memref_squeeze %dma_start3A_1075 : memref<1x!tpu.dma_semaphore, #tpu.memory_space<semaphore_mem>> -> memref<!tpu.dma_semaphore, #tpu.memory_space<semaphore_mem>>
      %dma_start3A_1077 = arith.constant 0 : i32
      %dma_start3A_1078 = arith.constant 0 : i32
      %dma_start3A_1079 = arith.constant 0 : i32
      %dma_start3A_1080 = tpu.memref_slice %arg7[%rem3A_42, %dma_start3A_1077, %dma_start3A_1078, %dma_start3A_1079] : memref<3x32x8x64xf32, #tpu.memory_space<vmem>> -> memref<1x32x8x64xf32, #tpu.memory_space<vmem>>
      %dma_start3A_1081 = tpu.memref_squeeze %dma_start3A_1080 : memref<1x32x8x64xf32, #tpu.memory_space<vmem>> -> memref<32x8x64xf32, #tpu.memory_space<vmem>>
      %dma_start3A_1082 = arith.constant 0 : i32
      %dma_start3A_1083 = arith.constant 0 : i32
      %dma_start3A_1084 = tpu.memref_slice %dma_start3A_1081[%add3A_1063, %dma_start3A_1082, %dma_start3A_1083] : memref<32x8x64xf32, #tpu.memory_space<vmem>> -> memref<1x8x64xf32, #tpu.memory_space<vmem>>
      %dma_start3A_1085 = arith.constant 0 : i32
      %dma_start3A_1086 = arith.constant 0 : i32
      %dma_start3A_1087 = tpu.memref_slice %arg3[%select_n3A_1059, %dma_start3A_1085, %dma_start3A_1086] : memref<125000x8x64xf32, #tpu.memory_space<hbm>> -> memref<1x8x64xf32, #tpu.memory_space<hbm>>
      tpu.enqueue_dma source(%dma_start3A_1087 : memref<1x8x64xf32, #tpu.memory_space<hbm>>) target(%dma_start3A_1084 : memref<1x8x64xf32, #tpu.memory_space<vmem>>) target_semaphore(%dma_start3A_1076 : memref<!tpu.dma_semaphore, #tpu.memory_space<semaphore_mem>>)
      %slice3A_1088 = vector.extract_strided_slice %select_n3A_972 {offsets = [2], sizes = [1], strides = [1]} : vector<16xi32> to vector<1xi32>
      %squeeze3A_1089 = vector.extract %slice3A_1088[0] : i32 from vector<1xi32>
      %jit3A_1090 = arith.constant 8 : i32
      %div3A_1091 = arith.divsi %squeeze3A_1089, %jit3A_1090 : i32
      %sign3A_1092 = arith.constant 0 : i32
      %sign3A_1093 = arith.cmpi sgt, %squeeze3A_1089, %sign3A_1092 : i32
      %sign3A_1094 = arith.extui %sign3A_1093 : i1 to i32
      %sign3A_1095 = arith.constant 0 : i32
      %sign3A_1096 = arith.cmpi slt, %squeeze3A_1089, %sign3A_1095 : i32
      %sign3A_1097 = arith.extui %sign3A_1096 : i1 to i32
      %sign3A_1098 = arith.subi %sign3A_1094, %sign3A_1097 : i32
      %sign3A_1099 = arith.constant 0 : i32
      %sign3A_1100 = arith.cmpi sgt, %jit3A_1090, %sign3A_1099 : i32
      %sign3A_1101 = arith.extui %sign3A_1100 : i1 to i32
      %sign3A_1102 = arith.constant 0 : i32
      %sign3A_1103 = arith.cmpi slt, %jit3A_1090, %sign3A_1102 : i32
      %sign3A_1104 = arith.extui %sign3A_1103 : i1 to i32
      %sign3A_1105 = arith.subi %sign3A_1101, %sign3A_1104 : i32
      %ne3A_1106 = arith.cmpi ne, %sign3A_1098, %sign3A_1105 : i32
      %rem3A_1107 = arith.remsi %squeeze3A_1089, %jit3A_1090 : i32
      %ne3A_1108 = arith.constant 0 : i32
      %ne3A_1109 = arith.cmpi ne, %rem3A_1107, %ne3A_1108 : i32
      %and3A_1110 = arith.andi %ne3A_1106, %ne3A_1109 : i1
      %sub3A_1111 = arith.constant 1 : i32
      %sub3A_1112 = arith.subi %div3A_1091, %sub3A_1111 : i32
      %select_n3A_1113 = arith.select %and3A_1110, %sub3A_1112, %div3A_1091 : i32
      %mul3A_1114 = arith.constant 16 : i32
      %mul3A_1115 = arith.muli %scan3A_941, %mul3A_1114 : i32
      %add3A_1116 = arith.constant 2 : i32
      %add3A_1117 = arith.addi %mul3A_1115, %add3A_1116 : i32
      %dma_start3A_1118 = arith.constant 0 : i32
      %dma_start3A_1119 = arith.constant 0 : i32
      %dma_start3A_1120 = arith.constant 0 : i32
      %dma_start3A_1121 = tpu.memref_slice %arg7[%rem3A_42, %dma_start3A_1118, %dma_start3A_1119, %dma_start3A_1120] : memref<3x32x8x64xf32, #tpu.memory_space<vmem>> -> memref<1x32x8x64xf32, #tpu.memory_space<vmem>>
      %dma_start3A_1122 = tpu.memref_squeeze %dma_start3A_1121 : memref<1x32x8x64xf32, #tpu.memory_space<vmem>> -> memref<32x8x64xf32, #tpu.memory_space<vmem>>
      %dma_start3A_1123 = arith.constant 0 : i32
      %dma_start3A_1124 = arith.constant 0 : i32
      %dma_start3A_1125 = tpu.memref_slice %dma_start3A_1122[%add3A_1117, %dma_start3A_1123, %dma_start3A_1124] : memref<32x8x64xf32, #tpu.memory_space<vmem>> -> memref<1x8x64xf32, #tpu.memory_space<vmem>>
      %dma_start3A_1126 = arith.constant 0 : i32
      %dma_start3A_1127 = arith.constant 0 : i32
      %dma_start3A_1128 = tpu.memref_slice %arg3[%select_n3A_1113, %dma_start3A_1126, %dma_start3A_1127] : memref<125000x8x64xf32, #tpu.memory_space<hbm>> -> memref<1x8x64xf32, #tpu.memory_space<hbm>>
      %dma_start3A_1129 = tpu.memref_slice %arg9[%rem3A_42] : memref<3x!tpu.dma_semaphore, #tpu.memory_space<semaphore_mem>> -> memref<1x!tpu.dma_semaphore, #tpu.memory_space<semaphore_mem>>
      %dma_start3A_1130 = tpu.memref_squeeze %dma_start3A_1129 : memref<1x!tpu.dma_semaphore, #tpu.memory_space<semaphore_mem>> -> memref<!tpu.dma_semaphore, #tpu.memory_space<semaphore_mem>>
      %dma_start3A_1131 = arith.constant 0 : i32
      %dma_start3A_1132 = arith.constant 0 : i32
      %dma_start3A_1133 = arith.constant 0 : i32
      %dma_start3A_1134 = tpu.memref_slice %arg7[%rem3A_42, %dma_start3A_1131, %dma_start3A_1132, %dma_start3A_1133] : memref<3x32x8x64xf32, #tpu.memory_space<vmem>> -> memref<1x32x8x64xf32, #tpu.memory_space<vmem>>
      %dma_start3A_1135 = tpu.memref_squeeze %dma_start3A_1134 : memref<1x32x8x64xf32, #tpu.memory_space<vmem>> -> memref<32x8x64xf32, #tpu.memory_space<vmem>>
      %dma_start3A_1136 = arith.constant 0 : i32
      %dma_start3A_1137 = arith.constant 0 : i32
      %dma_start3A_1138 = tpu.memref_slice %dma_start3A_1135[%add3A_1117, %dma_start3A_1136, %dma_start3A_1137] : memref<32x8x64xf32, #tpu.memory_space<vmem>> -> memref<1x8x64xf32, #tpu.memory_space<vmem>>
      %dma_start3A_1139 = arith.constant 0 : i32
      %dma_start3A_1140 = arith.constant 0 : i32
      %dma_start3A_1141 = tpu.memref_slice %arg3[%select_n3A_1113, %dma_start3A_1139, %dma_start3A_1140] : memref<125000x8x64xf32, #tpu.memory_space<hbm>> -> memref<1x8x64xf32, #tpu.memory_space<hbm>>
      tpu.enqueue_dma source(%dma_start3A_1141 : memref<1x8x64xf32, #tpu.memory_space<hbm>>) target(%dma_start3A_1138 : memref<1x8x64xf32, #tpu.memory_space<vmem>>) target_semaphore(%dma_start3A_1130 : memref<!tpu.dma_semaphore, #tpu.memory_space<semaphore_mem>>)
      %slice3A_1142 = vector.extract_strided_slice %select_n3A_972 {offsets = [3], sizes = [1], strides = [1]} : vector<16xi32> to vector<1xi32>
      %squeeze3A_1143 = vector.extract %slice3A_1142[0] : i32 from vector<1xi32>
      %jit3A_1144 = arith.constant 8 : i32
      %div3A_1145 = arith.divsi %squeeze3A_1143, %jit3A_1144 : i32
      %sign3A_1146 = arith.constant 0 : i32
      %sign3A_1147 = arith.cmpi sgt, %squeeze3A_1143, %sign3A_1146 : i32
      %sign3A_1148 = arith.extui %sign3A_1147 : i1 to i32
      %sign3A_1149 = arith.constant 0 : i32
      %sign3A_1150 = arith.cmpi slt, %squeeze3A_1143, %sign3A_1149 : i32
      %sign3A_1151 = arith.extui %sign3A_1150 : i1 to i32
      %sign3A_1152 = arith.subi %sign3A_1148, %sign3A_1151 : i32
      %sign3A_1153 = arith.constant 0 : i32
      %sign3A_1154 = arith.cmpi sgt, %jit3A_1144, %sign3A_1153 : i32
      %sign3A_1155 = arith.extui %sign3A_1154 : i1 to i32
      %sign3A_1156 = arith.constant 0 : i32
      %sign3A_1157 = arith.cmpi slt, %jit3A_1144, %sign3A_1156 : i32
      %sign3A_1158 = arith.extui %sign3A_1157 : i1 to i32
      %sign3A_1159 = arith.subi %sign3A_1155, %sign3A_1158 : i32
      %ne3A_1160 = arith.cmpi ne, %sign3A_1152, %sign3A_1159 : i32
      %rem3A_1161 = arith.remsi %squeeze3A_1143, %jit3A_1144 : i32
      %ne3A_1162 = arith.constant 0 : i32
      %ne3A_1163 = arith.cmpi ne, %rem3A_1161, %ne3A_1162 : i32
      %and3A_1164 = arith.andi %ne3A_1160, %ne3A_1163 : i1
      %sub3A_1165 = arith.constant 1 : i32
      %sub3A_1166 = arith.subi %div3A_1145, %sub3A_1165 : i32
      %select_n3A_1167 = arith.select %and3A_1164, %sub3A_1166, %div3A_1145 : i32
      %mul3A_1168 = arith.constant 16 : i32
      %mul3A_1169 = arith.muli %scan3A_941, %mul3A_1168 : i32
      %add3A_1170 = arith.constant 3 : i32
      %add3A_1171 = arith.addi %mul3A_1169, %add3A_1170 : i32
      %dma_start3A_1172 = arith.constant 0 : i32
      %dma_start3A_1173 = arith.constant 0 : i32
      %dma_start3A_1174 = arith.constant 0 : i32
      %dma_start3A_1175 = tpu.memref_slice %arg7[%rem3A_42, %dma_start3A_1172, %dma_start3A_1173, %dma_start3A_1174] : memref<3x32x8x64xf32, #tpu.memory_space<vmem>> -> memref<1x32x8x64xf32, #tpu.memory_space<vmem>>
      %dma_start3A_1176 = tpu.memref_squeeze %dma_start3A_1175 : memref<1x32x8x64xf32, #tpu.memory_space<vmem>> -> memref<32x8x64xf32, #tpu.memory_space<vmem>>
      %dma_start3A_1177 = arith.constant 0 : i32
      %dma_start3A_1178 = arith.constant 0 : i32
      %dma_start3A_1179 = tpu.memref_slice %dma_start3A_1176[%add3A_1171, %dma_start3A_1177, %dma_start3A_1178] : memref<32x8x64xf32, #tpu.memory_space<vmem>> -> memref<1x8x64xf32, #tpu.memory_space<vmem>>
      %dma_start3A_1180 = arith.constant 0 : i32
      %dma_start3A_1181 = arith.constant 0 : i32
      %dma_start3A_1182 = tpu.memref_slice %arg3[%select_n3A_1167, %dma_start3A_1180, %dma_start3A_1181] : memref<125000x8x64xf32, #tpu.memory_space<hbm>> -> memref<1x8x64xf32, #tpu.memory_space<hbm>>
      %dma_start3A_1183 = tpu.memref_slice %arg9[%rem3A_42] : memref<3x!tpu.dma_semaphore, #tpu.memory_space<semaphore_mem>> -> memref<1x!tpu.dma_semaphore, #tpu.memory_space<semaphore_mem>>
      %dma_start3A_1184 = tpu.memref_squeeze %dma_start3A_1183 : memref<1x!tpu.dma_semaphore, #tpu.memory_space<semaphore_mem>> -> memref<!tpu.dma_semaphore, #tpu.memory_space<semaphore_mem>>
      %dma_start3A_1185 = arith.constant 0 : i32
      %dma_start3A_1186 = arith.constant 0 : i32
      %dma_start3A_1187 = arith.constant 0 : i32
      %dma_start3A_1188 = tpu.memref_slice %arg7[%rem3A_42, %dma_start3A_1185, %dma_start3A_1186, %dma_start3A_1187] : memref<3x32x8x64xf32, #tpu.memory_space<vmem>> -> memref<1x32x8x64xf32, #tpu.memory_space<vmem>>
      %dma_start3A_1189 = tpu.memref_squeeze %dma_start3A_1188 : memref<1x32x8x64xf32, #tpu.memory_space<vmem>> -> memref<32x8x64xf32, #tpu.memory_space<vmem>>
      %dma_start3A_1190 = arith.constant 0 : i32
      %dma_start3A_1191 = arith.constant 0 : i32
      %dma_start3A_1192 = tpu.memref_slice %dma_start3A_1189[%add3A_1171, %dma_start3A_1190, %dma_start3A_1191] : memref<32x8x64xf32, #tpu.memory_space<vmem>> -> memref<1x8x64xf32, #tpu.memory_space<vmem>>
      %dma_start3A_1193 = arith.constant 0 : i32
      %dma_start3A_1194 = arith.constant 0 : i32
      %dma_start3A_1195 = tpu.memref_slice %arg3[%select_n3A_1167, %dma_start3A_1193, %dma_start3A_1194] : memref<125000x8x64xf32, #tpu.memory_space<hbm>> -> memref<1x8x64xf32, #tpu.memory_space<hbm>>
      tpu.enqueue_dma source(%dma_start3A_1195 : memref<1x8x64xf32, #tpu.memory_space<hbm>>) target(%dma_start3A_1192 : memref<1x8x64xf32, #tpu.memory_space<vmem>>) target_semaphore(%dma_start3A_1184 : memref<!tpu.dma_semaphore, #tpu.memory_space<semaphore_mem>>)
      %slice3A_1196 = vector.extract_strided_slice %select_n3A_972 {offsets = [4], sizes = [1], strides = [1]} : vector<16xi32> to vector<1xi32>
      %squeeze3A_1197 = vector.extract %slice3A_1196[0] : i32 from vector<1xi32>
      %jit3A_1198 = arith.constant 8 : i32
      %div3A_1199 = arith.divsi %squeeze3A_1197, %jit3A_1198 : i32
      %sign3A_1200 = arith.constant 0 : i32
      %sign3A_1201 = arith.cmpi sgt, %squeeze3A_1197, %sign3A_1200 : i32
      %sign3A_1202 = arith.extui %sign3A_1201 : i1 to i32
      %sign3A_1203 = arith.constant 0 : i32
      %sign3A_1204 = arith.cmpi slt, %squeeze3A_1197, %sign3A_1203 : i32
      %sign3A_1205 = arith.extui %sign3A_1204 : i1 to i32
      %sign3A_1206 = arith.subi %sign3A_1202, %sign3A_1205 : i32
      %sign3A_1207 = arith.constant 0 : i32
      %sign3A_1208 = arith.cmpi sgt, %jit3A_1198, %sign3A_1207 : i32
      %sign3A_1209 = arith.extui %sign3A_1208 : i1 to i32
      %sign3A_1210 = arith.constant 0 : i32
      %sign3A_1211 = arith.cmpi slt, %jit3A_1198, %sign3A_1210 : i32
      %sign3A_1212 = arith.extui %sign3A_1211 : i1 to i32
      %sign3A_1213 = arith.subi %sign3A_1209, %sign3A_1212 : i32
      %ne3A_1214 = arith.cmpi ne, %sign3A_1206, %sign3A_1213 : i32
      %rem3A_1215 = arith.remsi %squeeze3A_1197, %jit3A_1198 : i32
      %ne3A_1216 = arith.constant 0 : i32
      %ne3A_1217 = arith.cmpi ne, %rem3A_1215, %ne3A_1216 : i32
      %and3A_1218 = arith.andi %ne3A_1214, %ne3A_1217 : i1
      %sub3A_1219 = arith.constant 1 : i32
      %sub3A_1220 = arith.subi %div3A_1199, %sub3A_1219 : i32
      %select_n3A_1221 = arith.select %and3A_1218, %sub3A_1220, %div3A_1199 : i32
      %mul3A_1222 = arith.constant 16 : i32
      %mul3A_1223 = arith.muli %scan3A_941, %mul3A_1222 : i32
      %add3A_1224 = arith.constant 4 : i32
      %add3A_1225 = arith.addi %mul3A_1223, %add3A_1224 : i32
      %dma_start3A_1226 = arith.constant 0 : i32
      %dma_start3A_1227 = arith.constant 0 : i32
      %dma_start3A_1228 = arith.constant 0 : i32
      %dma_start3A_1229 = tpu.memref_slice %arg7[%rem3A_42, %dma_start3A_1226, %dma_start3A_1227, %dma_start3A_1228] : memref<3x32x8x64xf32, #tpu.memory_space<vmem>> -> memref<1x32x8x64xf32, #tpu.memory_space<vmem>>
      %dma_start3A_1230 = tpu.memref_squeeze %dma_start3A_1229 : memref<1x32x8x64xf32, #tpu.memory_space<vmem>> -> memref<32x8x64xf32, #tpu.memory_space<vmem>>
      %dma_start3A_1231 = arith.constant 0 : i32
      %dma_start3A_1232 = arith.constant 0 : i32
      %dma_start3A_1233 = tpu.memref_slice %dma_start3A_1230[%add3A_1225, %dma_start3A_1231, %dma_start3A_1232] : memref<32x8x64xf32, #tpu.memory_space<vmem>> -> memref<1x8x64xf32, #tpu.memory_space<vmem>>
      %dma_start3A_1234 = arith.constant 0 : i32
      %dma_start3A_1235 = arith.constant 0 : i32
      %dma_start3A_1236 = tpu.memref_slice %arg3[%select_n3A_1221, %dma_start3A_1234, %dma_start3A_1235] : memref<125000x8x64xf32, #tpu.memory_space<hbm>> -> memref<1x8x64xf32, #tpu.memory_space<hbm>>
      %dma_start3A_1237 = tpu.memref_slice %arg9[%rem3A_42] : memref<3x!tpu.dma_semaphore, #tpu.memory_space<semaphore_mem>> -> memref<1x!tpu.dma_semaphore, #tpu.memory_space<semaphore_mem>>
      %dma_start3A_1238 = tpu.memref_squeeze %dma_start3A_1237 : memref<1x!tpu.dma_semaphore, #tpu.memory_space<semaphore_mem>> -> memref<!tpu.dma_semaphore, #tpu.memory_space<semaphore_mem>>
      %dma_start3A_1239 = arith.constant 0 : i32
      %dma_start3A_1240 = arith.constant 0 : i32
      %dma_start3A_1241 = arith.constant 0 : i32
      %dma_start3A_1242 = tpu.memref_slice %arg7[%rem3A_42, %dma_start3A_1239, %dma_start3A_1240, %dma_start3A_1241] : memref<3x32x8x64xf32, #tpu.memory_space<vmem>> -> memref<1x32x8x64xf32, #tpu.memory_space<vmem>>
      %dma_start3A_1243 = tpu.memref_squeeze %dma_start3A_1242 : memref<1x32x8x64xf32, #tpu.memory_space<vmem>> -> memref<32x8x64xf32, #tpu.memory_space<vmem>>
      %dma_start3A_1244 = arith.constant 0 : i32
      %dma_start3A_1245 = arith.constant 0 : i32
      %dma_start3A_1246 = tpu.memref_slice %dma_start3A_1243[%add3A_1225, %dma_start3A_1244, %dma_start3A_1245] : memref<32x8x64xf32, #tpu.memory_space<vmem>> -> memref<1x8x64xf32, #tpu.memory_space<vmem>>
      %dma_start3A_1247 = arith.constant 0 : i32
      %dma_start3A_1248 = arith.constant 0 : i32
      %dma_start3A_1249 = tpu.memref_slice %arg3[%select_n3A_1221, %dma_start3A_1247, %dma_start3A_1248] : memref<125000x8x64xf32, #tpu.memory_space<hbm>> -> memref<1x8x64xf32, #tpu.memory_space<hbm>>
      tpu.enqueue_dma source(%dma_start3A_1249 : memref<1x8x64xf32, #tpu.memory_space<hbm>>) target(%dma_start3A_1246 : memref<1x8x64xf32, #tpu.memory_space<vmem>>) target_semaphore(%dma_start3A_1238 : memref<!tpu.dma_semaphore, #tpu.memory_space<semaphore_mem>>)
      %slice3A_1250 = vector.extract_strided_slice %select_n3A_972 {offsets = [5], sizes = [1], strides = [1]} : vector<16xi32> to vector<1xi32>
      %squeeze3A_1251 = vector.extract %slice3A_1250[0] : i32 from vector<1xi32>
      %jit3A_1252 = arith.constant 8 : i32
      %div3A_1253 = arith.divsi %squeeze3A_1251, %jit3A_1252 : i32
      %sign3A_1254 = arith.constant 0 : i32
      %sign3A_1255 = arith.cmpi sgt, %squeeze3A_1251, %sign3A_1254 : i32
      %sign3A_1256 = arith.extui %sign3A_1255 : i1 to i32
      %sign3A_1257 = arith.constant 0 : i32
      %sign3A_1258 = arith.cmpi slt, %squeeze3A_1251, %sign3A_1257 : i32
      %sign3A_1259 = arith.extui %sign3A_1258 : i1 to i32
      %sign3A_1260 = arith.subi %sign3A_1256, %sign3A_1259 : i32
      %sign3A_1261 = arith.constant 0 : i32
      %sign3A_1262 = arith.cmpi sgt, %jit3A_1252, %sign3A_1261 : i32
      %sign3A_1263 = arith.extui %sign3A_1262 : i1 to i32
      %sign3A_1264 = arith.constant 0 : i32
      %sign3A_1265 = arith.cmpi slt, %jit3A_1252, %sign3A_1264 : i32
      %sign3A_1266 = arith.extui %sign3A_1265 : i1 to i32
      %sign3A_1267 = arith.subi %sign3A_1263, %sign3A_1266 : i32
      %ne3A_1268 = arith.cmpi ne, %sign3A_1260, %sign3A_1267 : i32
      %rem3A_1269 = arith.remsi %squeeze3A_1251, %jit3A_1252 : i32
      %ne3A_1270 = arith.constant 0 : i32
      %ne3A_1271 = arith.cmpi ne, %rem3A_1269, %ne3A_1270 : i32
      %and3A_1272 = arith.andi %ne3A_1268, %ne3A_1271 : i1
      %sub3A_1273 = arith.constant 1 : i32
      %sub3A_1274 = arith.subi %div3A_1253, %sub3A_1273 : i32
      %select_n3A_1275 = arith.select %and3A_1272, %sub3A_1274, %div3A_1253 : i32
      %mul3A_1276 = arith.constant 16 : i32
      %mul3A_1277 = arith.muli %scan3A_941, %mul3A_1276 : i32
      %add3A_1278 = arith.constant 5 : i32
      %add3A_1279 = arith.addi %mul3A_1277, %add3A_1278 : i32
      %dma_start3A_1280 = arith.constant 0 : i32
      %dma_start3A_1281 = arith.constant 0 : i32
      %dma_start3A_1282 = arith.constant 0 : i32
      %dma_start3A_1283 = tpu.memref_slice %arg7[%rem3A_42, %dma_start3A_1280, %dma_start3A_1281, %dma_start3A_1282] : memref<3x32x8x64xf32, #tpu.memory_space<vmem>> -> memref<1x32x8x64xf32, #tpu.memory_space<vmem>>
      %dma_start3A_1284 = tpu.memref_squeeze %dma_start3A_1283 : memref<1x32x8x64xf32, #tpu.memory_space<vmem>> -> memref<32x8x64xf32, #tpu.memory_space<vmem>>
      %dma_start3A_1285 = arith.constant 0 : i32
      %dma_start3A_1286 = arith.constant 0 : i32
      %dma_start3A_1287 = tpu.memref_slice %dma_start3A_1284[%add3A_1279, %dma_start3A_1285, %dma_start3A_1286] : memref<32x8x64xf32, #tpu.memory_space<vmem>> -> memref<1x8x64xf32, #tpu.memory_space<vmem>>
      %dma_start3A_1288 = arith.constant 0 : i32
      %dma_start3A_1289 = arith.constant 0 : i32
      %dma_start3A_1290 = tpu.memref_slice %arg3[%select_n3A_1275, %dma_start3A_1288, %dma_start3A_1289] : memref<125000x8x64xf32, #tpu.memory_space<hbm>> -> memref<1x8x64xf32, #tpu.memory_space<hbm>>
      %dma_start3A_1291 = tpu.memref_slice %arg9[%rem3A_42] : memref<3x!tpu.dma_semaphore, #tpu.memory_space<semaphore_mem>> -> memref<1x!tpu.dma_semaphore, #tpu.memory_space<semaphore_mem>>
      %dma_start3A_1292 = tpu.memref_squeeze %dma_start3A_1291 : memref<1x!tpu.dma_semaphore, #tpu.memory_space<semaphore_mem>> -> memref<!tpu.dma_semaphore, #tpu.memory_space<semaphore_mem>>
      %dma_start3A_1293 = arith.constant 0 : i32
      %dma_start3A_1294 = arith.constant 0 : i32
      %dma_start3A_1295 = arith.constant 0 : i32
      %dma_start3A_1296 = tpu.memref_slice %arg7[%rem3A_42, %dma_start3A_1293, %dma_start3A_1294, %dma_start3A_1295] : memref<3x32x8x64xf32, #tpu.memory_space<vmem>> -> memref<1x32x8x64xf32, #tpu.memory_space<vmem>>
      %dma_start3A_1297 = tpu.memref_squeeze %dma_start3A_1296 : memref<1x32x8x64xf32, #tpu.memory_space<vmem>> -> memref<32x8x64xf32, #tpu.memory_space<vmem>>
      %dma_start3A_1298 = arith.constant 0 : i32
      %dma_start3A_1299 = arith.constant 0 : i32
      %dma_start3A_1300 = tpu.memref_slice %dma_start3A_1297[%add3A_1279, %dma_start3A_1298, %dma_start3A_1299] : memref<32x8x64xf32, #tpu.memory_space<vmem>> -> memref<1x8x64xf32, #tpu.memory_space<vmem>>
      %dma_start3A_1301 = arith.constant 0 : i32
      %dma_start3A_1302 = arith.constant 0 : i32
      %dma_start3A_1303 = tpu.memref_slice %arg3[%select_n3A_1275, %dma_start3A_1301, %dma_start3A_1302] : memref<125000x8x64xf32, #tpu.memory_space<hbm>> -> memref<1x8x64xf32, #tpu.memory_space<hbm>>
      tpu.enqueue_dma source(%dma_start3A_1303 : memref<1x8x64xf32, #tpu.memory_space<hbm>>) target(%dma_start3A_1300 : memref<1x8x64xf32, #tpu.memory_space<vmem>>) target_semaphore(%dma_start3A_1292 : memref<!tpu.dma_semaphore, #tpu.memory_space<semaphore_mem>>)
      %slice3A_1304 = vector.extract_strided_slice %select_n3A_972 {offsets = [6], sizes = [1], strides = [1]} : vector<16xi32> to vector<1xi32>
      %squeeze3A_1305 = vector.extract %slice3A_1304[0] : i32 from vector<1xi32>
      %jit3A_1306 = arith.constant 8 : i32
      %div3A_1307 = arith.divsi %squeeze3A_1305, %jit3A_1306 : i32
      %sign3A_1308 = arith.constant 0 : i32
      %sign3A_1309 = arith.cmpi sgt, %squeeze3A_1305, %sign3A_1308 : i32
      %sign3A_1310 = arith.extui %sign3A_1309 : i1 to i32
      %sign3A_1311 = arith.constant 0 : i32
      %sign3A_1312 = arith.cmpi slt, %squeeze3A_1305, %sign3A_1311 : i32
      %sign3A_1313 = arith.extui %sign3A_1312 : i1 to i32
      %sign3A_1314 = arith.subi %sign3A_1310, %sign3A_1313 : i32
      %sign3A_1315 = arith.constant 0 : i32
      %sign3A_1316 = arith.cmpi sgt, %jit3A_1306, %sign3A_1315 : i32
      %sign3A_1317 = arith.extui %sign3A_1316 : i1 to i32
      %sign3A_1318 = arith.constant 0 : i32
      %sign3A_1319 = arith.cmpi slt, %jit3A_1306, %sign3A_1318 : i32
      %sign3A_1320 = arith.extui %sign3A_1319 : i1 to i32
      %sign3A_1321 = arith.subi %sign3A_1317, %sign3A_1320 : i32
      %ne3A_1322 = arith.cmpi ne, %sign3A_1314, %sign3A_1321 : i32
      %rem3A_1323 = arith.remsi %squeeze3A_1305, %jit3A_1306 : i32
      %ne3A_1324 = arith.constant 0 : i32
      %ne3A_1325 = arith.cmpi ne, %rem3A_1323, %ne3A_1324 : i32
      %and3A_1326 = arith.andi %ne3A_1322, %ne3A_1325 : i1
      %sub3A_1327 = arith.constant 1 : i32
      %sub3A_1328 = arith.subi %div3A_1307, %sub3A_1327 : i32
      %select_n3A_1329 = arith.select %and3A_1326, %sub3A_1328, %div3A_1307 : i32
      %mul3A_1330 = arith.constant 16 : i32
      %mul3A_1331 = arith.muli %scan3A_941, %mul3A_1330 : i32
      %add3A_1332 = arith.constant 6 : i32
      %add3A_1333 = arith.addi %mul3A_1331, %add3A_1332 : i32
      %dma_start3A_1334 = arith.constant 0 : i32
      %dma_start3A_1335 = arith.constant 0 : i32
      %dma_start3A_1336 = arith.constant 0 : i32
      %dma_start3A_1337 = tpu.memref_slice %arg7[%rem3A_42, %dma_start3A_1334, %dma_start3A_1335, %dma_start3A_1336] : memref<3x32x8x64xf32, #tpu.memory_space<vmem>> -> memref<1x32x8x64xf32, #tpu.memory_space<vmem>>
      %dma_start3A_1338 = tpu.memref_squeeze %dma_start3A_1337 : memref<1x32x8x64xf32, #tpu.memory_space<vmem>> -> memref<32x8x64xf32, #tpu.memory_space<vmem>>
      %dma_start3A_1339 = arith.constant 0 : i32
      %dma_start3A_1340 = arith.constant 0 : i32
      %dma_start3A_1341 = tpu.memref_slice %dma_start3A_1338[%add3A_1333, %dma_start3A_1339, %dma_start3A_1340] : memref<32x8x64xf32, #tpu.memory_space<vmem>> -> memref<1x8x64xf32, #tpu.memory_space<vmem>>
      %dma_start3A_1342 = arith.constant 0 : i32
      %dma_start3A_1343 = arith.constant 0 : i32
      %dma_start3A_1344 = tpu.memref_slice %arg3[%select_n3A_1329, %dma_start3A_1342, %dma_start3A_1343] : memref<125000x8x64xf32, #tpu.memory_space<hbm>> -> memref<1x8x64xf32, #tpu.memory_space<hbm>>
      %dma_start3A_1345 = tpu.memref_slice %arg9[%rem3A_42] : memref<3x!tpu.dma_semaphore, #tpu.memory_space<semaphore_mem>> -> memref<1x!tpu.dma_semaphore, #tpu.memory_space<semaphore_mem>>
      %dma_start3A_1346 = tpu.memref_squeeze %dma_start3A_1345 : memref<1x!tpu.dma_semaphore, #tpu.memory_space<semaphore_mem>> -> memref<!tpu.dma_semaphore, #tpu.memory_space<semaphore_mem>>
      %dma_start3A_1347 = arith.constant 0 : i32
      %dma_start3A_1348 = arith.constant 0 : i32
      %dma_start3A_1349 = arith.constant 0 : i32
      %dma_start3A_1350 = tpu.memref_slice %arg7[%rem3A_42, %dma_start3A_1347, %dma_start3A_1348, %dma_start3A_1349] : memref<3x32x8x64xf32, #tpu.memory_space<vmem>> -> memref<1x32x8x64xf32, #tpu.memory_space<vmem>>
      %dma_start3A_1351 = tpu.memref_squeeze %dma_start3A_1350 : memref<1x32x8x64xf32, #tpu.memory_space<vmem>> -> memref<32x8x64xf32, #tpu.memory_space<vmem>>
      %dma_start3A_1352 = arith.constant 0 : i32
      %dma_start3A_1353 = arith.constant 0 : i32
      %dma_start3A_1354 = tpu.memref_slice %dma_start3A_1351[%add3A_1333, %dma_start3A_1352, %dma_start3A_1353] : memref<32x8x64xf32, #tpu.memory_space<vmem>> -> memref<1x8x64xf32, #tpu.memory_space<vmem>>
      %dma_start3A_1355 = arith.constant 0 : i32
      %dma_start3A_1356 = arith.constant 0 : i32
      %dma_start3A_1357 = tpu.memref_slice %arg3[%select_n3A_1329, %dma_start3A_1355, %dma_start3A_1356] : memref<125000x8x64xf32, #tpu.memory_space<hbm>> -> memref<1x8x64xf32, #tpu.memory_space<hbm>>
      tpu.enqueue_dma source(%dma_start3A_1357 : memref<1x8x64xf32, #tpu.memory_space<hbm>>) target(%dma_start3A_1354 : memref<1x8x64xf32, #tpu.memory_space<vmem>>) target_semaphore(%dma_start3A_1346 : memref<!tpu.dma_semaphore, #tpu.memory_space<semaphore_mem>>)
      %slice3A_1358 = vector.extract_strided_slice %select_n3A_972 {offsets = [7], sizes = [1], strides = [1]} : vector<16xi32> to vector<1xi32>
      %squeeze3A_1359 = vector.extract %slice3A_1358[0] : i32 from vector<1xi32>
      %jit3A_1360 = arith.constant 8 : i32
      %div3A_1361 = arith.divsi %squeeze3A_1359, %jit3A_1360 : i32
      %sign3A_1362 = arith.constant 0 : i32
      %sign3A_1363 = arith.cmpi sgt, %squeeze3A_1359, %sign3A_1362 : i32
      %sign3A_1364 = arith.extui %sign3A_1363 : i1 to i32
      %sign3A_1365 = arith.constant 0 : i32
      %sign3A_1366 = arith.cmpi slt, %squeeze3A_1359, %sign3A_1365 : i32
      %sign3A_1367 = arith.extui %sign3A_1366 : i1 to i32
      %sign3A_1368 = arith.subi %sign3A_1364, %sign3A_1367 : i32
      %sign3A_1369 = arith.constant 0 : i32
      %sign3A_1370 = arith.cmpi sgt, %jit3A_1360, %sign3A_1369 : i32
      %sign3A_1371 = arith.extui %sign3A_1370 : i1 to i32
      %sign3A_1372 = arith.constant 0 : i32
      %sign3A_1373 = arith.cmpi slt, %jit3A_1360, %sign3A_1372 : i32
      %sign3A_1374 = arith.extui %sign3A_1373 : i1 to i32
      %sign3A_1375 = arith.subi %sign3A_1371, %sign3A_1374 : i32
      %ne3A_1376 = arith.cmpi ne, %sign3A_1368, %sign3A_1375 : i32
      %rem3A_1377 = arith.remsi %squeeze3A_1359, %jit3A_1360 : i32
      %ne3A_1378 = arith.constant 0 : i32
      %ne3A_1379 = arith.cmpi ne, %rem3A_1377, %ne3A_1378 : i32
      %and3A_1380 = arith.andi %ne3A_1376, %ne3A_1379 : i1
      %sub3A_1381 = arith.constant 1 : i32
      %sub3A_1382 = arith.subi %div3A_1361, %sub3A_1381 : i32
      %select_n3A_1383 = arith.select %and3A_1380, %sub3A_1382, %div3A_1361 : i32
      %mul3A_1384 = arith.constant 16 : i32
      %mul3A_1385 = arith.muli %scan3A_941, %mul3A_1384 : i32
      %add3A_1386 = arith.constant 7 : i32
      %add3A_1387 = arith.addi %mul3A_1385, %add3A_1386 : i32
      %dma_start3A_1388 = arith.constant 0 : i32
      %dma_start3A_1389 = arith.constant 0 : i32
      %dma_start3A_1390 = arith.constant 0 : i32
      %dma_start3A_1391 = tpu.memref_slice %arg7[%rem3A_42, %dma_start3A_1388, %dma_start3A_1389, %dma_start3A_1390] : memref<3x32x8x64xf32, #tpu.memory_space<vmem>> -> memref<1x32x8x64xf32, #tpu.memory_space<vmem>>
      %dma_start3A_1392 = tpu.memref_squeeze %dma_start3A_1391 : memref<1x32x8x64xf32, #tpu.memory_space<vmem>> -> memref<32x8x64xf32, #tpu.memory_space<vmem>>
      %dma_start3A_1393 = arith.constant 0 : i32
      %dma_start3A_1394 = arith.constant 0 : i32
      %dma_start3A_1395 = tpu.memref_slice %dma_start3A_1392[%add3A_1387, %dma_start3A_1393, %dma_start3A_1394] : memref<32x8x64xf32, #tpu.memory_space<vmem>> -> memref<1x8x64xf32, #tpu.memory_space<vmem>>
      %dma_start3A_1396 = arith.constant 0 : i32
      %dma_start3A_1397 = arith.constant 0 : i32
      %dma_start3A_1398 = tpu.memref_slice %arg3[%select_n3A_1383, %dma_start3A_1396, %dma_start3A_1397] : memref<125000x8x64xf32, #tpu.memory_space<hbm>> -> memref<1x8x64xf32, #tpu.memory_space<hbm>>
      %dma_start3A_1399 = tpu.memref_slice %arg9[%rem3A_42] : memref<3x!tpu.dma_semaphore, #tpu.memory_space<semaphore_mem>> -> memref<1x!tpu.dma_semaphore, #tpu.memory_space<semaphore_mem>>
      %dma_start3A_1400 = tpu.memref_squeeze %dma_start3A_1399 : memref<1x!tpu.dma_semaphore, #tpu.memory_space<semaphore_mem>> -> memref<!tpu.dma_semaphore, #tpu.memory_space<semaphore_mem>>
      %dma_start3A_1401 = arith.constant 0 : i32
      %dma_start3A_1402 = arith.constant 0 : i32
      %dma_start3A_1403 = arith.constant 0 : i32
      %dma_start3A_1404 = tpu.memref_slice %arg7[%rem3A_42, %dma_start3A_1401, %dma_start3A_1402, %dma_start3A_1403] : memref<3x32x8x64xf32, #tpu.memory_space<vmem>> -> memref<1x32x8x64xf32, #tpu.memory_space<vmem>>
      %dma_start3A_1405 = tpu.memref_squeeze %dma_start3A_1404 : memref<1x32x8x64xf32, #tpu.memory_space<vmem>> -> memref<32x8x64xf32, #tpu.memory_space<vmem>>
      %dma_start3A_1406 = arith.constant 0 : i32
      %dma_start3A_1407 = arith.constant 0 : i32
      %dma_start3A_1408 = tpu.memref_slice %dma_start3A_1405[%add3A_1387, %dma_start3A_1406, %dma_start3A_1407] : memref<32x8x64xf32, #tpu.memory_space<vmem>> -> memref<1x8x64xf32, #tpu.memory_space<vmem>>
      %dma_start3A_1409 = arith.constant 0 : i32
      %dma_start3A_1410 = arith.constant 0 : i32
      %dma_start3A_1411 = tpu.memref_slice %arg3[%select_n3A_1383, %dma_start3A_1409, %dma_start3A_1410] : memref<125000x8x64xf32, #tpu.memory_space<hbm>> -> memref<1x8x64xf32, #tpu.memory_space<hbm>>
      tpu.enqueue_dma source(%dma_start3A_1411 : memref<1x8x64xf32, #tpu.memory_space<hbm>>) target(%dma_start3A_1408 : memref<1x8x64xf32, #tpu.memory_space<vmem>>) target_semaphore(%dma_start3A_1400 : memref<!tpu.dma_semaphore, #tpu.memory_space<semaphore_mem>>)
      %slice3A_1412 = vector.extract_strided_slice %select_n3A_972 {offsets = [8], sizes = [1], strides = [1]} : vector<16xi32> to vector<1xi32>
      %squeeze3A_1413 = vector.extract %slice3A_1412[0] : i32 from vector<1xi32>
      %jit3A_1414 = arith.constant 8 : i32
      %div3A_1415 = arith.divsi %squeeze3A_1413, %jit3A_1414 : i32
      %sign3A_1416 = arith.constant 0 : i32
      %sign3A_1417 = arith.cmpi sgt, %squeeze3A_1413, %sign3A_1416 : i32
      %sign3A_1418 = arith.extui %sign3A_1417 : i1 to i32
      %sign3A_1419 = arith.constant 0 : i32
      %sign3A_1420 = arith.cmpi slt, %squeeze3A_1413, %sign3A_1419 : i32
      %sign3A_1421 = arith.extui %sign3A_1420 : i1 to i32
      %sign3A_1422 = arith.subi %sign3A_1418, %sign3A_1421 : i32
      %sign3A_1423 = arith.constant 0 : i32
      %sign3A_1424 = arith.cmpi sgt, %jit3A_1414, %sign3A_1423 : i32
      %sign3A_1425 = arith.extui %sign3A_1424 : i1 to i32
      %sign3A_1426 = arith.constant 0 : i32
      %sign3A_1427 = arith.cmpi slt, %jit3A_1414, %sign3A_1426 : i32
      %sign3A_1428 = arith.extui %sign3A_1427 : i1 to i32
      %sign3A_1429 = arith.subi %sign3A_1425, %sign3A_1428 : i32
      %ne3A_1430 = arith.cmpi ne, %sign3A_1422, %sign3A_1429 : i32
      %rem3A_1431 = arith.remsi %squeeze3A_1413, %jit3A_1414 : i32
      %ne3A_1432 = arith.constant 0 : i32
      %ne3A_1433 = arith.cmpi ne, %rem3A_1431, %ne3A_1432 : i32
      %and3A_1434 = arith.andi %ne3A_1430, %ne3A_1433 : i1
      %sub3A_1435 = arith.constant 1 : i32
      %sub3A_1436 = arith.subi %div3A_1415, %sub3A_1435 : i32
      %select_n3A_1437 = arith.select %and3A_1434, %sub3A_1436, %div3A_1415 : i32
      %mul3A_1438 = arith.constant 16 : i32
      %mul3A_1439 = arith.muli %scan3A_941, %mul3A_1438 : i32
      %add3A_1440 = arith.constant 8 : i32
      %add3A_1441 = arith.addi %mul3A_1439, %add3A_1440 : i32
      %dma_start3A_1442 = arith.constant 0 : i32
      %dma_start3A_1443 = arith.constant 0 : i32
      %dma_start3A_1444 = arith.constant 0 : i32
      %dma_start3A_1445 = tpu.memref_slice %arg7[%rem3A_42, %dma_start3A_1442, %dma_start3A_1443, %dma_start3A_1444] : memref<3x32x8x64xf32, #tpu.memory_space<vmem>> -> memref<1x32x8x64xf32, #tpu.memory_space<vmem>>
      %dma_start3A_1446 = tpu.memref_squeeze %dma_start3A_1445 : memref<1x32x8x64xf32, #tpu.memory_space<vmem>> -> memref<32x8x64xf32, #tpu.memory_space<vmem>>
      %dma_start3A_1447 = arith.constant 0 : i32
      %dma_start3A_1448 = arith.constant 0 : i32
      %dma_start3A_1449 = tpu.memref_slice %dma_start3A_1446[%add3A_1441, %dma_start3A_1447, %dma_start3A_1448] : memref<32x8x64xf32, #tpu.memory_space<vmem>> -> memref<1x8x64xf32, #tpu.memory_space<vmem>>
      %dma_start3A_1450 = arith.constant 0 : i32
      %dma_start3A_1451 = arith.constant 0 : i32
      %dma_start3A_1452 = tpu.memref_slice %arg3[%select_n3A_1437, %dma_start3A_1450, %dma_start3A_1451] : memref<125000x8x64xf32, #tpu.memory_space<hbm>> -> memref<1x8x64xf32, #tpu.memory_space<hbm>>
      %dma_start3A_1453 = tpu.memref_slice %arg9[%rem3A_42] : memref<3x!tpu.dma_semaphore, #tpu.memory_space<semaphore_mem>> -> memref<1x!tpu.dma_semaphore, #tpu.memory_space<semaphore_mem>>
      %dma_start3A_1454 = tpu.memref_squeeze %dma_start3A_1453 : memref<1x!tpu.dma_semaphore, #tpu.memory_space<semaphore_mem>> -> memref<!tpu.dma_semaphore, #tpu.memory_space<semaphore_mem>>
      %dma_start3A_1455 = arith.constant 0 : i32
      %dma_start3A_1456 = arith.constant 0 : i32
      %dma_start3A_1457 = arith.constant 0 : i32
      %dma_start3A_1458 = tpu.memref_slice %arg7[%rem3A_42, %dma_start3A_1455, %dma_start3A_1456, %dma_start3A_1457] : memref<3x32x8x64xf32, #tpu.memory_space<vmem>> -> memref<1x32x8x64xf32, #tpu.memory_space<vmem>>
      %dma_start3A_1459 = tpu.memref_squeeze %dma_start3A_1458 : memref<1x32x8x64xf32, #tpu.memory_space<vmem>> -> memref<32x8x64xf32, #tpu.memory_space<vmem>>
      %dma_start3A_1460 = arith.constant 0 : i32
      %dma_start3A_1461 = arith.constant 0 : i32
      %dma_start3A_1462 = tpu.memref_slice %dma_start3A_1459[%add3A_1441, %dma_start3A_1460, %dma_start3A_1461] : memref<32x8x64xf32, #tpu.memory_space<vmem>> -> memref<1x8x64xf32, #tpu.memory_space<vmem>>
      %dma_start3A_1463 = arith.constant 0 : i32
      %dma_start3A_1464 = arith.constant 0 : i32
      %dma_start3A_1465 = tpu.memref_slice %arg3[%select_n3A_1437, %dma_start3A_1463, %dma_start3A_1464] : memref<125000x8x64xf32, #tpu.memory_space<hbm>> -> memref<1x8x64xf32, #tpu.memory_space<hbm>>
      tpu.enqueue_dma source(%dma_start3A_1465 : memref<1x8x64xf32, #tpu.memory_space<hbm>>) target(%dma_start3A_1462 : memref<1x8x64xf32, #tpu.memory_space<vmem>>) target_semaphore(%dma_start3A_1454 : memref<!tpu.dma_semaphore, #tpu.memory_space<semaphore_mem>>)
      %slice3A_1466 = vector.extract_strided_slice %select_n3A_972 {offsets = [9], sizes = [1], strides = [1]} : vector<16xi32> to vector<1xi32>
      %squeeze3A_1467 = vector.extract %slice3A_1466[0] : i32 from vector<1xi32>
      %jit3A_1468 = arith.constant 8 : i32
      %div3A_1469 = arith.divsi %squeeze3A_1467, %jit3A_1468 : i32
      %sign3A_1470 = arith.constant 0 : i32
      %sign3A_1471 = arith.cmpi sgt, %squeeze3A_1467, %sign3A_1470 : i32
      %sign3A_1472 = arith.extui %sign3A_1471 : i1 to i32
      %sign3A_1473 = arith.constant 0 : i32
      %sign3A_1474 = arith.cmpi slt, %squeeze3A_1467, %sign3A_1473 : i32
      %sign3A_1475 = arith.extui %sign3A_1474 : i1 to i32
      %sign3A_1476 = arith.subi %sign3A_1472, %sign3A_1475 : i32
      %sign3A_1477 = arith.constant 0 : i32
      %sign3A_1478 = arith.cmpi sgt, %jit3A_1468, %sign3A_1477 : i32
      %sign3A_1479 = arith.extui %sign3A_1478 : i1 to i32
      %sign3A_1480 = arith.constant 0 : i32
      %sign3A_1481 = arith.cmpi slt, %jit3A_1468, %sign3A_1480 : i32
      %sign3A_1482 = arith.extui %sign3A_1481 : i1 to i32
      %sign3A_1483 = arith.subi %sign3A_1479, %sign3A_1482 : i32
      %ne3A_1484 = arith.cmpi ne, %sign3A_1476, %sign3A_1483 : i32
      %rem3A_1485 = arith.remsi %squeeze3A_1467, %jit3A_1468 : i32
      %ne3A_1486 = arith.constant 0 : i32
      %ne3A_1487 = arith.cmpi ne, %rem3A_1485, %ne3A_1486 : i32
      %and3A_1488 = arith.andi %ne3A_1484, %ne3A_1487 : i1
      %sub3A_1489 = arith.constant 1 : i32
      %sub3A_1490 = arith.subi %div3A_1469, %sub3A_1489 : i32
      %select_n3A_1491 = arith.select %and3A_1488, %sub3A_1490, %div3A_1469 : i32
      %mul3A_1492 = arith.constant 16 : i32
      %mul3A_1493 = arith.muli %scan3A_941, %mul3A_1492 : i32
      %add3A_1494 = arith.constant 9 : i32
      %add3A_1495 = arith.addi %mul3A_1493, %add3A_1494 : i32
      %dma_start3A_1496 = arith.constant 0 : i32
      %dma_start3A_1497 = arith.constant 0 : i32
      %dma_start3A_1498 = arith.constant 0 : i32
      %dma_start3A_1499 = tpu.memref_slice %arg7[%rem3A_42, %dma_start3A_1496, %dma_start3A_1497, %dma_start3A_1498] : memref<3x32x8x64xf32, #tpu.memory_space<vmem>> -> memref<1x32x8x64xf32, #tpu.memory_space<vmem>>
      %dma_start3A_1500 = tpu.memref_squeeze %dma_start3A_1499 : memref<1x32x8x64xf32, #tpu.memory_space<vmem>> -> memref<32x8x64xf32, #tpu.memory_space<vmem>>
      %dma_start3A_1501 = arith.constant 0 : i32
      %dma_start3A_1502 = arith.constant 0 : i32
      %dma_start3A_1503 = tpu.memref_slice %dma_start3A_1500[%add3A_1495, %dma_start3A_1501, %dma_start3A_1502] : memref<32x8x64xf32, #tpu.memory_space<vmem>> -> memref<1x8x64xf32, #tpu.memory_space<vmem>>
      %dma_start3A_1504 = arith.constant 0 : i32
      %dma_start3A_1505 = arith.constant 0 : i32
      %dma_start3A_1506 = tpu.memref_slice %arg3[%select_n3A_1491, %dma_start3A_1504, %dma_start3A_1505] : memref<125000x8x64xf32, #tpu.memory_space<hbm>> -> memref<1x8x64xf32, #tpu.memory_space<hbm>>
      %dma_start3A_1507 = tpu.memref_slice %arg9[%rem3A_42] : memref<3x!tpu.dma_semaphore, #tpu.memory_space<semaphore_mem>> -> memref<1x!tpu.dma_semaphore, #tpu.memory_space<semaphore_mem>>
      %dma_start3A_1508 = tpu.memref_squeeze %dma_start3A_1507 : memref<1x!tpu.dma_semaphore, #tpu.memory_space<semaphore_mem>> -> memref<!tpu.dma_semaphore, #tpu.memory_space<semaphore_mem>>
      %dma_start3A_1509 = arith.constant 0 : i32
      %dma_start3A_1510 = arith.constant 0 : i32
      %dma_start3A_1511 = arith.constant 0 : i32
      %dma_start3A_1512 = tpu.memref_slice %arg7[%rem3A_42, %dma_start3A_1509, %dma_start3A_1510, %dma_start3A_1511] : memref<3x32x8x64xf32, #tpu.memory_space<vmem>> -> memref<1x32x8x64xf32, #tpu.memory_space<vmem>>
      %dma_start3A_1513 = tpu.memref_squeeze %dma_start3A_1512 : memref<1x32x8x64xf32, #tpu.memory_space<vmem>> -> memref<32x8x64xf32, #tpu.memory_space<vmem>>
      %dma_start3A_1514 = arith.constant 0 : i32
      %dma_start3A_1515 = arith.constant 0 : i32
      %dma_start3A_1516 = tpu.memref_slice %dma_start3A_1513[%add3A_1495, %dma_start3A_1514, %dma_start3A_1515] : memref<32x8x64xf32, #tpu.memory_space<vmem>> -> memref<1x8x64xf32, #tpu.memory_space<vmem>>
      %dma_start3A_1517 = arith.constant 0 : i32
      %dma_start3A_1518 = arith.constant 0 : i32
      %dma_start3A_1519 = tpu.memref_slice %arg3[%select_n3A_1491, %dma_start3A_1517, %dma_start3A_1518] : memref<125000x8x64xf32, #tpu.memory_space<hbm>> -> memref<1x8x64xf32, #tpu.memory_space<hbm>>
      tpu.enqueue_dma source(%dma_start3A_1519 : memref<1x8x64xf32, #tpu.memory_space<hbm>>) target(%dma_start3A_1516 : memref<1x8x64xf32, #tpu.memory_space<vmem>>) target_semaphore(%dma_start3A_1508 : memref<!tpu.dma_semaphore, #tpu.memory_space<semaphore_mem>>)
      %slice3A_1520 = vector.extract_strided_slice %select_n3A_972 {offsets = [10], sizes = [1], strides = [1]} : vector<16xi32> to vector<1xi32>
      %squeeze3A_1521 = vector.extract %slice3A_1520[0] : i32 from vector<1xi32>
      %jit3A_1522 = arith.constant 8 : i32
      %div3A_1523 = arith.divsi %squeeze3A_1521, %jit3A_1522 : i32
      %sign3A_1524 = arith.constant 0 : i32
      %sign3A_1525 = arith.cmpi sgt, %squeeze3A_1521, %sign3A_1524 : i32
      %sign3A_1526 = arith.extui %sign3A_1525 : i1 to i32
      %sign3A_1527 = arith.constant 0 : i32
      %sign3A_1528 = arith.cmpi slt, %squeeze3A_1521, %sign3A_1527 : i32
      %sign3A_1529 = arith.extui %sign3A_1528 : i1 to i32
      %sign3A_1530 = arith.subi %sign3A_1526, %sign3A_1529 : i32
      %sign3A_1531 = arith.constant 0 : i32
      %sign3A_1532 = arith.cmpi sgt, %jit3A_1522, %sign3A_1531 : i32
      %sign3A_1533 = arith.extui %sign3A_1532 : i1 to i32
      %sign3A_1534 = arith.constant 0 : i32
      %sign3A_1535 = arith.cmpi slt, %jit3A_1522, %sign3A_1534 : i32
      %sign3A_1536 = arith.extui %sign3A_1535 : i1 to i32
      %sign3A_1537 = arith.subi %sign3A_1533, %sign3A_1536 : i32
      %ne3A_1538 = arith.cmpi ne, %sign3A_1530, %sign3A_1537 : i32
      %rem3A_1539 = arith.remsi %squeeze3A_1521, %jit3A_1522 : i32
      %ne3A_1540 = arith.constant 0 : i32
      %ne3A_1541 = arith.cmpi ne, %rem3A_1539, %ne3A_1540 : i32
      %and3A_1542 = arith.andi %ne3A_1538, %ne3A_1541 : i1
      %sub3A_1543 = arith.constant 1 : i32
      %sub3A_1544 = arith.subi %div3A_1523, %sub3A_1543 : i32
      %select_n3A_1545 = arith.select %and3A_1542, %sub3A_1544, %div3A_1523 : i32
      %mul3A_1546 = arith.constant 16 : i32
      %mul3A_1547 = arith.muli %scan3A_941, %mul3A_1546 : i32
      %add3A_1548 = arith.constant 10 : i32
      %add3A_1549 = arith.addi %mul3A_1547, %add3A_1548 : i32
      %dma_start3A_1550 = arith.constant 0 : i32
      %dma_start3A_1551 = arith.constant 0 : i32
      %dma_start3A_1552 = arith.constant 0 : i32
      %dma_start3A_1553 = tpu.memref_slice %arg7[%rem3A_42, %dma_start3A_1550, %dma_start3A_1551, %dma_start3A_1552] : memref<3x32x8x64xf32, #tpu.memory_space<vmem>> -> memref<1x32x8x64xf32, #tpu.memory_space<vmem>>
      %dma_start3A_1554 = tpu.memref_squeeze %dma_start3A_1553 : memref<1x32x8x64xf32, #tpu.memory_space<vmem>> -> memref<32x8x64xf32, #tpu.memory_space<vmem>>
      %dma_start3A_1555 = arith.constant 0 : i32
      %dma_start3A_1556 = arith.constant 0 : i32
      %dma_start3A_1557 = tpu.memref_slice %dma_start3A_1554[%add3A_1549, %dma_start3A_1555, %dma_start3A_1556] : memref<32x8x64xf32, #tpu.memory_space<vmem>> -> memref<1x8x64xf32, #tpu.memory_space<vmem>>
      %dma_start3A_1558 = arith.constant 0 : i32
      %dma_start3A_1559 = arith.constant 0 : i32
      %dma_start3A_1560 = tpu.memref_slice %arg3[%select_n3A_1545, %dma_start3A_1558, %dma_start3A_1559] : memref<125000x8x64xf32, #tpu.memory_space<hbm>> -> memref<1x8x64xf32, #tpu.memory_space<hbm>>
      %dma_start3A_1561 = tpu.memref_slice %arg9[%rem3A_42] : memref<3x!tpu.dma_semaphore, #tpu.memory_space<semaphore_mem>> -> memref<1x!tpu.dma_semaphore, #tpu.memory_space<semaphore_mem>>
      %dma_start3A_1562 = tpu.memref_squeeze %dma_start3A_1561 : memref<1x!tpu.dma_semaphore, #tpu.memory_space<semaphore_mem>> -> memref<!tpu.dma_semaphore, #tpu.memory_space<semaphore_mem>>
      %dma_start3A_1563 = arith.constant 0 : i32
      %dma_start3A_1564 = arith.constant 0 : i32
      %dma_start3A_1565 = arith.constant 0 : i32
      %dma_start3A_1566 = tpu.memref_slice %arg7[%rem3A_42, %dma_start3A_1563, %dma_start3A_1564, %dma_start3A_1565] : memref<3x32x8x64xf32, #tpu.memory_space<vmem>> -> memref<1x32x8x64xf32, #tpu.memory_space<vmem>>
      %dma_start3A_1567 = tpu.memref_squeeze %dma_start3A_1566 : memref<1x32x8x64xf32, #tpu.memory_space<vmem>> -> memref<32x8x64xf32, #tpu.memory_space<vmem>>
      %dma_start3A_1568 = arith.constant 0 : i32
      %dma_start3A_1569 = arith.constant 0 : i32
      %dma_start3A_1570 = tpu.memref_slice %dma_start3A_1567[%add3A_1549, %dma_start3A_1568, %dma_start3A_1569] : memref<32x8x64xf32, #tpu.memory_space<vmem>> -> memref<1x8x64xf32, #tpu.memory_space<vmem>>
      %dma_start3A_1571 = arith.constant 0 : i32
      %dma_start3A_1572 = arith.constant 0 : i32
      %dma_start3A_1573 = tpu.memref_slice %arg3[%select_n3A_1545, %dma_start3A_1571, %dma_start3A_1572] : memref<125000x8x64xf32, #tpu.memory_space<hbm>> -> memref<1x8x64xf32, #tpu.memory_space<hbm>>
      tpu.enqueue_dma source(%dma_start3A_1573 : memref<1x8x64xf32, #tpu.memory_space<hbm>>) target(%dma_start3A_1570 : memref<1x8x64xf32, #tpu.memory_space<vmem>>) target_semaphore(%dma_start3A_1562 : memref<!tpu.dma_semaphore, #tpu.memory_space<semaphore_mem>>)
      %slice3A_1574 = vector.extract_strided_slice %select_n3A_972 {offsets = [11], sizes = [1], strides = [1]} : vector<16xi32> to vector<1xi32>
      %squeeze3A_1575 = vector.extract %slice3A_1574[0] : i32 from vector<1xi32>
      %jit3A_1576 = arith.constant 8 : i32
      %div3A_1577 = arith.divsi %squeeze3A_1575, %jit3A_1576 : i32
      %sign3A_1578 = arith.constant 0 : i32
      %sign3A_1579 = arith.cmpi sgt, %squeeze3A_1575, %sign3A_1578 : i32
      %sign3A_1580 = arith.extui %sign3A_1579 : i1 to i32
      %sign3A_1581 = arith.constant 0 : i32
      %sign3A_1582 = arith.cmpi slt, %squeeze3A_1575, %sign3A_1581 : i32
      %sign3A_1583 = arith.extui %sign3A_1582 : i1 to i32
      %sign3A_1584 = arith.subi %sign3A_1580, %sign3A_1583 : i32
      %sign3A_1585 = arith.constant 0 : i32
      %sign3A_1586 = arith.cmpi sgt, %jit3A_1576, %sign3A_1585 : i32
      %sign3A_1587 = arith.extui %sign3A_1586 : i1 to i32
      %sign3A_1588 = arith.constant 0 : i32
      %sign3A_1589 = arith.cmpi slt, %jit3A_1576, %sign3A_1588 : i32
      %sign3A_1590 = arith.extui %sign3A_1589 : i1 to i32
      %sign3A_1591 = arith.subi %sign3A_1587, %sign3A_1590 : i32
      %ne3A_1592 = arith.cmpi ne, %sign3A_1584, %sign3A_1591 : i32
      %rem3A_1593 = arith.remsi %squeeze3A_1575, %jit3A_1576 : i32
      %ne3A_1594 = arith.constant 0 : i32
      %ne3A_1595 = arith.cmpi ne, %rem3A_1593, %ne3A_1594 : i32
      %and3A_1596 = arith.andi %ne3A_1592, %ne3A_1595 : i1
      %sub3A_1597 = arith.constant 1 : i32
      %sub3A_1598 = arith.subi %div3A_1577, %sub3A_1597 : i32
      %select_n3A_1599 = arith.select %and3A_1596, %sub3A_1598, %div3A_1577 : i32
      %mul3A_1600 = arith.constant 16 : i32
      %mul3A_1601 = arith.muli %scan3A_941, %mul3A_1600 : i32
      %add3A_1602 = arith.constant 11 : i32
      %add3A_1603 = arith.addi %mul3A_1601, %add3A_1602 : i32
      %dma_start3A_1604 = arith.constant 0 : i32
      %dma_start3A_1605 = arith.constant 0 : i32
      %dma_start3A_1606 = arith.constant 0 : i32
      %dma_start3A_1607 = tpu.memref_slice %arg7[%rem3A_42, %dma_start3A_1604, %dma_start3A_1605, %dma_start3A_1606] : memref<3x32x8x64xf32, #tpu.memory_space<vmem>> -> memref<1x32x8x64xf32, #tpu.memory_space<vmem>>
      %dma_start3A_1608 = tpu.memref_squeeze %dma_start3A_1607 : memref<1x32x8x64xf32, #tpu.memory_space<vmem>> -> memref<32x8x64xf32, #tpu.memory_space<vmem>>
      %dma_start3A_1609 = arith.constant 0 : i32
      %dma_start3A_1610 = arith.constant 0 : i32
      %dma_start3A_1611 = tpu.memref_slice %dma_start3A_1608[%add3A_1603, %dma_start3A_1609, %dma_start3A_1610] : memref<32x8x64xf32, #tpu.memory_space<vmem>> -> memref<1x8x64xf32, #tpu.memory_space<vmem>>
      %dma_start3A_1612 = arith.constant 0 : i32
      %dma_start3A_1613 = arith.constant 0 : i32
      %dma_start3A_1614 = tpu.memref_slice %arg3[%select_n3A_1599, %dma_start3A_1612, %dma_start3A_1613] : memref<125000x8x64xf32, #tpu.memory_space<hbm>> -> memref<1x8x64xf32, #tpu.memory_space<hbm>>
      %dma_start3A_1615 = tpu.memref_slice %arg9[%rem3A_42] : memref<3x!tpu.dma_semaphore, #tpu.memory_space<semaphore_mem>> -> memref<1x!tpu.dma_semaphore, #tpu.memory_space<semaphore_mem>>
      %dma_start3A_1616 = tpu.memref_squeeze %dma_start3A_1615 : memref<1x!tpu.dma_semaphore, #tpu.memory_space<semaphore_mem>> -> memref<!tpu.dma_semaphore, #tpu.memory_space<semaphore_mem>>
      %dma_start3A_1617 = arith.constant 0 : i32
      %dma_start3A_1618 = arith.constant 0 : i32
      %dma_start3A_1619 = arith.constant 0 : i32
      %dma_start3A_1620 = tpu.memref_slice %arg7[%rem3A_42, %dma_start3A_1617, %dma_start3A_1618, %dma_start3A_1619] : memref<3x32x8x64xf32, #tpu.memory_space<vmem>> -> memref<1x32x8x64xf32, #tpu.memory_space<vmem>>
      %dma_start3A_1621 = tpu.memref_squeeze %dma_start3A_1620 : memref<1x32x8x64xf32, #tpu.memory_space<vmem>> -> memref<32x8x64xf32, #tpu.memory_space<vmem>>
      %dma_start3A_1622 = arith.constant 0 : i32
      %dma_start3A_1623 = arith.constant 0 : i32
      %dma_start3A_1624 = tpu.memref_slice %dma_start3A_1621[%add3A_1603, %dma_start3A_1622, %dma_start3A_1623] : memref<32x8x64xf32, #tpu.memory_space<vmem>> -> memref<1x8x64xf32, #tpu.memory_space<vmem>>
      %dma_start3A_1625 = arith.constant 0 : i32
      %dma_start3A_1626 = arith.constant 0 : i32
      %dma_start3A_1627 = tpu.memref_slice %arg3[%select_n3A_1599, %dma_start3A_1625, %dma_start3A_1626] : memref<125000x8x64xf32, #tpu.memory_space<hbm>> -> memref<1x8x64xf32, #tpu.memory_space<hbm>>
      tpu.enqueue_dma source(%dma_start3A_1627 : memref<1x8x64xf32, #tpu.memory_space<hbm>>) target(%dma_start3A_1624 : memref<1x8x64xf32, #tpu.memory_space<vmem>>) target_semaphore(%dma_start3A_1616 : memref<!tpu.dma_semaphore, #tpu.memory_space<semaphore_mem>>)
      %slice3A_1628 = vector.extract_strided_slice %select_n3A_972 {offsets = [12], sizes = [1], strides = [1]} : vector<16xi32> to vector<1xi32>
      %squeeze3A_1629 = vector.extract %slice3A_1628[0] : i32 from vector<1xi32>
      %jit3A_1630 = arith.constant 8 : i32
      %div3A_1631 = arith.divsi %squeeze3A_1629, %jit3A_1630 : i32
      %sign3A_1632 = arith.constant 0 : i32
      %sign3A_1633 = arith.cmpi sgt, %squeeze3A_1629, %sign3A_1632 : i32
      %sign3A_1634 = arith.extui %sign3A_1633 : i1 to i32
      %sign3A_1635 = arith.constant 0 : i32
      %sign3A_1636 = arith.cmpi slt, %squeeze3A_1629, %sign3A_1635 : i32
      %sign3A_1637 = arith.extui %sign3A_1636 : i1 to i32
      %sign3A_1638 = arith.subi %sign3A_1634, %sign3A_1637 : i32
      %sign3A_1639 = arith.constant 0 : i32
      %sign3A_1640 = arith.cmpi sgt, %jit3A_1630, %sign3A_1639 : i32
      %sign3A_1641 = arith.extui %sign3A_1640 : i1 to i32
      %sign3A_1642 = arith.constant 0 : i32
      %sign3A_1643 = arith.cmpi slt, %jit3A_1630, %sign3A_1642 : i32
      %sign3A_1644 = arith.extui %sign3A_1643 : i1 to i32
      %sign3A_1645 = arith.subi %sign3A_1641, %sign3A_1644 : i32
      %ne3A_1646 = arith.cmpi ne, %sign3A_1638, %sign3A_1645 : i32
      %rem3A_1647 = arith.remsi %squeeze3A_1629, %jit3A_1630 : i32
      %ne3A_1648 = arith.constant 0 : i32
      %ne3A_1649 = arith.cmpi ne, %rem3A_1647, %ne3A_1648 : i32
      %and3A_1650 = arith.andi %ne3A_1646, %ne3A_1649 : i1
      %sub3A_1651 = arith.constant 1 : i32
      %sub3A_1652 = arith.subi %div3A_1631, %sub3A_1651 : i32
      %select_n3A_1653 = arith.select %and3A_1650, %sub3A_1652, %div3A_1631 : i32
      %mul3A_1654 = arith.constant 16 : i32
      %mul3A_1655 = arith.muli %scan3A_941, %mul3A_1654 : i32
      %add3A_1656 = arith.constant 12 : i32
      %add3A_1657 = arith.addi %mul3A_1655, %add3A_1656 : i32
      %dma_start3A_1658 = arith.constant 0 : i32
      %dma_start3A_1659 = arith.constant 0 : i32
      %dma_start3A_1660 = arith.constant 0 : i32
      %dma_start3A_1661 = tpu.memref_slice %arg7[%rem3A_42, %dma_start3A_1658, %dma_start3A_1659, %dma_start3A_1660] : memref<3x32x8x64xf32, #tpu.memory_space<vmem>> -> memref<1x32x8x64xf32, #tpu.memory_space<vmem>>
      %dma_start3A_1662 = tpu.memref_squeeze %dma_start3A_1661 : memref<1x32x8x64xf32, #tpu.memory_space<vmem>> -> memref<32x8x64xf32, #tpu.memory_space<vmem>>
      %dma_start3A_1663 = arith.constant 0 : i32
      %dma_start3A_1664 = arith.constant 0 : i32
      %dma_start3A_1665 = tpu.memref_slice %dma_start3A_1662[%add3A_1657, %dma_start3A_1663, %dma_start3A_1664] : memref<32x8x64xf32, #tpu.memory_space<vmem>> -> memref<1x8x64xf32, #tpu.memory_space<vmem>>
      %dma_start3A_1666 = arith.constant 0 : i32
      %dma_start3A_1667 = arith.constant 0 : i32
      %dma_start3A_1668 = tpu.memref_slice %arg3[%select_n3A_1653, %dma_start3A_1666, %dma_start3A_1667] : memref<125000x8x64xf32, #tpu.memory_space<hbm>> -> memref<1x8x64xf32, #tpu.memory_space<hbm>>
      %dma_start3A_1669 = tpu.memref_slice %arg9[%rem3A_42] : memref<3x!tpu.dma_semaphore, #tpu.memory_space<semaphore_mem>> -> memref<1x!tpu.dma_semaphore, #tpu.memory_space<semaphore_mem>>
      %dma_start3A_1670 = tpu.memref_squeeze %dma_start3A_1669 : memref<1x!tpu.dma_semaphore, #tpu.memory_space<semaphore_mem>> -> memref<!tpu.dma_semaphore, #tpu.memory_space<semaphore_mem>>
      %dma_start3A_1671 = arith.constant 0 : i32
      %dma_start3A_1672 = arith.constant 0 : i32
      %dma_start3A_1673 = arith.constant 0 : i32
      %dma_start3A_1674 = tpu.memref_slice %arg7[%rem3A_42, %dma_start3A_1671, %dma_start3A_1672, %dma_start3A_1673] : memref<3x32x8x64xf32, #tpu.memory_space<vmem>> -> memref<1x32x8x64xf32, #tpu.memory_space<vmem>>
      %dma_start3A_1675 = tpu.memref_squeeze %dma_start3A_1674 : memref<1x32x8x64xf32, #tpu.memory_space<vmem>> -> memref<32x8x64xf32, #tpu.memory_space<vmem>>
      %dma_start3A_1676 = arith.constant 0 : i32
      %dma_start3A_1677 = arith.constant 0 : i32
      %dma_start3A_1678 = tpu.memref_slice %dma_start3A_1675[%add3A_1657, %dma_start3A_1676, %dma_start3A_1677] : memref<32x8x64xf32, #tpu.memory_space<vmem>> -> memref<1x8x64xf32, #tpu.memory_space<vmem>>
      %dma_start3A_1679 = arith.constant 0 : i32
      %dma_start3A_1680 = arith.constant 0 : i32
      %dma_start3A_1681 = tpu.memref_slice %arg3[%select_n3A_1653, %dma_start3A_1679, %dma_start3A_1680] : memref<125000x8x64xf32, #tpu.memory_space<hbm>> -> memref<1x8x64xf32, #tpu.memory_space<hbm>>
      tpu.enqueue_dma source(%dma_start3A_1681 : memref<1x8x64xf32, #tpu.memory_space<hbm>>) target(%dma_start3A_1678 : memref<1x8x64xf32, #tpu.memory_space<vmem>>) target_semaphore(%dma_start3A_1670 : memref<!tpu.dma_semaphore, #tpu.memory_space<semaphore_mem>>)
      %slice3A_1682 = vector.extract_strided_slice %select_n3A_972 {offsets = [13], sizes = [1], strides = [1]} : vector<16xi32> to vector<1xi32>
      %squeeze3A_1683 = vector.extract %slice3A_1682[0] : i32 from vector<1xi32>
      %jit3A_1684 = arith.constant 8 : i32
      %div3A_1685 = arith.divsi %squeeze3A_1683, %jit3A_1684 : i32
      %sign3A_1686 = arith.constant 0 : i32
      %sign3A_1687 = arith.cmpi sgt, %squeeze3A_1683, %sign3A_1686 : i32
      %sign3A_1688 = arith.extui %sign3A_1687 : i1 to i32
      %sign3A_1689 = arith.constant 0 : i32
      %sign3A_1690 = arith.cmpi slt, %squeeze3A_1683, %sign3A_1689 : i32
      %sign3A_1691 = arith.extui %sign3A_1690 : i1 to i32
      %sign3A_1692 = arith.subi %sign3A_1688, %sign3A_1691 : i32
      %sign3A_1693 = arith.constant 0 : i32
      %sign3A_1694 = arith.cmpi sgt, %jit3A_1684, %sign3A_1693 : i32
      %sign3A_1695 = arith.extui %sign3A_1694 : i1 to i32
      %sign3A_1696 = arith.constant 0 : i32
      %sign3A_1697 = arith.cmpi slt, %jit3A_1684, %sign3A_1696 : i32
      %sign3A_1698 = arith.extui %sign3A_1697 : i1 to i32
      %sign3A_1699 = arith.subi %sign3A_1695, %sign3A_1698 : i32
      %ne3A_1700 = arith.cmpi ne, %sign3A_1692, %sign3A_1699 : i32
      %rem3A_1701 = arith.remsi %squeeze3A_1683, %jit3A_1684 : i32
      %ne3A_1702 = arith.constant 0 : i32
      %ne3A_1703 = arith.cmpi ne, %rem3A_1701, %ne3A_1702 : i32
      %and3A_1704 = arith.andi %ne3A_1700, %ne3A_1703 : i1
      %sub3A_1705 = arith.constant 1 : i32
      %sub3A_1706 = arith.subi %div3A_1685, %sub3A_1705 : i32
      %select_n3A_1707 = arith.select %and3A_1704, %sub3A_1706, %div3A_1685 : i32
      %mul3A_1708 = arith.constant 16 : i32
      %mul3A_1709 = arith.muli %scan3A_941, %mul3A_1708 : i32
      %add3A_1710 = arith.constant 13 : i32
      %add3A_1711 = arith.addi %mul3A_1709, %add3A_1710 : i32
      %dma_start3A_1712 = arith.constant 0 : i32
      %dma_start3A_1713 = arith.constant 0 : i32
      %dma_start3A_1714 = arith.constant 0 : i32
      %dma_start3A_1715 = tpu.memref_slice %arg7[%rem3A_42, %dma_start3A_1712, %dma_start3A_1713, %dma_start3A_1714] : memref<3x32x8x64xf32, #tpu.memory_space<vmem>> -> memref<1x32x8x64xf32, #tpu.memory_space<vmem>>
      %dma_start3A_1716 = tpu.memref_squeeze %dma_start3A_1715 : memref<1x32x8x64xf32, #tpu.memory_space<vmem>> -> memref<32x8x64xf32, #tpu.memory_space<vmem>>
      %dma_start3A_1717 = arith.constant 0 : i32
      %dma_start3A_1718 = arith.constant 0 : i32
      %dma_start3A_1719 = tpu.memref_slice %dma_start3A_1716[%add3A_1711, %dma_start3A_1717, %dma_start3A_1718] : memref<32x8x64xf32, #tpu.memory_space<vmem>> -> memref<1x8x64xf32, #tpu.memory_space<vmem>>
      %dma_start3A_1720 = arith.constant 0 : i32
      %dma_start3A_1721 = arith.constant 0 : i32
      %dma_start3A_1722 = tpu.memref_slice %arg3[%select_n3A_1707, %dma_start3A_1720, %dma_start3A_1721] : memref<125000x8x64xf32, #tpu.memory_space<hbm>> -> memref<1x8x64xf32, #tpu.memory_space<hbm>>
      %dma_start3A_1723 = tpu.memref_slice %arg9[%rem3A_42] : memref<3x!tpu.dma_semaphore, #tpu.memory_space<semaphore_mem>> -> memref<1x!tpu.dma_semaphore, #tpu.memory_space<semaphore_mem>>
      %dma_start3A_1724 = tpu.memref_squeeze %dma_start3A_1723 : memref<1x!tpu.dma_semaphore, #tpu.memory_space<semaphore_mem>> -> memref<!tpu.dma_semaphore, #tpu.memory_space<semaphore_mem>>
      %dma_start3A_1725 = arith.constant 0 : i32
      %dma_start3A_1726 = arith.constant 0 : i32
      %dma_start3A_1727 = arith.constant 0 : i32
      %dma_start3A_1728 = tpu.memref_slice %arg7[%rem3A_42, %dma_start3A_1725, %dma_start3A_1726, %dma_start3A_1727] : memref<3x32x8x64xf32, #tpu.memory_space<vmem>> -> memref<1x32x8x64xf32, #tpu.memory_space<vmem>>
      %dma_start3A_1729 = tpu.memref_squeeze %dma_start3A_1728 : memref<1x32x8x64xf32, #tpu.memory_space<vmem>> -> memref<32x8x64xf32, #tpu.memory_space<vmem>>
      %dma_start3A_1730 = arith.constant 0 : i32
      %dma_start3A_1731 = arith.constant 0 : i32
      %dma_start3A_1732 = tpu.memref_slice %dma_start3A_1729[%add3A_1711, %dma_start3A_1730, %dma_start3A_1731] : memref<32x8x64xf32, #tpu.memory_space<vmem>> -> memref<1x8x64xf32, #tpu.memory_space<vmem>>
      %dma_start3A_1733 = arith.constant 0 : i32
      %dma_start3A_1734 = arith.constant 0 : i32
      %dma_start3A_1735 = tpu.memref_slice %arg3[%select_n3A_1707, %dma_start3A_1733, %dma_start3A_1734] : memref<125000x8x64xf32, #tpu.memory_space<hbm>> -> memref<1x8x64xf32, #tpu.memory_space<hbm>>
      tpu.enqueue_dma source(%dma_start3A_1735 : memref<1x8x64xf32, #tpu.memory_space<hbm>>) target(%dma_start3A_1732 : memref<1x8x64xf32, #tpu.memory_space<vmem>>) target_semaphore(%dma_start3A_1724 : memref<!tpu.dma_semaphore, #tpu.memory_space<semaphore_mem>>)
      %slice3A_1736 = vector.extract_strided_slice %select_n3A_972 {offsets = [14], sizes = [1], strides = [1]} : vector<16xi32> to vector<1xi32>
      %squeeze3A_1737 = vector.extract %slice3A_1736[0] : i32 from vector<1xi32>
      %jit3A_1738 = arith.constant 8 : i32
      %div3A_1739 = arith.divsi %squeeze3A_1737, %jit3A_1738 : i32
      %sign3A_1740 = arith.constant 0 : i32
      %sign3A_1741 = arith.cmpi sgt, %squeeze3A_1737, %sign3A_1740 : i32
      %sign3A_1742 = arith.extui %sign3A_1741 : i1 to i32
      %sign3A_1743 = arith.constant 0 : i32
      %sign3A_1744 = arith.cmpi slt, %squeeze3A_1737, %sign3A_1743 : i32
      %sign3A_1745 = arith.extui %sign3A_1744 : i1 to i32
      %sign3A_1746 = arith.subi %sign3A_1742, %sign3A_1745 : i32
      %sign3A_1747 = arith.constant 0 : i32
      %sign3A_1748 = arith.cmpi sgt, %jit3A_1738, %sign3A_1747 : i32
      %sign3A_1749 = arith.extui %sign3A_1748 : i1 to i32
      %sign3A_1750 = arith.constant 0 : i32
      %sign3A_1751 = arith.cmpi slt, %jit3A_1738, %sign3A_1750 : i32
      %sign3A_1752 = arith.extui %sign3A_1751 : i1 to i32
      %sign3A_1753 = arith.subi %sign3A_1749, %sign3A_1752 : i32
      %ne3A_1754 = arith.cmpi ne, %sign3A_1746, %sign3A_1753 : i32
      %rem3A_1755 = arith.remsi %squeeze3A_1737, %jit3A_1738 : i32
      %ne3A_1756 = arith.constant 0 : i32
      %ne3A_1757 = arith.cmpi ne, %rem3A_1755, %ne3A_1756 : i32
      %and3A_1758 = arith.andi %ne3A_1754, %ne3A_1757 : i1
      %sub3A_1759 = arith.constant 1 : i32
      %sub3A_1760 = arith.subi %div3A_1739, %sub3A_1759 : i32
      %select_n3A_1761 = arith.select %and3A_1758, %sub3A_1760, %div3A_1739 : i32
      %mul3A_1762 = arith.constant 16 : i32
      %mul3A_1763 = arith.muli %scan3A_941, %mul3A_1762 : i32
      %add3A_1764 = arith.constant 14 : i32
      %add3A_1765 = arith.addi %mul3A_1763, %add3A_1764 : i32
      %dma_start3A_1766 = arith.constant 0 : i32
      %dma_start3A_1767 = arith.constant 0 : i32
      %dma_start3A_1768 = arith.constant 0 : i32
      %dma_start3A_1769 = tpu.memref_slice %arg7[%rem3A_42, %dma_start3A_1766, %dma_start3A_1767, %dma_start3A_1768] : memref<3x32x8x64xf32, #tpu.memory_space<vmem>> -> memref<1x32x8x64xf32, #tpu.memory_space<vmem>>
      %dma_start3A_1770 = tpu.memref_squeeze %dma_start3A_1769 : memref<1x32x8x64xf32, #tpu.memory_space<vmem>> -> memref<32x8x64xf32, #tpu.memory_space<vmem>>
      %dma_start3A_1771 = arith.constant 0 : i32
      %dma_start3A_1772 = arith.constant 0 : i32
      %dma_start3A_1773 = tpu.memref_slice %dma_start3A_1770[%add3A_1765, %dma_start3A_1771, %dma_start3A_1772] : memref<32x8x64xf32, #tpu.memory_space<vmem>> -> memref<1x8x64xf32, #tpu.memory_space<vmem>>
      %dma_start3A_1774 = arith.constant 0 : i32
      %dma_start3A_1775 = arith.constant 0 : i32
      %dma_start3A_1776 = tpu.memref_slice %arg3[%select_n3A_1761, %dma_start3A_1774, %dma_start3A_1775] : memref<125000x8x64xf32, #tpu.memory_space<hbm>> -> memref<1x8x64xf32, #tpu.memory_space<hbm>>
      %dma_start3A_1777 = tpu.memref_slice %arg9[%rem3A_42] : memref<3x!tpu.dma_semaphore, #tpu.memory_space<semaphore_mem>> -> memref<1x!tpu.dma_semaphore, #tpu.memory_space<semaphore_mem>>
      %dma_start3A_1778 = tpu.memref_squeeze %dma_start3A_1777 : memref<1x!tpu.dma_semaphore, #tpu.memory_space<semaphore_mem>> -> memref<!tpu.dma_semaphore, #tpu.memory_space<semaphore_mem>>
      %dma_start3A_1779 = arith.constant 0 : i32
      %dma_start3A_1780 = arith.constant 0 : i32
      %dma_start3A_1781 = arith.constant 0 : i32
      %dma_start3A_1782 = tpu.memref_slice %arg7[%rem3A_42, %dma_start3A_1779, %dma_start3A_1780, %dma_start3A_1781] : memref<3x32x8x64xf32, #tpu.memory_space<vmem>> -> memref<1x32x8x64xf32, #tpu.memory_space<vmem>>
      %dma_start3A_1783 = tpu.memref_squeeze %dma_start3A_1782 : memref<1x32x8x64xf32, #tpu.memory_space<vmem>> -> memref<32x8x64xf32, #tpu.memory_space<vmem>>
      %dma_start3A_1784 = arith.constant 0 : i32
      %dma_start3A_1785 = arith.constant 0 : i32
      %dma_start3A_1786 = tpu.memref_slice %dma_start3A_1783[%add3A_1765, %dma_start3A_1784, %dma_start3A_1785] : memref<32x8x64xf32, #tpu.memory_space<vmem>> -> memref<1x8x64xf32, #tpu.memory_space<vmem>>
      %dma_start3A_1787 = arith.constant 0 : i32
      %dma_start3A_1788 = arith.constant 0 : i32
      %dma_start3A_1789 = tpu.memref_slice %arg3[%select_n3A_1761, %dma_start3A_1787, %dma_start3A_1788] : memref<125000x8x64xf32, #tpu.memory_space<hbm>> -> memref<1x8x64xf32, #tpu.memory_space<hbm>>
      tpu.enqueue_dma source(%dma_start3A_1789 : memref<1x8x64xf32, #tpu.memory_space<hbm>>) target(%dma_start3A_1786 : memref<1x8x64xf32, #tpu.memory_space<vmem>>) target_semaphore(%dma_start3A_1778 : memref<!tpu.dma_semaphore, #tpu.memory_space<semaphore_mem>>)
      %slice3A_1790 = vector.extract_strided_slice %select_n3A_972 {offsets = [15], sizes = [1], strides = [1]} : vector<16xi32> to vector<1xi32>
      %squeeze3A_1791 = vector.extract %slice3A_1790[0] : i32 from vector<1xi32>
      %jit3A_1792 = arith.constant 8 : i32
      %div3A_1793 = arith.divsi %squeeze3A_1791, %jit3A_1792 : i32
      %sign3A_1794 = arith.constant 0 : i32
      %sign3A_1795 = arith.cmpi sgt, %squeeze3A_1791, %sign3A_1794 : i32
      %sign3A_1796 = arith.extui %sign3A_1795 : i1 to i32
      %sign3A_1797 = arith.constant 0 : i32
      %sign3A_1798 = arith.cmpi slt, %squeeze3A_1791, %sign3A_1797 : i32
      %sign3A_1799 = arith.extui %sign3A_1798 : i1 to i32
      %sign3A_1800 = arith.subi %sign3A_1796, %sign3A_1799 : i32
      %sign3A_1801 = arith.constant 0 : i32
      %sign3A_1802 = arith.cmpi sgt, %jit3A_1792, %sign3A_1801 : i32
      %sign3A_1803 = arith.extui %sign3A_1802 : i1 to i32
      %sign3A_1804 = arith.constant 0 : i32
      %sign3A_1805 = arith.cmpi slt, %jit3A_1792, %sign3A_1804 : i32
      %sign3A_1806 = arith.extui %sign3A_1805 : i1 to i32
      %sign3A_1807 = arith.subi %sign3A_1803, %sign3A_1806 : i32
      %ne3A_1808 = arith.cmpi ne, %sign3A_1800, %sign3A_1807 : i32
      %rem3A_1809 = arith.remsi %squeeze3A_1791, %jit3A_1792 : i32
      %ne3A_1810 = arith.constant 0 : i32
      %ne3A_1811 = arith.cmpi ne, %rem3A_1809, %ne3A_1810 : i32
      %and3A_1812 = arith.andi %ne3A_1808, %ne3A_1811 : i1
      %sub3A_1813 = arith.constant 1 : i32
      %sub3A_1814 = arith.subi %div3A_1793, %sub3A_1813 : i32
      %select_n3A_1815 = arith.select %and3A_1812, %sub3A_1814, %div3A_1793 : i32
      %mul3A_1816 = arith.constant 16 : i32
      %mul3A_1817 = arith.muli %scan3A_941, %mul3A_1816 : i32
      %add3A_1818 = arith.constant 15 : i32
      %add3A_1819 = arith.addi %mul3A_1817, %add3A_1818 : i32
      %dma_start3A_1820 = arith.constant 0 : i32
      %dma_start3A_1821 = arith.constant 0 : i32
      %dma_start3A_1822 = arith.constant 0 : i32
      %dma_start3A_1823 = tpu.memref_slice %arg7[%rem3A_42, %dma_start3A_1820, %dma_start3A_1821, %dma_start3A_1822] : memref<3x32x8x64xf32, #tpu.memory_space<vmem>> -> memref<1x32x8x64xf32, #tpu.memory_space<vmem>>
      %dma_start3A_1824 = tpu.memref_squeeze %dma_start3A_1823 : memref<1x32x8x64xf32, #tpu.memory_space<vmem>> -> memref<32x8x64xf32, #tpu.memory_space<vmem>>
      %dma_start3A_1825 = arith.constant 0 : i32
      %dma_start3A_1826 = arith.constant 0 : i32
      %dma_start3A_1827 = tpu.memref_slice %dma_start3A_1824[%add3A_1819, %dma_start3A_1825, %dma_start3A_1826] : memref<32x8x64xf32, #tpu.memory_space<vmem>> -> memref<1x8x64xf32, #tpu.memory_space<vmem>>
      %dma_start3A_1828 = arith.constant 0 : i32
      %dma_start3A_1829 = arith.constant 0 : i32
      %dma_start3A_1830 = tpu.memref_slice %arg3[%select_n3A_1815, %dma_start3A_1828, %dma_start3A_1829] : memref<125000x8x64xf32, #tpu.memory_space<hbm>> -> memref<1x8x64xf32, #tpu.memory_space<hbm>>
      %dma_start3A_1831 = tpu.memref_slice %arg9[%rem3A_42] : memref<3x!tpu.dma_semaphore, #tpu.memory_space<semaphore_mem>> -> memref<1x!tpu.dma_semaphore, #tpu.memory_space<semaphore_mem>>
      %dma_start3A_1832 = tpu.memref_squeeze %dma_start3A_1831 : memref<1x!tpu.dma_semaphore, #tpu.memory_space<semaphore_mem>> -> memref<!tpu.dma_semaphore, #tpu.memory_space<semaphore_mem>>
      %dma_start3A_1833 = arith.constant 0 : i32
      %dma_start3A_1834 = arith.constant 0 : i32
      %dma_start3A_1835 = arith.constant 0 : i32
      %dma_start3A_1836 = tpu.memref_slice %arg7[%rem3A_42, %dma_start3A_1833, %dma_start3A_1834, %dma_start3A_1835] : memref<3x32x8x64xf32, #tpu.memory_space<vmem>> -> memref<1x32x8x64xf32, #tpu.memory_space<vmem>>
      %dma_start3A_1837 = tpu.memref_squeeze %dma_start3A_1836 : memref<1x32x8x64xf32, #tpu.memory_space<vmem>> -> memref<32x8x64xf32, #tpu.memory_space<vmem>>
      %dma_start3A_1838 = arith.constant 0 : i32
      %dma_start3A_1839 = arith.constant 0 : i32
      %dma_start3A_1840 = tpu.memref_slice %dma_start3A_1837[%add3A_1819, %dma_start3A_1838, %dma_start3A_1839] : memref<32x8x64xf32, #tpu.memory_space<vmem>> -> memref<1x8x64xf32, #tpu.memory_space<vmem>>
      %dma_start3A_1841 = arith.constant 0 : i32
      %dma_start3A_1842 = arith.constant 0 : i32
      %dma_start3A_1843 = tpu.memref_slice %arg3[%select_n3A_1815, %dma_start3A_1841, %dma_start3A_1842] : memref<125000x8x64xf32, #tpu.memory_space<hbm>> -> memref<1x8x64xf32, #tpu.memory_space<hbm>>
      tpu.enqueue_dma source(%dma_start3A_1843 : memref<1x8x64xf32, #tpu.memory_space<hbm>>) target(%dma_start3A_1840 : memref<1x8x64xf32, #tpu.memory_space<vmem>>) target_semaphore(%dma_start3A_1832 : memref<!tpu.dma_semaphore, #tpu.memory_space<semaphore_mem>>)
      %scan3A_1844 = arith.constant 0 : i32
      %scan3A_1845 = arith.constant 2 : i32
      %scan3A_1846 = arith.constant 0 : i32
      scf.yield %scan3A_1846 : i32
    }
    %scan3A_8 = arith.constant 3 : i32
    %scan3A_9 = arith.constant 0 : i32
    %scan3A_10 = arith.constant 0 : i32
    %scan3A_11 = arith.constant 104 : i32
    %scan3A_12 = arith.addi %scan3A_10, %scan3A_11 : i32
    %scan3A_13 = arith.constant 1 : i32
    %scan3A_14 = scf.for %scan3A_16 = %scan3A_10 to %scan3A_12 step %scan3A_13 iter_args(%scan3A_17 = %scan3A_9) -> (i32)  : i32 {
      %rem3A = arith.constant 3 : i32
      %rem3A_18 = arith.remsi %scan3A_16, %rem3A : i32
      %dma_wait3A = arith.constant 0 : i32
      %dma_wait3A_19 = arith.constant 0 : i32
      %dma_wait3A_20 = arith.constant 0 : i32
      %dma_wait3A_21 = tpu.memref_slice %arg7[%rem3A_18, %dma_wait3A, %dma_wait3A_19, %dma_wait3A_20] : memref<3x32x8x64xf32, #tpu.memory_space<vmem>> -> memref<1x32x8x64xf32, #tpu.memory_space<vmem>>
      %dma_wait3A_22 = tpu.memref_squeeze %dma_wait3A_21 : memref<1x32x8x64xf32, #tpu.memory_space<vmem>> -> memref<32x8x64xf32, #tpu.memory_space<vmem>>
      %dma_wait3A_23 = arith.constant 0 : i32
      %dma_wait3A_24 = arith.constant 0 : i32
      %dma_wait3A_25 = arith.constant 0 : i32
      %dma_wait3A_26 = tpu.memref_slice %arg3[%dma_wait3A_23, %dma_wait3A_24, %dma_wait3A_25] : memref<125000x8x64xf32, #tpu.memory_space<hbm>> -> memref<32x8x64xf32, #tpu.memory_space<hbm>>
      %dma_wait3A_27 = tpu.memref_slice %arg9[%rem3A_18] : memref<3x!tpu.dma_semaphore, #tpu.memory_space<semaphore_mem>> -> memref<1x!tpu.dma_semaphore, #tpu.memory_space<semaphore_mem>>
      %dma_wait3A_28 = tpu.memref_squeeze %dma_wait3A_27 : memref<1x!tpu.dma_semaphore, #tpu.memory_space<semaphore_mem>> -> memref<!tpu.dma_semaphore, #tpu.memory_space<semaphore_mem>>
      %dma_wait3A_29 = arith.constant 0 : i32
      %dma_wait3A_30 = arith.constant 0 : i32
      %dma_wait3A_31 = arith.constant 0 : i32
      %dma_wait3A_32 = tpu.memref_slice %arg7[%rem3A_18, %dma_wait3A_29, %dma_wait3A_30, %dma_wait3A_31] : memref<3x32x8x64xf32, #tpu.memory_space<vmem>> -> memref<1x32x8x64xf32, #tpu.memory_space<vmem>>
      %dma_wait3A_33 = tpu.memref_squeeze %dma_wait3A_32 : memref<1x32x8x64xf32, #tpu.memory_space<vmem>> -> memref<32x8x64xf32, #tpu.memory_space<vmem>>
      %dma_wait3A_34 = arith.constant 0 : i32
      %dma_wait3A_35 = arith.constant 0 : i32
      %dma_wait3A_36 = arith.constant 0 : i32
      %dma_wait3A_37 = tpu.memref_slice %arg3[%dma_wait3A_34, %dma_wait3A_35, %dma_wait3A_36] : memref<125000x8x64xf32, #tpu.memory_space<hbm>> -> memref<32x8x64xf32, #tpu.memory_space<hbm>>
      tpu.wait_dma2 semaphore(%dma_wait3A_28 : memref<!tpu.dma_semaphore, #tpu.memory_space<semaphore_mem>>) src(%dma_wait3A_37 : memref<32x8x64xf32, #tpu.memory_space<hbm>>) dst(%dma_wait3A_33 : memref<32x8x64xf32, #tpu.memory_space<vmem>>)
      %rem3A_38 = arith.constant 3 : i32
      %rem3A_39 = arith.remsi %scan3A_16, %rem3A_38 : i32
      %rem3A_40 = arith.constant 8 : i32
      %rem3A_41 = arith.remsi %scan3A_16, %rem3A_40 : i32
      %mul3A_42 = arith.constant 32 : i32
      %mul3A_43 = arith.muli %rem3A_41, %mul3A_42 : i32
      %broadcast_in_dim3A = arith.constant 0 : i32
      %broadcast_in_dim3A_44 = vector.broadcast %broadcast_in_dim3A : i32 to vector<16xi32>
      %add3A_45 = vector.broadcast %rem3A_39 : i32 to vector<16xi32>
      %add3A_46 = arith.addi %broadcast_in_dim3A_44, %add3A_45 : vector<16xi32>
      %iota3A = tpu.iota {dimensions = array<i32: 0>} : vector<16xi32>
      %scan3A_47 = arith.constant 0 : i32
      %scan3A_48 = arith.constant 0 : i32
      %scan3A_49 = arith.constant 2 : i32
      %scan3A_50 = arith.addi %scan3A_48, %scan3A_49 : i32
      %scan3A_51 = arith.constant 1 : i32
      %scan3A_52 = scf.for %scan3A_65 = %scan3A_48 to %scan3A_50 step %scan3A_51 iter_args(%scan3A_66 = %scan3A_47) -> (i32)  : i32 {
        %mul3A_67 = arith.constant 32 : i32
        %mul3A_68 = arith.muli %scan3A_16, %mul3A_67 : i32
        %mul3A_69 = arith.constant 16 : i32
        %mul3A_70 = arith.muli %scan3A_65, %mul3A_69 : i32
        %add3A_71 = arith.addi %mul3A_68, %mul3A_70 : i32
        %get3A = arith.index_cast %add3A_71 : i32 to index
        %get3A_72 = tpu.vector_load %arg6[%get3A] {strides = array<i32>} : memref<3328xi32, #tpu.memory_space<vmem>>, vector<16xi32>,
        %rem3A_73 = arith.constant 8 : i32
        %rem3A_74 = vector.broadcast %rem3A_73 : i32 to vector<16xi32>
        %rem3A_75 = arith.remsi %get3A_72, %rem3A_74 : vector<16xi32>
        %mul3A_76 = arith.constant 16 : i32
        %mul3A_77 = arith.muli %scan3A_65, %mul3A_76 : i32
        %add3A_78 = vector.broadcast %mul3A_77 : i32 to vector<16xi32>
        %add3A_79 = arith.addi %iota3A, %add3A_78 : vector<16xi32>
        %broadcast_in_dim3A_80 = arith.constant 0 : i32
        %broadcast_in_dim3A_81 = vector.broadcast %broadcast_in_dim3A_80 : i32 to vector<16xi32>
        %gather3A = tpu.vector_load_idx %arg7[%add3A_46, %add3A_79, %rem3A_75, %broadcast_in_dim3A_81] : memref<3x32x8x64xf32, #tpu.memory_space<vmem>>[vector<16xi32>, vector<16xi32>, vector<16xi32>, vector<16xi32>], vector<16xf32>,
        %mul3A_82 = arith.constant 16 : i32
        %mul3A_83 = arith.muli %scan3A_65, %mul3A_82 : i32
        %add3A_84 = arith.addi %mul3A_43, %mul3A_83 : i32
        %swap3A = arith.constant 0 : i32
        %swap3A_85 = arith.index_cast %swap3A : i32 to index
        %swap3A_86 = arith.index_cast %add3A_84 : i32 to index
        %swap3A_87 = tpu.vector_load %arg8[%swap3A_85, %swap3A_86] {strides = array<i32>} : memref<64x256xf32, #tpu.memory_space<vmem>>, vector<16xf32>,
        tpu.vector_store %arg8[%swap3A_85, %swap3A_86], %gather3A {strides = array<i32>} : memref<64x256xf32, #tpu.memory_space<vmem>>, vector<16xf32>,
        %broadcast_in_dim3A_88 = arith.constant 1 : i32
        %broadcast_in_dim3A_89 = vector.broadcast %broadcast_in_dim3A_88 : i32 to vector<16xi32>
        %gather3A_90 = tpu.vector_load_idx %arg7[%add3A_46, %add3A_79, %rem3A_75, %broadcast_in_dim3A_89] : memref<3x32x8x64xf32, #tpu.memory_space<vmem>>[vector<16xi32>, vector<16xi32>, vector<16xi32>, vector<16xi32>], vector<16xf32>,
        %mul3A_91 = arith.constant 16 : i32
        %mul3A_92 = arith.muli %scan3A_65, %mul3A_91 : i32
        %add3A_93 = arith.addi %mul3A_43, %mul3A_92 : i32
        %swap3A_94 = arith.constant 1 : i32
        %swap3A_95 = arith.index_cast %swap3A_94 : i32 to index
        %swap3A_96 = arith.index_cast %add3A_93 : i32 to index
        %swap3A_97 = tpu.vector_load %arg8[%swap3A_95, %swap3A_96] {strides = array<i32>} : memref<64x256xf32, #tpu.memory_space<vmem>>, vector<16xf32>,
        tpu.vector_store %arg8[%swap3A_95, %swap3A_96], %gather3A_90 {strides = array<i32>} : memref<64x256xf32, #tpu.memory_space<vmem>>, vector<16xf32>,
        %broadcast_in_dim3A_98 = arith.constant 2 : i32
        %broadcast_in_dim3A_99 = vector.broadcast %broadcast_in_dim3A_98 : i32 to vector<16xi32>
        %gather3A_100 = tpu.vector_load_idx %arg7[%add3A_46, %add3A_79, %rem3A_75, %broadcast_in_dim3A_99] : memref<3x32x8x64xf32, #tpu.memory_space<vmem>>[vector<16xi32>, vector<16xi32>, vector<16xi32>, vector<16xi32>], vector<16xf32>,
        %mul3A_101 = arith.constant 16 : i32
        %mul3A_102 = arith.muli %scan3A_65, %mul3A_101 : i32
        %add3A_103 = arith.addi %mul3A_43, %mul3A_102 : i32
        %swap3A_104 = arith.constant 2 : i32
        %swap3A_105 = arith.index_cast %swap3A_104 : i32 to index
        %swap3A_106 = arith.index_cast %add3A_103 : i32 to index
        %swap3A_107 = tpu.vector_load %arg8[%swap3A_105, %swap3A_106] {strides = array<i32>} : memref<64x256xf32, #tpu.memory_space<vmem>>, vector<16xf32>,
        tpu.vector_store %arg8[%swap3A_105, %swap3A_106], %gather3A_100 {strides = array<i32>} : memref<64x256xf32, #tpu.memory_space<vmem>>, vector<16xf32>,
        %broadcast_in_dim3A_108 = arith.constant 3 : i32
        %broadcast_in_dim3A_109 = vector.broadcast %broadcast_in_dim3A_108 : i32 to vector<16xi32>
        %gather3A_110 = tpu.vector_load_idx %arg7[%add3A_46, %add3A_79, %rem3A_75, %broadcast_in_dim3A_109] : memref<3x32x8x64xf32, #tpu.memory_space<vmem>>[vector<16xi32>, vector<16xi32>, vector<16xi32>, vector<16xi32>], vector<16xf32>,
        %mul3A_111 = arith.constant 16 : i32
        %mul3A_112 = arith.muli %scan3A_65, %mul3A_111 : i32
        %add3A_113 = arith.addi %mul3A_43, %mul3A_112 : i32
        %swap3A_114 = arith.constant 3 : i32
        %swap3A_115 = arith.index_cast %swap3A_114 : i32 to index
        %swap3A_116 = arith.index_cast %add3A_113 : i32 to index
        %swap3A_117 = tpu.vector_load %arg8[%swap3A_115, %swap3A_116] {strides = array<i32>} : memref<64x256xf32, #tpu.memory_space<vmem>>, vector<16xf32>,
        tpu.vector_store %arg8[%swap3A_115, %swap3A_116], %gather3A_110 {strides = array<i32>} : memref<64x256xf32, #tpu.memory_space<vmem>>, vector<16xf32>,
        %broadcast_in_dim3A_118 = arith.constant 4 : i32
        %broadcast_in_dim3A_119 = vector.broadcast %broadcast_in_dim3A_118 : i32 to vector<16xi32>
        %gather3A_120 = tpu.vector_load_idx %arg7[%add3A_46, %add3A_79, %rem3A_75, %broadcast_in_dim3A_119] : memref<3x32x8x64xf32, #tpu.memory_space<vmem>>[vector<16xi32>, vector<16xi32>, vector<16xi32>, vector<16xi32>], vector<16xf32>,
        %mul3A_121 = arith.constant 16 : i32
        %mul3A_122 = arith.muli %scan3A_65, %mul3A_121 : i32
        %add3A_123 = arith.addi %mul3A_43, %mul3A_122 : i32
        %swap3A_124 = arith.constant 4 : i32
        %swap3A_125 = arith.index_cast %swap3A_124 : i32 to index
        %swap3A_126 = arith.index_cast %add3A_123 : i32 to index
        %swap3A_127 = tpu.vector_load %arg8[%swap3A_125, %swap3A_126] {strides = array<i32>} : memref<64x256xf32, #tpu.memory_space<vmem>>, vector<16xf32>,
        tpu.vector_store %arg8[%swap3A_125, %swap3A_126], %gather3A_120 {strides = array<i32>} : memref<64x256xf32, #tpu.memory_space<vmem>>, vector<16xf32>,
        %broadcast_in_dim3A_128 = arith.constant 5 : i32
        %broadcast_in_dim3A_129 = vector.broadcast %broadcast_in_dim3A_128 : i32 to vector<16xi32>
        %gather3A_130 = tpu.vector_load_idx %arg7[%add3A_46, %add3A_79, %rem3A_75, %broadcast_in_dim3A_129] : memref<3x32x8x64xf32, #tpu.memory_space<vmem>>[vector<16xi32>, vector<16xi32>, vector<16xi32>, vector<16xi32>], vector<16xf32>,
        %mul3A_131 = arith.constant 16 : i32
        %mul3A_132 = arith.muli %scan3A_65, %mul3A_131 : i32
        %add3A_133 = arith.addi %mul3A_43, %mul3A_132 : i32
        %swap3A_134 = arith.constant 5 : i32
        %swap3A_135 = arith.index_cast %swap3A_134 : i32 to index
        %swap3A_136 = arith.index_cast %add3A_133 : i32 to index
        %swap3A_137 = tpu.vector_load %arg8[%swap3A_135, %swap3A_136] {strides = array<i32>} : memref<64x256xf32, #tpu.memory_space<vmem>>, vector<16xf32>,
        tpu.vector_store %arg8[%swap3A_135, %swap3A_136], %gather3A_130 {strides = array<i32>} : memref<64x256xf32, #tpu.memory_space<vmem>>, vector<16xf32>,
        %broadcast_in_dim3A_138 = arith.constant 6 : i32
        %broadcast_in_dim3A_139 = vector.broadcast %broadcast_in_dim3A_138 : i32 to vector<16xi32>
        %gather3A_140 = tpu.vector_load_idx %arg7[%add3A_46, %add3A_79, %rem3A_75, %broadcast_in_dim3A_139] : memref<3x32x8x64xf32, #tpu.memory_space<vmem>>[vector<16xi32>, vector<16xi32>, vector<16xi32>, vector<16xi32>], vector<16xf32>,
        %mul3A_141 = arith.constant 16 : i32
        %mul3A_142 = arith.muli %scan3A_65, %mul3A_141 : i32
        %add3A_143 = arith.addi %mul3A_43, %mul3A_142 : i32
        %swap3A_144 = arith.constant 6 : i32
        %swap3A_145 = arith.index_cast %swap3A_144 : i32 to index
        %swap3A_146 = arith.index_cast %add3A_143 : i32 to index
        %swap3A_147 = tpu.vector_load %arg8[%swap3A_145, %swap3A_146] {strides = array<i32>} : memref<64x256xf32, #tpu.memory_space<vmem>>, vector<16xf32>,
        tpu.vector_store %arg8[%swap3A_145, %swap3A_146], %gather3A_140 {strides = array<i32>} : memref<64x256xf32, #tpu.memory_space<vmem>>, vector<16xf32>,
        %broadcast_in_dim3A_148 = arith.constant 7 : i32
        %broadcast_in_dim3A_149 = vector.broadcast %broadcast_in_dim3A_148 : i32 to vector<16xi32>
        %gather3A_150 = tpu.vector_load_idx %arg7[%add3A_46, %add3A_79, %rem3A_75, %broadcast_in_dim3A_149] : memref<3x32x8x64xf32, #tpu.memory_space<vmem>>[vector<16xi32>, vector<16xi32>, vector<16xi32>, vector<16xi32>], vector<16xf32>,
        %mul3A_151 = arith.constant 16 : i32
        %mul3A_152 = arith.muli %scan3A_65, %mul3A_151 : i32
        %add3A_153 = arith.addi %mul3A_43, %mul3A_152 : i32
        %swap3A_154 = arith.constant 7 : i32
        %swap3A_155 = arith.index_cast %swap3A_154 : i32 to index
        %swap3A_156 = arith.index_cast %add3A_153 : i32 to index
        %swap3A_157 = tpu.vector_load %arg8[%swap3A_155, %swap3A_156] {strides = array<i32>} : memref<64x256xf32, #tpu.memory_space<vmem>>, vector<16xf32>,
        tpu.vector_store %arg8[%swap3A_155, %swap3A_156], %gather3A_150 {strides = array<i32>} : memref<64x256xf32, #tpu.memory_space<vmem>>, vector<16xf32>,
        %broadcast_in_dim3A_158 = arith.constant 8 : i32
        %broadcast_in_dim3A_159 = vector.broadcast %broadcast_in_dim3A_158 : i32 to vector<16xi32>
        %gather3A_160 = tpu.vector_load_idx %arg7[%add3A_46, %add3A_79, %rem3A_75, %broadcast_in_dim3A_159] : memref<3x32x8x64xf32, #tpu.memory_space<vmem>>[vector<16xi32>, vector<16xi32>, vector<16xi32>, vector<16xi32>], vector<16xf32>,
        %mul3A_161 = arith.constant 16 : i32
        %mul3A_162 = arith.muli %scan3A_65, %mul3A_161 : i32
        %add3A_163 = arith.addi %mul3A_43, %mul3A_162 : i32
        %swap3A_164 = arith.constant 8 : i32
        %swap3A_165 = arith.index_cast %swap3A_164 : i32 to index
        %swap3A_166 = arith.index_cast %add3A_163 : i32 to index
        %swap3A_167 = tpu.vector_load %arg8[%swap3A_165, %swap3A_166] {strides = array<i32>} : memref<64x256xf32, #tpu.memory_space<vmem>>, vector<16xf32>,
        tpu.vector_store %arg8[%swap3A_165, %swap3A_166], %gather3A_160 {strides = array<i32>} : memref<64x256xf32, #tpu.memory_space<vmem>>, vector<16xf32>,
        %broadcast_in_dim3A_168 = arith.constant 9 : i32
        %broadcast_in_dim3A_169 = vector.broadcast %broadcast_in_dim3A_168 : i32 to vector<16xi32>
        %gather3A_170 = tpu.vector_load_idx %arg7[%add3A_46, %add3A_79, %rem3A_75, %broadcast_in_dim3A_169] : memref<3x32x8x64xf32, #tpu.memory_space<vmem>>[vector<16xi32>, vector<16xi32>, vector<16xi32>, vector<16xi32>], vector<16xf32>,
        %mul3A_171 = arith.constant 16 : i32
        %mul3A_172 = arith.muli %scan3A_65, %mul3A_171 : i32
        %add3A_173 = arith.addi %mul3A_43, %mul3A_172 : i32
        %swap3A_174 = arith.constant 9 : i32
        %swap3A_175 = arith.index_cast %swap3A_174 : i32 to index
        %swap3A_176 = arith.index_cast %add3A_173 : i32 to index
        %swap3A_177 = tpu.vector_load %arg8[%swap3A_175, %swap3A_176] {strides = array<i32>} : memref<64x256xf32, #tpu.memory_space<vmem>>, vector<16xf32>,
        tpu.vector_store %arg8[%swap3A_175, %swap3A_176], %gather3A_170 {strides = array<i32>} : memref<64x256xf32, #tpu.memory_space<vmem>>, vector<16xf32>,
        %broadcast_in_dim3A_178 = arith.constant 10 : i32
        %broadcast_in_dim3A_179 = vector.broadcast %broadcast_in_dim3A_178 : i32 to vector<16xi32>
        %gather3A_180 = tpu.vector_load_idx %arg7[%add3A_46, %add3A_79, %rem3A_75, %broadcast_in_dim3A_179] : memref<3x32x8x64xf32, #tpu.memory_space<vmem>>[vector<16xi32>, vector<16xi32>, vector<16xi32>, vector<16xi32>], vector<16xf32>,
        %mul3A_181 = arith.constant 16 : i32
        %mul3A_182 = arith.muli %scan3A_65, %mul3A_181 : i32
        %add3A_183 = arith.addi %mul3A_43, %mul3A_182 : i32
        %swap3A_184 = arith.constant 10 : i32
        %swap3A_185 = arith.index_cast %swap3A_184 : i32 to index
        %swap3A_186 = arith.index_cast %add3A_183 : i32 to index
        %swap3A_187 = tpu.vector_load %arg8[%swap3A_185, %swap3A_186] {strides = array<i32>} : memref<64x256xf32, #tpu.memory_space<vmem>>, vector<16xf32>,
        tpu.vector_store %arg8[%swap3A_185, %swap3A_186], %gather3A_180 {strides = array<i32>} : memref<64x256xf32, #tpu.memory_space<vmem>>, vector<16xf32>,
        %broadcast_in_dim3A_188 = arith.constant 11 : i32
        %broadcast_in_dim3A_189 = vector.broadcast %broadcast_in_dim3A_188 : i32 to vector<16xi32>
        %gather3A_190 = tpu.vector_load_idx %arg7[%add3A_46, %add3A_79, %rem3A_75, %broadcast_in_dim3A_189] : memref<3x32x8x64xf32, #tpu.memory_space<vmem>>[vector<16xi32>, vector<16xi32>, vector<16xi32>, vector<16xi32>], vector<16xf32>,
        %mul3A_191 = arith.constant 16 : i32
        %mul3A_192 = arith.muli %scan3A_65, %mul3A_191 : i32
        %add3A_193 = arith.addi %mul3A_43, %mul3A_192 : i32
        %swap3A_194 = arith.constant 11 : i32
        %swap3A_195 = arith.index_cast %swap3A_194 : i32 to index
        %swap3A_196 = arith.index_cast %add3A_193 : i32 to index
        %swap3A_197 = tpu.vector_load %arg8[%swap3A_195, %swap3A_196] {strides = array<i32>} : memref<64x256xf32, #tpu.memory_space<vmem>>, vector<16xf32>,
        tpu.vector_store %arg8[%swap3A_195, %swap3A_196], %gather3A_190 {strides = array<i32>} : memref<64x256xf32, #tpu.memory_space<vmem>>, vector<16xf32>,
        %broadcast_in_dim3A_198 = arith.constant 12 : i32
        %broadcast_in_dim3A_199 = vector.broadcast %broadcast_in_dim3A_198 : i32 to vector<16xi32>
        %gather3A_200 = tpu.vector_load_idx %arg7[%add3A_46, %add3A_79, %rem3A_75, %broadcast_in_dim3A_199] : memref<3x32x8x64xf32, #tpu.memory_space<vmem>>[vector<16xi32>, vector<16xi32>, vector<16xi32>, vector<16xi32>], vector<16xf32>,
        %mul3A_201 = arith.constant 16 : i32
        %mul3A_202 = arith.muli %scan3A_65, %mul3A_201 : i32
        %add3A_203 = arith.addi %mul3A_43, %mul3A_202 : i32
        %swap3A_204 = arith.constant 12 : i32
        %swap3A_205 = arith.index_cast %swap3A_204 : i32 to index
        %swap3A_206 = arith.index_cast %add3A_203 : i32 to index
        %swap3A_207 = tpu.vector_load %arg8[%swap3A_205, %swap3A_206] {strides = array<i32>} : memref<64x256xf32, #tpu.memory_space<vmem>>, vector<16xf32>,
        tpu.vector_store %arg8[%swap3A_205, %swap3A_206], %gather3A_200 {strides = array<i32>} : memref<64x256xf32, #tpu.memory_space<vmem>>, vector<16xf32>,
        %broadcast_in_dim3A_208 = arith.constant 13 : i32
        %broadcast_in_dim3A_209 = vector.broadcast %broadcast_in_dim3A_208 : i32 to vector<16xi32>
        %gather3A_210 = tpu.vector_load_idx %arg7[%add3A_46, %add3A_79, %rem3A_75, %broadcast_in_dim3A_209] : memref<3x32x8x64xf32, #tpu.memory_space<vmem>>[vector<16xi32>, vector<16xi32>, vector<16xi32>, vector<16xi32>], vector<16xf32>,
        %mul3A_211 = arith.constant 16 : i32
        %mul3A_212 = arith.muli %scan3A_65, %mul3A_211 : i32
        %add3A_213 = arith.addi %mul3A_43, %mul3A_212 : i32
        %swap3A_214 = arith.constant 13 : i32
        %swap3A_215 = arith.index_cast %swap3A_214 : i32 to index
        %swap3A_216 = arith.index_cast %add3A_213 : i32 to index
        %swap3A_217 = tpu.vector_load %arg8[%swap3A_215, %swap3A_216] {strides = array<i32>} : memref<64x256xf32, #tpu.memory_space<vmem>>, vector<16xf32>,
        tpu.vector_store %arg8[%swap3A_215, %swap3A_216], %gather3A_210 {strides = array<i32>} : memref<64x256xf32, #tpu.memory_space<vmem>>, vector<16xf32>,
        %broadcast_in_dim3A_218 = arith.constant 14 : i32
        %broadcast_in_dim3A_219 = vector.broadcast %broadcast_in_dim3A_218 : i32 to vector<16xi32>
        %gather3A_220 = tpu.vector_load_idx %arg7[%add3A_46, %add3A_79, %rem3A_75, %broadcast_in_dim3A_219] : memref<3x32x8x64xf32, #tpu.memory_space<vmem>>[vector<16xi32>, vector<16xi32>, vector<16xi32>, vector<16xi32>], vector<16xf32>,
        %mul3A_221 = arith.constant 16 : i32
        %mul3A_222 = arith.muli %scan3A_65, %mul3A_221 : i32
        %add3A_223 = arith.addi %mul3A_43, %mul3A_222 : i32
        %swap3A_224 = arith.constant 14 : i32
        %swap3A_225 = arith.index_cast %swap3A_224 : i32 to index
        %swap3A_226 = arith.index_cast %add3A_223 : i32 to index
        %swap3A_227 = tpu.vector_load %arg8[%swap3A_225, %swap3A_226] {strides = array<i32>} : memref<64x256xf32, #tpu.memory_space<vmem>>, vector<16xf32>,
        tpu.vector_store %arg8[%swap3A_225, %swap3A_226], %gather3A_220 {strides = array<i32>} : memref<64x256xf32, #tpu.memory_space<vmem>>, vector<16xf32>,
        %broadcast_in_dim3A_228 = arith.constant 15 : i32
        %broadcast_in_dim3A_229 = vector.broadcast %broadcast_in_dim3A_228 : i32 to vector<16xi32>
        %gather3A_230 = tpu.vector_load_idx %arg7[%add3A_46, %add3A_79, %rem3A_75, %broadcast_in_dim3A_229] : memref<3x32x8x64xf32, #tpu.memory_space<vmem>>[vector<16xi32>, vector<16xi32>, vector<16xi32>, vector<16xi32>], vector<16xf32>,
        %mul3A_231 = arith.constant 16 : i32
        %mul3A_232 = arith.muli %scan3A_65, %mul3A_231 : i32
        %add3A_233 = arith.addi %mul3A_43, %mul3A_232 : i32
        %swap3A_234 = arith.constant 15 : i32
        %swap3A_235 = arith.index_cast %swap3A_234 : i32 to index
        %swap3A_236 = arith.index_cast %add3A_233 : i32 to index
        %swap3A_237 = tpu.vector_load %arg8[%swap3A_235, %swap3A_236] {strides = array<i32>} : memref<64x256xf32, #tpu.memory_space<vmem>>, vector<16xf32>,
        tpu.vector_store %arg8[%swap3A_235, %swap3A_236], %gather3A_230 {strides = array<i32>} : memref<64x256xf32, #tpu.memory_space<vmem>>, vector<16xf32>,
        %broadcast_in_dim3A_238 = arith.constant 16 : i32
        %broadcast_in_dim3A_239 = vector.broadcast %broadcast_in_dim3A_238 : i32 to vector<16xi32>
        %gather3A_240 = tpu.vector_load_idx %arg7[%add3A_46, %add3A_79, %rem3A_75, %broadcast_in_dim3A_239] : memref<3x32x8x64xf32, #tpu.memory_space<vmem>>[vector<16xi32>, vector<16xi32>, vector<16xi32>, vector<16xi32>], vector<16xf32>,
        %mul3A_241 = arith.constant 16 : i32
        %mul3A_242 = arith.muli %scan3A_65, %mul3A_241 : i32
        %add3A_243 = arith.addi %mul3A_43, %mul3A_242 : i32
        %swap3A_244 = arith.constant 16 : i32
        %swap3A_245 = arith.index_cast %swap3A_244 : i32 to index
        %swap3A_246 = arith.index_cast %add3A_243 : i32 to index
        %swap3A_247 = tpu.vector_load %arg8[%swap3A_245, %swap3A_246] {strides = array<i32>} : memref<64x256xf32, #tpu.memory_space<vmem>>, vector<16xf32>,
        tpu.vector_store %arg8[%swap3A_245, %swap3A_246], %gather3A_240 {strides = array<i32>} : memref<64x256xf32, #tpu.memory_space<vmem>>, vector<16xf32>,
        %broadcast_in_dim3A_248 = arith.constant 17 : i32
        %broadcast_in_dim3A_249 = vector.broadcast %broadcast_in_dim3A_248 : i32 to vector<16xi32>
        %gather3A_250 = tpu.vector_load_idx %arg7[%add3A_46, %add3A_79, %rem3A_75, %broadcast_in_dim3A_249] : memref<3x32x8x64xf32, #tpu.memory_space<vmem>>[vector<16xi32>, vector<16xi32>, vector<16xi32>, vector<16xi32>], vector<16xf32>,
        %mul3A_251 = arith.constant 16 : i32
        %mul3A_252 = arith.muli %scan3A_65, %mul3A_251 : i32
        %add3A_253 = arith.addi %mul3A_43, %mul3A_252 : i32
        %swap3A_254 = arith.constant 17 : i32
        %swap3A_255 = arith.index_cast %swap3A_254 : i32 to index
        %swap3A_256 = arith.index_cast %add3A_253 : i32 to index
        %swap3A_257 = tpu.vector_load %arg8[%swap3A_255, %swap3A_256] {strides = array<i32>} : memref<64x256xf32, #tpu.memory_space<vmem>>, vector<16xf32>,
        tpu.vector_store %arg8[%swap3A_255, %swap3A_256], %gather3A_250 {strides = array<i32>} : memref<64x256xf32, #tpu.memory_space<vmem>>, vector<16xf32>,
        %broadcast_in_dim3A_258 = arith.constant 18 : i32
        %broadcast_in_dim3A_259 = vector.broadcast %broadcast_in_dim3A_258 : i32 to vector<16xi32>
        %gather3A_260 = tpu.vector_load_idx %arg7[%add3A_46, %add3A_79, %rem3A_75, %broadcast_in_dim3A_259] : memref<3x32x8x64xf32, #tpu.memory_space<vmem>>[vector<16xi32>, vector<16xi32>, vector<16xi32>, vector<16xi32>], vector<16xf32>,
        %mul3A_261 = arith.constant 16 : i32
        %mul3A_262 = arith.muli %scan3A_65, %mul3A_261 : i32
        %add3A_263 = arith.addi %mul3A_43, %mul3A_262 : i32
        %swap3A_264 = arith.constant 18 : i32
        %swap3A_265 = arith.index_cast %swap3A_264 : i32 to index
        %swap3A_266 = arith.index_cast %add3A_263 : i32 to index
        %swap3A_267 = tpu.vector_load %arg8[%swap3A_265, %swap3A_266] {strides = array<i32>} : memref<64x256xf32, #tpu.memory_space<vmem>>, vector<16xf32>,
        tpu.vector_store %arg8[%swap3A_265, %swap3A_266], %gather3A_260 {strides = array<i32>} : memref<64x256xf32, #tpu.memory_space<vmem>>, vector<16xf32>,
        %broadcast_in_dim3A_268 = arith.constant 19 : i32
        %broadcast_in_dim3A_269 = vector.broadcast %broadcast_in_dim3A_268 : i32 to vector<16xi32>
        %gather3A_270 = tpu.vector_load_idx %arg7[%add3A_46, %add3A_79, %rem3A_75, %broadcast_in_dim3A_269] : memref<3x32x8x64xf32, #tpu.memory_space<vmem>>[vector<16xi32>, vector<16xi32>, vector<16xi32>, vector<16xi32>], vector<16xf32>,
        %mul3A_271 = arith.constant 16 : i32
        %mul3A_272 = arith.muli %scan3A_65, %mul3A_271 : i32
        %add3A_273 = arith.addi %mul3A_43, %mul3A_272 : i32
        %swap3A_274 = arith.constant 19 : i32
        %swap3A_275 = arith.index_cast %swap3A_274 : i32 to index
        %swap3A_276 = arith.index_cast %add3A_273 : i32 to index
        %swap3A_277 = tpu.vector_load %arg8[%swap3A_275, %swap3A_276] {strides = array<i32>} : memref<64x256xf32, #tpu.memory_space<vmem>>, vector<16xf32>,
        tpu.vector_store %arg8[%swap3A_275, %swap3A_276], %gather3A_270 {strides = array<i32>} : memref<64x256xf32, #tpu.memory_space<vmem>>, vector<16xf32>,
        %broadcast_in_dim3A_278 = arith.constant 20 : i32
        %broadcast_in_dim3A_279 = vector.broadcast %broadcast_in_dim3A_278 : i32 to vector<16xi32>
        %gather3A_280 = tpu.vector_load_idx %arg7[%add3A_46, %add3A_79, %rem3A_75, %broadcast_in_dim3A_279] : memref<3x32x8x64xf32, #tpu.memory_space<vmem>>[vector<16xi32>, vector<16xi32>, vector<16xi32>, vector<16xi32>], vector<16xf32>,
        %mul3A_281 = arith.constant 16 : i32
        %mul3A_282 = arith.muli %scan3A_65, %mul3A_281 : i32
        %add3A_283 = arith.addi %mul3A_43, %mul3A_282 : i32
        %swap3A_284 = arith.constant 20 : i32
        %swap3A_285 = arith.index_cast %swap3A_284 : i32 to index
        %swap3A_286 = arith.index_cast %add3A_283 : i32 to index
        %swap3A_287 = tpu.vector_load %arg8[%swap3A_285, %swap3A_286] {strides = array<i32>} : memref<64x256xf32, #tpu.memory_space<vmem>>, vector<16xf32>,
        tpu.vector_store %arg8[%swap3A_285, %swap3A_286], %gather3A_280 {strides = array<i32>} : memref<64x256xf32, #tpu.memory_space<vmem>>, vector<16xf32>,
        %broadcast_in_dim3A_288 = arith.constant 21 : i32
        %broadcast_in_dim3A_289 = vector.broadcast %broadcast_in_dim3A_288 : i32 to vector<16xi32>
        %gather3A_290 = tpu.vector_load_idx %arg7[%add3A_46, %add3A_79, %rem3A_75, %broadcast_in_dim3A_289] : memref<3x32x8x64xf32, #tpu.memory_space<vmem>>[vector<16xi32>, vector<16xi32>, vector<16xi32>, vector<16xi32>], vector<16xf32>,
        %mul3A_291 = arith.constant 16 : i32
        %mul3A_292 = arith.muli %scan3A_65, %mul3A_291 : i32
        %add3A_293 = arith.addi %mul3A_43, %mul3A_292 : i32
        %swap3A_294 = arith.constant 21 : i32
        %swap3A_295 = arith.index_cast %swap3A_294 : i32 to index
        %swap3A_296 = arith.index_cast %add3A_293 : i32 to index
        %swap3A_297 = tpu.vector_load %arg8[%swap3A_295, %swap3A_296] {strides = array<i32>} : memref<64x256xf32, #tpu.memory_space<vmem>>, vector<16xf32>,
        tpu.vector_store %arg8[%swap3A_295, %swap3A_296], %gather3A_290 {strides = array<i32>} : memref<64x256xf32, #tpu.memory_space<vmem>>, vector<16xf32>,
        %broadcast_in_dim3A_298 = arith.constant 22 : i32
        %broadcast_in_dim3A_299 = vector.broadcast %broadcast_in_dim3A_298 : i32 to vector<16xi32>
        %gather3A_300 = tpu.vector_load_idx %arg7[%add3A_46, %add3A_79, %rem3A_75, %broadcast_in_dim3A_299] : memref<3x32x8x64xf32, #tpu.memory_space<vmem>>[vector<16xi32>, vector<16xi32>, vector<16xi32>, vector<16xi32>], vector<16xf32>,
        %mul3A_301 = arith.constant 16 : i32
        %mul3A_302 = arith.muli %scan3A_65, %mul3A_301 : i32
        %add3A_303 = arith.addi %mul3A_43, %mul3A_302 : i32
        %swap3A_304 = arith.constant 22 : i32
        %swap3A_305 = arith.index_cast %swap3A_304 : i32 to index
        %swap3A_306 = arith.index_cast %add3A_303 : i32 to index
        %swap3A_307 = tpu.vector_load %arg8[%swap3A_305, %swap3A_306] {strides = array<i32>} : memref<64x256xf32, #tpu.memory_space<vmem>>, vector<16xf32>,
        tpu.vector_store %arg8[%swap3A_305, %swap3A_306], %gather3A_300 {strides = array<i32>} : memref<64x256xf32, #tpu.memory_space<vmem>>, vector<16xf32>,
        %broadcast_in_dim3A_308 = arith.constant 23 : i32
        %broadcast_in_dim3A_309 = vector.broadcast %broadcast_in_dim3A_308 : i32 to vector<16xi32>
        %gather3A_310 = tpu.vector_load_idx %arg7[%add3A_46, %add3A_79, %rem3A_75, %broadcast_in_dim3A_309] : memref<3x32x8x64xf32, #tpu.memory_space<vmem>>[vector<16xi32>, vector<16xi32>, vector<16xi32>, vector<16xi32>], vector<16xf32>,
        %mul3A_311 = arith.constant 16 : i32
        %mul3A_312 = arith.muli %scan3A_65, %mul3A_311 : i32
        %add3A_313 = arith.addi %mul3A_43, %mul3A_312 : i32
        %swap3A_314 = arith.constant 23 : i32
        %swap3A_315 = arith.index_cast %swap3A_314 : i32 to index
        %swap3A_316 = arith.index_cast %add3A_313 : i32 to index
        %swap3A_317 = tpu.vector_load %arg8[%swap3A_315, %swap3A_316] {strides = array<i32>} : memref<64x256xf32, #tpu.memory_space<vmem>>, vector<16xf32>,
        tpu.vector_store %arg8[%swap3A_315, %swap3A_316], %gather3A_310 {strides = array<i32>} : memref<64x256xf32, #tpu.memory_space<vmem>>, vector<16xf32>,
        %broadcast_in_dim3A_318 = arith.constant 24 : i32
        %broadcast_in_dim3A_319 = vector.broadcast %broadcast_in_dim3A_318 : i32 to vector<16xi32>
        %gather3A_320 = tpu.vector_load_idx %arg7[%add3A_46, %add3A_79, %rem3A_75, %broadcast_in_dim3A_319] : memref<3x32x8x64xf32, #tpu.memory_space<vmem>>[vector<16xi32>, vector<16xi32>, vector<16xi32>, vector<16xi32>], vector<16xf32>,
        %mul3A_321 = arith.constant 16 : i32
        %mul3A_322 = arith.muli %scan3A_65, %mul3A_321 : i32
        %add3A_323 = arith.addi %mul3A_43, %mul3A_322 : i32
        %swap3A_324 = arith.constant 24 : i32
        %swap3A_325 = arith.index_cast %swap3A_324 : i32 to index
        %swap3A_326 = arith.index_cast %add3A_323 : i32 to index
        %swap3A_327 = tpu.vector_load %arg8[%swap3A_325, %swap3A_326] {strides = array<i32>} : memref<64x256xf32, #tpu.memory_space<vmem>>, vector<16xf32>,
        tpu.vector_store %arg8[%swap3A_325, %swap3A_326], %gather3A_320 {strides = array<i32>} : memref<64x256xf32, #tpu.memory_space<vmem>>, vector<16xf32>,
        %broadcast_in_dim3A_328 = arith.constant 25 : i32
        %broadcast_in_dim3A_329 = vector.broadcast %broadcast_in_dim3A_328 : i32 to vector<16xi32>
        %gather3A_330 = tpu.vector_load_idx %arg7[%add3A_46, %add3A_79, %rem3A_75, %broadcast_in_dim3A_329] : memref<3x32x8x64xf32, #tpu.memory_space<vmem>>[vector<16xi32>, vector<16xi32>, vector<16xi32>, vector<16xi32>], vector<16xf32>,
        %mul3A_331 = arith.constant 16 : i32
        %mul3A_332 = arith.muli %scan3A_65, %mul3A_331 : i32
        %add3A_333 = arith.addi %mul3A_43, %mul3A_332 : i32
        %swap3A_334 = arith.constant 25 : i32
        %swap3A_335 = arith.index_cast %swap3A_334 : i32 to index
        %swap3A_336 = arith.index_cast %add3A_333 : i32 to index
        %swap3A_337 = tpu.vector_load %arg8[%swap3A_335, %swap3A_336] {strides = array<i32>} : memref<64x256xf32, #tpu.memory_space<vmem>>, vector<16xf32>,
        tpu.vector_store %arg8[%swap3A_335, %swap3A_336], %gather3A_330 {strides = array<i32>} : memref<64x256xf32, #tpu.memory_space<vmem>>, vector<16xf32>,
        %broadcast_in_dim3A_338 = arith.constant 26 : i32
        %broadcast_in_dim3A_339 = vector.broadcast %broadcast_in_dim3A_338 : i32 to vector<16xi32>
        %gather3A_340 = tpu.vector_load_idx %arg7[%add3A_46, %add3A_79, %rem3A_75, %broadcast_in_dim3A_339] : memref<3x32x8x64xf32, #tpu.memory_space<vmem>>[vector<16xi32>, vector<16xi32>, vector<16xi32>, vector<16xi32>], vector<16xf32>,
        %mul3A_341 = arith.constant 16 : i32
        %mul3A_342 = arith.muli %scan3A_65, %mul3A_341 : i32
        %add3A_343 = arith.addi %mul3A_43, %mul3A_342 : i32
        %swap3A_344 = arith.constant 26 : i32
        %swap3A_345 = arith.index_cast %swap3A_344 : i32 to index
        %swap3A_346 = arith.index_cast %add3A_343 : i32 to index
        %swap3A_347 = tpu.vector_load %arg8[%swap3A_345, %swap3A_346] {strides = array<i32>} : memref<64x256xf32, #tpu.memory_space<vmem>>, vector<16xf32>,
        tpu.vector_store %arg8[%swap3A_345, %swap3A_346], %gather3A_340 {strides = array<i32>} : memref<64x256xf32, #tpu.memory_space<vmem>>, vector<16xf32>,
        %broadcast_in_dim3A_348 = arith.constant 27 : i32
        %broadcast_in_dim3A_349 = vector.broadcast %broadcast_in_dim3A_348 : i32 to vector<16xi32>
        %gather3A_350 = tpu.vector_load_idx %arg7[%add3A_46, %add3A_79, %rem3A_75, %broadcast_in_dim3A_349] : memref<3x32x8x64xf32, #tpu.memory_space<vmem>>[vector<16xi32>, vector<16xi32>, vector<16xi32>, vector<16xi32>], vector<16xf32>,
        %mul3A_351 = arith.constant 16 : i32
        %mul3A_352 = arith.muli %scan3A_65, %mul3A_351 : i32
        %add3A_353 = arith.addi %mul3A_43, %mul3A_352 : i32
        %swap3A_354 = arith.constant 27 : i32
        %swap3A_355 = arith.index_cast %swap3A_354 : i32 to index
        %swap3A_356 = arith.index_cast %add3A_353 : i32 to index
        %swap3A_357 = tpu.vector_load %arg8[%swap3A_355, %swap3A_356] {strides = array<i32>} : memref<64x256xf32, #tpu.memory_space<vmem>>, vector<16xf32>,
        tpu.vector_store %arg8[%swap3A_355, %swap3A_356], %gather3A_350 {strides = array<i32>} : memref<64x256xf32, #tpu.memory_space<vmem>>, vector<16xf32>,
        %broadcast_in_dim3A_358 = arith.constant 28 : i32
        %broadcast_in_dim3A_359 = vector.broadcast %broadcast_in_dim3A_358 : i32 to vector<16xi32>
        %gather3A_360 = tpu.vector_load_idx %arg7[%add3A_46, %add3A_79, %rem3A_75, %broadcast_in_dim3A_359] : memref<3x32x8x64xf32, #tpu.memory_space<vmem>>[vector<16xi32>, vector<16xi32>, vector<16xi32>, vector<16xi32>], vector<16xf32>,
        %mul3A_361 = arith.constant 16 : i32
        %mul3A_362 = arith.muli %scan3A_65, %mul3A_361 : i32
        %add3A_363 = arith.addi %mul3A_43, %mul3A_362 : i32
        %swap3A_364 = arith.constant 28 : i32
        %swap3A_365 = arith.index_cast %swap3A_364 : i32 to index
        %swap3A_366 = arith.index_cast %add3A_363 : i32 to index
        %swap3A_367 = tpu.vector_load %arg8[%swap3A_365, %swap3A_366] {strides = array<i32>} : memref<64x256xf32, #tpu.memory_space<vmem>>, vector<16xf32>,
        tpu.vector_store %arg8[%swap3A_365, %swap3A_366], %gather3A_360 {strides = array<i32>} : memref<64x256xf32, #tpu.memory_space<vmem>>, vector<16xf32>,
        %broadcast_in_dim3A_368 = arith.constant 29 : i32
        %broadcast_in_dim3A_369 = vector.broadcast %broadcast_in_dim3A_368 : i32 to vector<16xi32>
        %gather3A_370 = tpu.vector_load_idx %arg7[%add3A_46, %add3A_79, %rem3A_75, %broadcast_in_dim3A_369] : memref<3x32x8x64xf32, #tpu.memory_space<vmem>>[vector<16xi32>, vector<16xi32>, vector<16xi32>, vector<16xi32>], vector<16xf32>,
        %mul3A_371 = arith.constant 16 : i32
        %mul3A_372 = arith.muli %scan3A_65, %mul3A_371 : i32
        %add3A_373 = arith.addi %mul3A_43, %mul3A_372 : i32
        %swap3A_374 = arith.constant 29 : i32
        %swap3A_375 = arith.index_cast %swap3A_374 : i32 to index
        %swap3A_376 = arith.index_cast %add3A_373 : i32 to index
        %swap3A_377 = tpu.vector_load %arg8[%swap3A_375, %swap3A_376] {strides = array<i32>} : memref<64x256xf32, #tpu.memory_space<vmem>>, vector<16xf32>,
        tpu.vector_store %arg8[%swap3A_375, %swap3A_376], %gather3A_370 {strides = array<i32>} : memref<64x256xf32, #tpu.memory_space<vmem>>, vector<16xf32>,
        %broadcast_in_dim3A_378 = arith.constant 30 : i32
        %broadcast_in_dim3A_379 = vector.broadcast %broadcast_in_dim3A_378 : i32 to vector<16xi32>
        %gather3A_380 = tpu.vector_load_idx %arg7[%add3A_46, %add3A_79, %rem3A_75, %broadcast_in_dim3A_379] : memref<3x32x8x64xf32, #tpu.memory_space<vmem>>[vector<16xi32>, vector<16xi32>, vector<16xi32>, vector<16xi32>], vector<16xf32>,
        %mul3A_381 = arith.constant 16 : i32
        %mul3A_382 = arith.muli %scan3A_65, %mul3A_381 : i32
        %add3A_383 = arith.addi %mul3A_43, %mul3A_382 : i32
        %swap3A_384 = arith.constant 30 : i32
        %swap3A_385 = arith.index_cast %swap3A_384 : i32 to index
        %swap3A_386 = arith.index_cast %add3A_383 : i32 to index
        %swap3A_387 = tpu.vector_load %arg8[%swap3A_385, %swap3A_386] {strides = array<i32>} : memref<64x256xf32, #tpu.memory_space<vmem>>, vector<16xf32>,
        tpu.vector_store %arg8[%swap3A_385, %swap3A_386], %gather3A_380 {strides = array<i32>} : memref<64x256xf32, #tpu.memory_space<vmem>>, vector<16xf32>,
        %broadcast_in_dim3A_388 = arith.constant 31 : i32
        %broadcast_in_dim3A_389 = vector.broadcast %broadcast_in_dim3A_388 : i32 to vector<16xi32>
        %gather3A_390 = tpu.vector_load_idx %arg7[%add3A_46, %add3A_79, %rem3A_75, %broadcast_in_dim3A_389] : memref<3x32x8x64xf32, #tpu.memory_space<vmem>>[vector<16xi32>, vector<16xi32>, vector<16xi32>, vector<16xi32>], vector<16xf32>,
        %mul3A_391 = arith.constant 16 : i32
        %mul3A_392 = arith.muli %scan3A_65, %mul3A_391 : i32
        %add3A_393 = arith.addi %mul3A_43, %mul3A_392 : i32
        %swap3A_394 = arith.constant 31 : i32
        %swap3A_395 = arith.index_cast %swap3A_394 : i32 to index
        %swap3A_396 = arith.index_cast %add3A_393 : i32 to index
        %swap3A_397 = tpu.vector_load %arg8[%swap3A_395, %swap3A_396] {strides = array<i32>} : memref<64x256xf32, #tpu.memory_space<vmem>>, vector<16xf32>,
        tpu.vector_store %arg8[%swap3A_395, %swap3A_396], %gather3A_390 {strides = array<i32>} : memref<64x256xf32, #tpu.memory_space<vmem>>, vector<16xf32>,
        %broadcast_in_dim3A_398 = arith.constant 32 : i32
        %broadcast_in_dim3A_399 = vector.broadcast %broadcast_in_dim3A_398 : i32 to vector<16xi32>
        %gather3A_400 = tpu.vector_load_idx %arg7[%add3A_46, %add3A_79, %rem3A_75, %broadcast_in_dim3A_399] : memref<3x32x8x64xf32, #tpu.memory_space<vmem>>[vector<16xi32>, vector<16xi32>, vector<16xi32>, vector<16xi32>], vector<16xf32>,
        %mul3A_401 = arith.constant 16 : i32
        %mul3A_402 = arith.muli %scan3A_65, %mul3A_401 : i32
        %add3A_403 = arith.addi %mul3A_43, %mul3A_402 : i32
        %swap3A_404 = arith.constant 32 : i32
        %swap3A_405 = arith.index_cast %swap3A_404 : i32 to index
        %swap3A_406 = arith.index_cast %add3A_403 : i32 to index
        %swap3A_407 = tpu.vector_load %arg8[%swap3A_405, %swap3A_406] {strides = array<i32>} : memref<64x256xf32, #tpu.memory_space<vmem>>, vector<16xf32>,
        tpu.vector_store %arg8[%swap3A_405, %swap3A_406], %gather3A_400 {strides = array<i32>} : memref<64x256xf32, #tpu.memory_space<vmem>>, vector<16xf32>,
        %broadcast_in_dim3A_408 = arith.constant 33 : i32
        %broadcast_in_dim3A_409 = vector.broadcast %broadcast_in_dim3A_408 : i32 to vector<16xi32>
        %gather3A_410 = tpu.vector_load_idx %arg7[%add3A_46, %add3A_79, %rem3A_75, %broadcast_in_dim3A_409] : memref<3x32x8x64xf32, #tpu.memory_space<vmem>>[vector<16xi32>, vector<16xi32>, vector<16xi32>, vector<16xi32>], vector<16xf32>,
        %mul3A_411 = arith.constant 16 : i32
        %mul3A_412 = arith.muli %scan3A_65, %mul3A_411 : i32
        %add3A_413 = arith.addi %mul3A_43, %mul3A_412 : i32
        %swap3A_414 = arith.constant 33 : i32
        %swap3A_415 = arith.index_cast %swap3A_414 : i32 to index
        %swap3A_416 = arith.index_cast %add3A_413 : i32 to index
        %swap3A_417 = tpu.vector_load %arg8[%swap3A_415, %swap3A_416] {strides = array<i32>} : memref<64x256xf32, #tpu.memory_space<vmem>>, vector<16xf32>,
        tpu.vector_store %arg8[%swap3A_415, %swap3A_416], %gather3A_410 {strides = array<i32>} : memref<64x256xf32, #tpu.memory_space<vmem>>, vector<16xf32>,
        %broadcast_in_dim3A_418 = arith.constant 34 : i32
        %broadcast_in_dim3A_419 = vector.broadcast %broadcast_in_dim3A_418 : i32 to vector<16xi32>
        %gather3A_420 = tpu.vector_load_idx %arg7[%add3A_46, %add3A_79, %rem3A_75, %broadcast_in_dim3A_419] : memref<3x32x8x64xf32, #tpu.memory_space<vmem>>[vector<16xi32>, vector<16xi32>, vector<16xi32>, vector<16xi32>], vector<16xf32>,
        %mul3A_421 = arith.constant 16 : i32
        %mul3A_422 = arith.muli %scan3A_65, %mul3A_421 : i32
        %add3A_423 = arith.addi %mul3A_43, %mul3A_422 : i32
        %swap3A_424 = arith.constant 34 : i32
        %swap3A_425 = arith.index_cast %swap3A_424 : i32 to index
        %swap3A_426 = arith.index_cast %add3A_423 : i32 to index
        %swap3A_427 = tpu.vector_load %arg8[%swap3A_425, %swap3A_426] {strides = array<i32>} : memref<64x256xf32, #tpu.memory_space<vmem>>, vector<16xf32>,
        tpu.vector_store %arg8[%swap3A_425, %swap3A_426], %gather3A_420 {strides = array<i32>} : memref<64x256xf32, #tpu.memory_space<vmem>>, vector<16xf32>,
        %broadcast_in_dim3A_428 = arith.constant 35 : i32
        %broadcast_in_dim3A_429 = vector.broadcast %broadcast_in_dim3A_428 : i32 to vector<16xi32>
        %gather3A_430 = tpu.vector_load_idx %arg7[%add3A_46, %add3A_79, %rem3A_75, %broadcast_in_dim3A_429] : memref<3x32x8x64xf32, #tpu.memory_space<vmem>>[vector<16xi32>, vector<16xi32>, vector<16xi32>, vector<16xi32>], vector<16xf32>,
        %mul3A_431 = arith.constant 16 : i32
        %mul3A_432 = arith.muli %scan3A_65, %mul3A_431 : i32
        %add3A_433 = arith.addi %mul3A_43, %mul3A_432 : i32
        %swap3A_434 = arith.constant 35 : i32
        %swap3A_435 = arith.index_cast %swap3A_434 : i32 to index
        %swap3A_436 = arith.index_cast %add3A_433 : i32 to index
        %swap3A_437 = tpu.vector_load %arg8[%swap3A_435, %swap3A_436] {strides = array<i32>} : memref<64x256xf32, #tpu.memory_space<vmem>>, vector<16xf32>,
        tpu.vector_store %arg8[%swap3A_435, %swap3A_436], %gather3A_430 {strides = array<i32>} : memref<64x256xf32, #tpu.memory_space<vmem>>, vector<16xf32>,
        %broadcast_in_dim3A_438 = arith.constant 36 : i32
        %broadcast_in_dim3A_439 = vector.broadcast %broadcast_in_dim3A_438 : i32 to vector<16xi32>
        %gather3A_440 = tpu.vector_load_idx %arg7[%add3A_46, %add3A_79, %rem3A_75, %broadcast_in_dim3A_439] : memref<3x32x8x64xf32, #tpu.memory_space<vmem>>[vector<16xi32>, vector<16xi32>, vector<16xi32>, vector<16xi32>], vector<16xf32>,
        %mul3A_441 = arith.constant 16 : i32
        %mul3A_442 = arith.muli %scan3A_65, %mul3A_441 : i32
        %add3A_443 = arith.addi %mul3A_43, %mul3A_442 : i32
        %swap3A_444 = arith.constant 36 : i32
        %swap3A_445 = arith.index_cast %swap3A_444 : i32 to index
        %swap3A_446 = arith.index_cast %add3A_443 : i32 to index
        %swap3A_447 = tpu.vector_load %arg8[%swap3A_445, %swap3A_446] {strides = array<i32>} : memref<64x256xf32, #tpu.memory_space<vmem>>, vector<16xf32>,
        tpu.vector_store %arg8[%swap3A_445, %swap3A_446], %gather3A_440 {strides = array<i32>} : memref<64x256xf32, #tpu.memory_space<vmem>>, vector<16xf32>,
        %broadcast_in_dim3A_448 = arith.constant 37 : i32
        %broadcast_in_dim3A_449 = vector.broadcast %broadcast_in_dim3A_448 : i32 to vector<16xi32>
        %gather3A_450 = tpu.vector_load_idx %arg7[%add3A_46, %add3A_79, %rem3A_75, %broadcast_in_dim3A_449] : memref<3x32x8x64xf32, #tpu.memory_space<vmem>>[vector<16xi32>, vector<16xi32>, vector<16xi32>, vector<16xi32>], vector<16xf32>,
        %mul3A_451 = arith.constant 16 : i32
        %mul3A_452 = arith.muli %scan3A_65, %mul3A_451 : i32
        %add3A_453 = arith.addi %mul3A_43, %mul3A_452 : i32
        %swap3A_454 = arith.constant 37 : i32
        %swap3A_455 = arith.index_cast %swap3A_454 : i32 to index
        %swap3A_456 = arith.index_cast %add3A_453 : i32 to index
        %swap3A_457 = tpu.vector_load %arg8[%swap3A_455, %swap3A_456] {strides = array<i32>} : memref<64x256xf32, #tpu.memory_space<vmem>>, vector<16xf32>,
        tpu.vector_store %arg8[%swap3A_455, %swap3A_456], %gather3A_450 {strides = array<i32>} : memref<64x256xf32, #tpu.memory_space<vmem>>, vector<16xf32>,
        %broadcast_in_dim3A_458 = arith.constant 38 : i32
        %broadcast_in_dim3A_459 = vector.broadcast %broadcast_in_dim3A_458 : i32 to vector<16xi32>
        %gather3A_460 = tpu.vector_load_idx %arg7[%add3A_46, %add3A_79, %rem3A_75, %broadcast_in_dim3A_459] : memref<3x32x8x64xf32, #tpu.memory_space<vmem>>[vector<16xi32>, vector<16xi32>, vector<16xi32>, vector<16xi32>], vector<16xf32>,
        %mul3A_461 = arith.constant 16 : i32
        %mul3A_462 = arith.muli %scan3A_65, %mul3A_461 : i32
        %add3A_463 = arith.addi %mul3A_43, %mul3A_462 : i32
        %swap3A_464 = arith.constant 38 : i32
        %swap3A_465 = arith.index_cast %swap3A_464 : i32 to index
        %swap3A_466 = arith.index_cast %add3A_463 : i32 to index
        %swap3A_467 = tpu.vector_load %arg8[%swap3A_465, %swap3A_466] {strides = array<i32>} : memref<64x256xf32, #tpu.memory_space<vmem>>, vector<16xf32>,
        tpu.vector_store %arg8[%swap3A_465, %swap3A_466], %gather3A_460 {strides = array<i32>} : memref<64x256xf32, #tpu.memory_space<vmem>>, vector<16xf32>,
        %broadcast_in_dim3A_468 = arith.constant 39 : i32
        %broadcast_in_dim3A_469 = vector.broadcast %broadcast_in_dim3A_468 : i32 to vector<16xi32>
        %gather3A_470 = tpu.vector_load_idx %arg7[%add3A_46, %add3A_79, %rem3A_75, %broadcast_in_dim3A_469] : memref<3x32x8x64xf32, #tpu.memory_space<vmem>>[vector<16xi32>, vector<16xi32>, vector<16xi32>, vector<16xi32>], vector<16xf32>,
        %mul3A_471 = arith.constant 16 : i32
        %mul3A_472 = arith.muli %scan3A_65, %mul3A_471 : i32
        %add3A_473 = arith.addi %mul3A_43, %mul3A_472 : i32
        %swap3A_474 = arith.constant 39 : i32
        %swap3A_475 = arith.index_cast %swap3A_474 : i32 to index
        %swap3A_476 = arith.index_cast %add3A_473 : i32 to index
        %swap3A_477 = tpu.vector_load %arg8[%swap3A_475, %swap3A_476] {strides = array<i32>} : memref<64x256xf32, #tpu.memory_space<vmem>>, vector<16xf32>,
        tpu.vector_store %arg8[%swap3A_475, %swap3A_476], %gather3A_470 {strides = array<i32>} : memref<64x256xf32, #tpu.memory_space<vmem>>, vector<16xf32>,
        %broadcast_in_dim3A_478 = arith.constant 40 : i32
        %broadcast_in_dim3A_479 = vector.broadcast %broadcast_in_dim3A_478 : i32 to vector<16xi32>
        %gather3A_480 = tpu.vector_load_idx %arg7[%add3A_46, %add3A_79, %rem3A_75, %broadcast_in_dim3A_479] : memref<3x32x8x64xf32, #tpu.memory_space<vmem>>[vector<16xi32>, vector<16xi32>, vector<16xi32>, vector<16xi32>], vector<16xf32>,
        %mul3A_481 = arith.constant 16 : i32
        %mul3A_482 = arith.muli %scan3A_65, %mul3A_481 : i32
        %add3A_483 = arith.addi %mul3A_43, %mul3A_482 : i32
        %swap3A_484 = arith.constant 40 : i32
        %swap3A_485 = arith.index_cast %swap3A_484 : i32 to index
        %swap3A_486 = arith.index_cast %add3A_483 : i32 to index
        %swap3A_487 = tpu.vector_load %arg8[%swap3A_485, %swap3A_486] {strides = array<i32>} : memref<64x256xf32, #tpu.memory_space<vmem>>, vector<16xf32>,
        tpu.vector_store %arg8[%swap3A_485, %swap3A_486], %gather3A_480 {strides = array<i32>} : memref<64x256xf32, #tpu.memory_space<vmem>>, vector<16xf32>,
        %broadcast_in_dim3A_488 = arith.constant 41 : i32
        %broadcast_in_dim3A_489 = vector.broadcast %broadcast_in_dim3A_488 : i32 to vector<16xi32>
        %gather3A_490 = tpu.vector_load_idx %arg7[%add3A_46, %add3A_79, %rem3A_75, %broadcast_in_dim3A_489] : memref<3x32x8x64xf32, #tpu.memory_space<vmem>>[vector<16xi32>, vector<16xi32>, vector<16xi32>, vector<16xi32>], vector<16xf32>,
        %mul3A_491 = arith.constant 16 : i32
        %mul3A_492 = arith.muli %scan3A_65, %mul3A_491 : i32
        %add3A_493 = arith.addi %mul3A_43, %mul3A_492 : i32
        %swap3A_494 = arith.constant 41 : i32
        %swap3A_495 = arith.index_cast %swap3A_494 : i32 to index
        %swap3A_496 = arith.index_cast %add3A_493 : i32 to index
        %swap3A_497 = tpu.vector_load %arg8[%swap3A_495, %swap3A_496] {strides = array<i32>} : memref<64x256xf32, #tpu.memory_space<vmem>>, vector<16xf32>,
        tpu.vector_store %arg8[%swap3A_495, %swap3A_496], %gather3A_490 {strides = array<i32>} : memref<64x256xf32, #tpu.memory_space<vmem>>, vector<16xf32>,
        %broadcast_in_dim3A_498 = arith.constant 42 : i32
        %broadcast_in_dim3A_499 = vector.broadcast %broadcast_in_dim3A_498 : i32 to vector<16xi32>
        %gather3A_500 = tpu.vector_load_idx %arg7[%add3A_46, %add3A_79, %rem3A_75, %broadcast_in_dim3A_499] : memref<3x32x8x64xf32, #tpu.memory_space<vmem>>[vector<16xi32>, vector<16xi32>, vector<16xi32>, vector<16xi32>], vector<16xf32>,
        %mul3A_501 = arith.constant 16 : i32
        %mul3A_502 = arith.muli %scan3A_65, %mul3A_501 : i32
        %add3A_503 = arith.addi %mul3A_43, %mul3A_502 : i32
        %swap3A_504 = arith.constant 42 : i32
        %swap3A_505 = arith.index_cast %swap3A_504 : i32 to index
        %swap3A_506 = arith.index_cast %add3A_503 : i32 to index
        %swap3A_507 = tpu.vector_load %arg8[%swap3A_505, %swap3A_506] {strides = array<i32>} : memref<64x256xf32, #tpu.memory_space<vmem>>, vector<16xf32>,
        tpu.vector_store %arg8[%swap3A_505, %swap3A_506], %gather3A_500 {strides = array<i32>} : memref<64x256xf32, #tpu.memory_space<vmem>>, vector<16xf32>,
        %broadcast_in_dim3A_508 = arith.constant 43 : i32
        %broadcast_in_dim3A_509 = vector.broadcast %broadcast_in_dim3A_508 : i32 to vector<16xi32>
        %gather3A_510 = tpu.vector_load_idx %arg7[%add3A_46, %add3A_79, %rem3A_75, %broadcast_in_dim3A_509] : memref<3x32x8x64xf32, #tpu.memory_space<vmem>>[vector<16xi32>, vector<16xi32>, vector<16xi32>, vector<16xi32>], vector<16xf32>,
        %mul3A_511 = arith.constant 16 : i32
        %mul3A_512 = arith.muli %scan3A_65, %mul3A_511 : i32
        %add3A_513 = arith.addi %mul3A_43, %mul3A_512 : i32
        %swap3A_514 = arith.constant 43 : i32
        %swap3A_515 = arith.index_cast %swap3A_514 : i32 to index
        %swap3A_516 = arith.index_cast %add3A_513 : i32 to index
        %swap3A_517 = tpu.vector_load %arg8[%swap3A_515, %swap3A_516] {strides = array<i32>} : memref<64x256xf32, #tpu.memory_space<vmem>>, vector<16xf32>,
        tpu.vector_store %arg8[%swap3A_515, %swap3A_516], %gather3A_510 {strides = array<i32>} : memref<64x256xf32, #tpu.memory_space<vmem>>, vector<16xf32>,
        %broadcast_in_dim3A_518 = arith.constant 44 : i32
        %broadcast_in_dim3A_519 = vector.broadcast %broadcast_in_dim3A_518 : i32 to vector<16xi32>
        %gather3A_520 = tpu.vector_load_idx %arg7[%add3A_46, %add3A_79, %rem3A_75, %broadcast_in_dim3A_519] : memref<3x32x8x64xf32, #tpu.memory_space<vmem>>[vector<16xi32>, vector<16xi32>, vector<16xi32>, vector<16xi32>], vector<16xf32>,
        %mul3A_521 = arith.constant 16 : i32
        %mul3A_522 = arith.muli %scan3A_65, %mul3A_521 : i32
        %add3A_523 = arith.addi %mul3A_43, %mul3A_522 : i32
        %swap3A_524 = arith.constant 44 : i32
        %swap3A_525 = arith.index_cast %swap3A_524 : i32 to index
        %swap3A_526 = arith.index_cast %add3A_523 : i32 to index
        %swap3A_527 = tpu.vector_load %arg8[%swap3A_525, %swap3A_526] {strides = array<i32>} : memref<64x256xf32, #tpu.memory_space<vmem>>, vector<16xf32>,
        tpu.vector_store %arg8[%swap3A_525, %swap3A_526], %gather3A_520 {strides = array<i32>} : memref<64x256xf32, #tpu.memory_space<vmem>>, vector<16xf32>,
        %broadcast_in_dim3A_528 = arith.constant 45 : i32
        %broadcast_in_dim3A_529 = vector.broadcast %broadcast_in_dim3A_528 : i32 to vector<16xi32>
        %gather3A_530 = tpu.vector_load_idx %arg7[%add3A_46, %add3A_79, %rem3A_75, %broadcast_in_dim3A_529] : memref<3x32x8x64xf32, #tpu.memory_space<vmem>>[vector<16xi32>, vector<16xi32>, vector<16xi32>, vector<16xi32>], vector<16xf32>,
        %mul3A_531 = arith.constant 16 : i32
        %mul3A_532 = arith.muli %scan3A_65, %mul3A_531 : i32
        %add3A_533 = arith.addi %mul3A_43, %mul3A_532 : i32
        %swap3A_534 = arith.constant 45 : i32
        %swap3A_535 = arith.index_cast %swap3A_534 : i32 to index
        %swap3A_536 = arith.index_cast %add3A_533 : i32 to index
        %swap3A_537 = tpu.vector_load %arg8[%swap3A_535, %swap3A_536] {strides = array<i32>} : memref<64x256xf32, #tpu.memory_space<vmem>>, vector<16xf32>,
        tpu.vector_store %arg8[%swap3A_535, %swap3A_536], %gather3A_530 {strides = array<i32>} : memref<64x256xf32, #tpu.memory_space<vmem>>, vector<16xf32>,
        %broadcast_in_dim3A_538 = arith.constant 46 : i32
        %broadcast_in_dim3A_539 = vector.broadcast %broadcast_in_dim3A_538 : i32 to vector<16xi32>
        %gather3A_540 = tpu.vector_load_idx %arg7[%add3A_46, %add3A_79, %rem3A_75, %broadcast_in_dim3A_539] : memref<3x32x8x64xf32, #tpu.memory_space<vmem>>[vector<16xi32>, vector<16xi32>, vector<16xi32>, vector<16xi32>], vector<16xf32>,
        %mul3A_541 = arith.constant 16 : i32
        %mul3A_542 = arith.muli %scan3A_65, %mul3A_541 : i32
        %add3A_543 = arith.addi %mul3A_43, %mul3A_542 : i32
        %swap3A_544 = arith.constant 46 : i32
        %swap3A_545 = arith.index_cast %swap3A_544 : i32 to index
        %swap3A_546 = arith.index_cast %add3A_543 : i32 to index
        %swap3A_547 = tpu.vector_load %arg8[%swap3A_545, %swap3A_546] {strides = array<i32>} : memref<64x256xf32, #tpu.memory_space<vmem>>, vector<16xf32>,
        tpu.vector_store %arg8[%swap3A_545, %swap3A_546], %gather3A_540 {strides = array<i32>} : memref<64x256xf32, #tpu.memory_space<vmem>>, vector<16xf32>,
        %broadcast_in_dim3A_548 = arith.constant 47 : i32
        %broadcast_in_dim3A_549 = vector.broadcast %broadcast_in_dim3A_548 : i32 to vector<16xi32>
        %gather3A_550 = tpu.vector_load_idx %arg7[%add3A_46, %add3A_79, %rem3A_75, %broadcast_in_dim3A_549] : memref<3x32x8x64xf32, #tpu.memory_space<vmem>>[vector<16xi32>, vector<16xi32>, vector<16xi32>, vector<16xi32>], vector<16xf32>,
        %mul3A_551 = arith.constant 16 : i32
        %mul3A_552 = arith.muli %scan3A_65, %mul3A_551 : i32
        %add3A_553 = arith.addi %mul3A_43, %mul3A_552 : i32
        %swap3A_554 = arith.constant 47 : i32
        %swap3A_555 = arith.index_cast %swap3A_554 : i32 to index
        %swap3A_556 = arith.index_cast %add3A_553 : i32 to index
        %swap3A_557 = tpu.vector_load %arg8[%swap3A_555, %swap3A_556] {strides = array<i32>} : memref<64x256xf32, #tpu.memory_space<vmem>>, vector<16xf32>,
        tpu.vector_store %arg8[%swap3A_555, %swap3A_556], %gather3A_550 {strides = array<i32>} : memref<64x256xf32, #tpu.memory_space<vmem>>, vector<16xf32>,
        %broadcast_in_dim3A_558 = arith.constant 48 : i32
        %broadcast_in_dim3A_559 = vector.broadcast %broadcast_in_dim3A_558 : i32 to vector<16xi32>
        %gather3A_560 = tpu.vector_load_idx %arg7[%add3A_46, %add3A_79, %rem3A_75, %broadcast_in_dim3A_559] : memref<3x32x8x64xf32, #tpu.memory_space<vmem>>[vector<16xi32>, vector<16xi32>, vector<16xi32>, vector<16xi32>], vector<16xf32>,
        %mul3A_561 = arith.constant 16 : i32
        %mul3A_562 = arith.muli %scan3A_65, %mul3A_561 : i32
        %add3A_563 = arith.addi %mul3A_43, %mul3A_562 : i32
        %swap3A_564 = arith.constant 48 : i32
        %swap3A_565 = arith.index_cast %swap3A_564 : i32 to index
        %swap3A_566 = arith.index_cast %add3A_563 : i32 to index
        %swap3A_567 = tpu.vector_load %arg8[%swap3A_565, %swap3A_566] {strides = array<i32>} : memref<64x256xf32, #tpu.memory_space<vmem>>, vector<16xf32>,
        tpu.vector_store %arg8[%swap3A_565, %swap3A_566], %gather3A_560 {strides = array<i32>} : memref<64x256xf32, #tpu.memory_space<vmem>>, vector<16xf32>,
        %broadcast_in_dim3A_568 = arith.constant 49 : i32
        %broadcast_in_dim3A_569 = vector.broadcast %broadcast_in_dim3A_568 : i32 to vector<16xi32>
        %gather3A_570 = tpu.vector_load_idx %arg7[%add3A_46, %add3A_79, %rem3A_75, %broadcast_in_dim3A_569] : memref<3x32x8x64xf32, #tpu.memory_space<vmem>>[vector<16xi32>, vector<16xi32>, vector<16xi32>, vector<16xi32>], vector<16xf32>,
        %mul3A_571 = arith.constant 16 : i32
        %mul3A_572 = arith.muli %scan3A_65, %mul3A_571 : i32
        %add3A_573 = arith.addi %mul3A_43, %mul3A_572 : i32
        %swap3A_574 = arith.constant 49 : i32
        %swap3A_575 = arith.index_cast %swap3A_574 : i32 to index
        %swap3A_576 = arith.index_cast %add3A_573 : i32 to index
        %swap3A_577 = tpu.vector_load %arg8[%swap3A_575, %swap3A_576] {strides = array<i32>} : memref<64x256xf32, #tpu.memory_space<vmem>>, vector<16xf32>,
        tpu.vector_store %arg8[%swap3A_575, %swap3A_576], %gather3A_570 {strides = array<i32>} : memref<64x256xf32, #tpu.memory_space<vmem>>, vector<16xf32>,
        %broadcast_in_dim3A_578 = arith.constant 50 : i32
        %broadcast_in_dim3A_579 = vector.broadcast %broadcast_in_dim3A_578 : i32 to vector<16xi32>
        %gather3A_580 = tpu.vector_load_idx %arg7[%add3A_46, %add3A_79, %rem3A_75, %broadcast_in_dim3A_579] : memref<3x32x8x64xf32, #tpu.memory_space<vmem>>[vector<16xi32>, vector<16xi32>, vector<16xi32>, vector<16xi32>], vector<16xf32>,
        %mul3A_581 = arith.constant 16 : i32
        %mul3A_582 = arith.muli %scan3A_65, %mul3A_581 : i32
        %add3A_583 = arith.addi %mul3A_43, %mul3A_582 : i32
        %swap3A_584 = arith.constant 50 : i32
        %swap3A_585 = arith.index_cast %swap3A_584 : i32 to index
        %swap3A_586 = arith.index_cast %add3A_583 : i32 to index
        %swap3A_587 = tpu.vector_load %arg8[%swap3A_585, %swap3A_586] {strides = array<i32>} : memref<64x256xf32, #tpu.memory_space<vmem>>, vector<16xf32>,
        tpu.vector_store %arg8[%swap3A_585, %swap3A_586], %gather3A_580 {strides = array<i32>} : memref<64x256xf32, #tpu.memory_space<vmem>>, vector<16xf32>,
        %broadcast_in_dim3A_588 = arith.constant 51 : i32
        %broadcast_in_dim3A_589 = vector.broadcast %broadcast_in_dim3A_588 : i32 to vector<16xi32>
        %gather3A_590 = tpu.vector_load_idx %arg7[%add3A_46, %add3A_79, %rem3A_75, %broadcast_in_dim3A_589] : memref<3x32x8x64xf32, #tpu.memory_space<vmem>>[vector<16xi32>, vector<16xi32>, vector<16xi32>, vector<16xi32>], vector<16xf32>,
        %mul3A_591 = arith.constant 16 : i32
        %mul3A_592 = arith.muli %scan3A_65, %mul3A_591 : i32
        %add3A_593 = arith.addi %mul3A_43, %mul3A_592 : i32
        %swap3A_594 = arith.constant 51 : i32
        %swap3A_595 = arith.index_cast %swap3A_594 : i32 to index
        %swap3A_596 = arith.index_cast %add3A_593 : i32 to index
        %swap3A_597 = tpu.vector_load %arg8[%swap3A_595, %swap3A_596] {strides = array<i32>} : memref<64x256xf32, #tpu.memory_space<vmem>>, vector<16xf32>,
        tpu.vector_store %arg8[%swap3A_595, %swap3A_596], %gather3A_590 {strides = array<i32>} : memref<64x256xf32, #tpu.memory_space<vmem>>, vector<16xf32>,
        %broadcast_in_dim3A_598 = arith.constant 52 : i32
        %broadcast_in_dim3A_599 = vector.broadcast %broadcast_in_dim3A_598 : i32 to vector<16xi32>
        %gather3A_600 = tpu.vector_load_idx %arg7[%add3A_46, %add3A_79, %rem3A_75, %broadcast_in_dim3A_599] : memref<3x32x8x64xf32, #tpu.memory_space<vmem>>[vector<16xi32>, vector<16xi32>, vector<16xi32>, vector<16xi32>], vector<16xf32>,
        %mul3A_601 = arith.constant 16 : i32
        %mul3A_602 = arith.muli %scan3A_65, %mul3A_601 : i32
        %add3A_603 = arith.addi %mul3A_43, %mul3A_602 : i32
        %swap3A_604 = arith.constant 52 : i32
        %swap3A_605 = arith.index_cast %swap3A_604 : i32 to index
        %swap3A_606 = arith.index_cast %add3A_603 : i32 to index
        %swap3A_607 = tpu.vector_load %arg8[%swap3A_605, %swap3A_606] {strides = array<i32>} : memref<64x256xf32, #tpu.memory_space<vmem>>, vector<16xf32>,
        tpu.vector_store %arg8[%swap3A_605, %swap3A_606], %gather3A_600 {strides = array<i32>} : memref<64x256xf32, #tpu.memory_space<vmem>>, vector<16xf32>,
        %broadcast_in_dim3A_608 = arith.constant 53 : i32
        %broadcast_in_dim3A_609 = vector.broadcast %broadcast_in_dim3A_608 : i32 to vector<16xi32>
        %gather3A_610 = tpu.vector_load_idx %arg7[%add3A_46, %add3A_79, %rem3A_75, %broadcast_in_dim3A_609] : memref<3x32x8x64xf32, #tpu.memory_space<vmem>>[vector<16xi32>, vector<16xi32>, vector<16xi32>, vector<16xi32>], vector<16xf32>,
        %mul3A_611 = arith.constant 16 : i32
        %mul3A_612 = arith.muli %scan3A_65, %mul3A_611 : i32
        %add3A_613 = arith.addi %mul3A_43, %mul3A_612 : i32
        %swap3A_614 = arith.constant 53 : i32
        %swap3A_615 = arith.index_cast %swap3A_614 : i32 to index
        %swap3A_616 = arith.index_cast %add3A_613 : i32 to index
        %swap3A_617 = tpu.vector_load %arg8[%swap3A_615, %swap3A_616] {strides = array<i32>} : memref<64x256xf32, #tpu.memory_space<vmem>>, vector<16xf32>,
        tpu.vector_store %arg8[%swap3A_615, %swap3A_616], %gather3A_610 {strides = array<i32>} : memref<64x256xf32, #tpu.memory_space<vmem>>, vector<16xf32>,
        %broadcast_in_dim3A_618 = arith.constant 54 : i32
        %broadcast_in_dim3A_619 = vector.broadcast %broadcast_in_dim3A_618 : i32 to vector<16xi32>
        %gather3A_620 = tpu.vector_load_idx %arg7[%add3A_46, %add3A_79, %rem3A_75, %broadcast_in_dim3A_619] : memref<3x32x8x64xf32, #tpu.memory_space<vmem>>[vector<16xi32>, vector<16xi32>, vector<16xi32>, vector<16xi32>], vector<16xf32>,
        %mul3A_621 = arith.constant 16 : i32
        %mul3A_622 = arith.muli %scan3A_65, %mul3A_621 : i32
        %add3A_623 = arith.addi %mul3A_43, %mul3A_622 : i32
        %swap3A_624 = arith.constant 54 : i32
        %swap3A_625 = arith.index_cast %swap3A_624 : i32 to index
        %swap3A_626 = arith.index_cast %add3A_623 : i32 to index
        %swap3A_627 = tpu.vector_load %arg8[%swap3A_625, %swap3A_626] {strides = array<i32>} : memref<64x256xf32, #tpu.memory_space<vmem>>, vector<16xf32>,
        tpu.vector_store %arg8[%swap3A_625, %swap3A_626], %gather3A_620 {strides = array<i32>} : memref<64x256xf32, #tpu.memory_space<vmem>>, vector<16xf32>,
        %broadcast_in_dim3A_628 = arith.constant 55 : i32
        %broadcast_in_dim3A_629 = vector.broadcast %broadcast_in_dim3A_628 : i32 to vector<16xi32>
        %gather3A_630 = tpu.vector_load_idx %arg7[%add3A_46, %add3A_79, %rem3A_75, %broadcast_in_dim3A_629] : memref<3x32x8x64xf32, #tpu.memory_space<vmem>>[vector<16xi32>, vector<16xi32>, vector<16xi32>, vector<16xi32>], vector<16xf32>,
        %mul3A_631 = arith.constant 16 : i32
        %mul3A_632 = arith.muli %scan3A_65, %mul3A_631 : i32
        %add3A_633 = arith.addi %mul3A_43, %mul3A_632 : i32
        %swap3A_634 = arith.constant 55 : i32
        %swap3A_635 = arith.index_cast %swap3A_634 : i32 to index
        %swap3A_636 = arith.index_cast %add3A_633 : i32 to index
        %swap3A_637 = tpu.vector_load %arg8[%swap3A_635, %swap3A_636] {strides = array<i32>} : memref<64x256xf32, #tpu.memory_space<vmem>>, vector<16xf32>,
        tpu.vector_store %arg8[%swap3A_635, %swap3A_636], %gather3A_630 {strides = array<i32>} : memref<64x256xf32, #tpu.memory_space<vmem>>, vector<16xf32>,
        %broadcast_in_dim3A_638 = arith.constant 56 : i32
        %broadcast_in_dim3A_639 = vector.broadcast %broadcast_in_dim3A_638 : i32 to vector<16xi32>
        %gather3A_640 = tpu.vector_load_idx %arg7[%add3A_46, %add3A_79, %rem3A_75, %broadcast_in_dim3A_639] : memref<3x32x8x64xf32, #tpu.memory_space<vmem>>[vector<16xi32>, vector<16xi32>, vector<16xi32>, vector<16xi32>], vector<16xf32>,
        %mul3A_641 = arith.constant 16 : i32
        %mul3A_642 = arith.muli %scan3A_65, %mul3A_641 : i32
        %add3A_643 = arith.addi %mul3A_43, %mul3A_642 : i32
        %swap3A_644 = arith.constant 56 : i32
        %swap3A_645 = arith.index_cast %swap3A_644 : i32 to index
        %swap3A_646 = arith.index_cast %add3A_643 : i32 to index
        %swap3A_647 = tpu.vector_load %arg8[%swap3A_645, %swap3A_646] {strides = array<i32>} : memref<64x256xf32, #tpu.memory_space<vmem>>, vector<16xf32>,
        tpu.vector_store %arg8[%swap3A_645, %swap3A_646], %gather3A_640 {strides = array<i32>} : memref<64x256xf32, #tpu.memory_space<vmem>>, vector<16xf32>,
        %broadcast_in_dim3A_648 = arith.constant 57 : i32
        %broadcast_in_dim3A_649 = vector.broadcast %broadcast_in_dim3A_648 : i32 to vector<16xi32>
        %gather3A_650 = tpu.vector_load_idx %arg7[%add3A_46, %add3A_79, %rem3A_75, %broadcast_in_dim3A_649] : memref<3x32x8x64xf32, #tpu.memory_space<vmem>>[vector<16xi32>, vector<16xi32>, vector<16xi32>, vector<16xi32>], vector<16xf32>,
        %mul3A_651 = arith.constant 16 : i32
        %mul3A_652 = arith.muli %scan3A_65, %mul3A_651 : i32
        %add3A_653 = arith.addi %mul3A_43, %mul3A_652 : i32
        %swap3A_654 = arith.constant 57 : i32
        %swap3A_655 = arith.index_cast %swap3A_654 : i32 to index
        %swap3A_656 = arith.index_cast %add3A_653 : i32 to index
        %swap3A_657 = tpu.vector_load %arg8[%swap3A_655, %swap3A_656] {strides = array<i32>} : memref<64x256xf32, #tpu.memory_space<vmem>>, vector<16xf32>,
        tpu.vector_store %arg8[%swap3A_655, %swap3A_656], %gather3A_650 {strides = array<i32>} : memref<64x256xf32, #tpu.memory_space<vmem>>, vector<16xf32>,
        %broadcast_in_dim3A_658 = arith.constant 58 : i32
        %broadcast_in_dim3A_659 = vector.broadcast %broadcast_in_dim3A_658 : i32 to vector<16xi32>
        %gather3A_660 = tpu.vector_load_idx %arg7[%add3A_46, %add3A_79, %rem3A_75, %broadcast_in_dim3A_659] : memref<3x32x8x64xf32, #tpu.memory_space<vmem>>[vector<16xi32>, vector<16xi32>, vector<16xi32>, vector<16xi32>], vector<16xf32>,
        %mul3A_661 = arith.constant 16 : i32
        %mul3A_662 = arith.muli %scan3A_65, %mul3A_661 : i32
        %add3A_663 = arith.addi %mul3A_43, %mul3A_662 : i32
        %swap3A_664 = arith.constant 58 : i32
        %swap3A_665 = arith.index_cast %swap3A_664 : i32 to index
        %swap3A_666 = arith.index_cast %add3A_663 : i32 to index
        %swap3A_667 = tpu.vector_load %arg8[%swap3A_665, %swap3A_666] {strides = array<i32>} : memref<64x256xf32, #tpu.memory_space<vmem>>, vector<16xf32>,
        tpu.vector_store %arg8[%swap3A_665, %swap3A_666], %gather3A_660 {strides = array<i32>} : memref<64x256xf32, #tpu.memory_space<vmem>>, vector<16xf32>,
        %broadcast_in_dim3A_668 = arith.constant 59 : i32
        %broadcast_in_dim3A_669 = vector.broadcast %broadcast_in_dim3A_668 : i32 to vector<16xi32>
        %gather3A_670 = tpu.vector_load_idx %arg7[%add3A_46, %add3A_79, %rem3A_75, %broadcast_in_dim3A_669] : memref<3x32x8x64xf32, #tpu.memory_space<vmem>>[vector<16xi32>, vector<16xi32>, vector<16xi32>, vector<16xi32>], vector<16xf32>,
        %mul3A_671 = arith.constant 16 : i32
        %mul3A_672 = arith.muli %scan3A_65, %mul3A_671 : i32
        %add3A_673 = arith.addi %mul3A_43, %mul3A_672 : i32
        %swap3A_674 = arith.constant 59 : i32
        %swap3A_675 = arith.index_cast %swap3A_674 : i32 to index
        %swap3A_676 = arith.index_cast %add3A_673 : i32 to index
        %swap3A_677 = tpu.vector_load %arg8[%swap3A_675, %swap3A_676] {strides = array<i32>} : memref<64x256xf32, #tpu.memory_space<vmem>>, vector<16xf32>,
        tpu.vector_store %arg8[%swap3A_675, %swap3A_676], %gather3A_670 {strides = array<i32>} : memref<64x256xf32, #tpu.memory_space<vmem>>, vector<16xf32>,
        %broadcast_in_dim3A_678 = arith.constant 60 : i32
        %broadcast_in_dim3A_679 = vector.broadcast %broadcast_in_dim3A_678 : i32 to vector<16xi32>
        %gather3A_680 = tpu.vector_load_idx %arg7[%add3A_46, %add3A_79, %rem3A_75, %broadcast_in_dim3A_679] : memref<3x32x8x64xf32, #tpu.memory_space<vmem>>[vector<16xi32>, vector<16xi32>, vector<16xi32>, vector<16xi32>], vector<16xf32>,
        %mul3A_681 = arith.constant 16 : i32
        %mul3A_682 = arith.muli %scan3A_65, %mul3A_681 : i32
        %add3A_683 = arith.addi %mul3A_43, %mul3A_682 : i32
        %swap3A_684 = arith.constant 60 : i32
        %swap3A_685 = arith.index_cast %swap3A_684 : i32 to index
        %swap3A_686 = arith.index_cast %add3A_683 : i32 to index
        %swap3A_687 = tpu.vector_load %arg8[%swap3A_685, %swap3A_686] {strides = array<i32>} : memref<64x256xf32, #tpu.memory_space<vmem>>, vector<16xf32>,
        tpu.vector_store %arg8[%swap3A_685, %swap3A_686], %gather3A_680 {strides = array<i32>} : memref<64x256xf32, #tpu.memory_space<vmem>>, vector<16xf32>,
        %broadcast_in_dim3A_688 = arith.constant 61 : i32
        %broadcast_in_dim3A_689 = vector.broadcast %broadcast_in_dim3A_688 : i32 to vector<16xi32>
        %gather3A_690 = tpu.vector_load_idx %arg7[%add3A_46, %add3A_79, %rem3A_75, %broadcast_in_dim3A_689] : memref<3x32x8x64xf32, #tpu.memory_space<vmem>>[vector<16xi32>, vector<16xi32>, vector<16xi32>, vector<16xi32>], vector<16xf32>,
        %mul3A_691 = arith.constant 16 : i32
        %mul3A_692 = arith.muli %scan3A_65, %mul3A_691 : i32
        %add3A_693 = arith.addi %mul3A_43, %mul3A_692 : i32
        %swap3A_694 = arith.constant 61 : i32
        %swap3A_695 = arith.index_cast %swap3A_694 : i32 to index
        %swap3A_696 = arith.index_cast %add3A_693 : i32 to index
        %swap3A_697 = tpu.vector_load %arg8[%swap3A_695, %swap3A_696] {strides = array<i32>} : memref<64x256xf32, #tpu.memory_space<vmem>>, vector<16xf32>,
        tpu.vector_store %arg8[%swap3A_695, %swap3A_696], %gather3A_690 {strides = array<i32>} : memref<64x256xf32, #tpu.memory_space<vmem>>, vector<16xf32>,
        %broadcast_in_dim3A_698 = arith.constant 62 : i32
        %broadcast_in_dim3A_699 = vector.broadcast %broadcast_in_dim3A_698 : i32 to vector<16xi32>
        %gather3A_700 = tpu.vector_load_idx %arg7[%add3A_46, %add3A_79, %rem3A_75, %broadcast_in_dim3A_699] : memref<3x32x8x64xf32, #tpu.memory_space<vmem>>[vector<16xi32>, vector<16xi32>, vector<16xi32>, vector<16xi32>], vector<16xf32>,
        %mul3A_701 = arith.constant 16 : i32
        %mul3A_702 = arith.muli %scan3A_65, %mul3A_701 : i32
        %add3A_703 = arith.addi %mul3A_43, %mul3A_702 : i32
        %swap3A_704 = arith.constant 62 : i32
        %swap3A_705 = arith.index_cast %swap3A_704 : i32 to index
        %swap3A_706 = arith.index_cast %add3A_703 : i32 to index
        %swap3A_707 = tpu.vector_load %arg8[%swap3A_705, %swap3A_706] {strides = array<i32>} : memref<64x256xf32, #tpu.memory_space<vmem>>, vector<16xf32>,
        tpu.vector_store %arg8[%swap3A_705, %swap3A_706], %gather3A_700 {strides = array<i32>} : memref<64x256xf32, #tpu.memory_space<vmem>>, vector<16xf32>,
        %broadcast_in_dim3A_708 = arith.constant 63 : i32
        %broadcast_in_dim3A_709 = vector.broadcast %broadcast_in_dim3A_708 : i32 to vector<16xi32>
        %gather3A_710 = tpu.vector_load_idx %arg7[%add3A_46, %add3A_79, %rem3A_75, %broadcast_in_dim3A_709] : memref<3x32x8x64xf32, #tpu.memory_space<vmem>>[vector<16xi32>, vector<16xi32>, vector<16xi32>, vector<16xi32>], vector<16xf32>,
        %mul3A_711 = arith.constant 16 : i32
        %mul3A_712 = arith.muli %scan3A_65, %mul3A_711 : i32
        %add3A_713 = arith.addi %mul3A_43, %mul3A_712 : i32
        %swap3A_714 = arith.constant 63 : i32
        %swap3A_715 = arith.index_cast %swap3A_714 : i32 to index
        %swap3A_716 = arith.index_cast %add3A_713 : i32 to index
        %swap3A_717 = tpu.vector_load %arg8[%swap3A_715, %swap3A_716] {strides = array<i32>} : memref<64x256xf32, #tpu.memory_space<vmem>>, vector<16xf32>,
        tpu.vector_store %arg8[%swap3A_715, %swap3A_716], %gather3A_710 {strides = array<i32>} : memref<64x256xf32, #tpu.memory_space<vmem>>, vector<16xf32>,
        %scan3A_718 = arith.constant 0 : i32
        scf.yield %scan3A_718 : i32
      }
      %scan3A_53 = arith.constant 2 : i32
      %add3A_54 = arith.constant 3 : i32
      %add3A_55 = arith.addi %scan3A_16, %add3A_54 : i32
      %lt3A = arith.constant 104 : i32
      %lt3A_56 = arith.cmpi slt, %add3A_55, %lt3A : i32
      %convert_element_type3A = arith.extui %lt3A_56 : i1 to i32
      %cond3A = arith.constant 0 : i32
      %cond3A_57 = arith.cmpi ne, %convert_element_type3A, %cond3A : i32
      scf.if %cond3A_57 {
        %add3A_65 = arith.constant 3 : i32
        %add3A_66 = arith.addi %scan3A_16, %add3A_65 : i32
        %mul3A_67 = arith.constant 32 : i32
        %mul3A_68 = arith.muli %add3A_66, %mul3A_67 : i32
        %add3A_69 = arith.addi %mul3A_2, %mul3A_68 : i32
        %jit3A = arith.constant 4096 : i32
        %div3A = arith.divsi %add3A_69, %jit3A : i32
        %sign3A = arith.constant 0 : i32
        %sign3A_70 = arith.cmpi sgt, %add3A_69, %sign3A : i32
        %sign3A_71 = arith.extui %sign3A_70 : i1 to i32
        %sign3A_72 = arith.constant 0 : i32
        %sign3A_73 = arith.cmpi slt, %add3A_69, %sign3A_72 : i32
        %sign3A_74 = arith.extui %sign3A_73 : i1 to i32
        %sign3A_75 = arith.subi %sign3A_71, %sign3A_74 : i32
        %sign3A_76 = arith.constant 0 : i32
        %sign3A_77 = arith.cmpi sgt, %jit3A, %sign3A_76 : i32
        %sign3A_78 = arith.extui %sign3A_77 : i1 to i32
        %sign3A_79 = arith.constant 0 : i32
        %sign3A_80 = arith.cmpi slt, %jit3A, %sign3A_79 : i32
        %sign3A_81 = arith.extui %sign3A_80 : i1 to i32
        %sign3A_82 = arith.subi %sign3A_78, %sign3A_81 : i32
        %ne3A = arith.cmpi ne, %sign3A_75, %sign3A_82 : i32
        %rem3A_83 = arith.remsi %add3A_69, %jit3A : i32
        %ne3A_84 = arith.constant 0 : i32
        %ne3A_85 = arith.cmpi ne, %rem3A_83, %ne3A_84 : i32
        %and3A = arith.andi %ne3A, %ne3A_85 : i1
        %sub3A = arith.constant 1 : i32
        %sub3A_86 = arith.subi %div3A, %sub3A : i32
        %select_n3A = arith.select %and3A, %sub3A_86, %div3A : i32
        %add3A_87 = arith.constant 1 : i32
        %add3A_88 = arith.addi %select_n3A, %add3A_87 : i32
        %mul3A_89 = arith.constant 1000003 : i32
        %mul3A_90 = arith.muli %add3A_88, %mul3A_89 : i32
        %rem3A_91 = arith.constant 3 : i32
        %rem3A_92 = arith.remsi %add3A_66, %rem3A_91 : i32
        %scan3A_93 = arith.constant 0 : i32
        %scan3A_94 = arith.constant 0 : i32
        %mul3A_95 = arith.constant 32 : i32
        %mul3A_96 = arith.muli %add3A_66, %mul3A_95 : i32
        %mul3A_97 = arith.constant 16 : i32
        %mul3A_98 = arith.muli %scan3A_94, %mul3A_97 : i32
        %add3A_99 = arith.addi %mul3A_96, %mul3A_98 : i32
        %get3A = arith.index_cast %add3A_99 : i32 to index
        %get3A_100 = tpu.vector_load %arg5[%get3A] {strides = array<i32>} : memref<3328xi32, #tpu.memory_space<vmem>>, vector<16xi32>,
        %add3A_101 = vector.broadcast %mul3A_90 : i32 to vector<16xi32>
        %add3A_102 = arith.addi %get3A_100, %add3A_101 : vector<16xi32>
        %jit3A_103 = arith.constant 1000000 : i32
        %eq3A_104 = arith.constant 0 : i32
        %eq3A_105 = arith.cmpi eq, %jit3A_103, %eq3A_104 : i32
        %jit3A_106 = arith.constant 1 : i32
        %select_n3A_107 = arith.select %eq3A_105, %jit3A_106, %jit3A_103 : i32
        %rem3A_108 = vector.broadcast %select_n3A_107 : i32 to vector<16xi32>
        %rem3A_109 = arith.remsi %add3A_102, %rem3A_108 : vector<16xi32>
        %ne3A_110 = arith.constant 0 : i32
        %ne3A_111 = vector.broadcast %ne3A_110 : i32 to vector<16xi32>
        %ne3A_112 = arith.cmpi ne, %rem3A_109, %ne3A_111 : vector<16xi32>
        %lt3A_113 = arith.constant 0 : i32
        %lt3A_114 = vector.broadcast %lt3A_113 : i32 to vector<16xi32>
        %lt3A_115 = arith.cmpi slt, %rem3A_109, %lt3A_114 : vector<16xi32>
        %lt3A_116 = arith.constant 0 : i32
        %lt3A_117 = arith.cmpi slt, %select_n3A_107, %lt3A_116 : i32
        %ne3A_118 = vector.broadcast %lt3A_117 : i1 to vector<16xi1>
        %ne3A_119 = vector.broadcast %ne3A_118 : vector<16xi1> to vector<16xi1>
        %ne3A_120 = arith.xori %lt3A_115, %ne3A_119 : vector<16xi1>
        %and3A_121 = arith.andi %ne3A_120, %ne3A_112 : vector<16xi1>
        %add3A_122 = vector.broadcast %select_n3A_107 : i32 to vector<16xi32>
        %add3A_123 = arith.addi %rem3A_109, %add3A_122 : vector<16xi32>
        %select_n3A_124 = arith.select %and3A_121, %add3A_123, %rem3A_109 : vector<16xi1>, vector<16xi32>
        %mul3A_125 = arith.constant 32 : i32
        %mul3A_126 = arith.muli %add3A_66, %mul3A_125 : i32
        %mul3A_127 = arith.constant 16 : i32
        %mul3A_128 = arith.muli %scan3A_94, %mul3A_127 : i32
        %add3A_129 = arith.addi %mul3A_126, %mul3A_128 : i32
        %swap3A = arith.index_cast %add3A_129 : i32 to index
        %swap3A_130 = tpu.vector_load %arg6[%swap3A] {strides = array<i32>} : memref<3328xi32, #tpu.memory_space<vmem>>, vector<16xi32>,
        tpu.vector_store %arg6[%swap3A], %select_n3A_124 {strides = array<i32>} : memref<3328xi32, #tpu.memory_space<vmem>>, vector<16xi32>,
        %slice3A = vector.extract_strided_slice %select_n3A_124 {offsets = [0], sizes = [1], strides = [1]} : vector<16xi32> to vector<1xi32>
        %squeeze3A = vector.extract %slice3A[0] : i32 from vector<1xi32>
        %jit3A_131 = arith.constant 8 : i32
        %div3A_132 = arith.divsi %squeeze3A, %jit3A_131 : i32
        %sign3A_133 = arith.constant 0 : i32
        %sign3A_134 = arith.cmpi sgt, %squeeze3A, %sign3A_133 : i32
        %sign3A_135 = arith.extui %sign3A_134 : i1 to i32
        %sign3A_136 = arith.constant 0 : i32
        %sign3A_137 = arith.cmpi slt, %squeeze3A, %sign3A_136 : i32
        %sign3A_138 = arith.extui %sign3A_137 : i1 to i32
        %sign3A_139 = arith.subi %sign3A_135, %sign3A_138 : i32
        %sign3A_140 = arith.constant 0 : i32
        %sign3A_141 = arith.cmpi sgt, %jit3A_131, %sign3A_140 : i32
        %sign3A_142 = arith.extui %sign3A_141 : i1 to i32
        %sign3A_143 = arith.constant 0 : i32
        %sign3A_144 = arith.cmpi slt, %jit3A_131, %sign3A_143 : i32
        %sign3A_145 = arith.extui %sign3A_144 : i1 to i32
        %sign3A_146 = arith.subi %sign3A_142, %sign3A_145 : i32
        %ne3A_147 = arith.cmpi ne, %sign3A_139, %sign3A_146 : i32
        %rem3A_148 = arith.remsi %squeeze3A, %jit3A_131 : i32
        %ne3A_149 = arith.constant 0 : i32
        %ne3A_150 = arith.cmpi ne, %rem3A_148, %ne3A_149 : i32
        %and3A_151 = arith.andi %ne3A_147, %ne3A_150 : i1
        %sub3A_152 = arith.constant 1 : i32
        %sub3A_153 = arith.subi %div3A_132, %sub3A_152 : i32
        %select_n3A_154 = arith.select %and3A_151, %sub3A_153, %div3A_132 : i32
        %mul3A_155 = arith.constant 16 : i32
        %mul3A_156 = arith.muli %scan3A_94, %mul3A_155 : i32
        %add3A_157 = arith.constant 0 : i32
        %add3A_158 = arith.addi %mul3A_156, %add3A_157 : i32
        %dma_start3A = arith.constant 0 : i32
        %dma_start3A_159 = arith.constant 0 : i32
        %dma_start3A_160 = arith.constant 0 : i32
        %dma_start3A_161 = tpu.memref_slice %arg7[%rem3A_92, %dma_start3A, %dma_start3A_159, %dma_start3A_160] : memref<3x32x8x64xf32, #tpu.memory_space<vmem>> -> memref<1x32x8x64xf32, #tpu.memory_space<vmem>>
        %dma_start3A_162 = tpu.memref_squeeze %dma_start3A_161 : memref<1x32x8x64xf32, #tpu.memory_space<vmem>> -> memref<32x8x64xf32, #tpu.memory_space<vmem>>
        %dma_start3A_163 = arith.constant 0 : i32
        %dma_start3A_164 = arith.constant 0 : i32
        %dma_start3A_165 = tpu.memref_slice %dma_start3A_162[%add3A_158, %dma_start3A_163, %dma_start3A_164] : memref<32x8x64xf32, #tpu.memory_space<vmem>> -> memref<1x8x64xf32, #tpu.memory_space<vmem>>
        %dma_start3A_166 = arith.constant 0 : i32
        %dma_start3A_167 = arith.constant 0 : i32
        %dma_start3A_168 = tpu.memref_slice %arg3[%select_n3A_154, %dma_start3A_166, %dma_start3A_167] : memref<125000x8x64xf32, #tpu.memory_space<hbm>> -> memref<1x8x64xf32, #tpu.memory_space<hbm>>
        %dma_start3A_169 = tpu.memref_slice %arg9[%rem3A_92] : memref<3x!tpu.dma_semaphore, #tpu.memory_space<semaphore_mem>> -> memref<1x!tpu.dma_semaphore, #tpu.memory_space<semaphore_mem>>
        %dma_start3A_170 = tpu.memref_squeeze %dma_start3A_169 : memref<1x!tpu.dma_semaphore, #tpu.memory_space<semaphore_mem>> -> memref<!tpu.dma_semaphore, #tpu.memory_space<semaphore_mem>>
        %dma_start3A_171 = arith.constant 0 : i32
        %dma_start3A_172 = arith.constant 0 : i32
        %dma_start3A_173 = arith.constant 0 : i32
        %dma_start3A_174 = tpu.memref_slice %arg7[%rem3A_92, %dma_start3A_171, %dma_start3A_172, %dma_start3A_173] : memref<3x32x8x64xf32, #tpu.memory_space<vmem>> -> memref<1x32x8x64xf32, #tpu.memory_space<vmem>>
        %dma_start3A_175 = tpu.memref_squeeze %dma_start3A_174 : memref<1x32x8x64xf32, #tpu.memory_space<vmem>> -> memref<32x8x64xf32, #tpu.memory_space<vmem>>
        %dma_start3A_176 = arith.constant 0 : i32
        %dma_start3A_177 = arith.constant 0 : i32
        %dma_start3A_178 = tpu.memref_slice %dma_start3A_175[%add3A_158, %dma_start3A_176, %dma_start3A_177] : memref<32x8x64xf32, #tpu.memory_space<vmem>> -> memref<1x8x64xf32, #tpu.memory_space<vmem>>
        %dma_start3A_179 = arith.constant 0 : i32
        %dma_start3A_180 = arith.constant 0 : i32
        %dma_start3A_181 = tpu.memref_slice %arg3[%select_n3A_154, %dma_start3A_179, %dma_start3A_180] : memref<125000x8x64xf32, #tpu.memory_space<hbm>> -> memref<1x8x64xf32, #tpu.memory_space<hbm>>
        tpu.enqueue_dma source(%dma_start3A_181 : memref<1x8x64xf32, #tpu.memory_space<hbm>>) target(%dma_start3A_178 : memref<1x8x64xf32, #tpu.memory_space<vmem>>) target_semaphore(%dma_start3A_170 : memref<!tpu.dma_semaphore, #tpu.memory_space<semaphore_mem>>)
        %slice3A_182 = vector.extract_strided_slice %select_n3A_124 {offsets = [1], sizes = [1], strides = [1]} : vector<16xi32> to vector<1xi32>
        %squeeze3A_183 = vector.extract %slice3A_182[0] : i32 from vector<1xi32>
        %jit3A_184 = arith.constant 8 : i32
        %div3A_185 = arith.divsi %squeeze3A_183, %jit3A_184 : i32
        %sign3A_186 = arith.constant 0 : i32
        %sign3A_187 = arith.cmpi sgt, %squeeze3A_183, %sign3A_186 : i32
        %sign3A_188 = arith.extui %sign3A_187 : i1 to i32
        %sign3A_189 = arith.constant 0 : i32
        %sign3A_190 = arith.cmpi slt, %squeeze3A_183, %sign3A_189 : i32
        %sign3A_191 = arith.extui %sign3A_190 : i1 to i32
        %sign3A_192 = arith.subi %sign3A_188, %sign3A_191 : i32
        %sign3A_193 = arith.constant 0 : i32
        %sign3A_194 = arith.cmpi sgt, %jit3A_184, %sign3A_193 : i32
        %sign3A_195 = arith.extui %sign3A_194 : i1 to i32
        %sign3A_196 = arith.constant 0 : i32
        %sign3A_197 = arith.cmpi slt, %jit3A_184, %sign3A_196 : i32
        %sign3A_198 = arith.extui %sign3A_197 : i1 to i32
        %sign3A_199 = arith.subi %sign3A_195, %sign3A_198 : i32
        %ne3A_200 = arith.cmpi ne, %sign3A_192, %sign3A_199 : i32
        %rem3A_201 = arith.remsi %squeeze3A_183, %jit3A_184 : i32
        %ne3A_202 = arith.constant 0 : i32
        %ne3A_203 = arith.cmpi ne, %rem3A_201, %ne3A_202 : i32
        %and3A_204 = arith.andi %ne3A_200, %ne3A_203 : i1
        %sub3A_205 = arith.constant 1 : i32
        %sub3A_206 = arith.subi %div3A_185, %sub3A_205 : i32
        %select_n3A_207 = arith.select %and3A_204, %sub3A_206, %div3A_185 : i32
        %mul3A_208 = arith.constant 16 : i32
        %mul3A_209 = arith.muli %scan3A_94, %mul3A_208 : i32
        %add3A_210 = arith.constant 1 : i32
        %add3A_211 = arith.addi %mul3A_209, %add3A_210 : i32
        %dma_start3A_212 = arith.constant 0 : i32
        %dma_start3A_213 = arith.constant 0 : i32
        %dma_start3A_214 = arith.constant 0 : i32
        %dma_start3A_215 = tpu.memref_slice %arg7[%rem3A_92, %dma_start3A_212, %dma_start3A_213, %dma_start3A_214] : memref<3x32x8x64xf32, #tpu.memory_space<vmem>> -> memref<1x32x8x64xf32, #tpu.memory_space<vmem>>
        %dma_start3A_216 = tpu.memref_squeeze %dma_start3A_215 : memref<1x32x8x64xf32, #tpu.memory_space<vmem>> -> memref<32x8x64xf32, #tpu.memory_space<vmem>>
        %dma_start3A_217 = arith.constant 0 : i32
        %dma_start3A_218 = arith.constant 0 : i32
        %dma_start3A_219 = tpu.memref_slice %dma_start3A_216[%add3A_211, %dma_start3A_217, %dma_start3A_218] : memref<32x8x64xf32, #tpu.memory_space<vmem>> -> memref<1x8x64xf32, #tpu.memory_space<vmem>>
        %dma_start3A_220 = arith.constant 0 : i32
        %dma_start3A_221 = arith.constant 0 : i32
        %dma_start3A_222 = tpu.memref_slice %arg3[%select_n3A_207, %dma_start3A_220, %dma_start3A_221] : memref<125000x8x64xf32, #tpu.memory_space<hbm>> -> memref<1x8x64xf32, #tpu.memory_space<hbm>>
        %dma_start3A_223 = tpu.memref_slice %arg9[%rem3A_92] : memref<3x!tpu.dma_semaphore, #tpu.memory_space<semaphore_mem>> -> memref<1x!tpu.dma_semaphore, #tpu.memory_space<semaphore_mem>>
        %dma_start3A_224 = tpu.memref_squeeze %dma_start3A_223 : memref<1x!tpu.dma_semaphore, #tpu.memory_space<semaphore_mem>> -> memref<!tpu.dma_semaphore, #tpu.memory_space<semaphore_mem>>
        %dma_start3A_225 = arith.constant 0 : i32
        %dma_start3A_226 = arith.constant 0 : i32
        %dma_start3A_227 = arith.constant 0 : i32
        %dma_start3A_228 = tpu.memref_slice %arg7[%rem3A_92, %dma_start3A_225, %dma_start3A_226, %dma_start3A_227] : memref<3x32x8x64xf32, #tpu.memory_space<vmem>> -> memref<1x32x8x64xf32, #tpu.memory_space<vmem>>
        %dma_start3A_229 = tpu.memref_squeeze %dma_start3A_228 : memref<1x32x8x64xf32, #tpu.memory_space<vmem>> -> memref<32x8x64xf32, #tpu.memory_space<vmem>>
        %dma_start3A_230 = arith.constant 0 : i32
        %dma_start3A_231 = arith.constant 0 : i32
        %dma_start3A_232 = tpu.memref_slice %dma_start3A_229[%add3A_211, %dma_start3A_230, %dma_start3A_231] : memref<32x8x64xf32, #tpu.memory_space<vmem>> -> memref<1x8x64xf32, #tpu.memory_space<vmem>>
        %dma_start3A_233 = arith.constant 0 : i32
        %dma_start3A_234 = arith.constant 0 : i32
        %dma_start3A_235 = tpu.memref_slice %arg3[%select_n3A_207, %dma_start3A_233, %dma_start3A_234] : memref<125000x8x64xf32, #tpu.memory_space<hbm>> -> memref<1x8x64xf32, #tpu.memory_space<hbm>>
        tpu.enqueue_dma source(%dma_start3A_235 : memref<1x8x64xf32, #tpu.memory_space<hbm>>) target(%dma_start3A_232 : memref<1x8x64xf32, #tpu.memory_space<vmem>>) target_semaphore(%dma_start3A_224 : memref<!tpu.dma_semaphore, #tpu.memory_space<semaphore_mem>>)
        %slice3A_236 = vector.extract_strided_slice %select_n3A_124 {offsets = [2], sizes = [1], strides = [1]} : vector<16xi32> to vector<1xi32>
        %squeeze3A_237 = vector.extract %slice3A_236[0] : i32 from vector<1xi32>
        %jit3A_238 = arith.constant 8 : i32
        %div3A_239 = arith.divsi %squeeze3A_237, %jit3A_238 : i32
        %sign3A_240 = arith.constant 0 : i32
        %sign3A_241 = arith.cmpi sgt, %squeeze3A_237, %sign3A_240 : i32
        %sign3A_242 = arith.extui %sign3A_241 : i1 to i32
        %sign3A_243 = arith.constant 0 : i32
        %sign3A_244 = arith.cmpi slt, %squeeze3A_237, %sign3A_243 : i32
        %sign3A_245 = arith.extui %sign3A_244 : i1 to i32
        %sign3A_246 = arith.subi %sign3A_242, %sign3A_245 : i32
        %sign3A_247 = arith.constant 0 : i32
        %sign3A_248 = arith.cmpi sgt, %jit3A_238, %sign3A_247 : i32
        %sign3A_249 = arith.extui %sign3A_248 : i1 to i32
        %sign3A_250 = arith.constant 0 : i32
        %sign3A_251 = arith.cmpi slt, %jit3A_238, %sign3A_250 : i32
        %sign3A_252 = arith.extui %sign3A_251 : i1 to i32
        %sign3A_253 = arith.subi %sign3A_249, %sign3A_252 : i32
        %ne3A_254 = arith.cmpi ne, %sign3A_246, %sign3A_253 : i32
        %rem3A_255 = arith.remsi %squeeze3A_237, %jit3A_238 : i32
        %ne3A_256 = arith.constant 0 : i32
        %ne3A_257 = arith.cmpi ne, %rem3A_255, %ne3A_256 : i32
        %and3A_258 = arith.andi %ne3A_254, %ne3A_257 : i1
        %sub3A_259 = arith.constant 1 : i32
        %sub3A_260 = arith.subi %div3A_239, %sub3A_259 : i32
        %select_n3A_261 = arith.select %and3A_258, %sub3A_260, %div3A_239 : i32
        %mul3A_262 = arith.constant 16 : i32
        %mul3A_263 = arith.muli %scan3A_94, %mul3A_262 : i32
        %add3A_264 = arith.constant 2 : i32
        %add3A_265 = arith.addi %mul3A_263, %add3A_264 : i32
        %dma_start3A_266 = arith.constant 0 : i32
        %dma_start3A_267 = arith.constant 0 : i32
        %dma_start3A_268 = arith.constant 0 : i32
        %dma_start3A_269 = tpu.memref_slice %arg7[%rem3A_92, %dma_start3A_266, %dma_start3A_267, %dma_start3A_268] : memref<3x32x8x64xf32, #tpu.memory_space<vmem>> -> memref<1x32x8x64xf32, #tpu.memory_space<vmem>>
        %dma_start3A_270 = tpu.memref_squeeze %dma_start3A_269 : memref<1x32x8x64xf32, #tpu.memory_space<vmem>> -> memref<32x8x64xf32, #tpu.memory_space<vmem>>
        %dma_start3A_271 = arith.constant 0 : i32
        %dma_start3A_272 = arith.constant 0 : i32
        %dma_start3A_273 = tpu.memref_slice %dma_start3A_270[%add3A_265, %dma_start3A_271, %dma_start3A_272] : memref<32x8x64xf32, #tpu.memory_space<vmem>> -> memref<1x8x64xf32, #tpu.memory_space<vmem>>
        %dma_start3A_274 = arith.constant 0 : i32
        %dma_start3A_275 = arith.constant 0 : i32
        %dma_start3A_276 = tpu.memref_slice %arg3[%select_n3A_261, %dma_start3A_274, %dma_start3A_275] : memref<125000x8x64xf32, #tpu.memory_space<hbm>> -> memref<1x8x64xf32, #tpu.memory_space<hbm>>
        %dma_start3A_277 = tpu.memref_slice %arg9[%rem3A_92] : memref<3x!tpu.dma_semaphore, #tpu.memory_space<semaphore_mem>> -> memref<1x!tpu.dma_semaphore, #tpu.memory_space<semaphore_mem>>
        %dma_start3A_278 = tpu.memref_squeeze %dma_start3A_277 : memref<1x!tpu.dma_semaphore, #tpu.memory_space<semaphore_mem>> -> memref<!tpu.dma_semaphore, #tpu.memory_space<semaphore_mem>>
        %dma_start3A_279 = arith.constant 0 : i32
        %dma_start3A_280 = arith.constant 0 : i32
        %dma_start3A_281 = arith.constant 0 : i32
        %dma_start3A_282 = tpu.memref_slice %arg7[%rem3A_92, %dma_start3A_279, %dma_start3A_280, %dma_start3A_281] : memref<3x32x8x64xf32, #tpu.memory_space<vmem>> -> memref<1x32x8x64xf32, #tpu.memory_space<vmem>>
        %dma_start3A_283 = tpu.memref_squeeze %dma_start3A_282 : memref<1x32x8x64xf32, #tpu.memory_space<vmem>> -> memref<32x8x64xf32, #tpu.memory_space<vmem>>
        %dma_start3A_284 = arith.constant 0 : i32
        %dma_start3A_285 = arith.constant 0 : i32
        %dma_start3A_286 = tpu.memref_slice %dma_start3A_283[%add3A_265, %dma_start3A_284, %dma_start3A_285] : memref<32x8x64xf32, #tpu.memory_space<vmem>> -> memref<1x8x64xf32, #tpu.memory_space<vmem>>
        %dma_start3A_287 = arith.constant 0 : i32
        %dma_start3A_288 = arith.constant 0 : i32
        %dma_start3A_289 = tpu.memref_slice %arg3[%select_n3A_261, %dma_start3A_287, %dma_start3A_288] : memref<125000x8x64xf32, #tpu.memory_space<hbm>> -> memref<1x8x64xf32, #tpu.memory_space<hbm>>
        tpu.enqueue_dma source(%dma_start3A_289 : memref<1x8x64xf32, #tpu.memory_space<hbm>>) target(%dma_start3A_286 : memref<1x8x64xf32, #tpu.memory_space<vmem>>) target_semaphore(%dma_start3A_278 : memref<!tpu.dma_semaphore, #tpu.memory_space<semaphore_mem>>)
        %slice3A_290 = vector.extract_strided_slice %select_n3A_124 {offsets = [3], sizes = [1], strides = [1]} : vector<16xi32> to vector<1xi32>
        %squeeze3A_291 = vector.extract %slice3A_290[0] : i32 from vector<1xi32>
        %jit3A_292 = arith.constant 8 : i32
        %div3A_293 = arith.divsi %squeeze3A_291, %jit3A_292 : i32
        %sign3A_294 = arith.constant 0 : i32
        %sign3A_295 = arith.cmpi sgt, %squeeze3A_291, %sign3A_294 : i32
        %sign3A_296 = arith.extui %sign3A_295 : i1 to i32
        %sign3A_297 = arith.constant 0 : i32
        %sign3A_298 = arith.cmpi slt, %squeeze3A_291, %sign3A_297 : i32
        %sign3A_299 = arith.extui %sign3A_298 : i1 to i32
        %sign3A_300 = arith.subi %sign3A_296, %sign3A_299 : i32
        %sign3A_301 = arith.constant 0 : i32
        %sign3A_302 = arith.cmpi sgt, %jit3A_292, %sign3A_301 : i32
        %sign3A_303 = arith.extui %sign3A_302 : i1 to i32
        %sign3A_304 = arith.constant 0 : i32
        %sign3A_305 = arith.cmpi slt, %jit3A_292, %sign3A_304 : i32
        %sign3A_306 = arith.extui %sign3A_305 : i1 to i32
        %sign3A_307 = arith.subi %sign3A_303, %sign3A_306 : i32
        %ne3A_308 = arith.cmpi ne, %sign3A_300, %sign3A_307 : i32
        %rem3A_309 = arith.remsi %squeeze3A_291, %jit3A_292 : i32
        %ne3A_310 = arith.constant 0 : i32
        %ne3A_311 = arith.cmpi ne, %rem3A_309, %ne3A_310 : i32
        %and3A_312 = arith.andi %ne3A_308, %ne3A_311 : i1
        %sub3A_313 = arith.constant 1 : i32
        %sub3A_314 = arith.subi %div3A_293, %sub3A_313 : i32
        %select_n3A_315 = arith.select %and3A_312, %sub3A_314, %div3A_293 : i32
        %mul3A_316 = arith.constant 16 : i32
        %mul3A_317 = arith.muli %scan3A_94, %mul3A_316 : i32
        %add3A_318 = arith.constant 3 : i32
        %add3A_319 = arith.addi %mul3A_317, %add3A_318 : i32
        %dma_start3A_320 = arith.constant 0 : i32
        %dma_start3A_321 = arith.constant 0 : i32
        %dma_start3A_322 = arith.constant 0 : i32
        %dma_start3A_323 = tpu.memref_slice %arg7[%rem3A_92, %dma_start3A_320, %dma_start3A_321, %dma_start3A_322] : memref<3x32x8x64xf32, #tpu.memory_space<vmem>> -> memref<1x32x8x64xf32, #tpu.memory_space<vmem>>
        %dma_start3A_324 = tpu.memref_squeeze %dma_start3A_323 : memref<1x32x8x64xf32, #tpu.memory_space<vmem>> -> memref<32x8x64xf32, #tpu.memory_space<vmem>>
        %dma_start3A_325 = arith.constant 0 : i32
        %dma_start3A_326 = arith.constant 0 : i32
        %dma_start3A_327 = tpu.memref_slice %dma_start3A_324[%add3A_319, %dma_start3A_325, %dma_start3A_326] : memref<32x8x64xf32, #tpu.memory_space<vmem>> -> memref<1x8x64xf32, #tpu.memory_space<vmem>>
        %dma_start3A_328 = arith.constant 0 : i32
        %dma_start3A_329 = arith.constant 0 : i32
        %dma_start3A_330 = tpu.memref_slice %arg3[%select_n3A_315, %dma_start3A_328, %dma_start3A_329] : memref<125000x8x64xf32, #tpu.memory_space<hbm>> -> memref<1x8x64xf32, #tpu.memory_space<hbm>>
        %dma_start3A_331 = tpu.memref_slice %arg9[%rem3A_92] : memref<3x!tpu.dma_semaphore, #tpu.memory_space<semaphore_mem>> -> memref<1x!tpu.dma_semaphore, #tpu.memory_space<semaphore_mem>>
        %dma_start3A_332 = tpu.memref_squeeze %dma_start3A_331 : memref<1x!tpu.dma_semaphore, #tpu.memory_space<semaphore_mem>> -> memref<!tpu.dma_semaphore, #tpu.memory_space<semaphore_mem>>
        %dma_start3A_333 = arith.constant 0 : i32
        %dma_start3A_334 = arith.constant 0 : i32
        %dma_start3A_335 = arith.constant 0 : i32
        %dma_start3A_336 = tpu.memref_slice %arg7[%rem3A_92, %dma_start3A_333, %dma_start3A_334, %dma_start3A_335] : memref<3x32x8x64xf32, #tpu.memory_space<vmem>> -> memref<1x32x8x64xf32, #tpu.memory_space<vmem>>
        %dma_start3A_337 = tpu.memref_squeeze %dma_start3A_336 : memref<1x32x8x64xf32, #tpu.memory_space<vmem>> -> memref<32x8x64xf32, #tpu.memory_space<vmem>>
        %dma_start3A_338 = arith.constant 0 : i32
        %dma_start3A_339 = arith.constant 0 : i32
        %dma_start3A_340 = tpu.memref_slice %dma_start3A_337[%add3A_319, %dma_start3A_338, %dma_start3A_339] : memref<32x8x64xf32, #tpu.memory_space<vmem>> -> memref<1x8x64xf32, #tpu.memory_space<vmem>>
        %dma_start3A_341 = arith.constant 0 : i32
        %dma_start3A_342 = arith.constant 0 : i32
        %dma_start3A_343 = tpu.memref_slice %arg3[%select_n3A_315, %dma_start3A_341, %dma_start3A_342] : memref<125000x8x64xf32, #tpu.memory_space<hbm>> -> memref<1x8x64xf32, #tpu.memory_space<hbm>>
        tpu.enqueue_dma source(%dma_start3A_343 : memref<1x8x64xf32, #tpu.memory_space<hbm>>) target(%dma_start3A_340 : memref<1x8x64xf32, #tpu.memory_space<vmem>>) target_semaphore(%dma_start3A_332 : memref<!tpu.dma_semaphore, #tpu.memory_space<semaphore_mem>>)
        %slice3A_344 = vector.extract_strided_slice %select_n3A_124 {offsets = [4], sizes = [1], strides = [1]} : vector<16xi32> to vector<1xi32>
        %squeeze3A_345 = vector.extract %slice3A_344[0] : i32 from vector<1xi32>
        %jit3A_346 = arith.constant 8 : i32
        %div3A_347 = arith.divsi %squeeze3A_345, %jit3A_346 : i32
        %sign3A_348 = arith.constant 0 : i32
        %sign3A_349 = arith.cmpi sgt, %squeeze3A_345, %sign3A_348 : i32
        %sign3A_350 = arith.extui %sign3A_349 : i1 to i32
        %sign3A_351 = arith.constant 0 : i32
        %sign3A_352 = arith.cmpi slt, %squeeze3A_345, %sign3A_351 : i32
        %sign3A_353 = arith.extui %sign3A_352 : i1 to i32
        %sign3A_354 = arith.subi %sign3A_350, %sign3A_353 : i32
        %sign3A_355 = arith.constant 0 : i32
        %sign3A_356 = arith.cmpi sgt, %jit3A_346, %sign3A_355 : i32
        %sign3A_357 = arith.extui %sign3A_356 : i1 to i32
        %sign3A_358 = arith.constant 0 : i32
        %sign3A_359 = arith.cmpi slt, %jit3A_346, %sign3A_358 : i32
        %sign3A_360 = arith.extui %sign3A_359 : i1 to i32
        %sign3A_361 = arith.subi %sign3A_357, %sign3A_360 : i32
        %ne3A_362 = arith.cmpi ne, %sign3A_354, %sign3A_361 : i32
        %rem3A_363 = arith.remsi %squeeze3A_345, %jit3A_346 : i32
        %ne3A_364 = arith.constant 0 : i32
        %ne3A_365 = arith.cmpi ne, %rem3A_363, %ne3A_364 : i32
        %and3A_366 = arith.andi %ne3A_362, %ne3A_365 : i1
        %sub3A_367 = arith.constant 1 : i32
        %sub3A_368 = arith.subi %div3A_347, %sub3A_367 : i32
        %select_n3A_369 = arith.select %and3A_366, %sub3A_368, %div3A_347 : i32
        %mul3A_370 = arith.constant 16 : i32
        %mul3A_371 = arith.muli %scan3A_94, %mul3A_370 : i32
        %add3A_372 = arith.constant 4 : i32
        %add3A_373 = arith.addi %mul3A_371, %add3A_372 : i32
        %dma_start3A_374 = arith.constant 0 : i32
        %dma_start3A_375 = arith.constant 0 : i32
        %dma_start3A_376 = arith.constant 0 : i32
        %dma_start3A_377 = tpu.memref_slice %arg7[%rem3A_92, %dma_start3A_374, %dma_start3A_375, %dma_start3A_376] : memref<3x32x8x64xf32, #tpu.memory_space<vmem>> -> memref<1x32x8x64xf32, #tpu.memory_space<vmem>>
        %dma_start3A_378 = tpu.memref_squeeze %dma_start3A_377 : memref<1x32x8x64xf32, #tpu.memory_space<vmem>> -> memref<32x8x64xf32, #tpu.memory_space<vmem>>
        %dma_start3A_379 = arith.constant 0 : i32
        %dma_start3A_380 = arith.constant 0 : i32
        %dma_start3A_381 = tpu.memref_slice %dma_start3A_378[%add3A_373, %dma_start3A_379, %dma_start3A_380] : memref<32x8x64xf32, #tpu.memory_space<vmem>> -> memref<1x8x64xf32, #tpu.memory_space<vmem>>
        %dma_start3A_382 = arith.constant 0 : i32
        %dma_start3A_383 = arith.constant 0 : i32
        %dma_start3A_384 = tpu.memref_slice %arg3[%select_n3A_369, %dma_start3A_382, %dma_start3A_383] : memref<125000x8x64xf32, #tpu.memory_space<hbm>> -> memref<1x8x64xf32, #tpu.memory_space<hbm>>
        %dma_start3A_385 = tpu.memref_slice %arg9[%rem3A_92] : memref<3x!tpu.dma_semaphore, #tpu.memory_space<semaphore_mem>> -> memref<1x!tpu.dma_semaphore, #tpu.memory_space<semaphore_mem>>
        %dma_start3A_386 = tpu.memref_squeeze %dma_start3A_385 : memref<1x!tpu.dma_semaphore, #tpu.memory_space<semaphore_mem>> -> memref<!tpu.dma_semaphore, #tpu.memory_space<semaphore_mem>>
        %dma_start3A_387 = arith.constant 0 : i32
        %dma_start3A_388 = arith.constant 0 : i32
        %dma_start3A_389 = arith.constant 0 : i32
        %dma_start3A_390 = tpu.memref_slice %arg7[%rem3A_92, %dma_start3A_387, %dma_start3A_388, %dma_start3A_389] : memref<3x32x8x64xf32, #tpu.memory_space<vmem>> -> memref<1x32x8x64xf32, #tpu.memory_space<vmem>>
        %dma_start3A_391 = tpu.memref_squeeze %dma_start3A_390 : memref<1x32x8x64xf32, #tpu.memory_space<vmem>> -> memref<32x8x64xf32, #tpu.memory_space<vmem>>
        %dma_start3A_392 = arith.constant 0 : i32
        %dma_start3A_393 = arith.constant 0 : i32
        %dma_start3A_394 = tpu.memref_slice %dma_start3A_391[%add3A_373, %dma_start3A_392, %dma_start3A_393] : memref<32x8x64xf32, #tpu.memory_space<vmem>> -> memref<1x8x64xf32, #tpu.memory_space<vmem>>
        %dma_start3A_395 = arith.constant 0 : i32
        %dma_start3A_396 = arith.constant 0 : i32
        %dma_start3A_397 = tpu.memref_slice %arg3[%select_n3A_369, %dma_start3A_395, %dma_start3A_396] : memref<125000x8x64xf32, #tpu.memory_space<hbm>> -> memref<1x8x64xf32, #tpu.memory_space<hbm>>
        tpu.enqueue_dma source(%dma_start3A_397 : memref<1x8x64xf32, #tpu.memory_space<hbm>>) target(%dma_start3A_394 : memref<1x8x64xf32, #tpu.memory_space<vmem>>) target_semaphore(%dma_start3A_386 : memref<!tpu.dma_semaphore, #tpu.memory_space<semaphore_mem>>)
        %slice3A_398 = vector.extract_strided_slice %select_n3A_124 {offsets = [5], sizes = [1], strides = [1]} : vector<16xi32> to vector<1xi32>
        %squeeze3A_399 = vector.extract %slice3A_398[0] : i32 from vector<1xi32>
        %jit3A_400 = arith.constant 8 : i32
        %div3A_401 = arith.divsi %squeeze3A_399, %jit3A_400 : i32
        %sign3A_402 = arith.constant 0 : i32
        %sign3A_403 = arith.cmpi sgt, %squeeze3A_399, %sign3A_402 : i32
        %sign3A_404 = arith.extui %sign3A_403 : i1 to i32
        %sign3A_405 = arith.constant 0 : i32
        %sign3A_406 = arith.cmpi slt, %squeeze3A_399, %sign3A_405 : i32
        %sign3A_407 = arith.extui %sign3A_406 : i1 to i32
        %sign3A_408 = arith.subi %sign3A_404, %sign3A_407 : i32
        %sign3A_409 = arith.constant 0 : i32
        %sign3A_410 = arith.cmpi sgt, %jit3A_400, %sign3A_409 : i32
        %sign3A_411 = arith.extui %sign3A_410 : i1 to i32
        %sign3A_412 = arith.constant 0 : i32
        %sign3A_413 = arith.cmpi slt, %jit3A_400, %sign3A_412 : i32
        %sign3A_414 = arith.extui %sign3A_413 : i1 to i32
        %sign3A_415 = arith.subi %sign3A_411, %sign3A_414 : i32
        %ne3A_416 = arith.cmpi ne, %sign3A_408, %sign3A_415 : i32
        %rem3A_417 = arith.remsi %squeeze3A_399, %jit3A_400 : i32
        %ne3A_418 = arith.constant 0 : i32
        %ne3A_419 = arith.cmpi ne, %rem3A_417, %ne3A_418 : i32
        %and3A_420 = arith.andi %ne3A_416, %ne3A_419 : i1
        %sub3A_421 = arith.constant 1 : i32
        %sub3A_422 = arith.subi %div3A_401, %sub3A_421 : i32
        %select_n3A_423 = arith.select %and3A_420, %sub3A_422, %div3A_401 : i32
        %mul3A_424 = arith.constant 16 : i32
        %mul3A_425 = arith.muli %scan3A_94, %mul3A_424 : i32
        %add3A_426 = arith.constant 5 : i32
        %add3A_427 = arith.addi %mul3A_425, %add3A_426 : i32
        %dma_start3A_428 = arith.constant 0 : i32
        %dma_start3A_429 = arith.constant 0 : i32
        %dma_start3A_430 = arith.constant 0 : i32
        %dma_start3A_431 = tpu.memref_slice %arg7[%rem3A_92, %dma_start3A_428, %dma_start3A_429, %dma_start3A_430] : memref<3x32x8x64xf32, #tpu.memory_space<vmem>> -> memref<1x32x8x64xf32, #tpu.memory_space<vmem>>
        %dma_start3A_432 = tpu.memref_squeeze %dma_start3A_431 : memref<1x32x8x64xf32, #tpu.memory_space<vmem>> -> memref<32x8x64xf32, #tpu.memory_space<vmem>>
        %dma_start3A_433 = arith.constant 0 : i32
        %dma_start3A_434 = arith.constant 0 : i32
        %dma_start3A_435 = tpu.memref_slice %dma_start3A_432[%add3A_427, %dma_start3A_433, %dma_start3A_434] : memref<32x8x64xf32, #tpu.memory_space<vmem>> -> memref<1x8x64xf32, #tpu.memory_space<vmem>>
        %dma_start3A_436 = arith.constant 0 : i32
        %dma_start3A_437 = arith.constant 0 : i32
        %dma_start3A_438 = tpu.memref_slice %arg3[%select_n3A_423, %dma_start3A_436, %dma_start3A_437] : memref<125000x8x64xf32, #tpu.memory_space<hbm>> -> memref<1x8x64xf32, #tpu.memory_space<hbm>>
        %dma_start3A_439 = tpu.memref_slice %arg9[%rem3A_92] : memref<3x!tpu.dma_semaphore, #tpu.memory_space<semaphore_mem>> -> memref<1x!tpu.dma_semaphore, #tpu.memory_space<semaphore_mem>>
        %dma_start3A_440 = tpu.memref_squeeze %dma_start3A_439 : memref<1x!tpu.dma_semaphore, #tpu.memory_space<semaphore_mem>> -> memref<!tpu.dma_semaphore, #tpu.memory_space<semaphore_mem>>
        %dma_start3A_441 = arith.constant 0 : i32
        %dma_start3A_442 = arith.constant 0 : i32
        %dma_start3A_443 = arith.constant 0 : i32
        %dma_start3A_444 = tpu.memref_slice %arg7[%rem3A_92, %dma_start3A_441, %dma_start3A_442, %dma_start3A_443] : memref<3x32x8x64xf32, #tpu.memory_space<vmem>> -> memref<1x32x8x64xf32, #tpu.memory_space<vmem>>
        %dma_start3A_445 = tpu.memref_squeeze %dma_start3A_444 : memref<1x32x8x64xf32, #tpu.memory_space<vmem>> -> memref<32x8x64xf32, #tpu.memory_space<vmem>>
        %dma_start3A_446 = arith.constant 0 : i32
        %dma_start3A_447 = arith.constant 0 : i32
        %dma_start3A_448 = tpu.memref_slice %dma_start3A_445[%add3A_427, %dma_start3A_446, %dma_start3A_447] : memref<32x8x64xf32, #tpu.memory_space<vmem>> -> memref<1x8x64xf32, #tpu.memory_space<vmem>>
        %dma_start3A_449 = arith.constant 0 : i32
        %dma_start3A_450 = arith.constant 0 : i32
        %dma_start3A_451 = tpu.memref_slice %arg3[%select_n3A_423, %dma_start3A_449, %dma_start3A_450] : memref<125000x8x64xf32, #tpu.memory_space<hbm>> -> memref<1x8x64xf32, #tpu.memory_space<hbm>>
        tpu.enqueue_dma source(%dma_start3A_451 : memref<1x8x64xf32, #tpu.memory_space<hbm>>) target(%dma_start3A_448 : memref<1x8x64xf32, #tpu.memory_space<vmem>>) target_semaphore(%dma_start3A_440 : memref<!tpu.dma_semaphore, #tpu.memory_space<semaphore_mem>>)
        %slice3A_452 = vector.extract_strided_slice %select_n3A_124 {offsets = [6], sizes = [1], strides = [1]} : vector<16xi32> to vector<1xi32>
        %squeeze3A_453 = vector.extract %slice3A_452[0] : i32 from vector<1xi32>
        %jit3A_454 = arith.constant 8 : i32
        %div3A_455 = arith.divsi %squeeze3A_453, %jit3A_454 : i32
        %sign3A_456 = arith.constant 0 : i32
        %sign3A_457 = arith.cmpi sgt, %squeeze3A_453, %sign3A_456 : i32
        %sign3A_458 = arith.extui %sign3A_457 : i1 to i32
        %sign3A_459 = arith.constant 0 : i32
        %sign3A_460 = arith.cmpi slt, %squeeze3A_453, %sign3A_459 : i32
        %sign3A_461 = arith.extui %sign3A_460 : i1 to i32
        %sign3A_462 = arith.subi %sign3A_458, %sign3A_461 : i32
        %sign3A_463 = arith.constant 0 : i32
        %sign3A_464 = arith.cmpi sgt, %jit3A_454, %sign3A_463 : i32
        %sign3A_465 = arith.extui %sign3A_464 : i1 to i32
        %sign3A_466 = arith.constant 0 : i32
        %sign3A_467 = arith.cmpi slt, %jit3A_454, %sign3A_466 : i32
        %sign3A_468 = arith.extui %sign3A_467 : i1 to i32
        %sign3A_469 = arith.subi %sign3A_465, %sign3A_468 : i32
        %ne3A_470 = arith.cmpi ne, %sign3A_462, %sign3A_469 : i32
        %rem3A_471 = arith.remsi %squeeze3A_453, %jit3A_454 : i32
        %ne3A_472 = arith.constant 0 : i32
        %ne3A_473 = arith.cmpi ne, %rem3A_471, %ne3A_472 : i32
        %and3A_474 = arith.andi %ne3A_470, %ne3A_473 : i1
        %sub3A_475 = arith.constant 1 : i32
        %sub3A_476 = arith.subi %div3A_455, %sub3A_475 : i32
        %select_n3A_477 = arith.select %and3A_474, %sub3A_476, %div3A_455 : i32
        %mul3A_478 = arith.constant 16 : i32
        %mul3A_479 = arith.muli %scan3A_94, %mul3A_478 : i32
        %add3A_480 = arith.constant 6 : i32
        %add3A_481 = arith.addi %mul3A_479, %add3A_480 : i32
        %dma_start3A_482 = arith.constant 0 : i32
        %dma_start3A_483 = arith.constant 0 : i32
        %dma_start3A_484 = arith.constant 0 : i32
        %dma_start3A_485 = tpu.memref_slice %arg7[%rem3A_92, %dma_start3A_482, %dma_start3A_483, %dma_start3A_484] : memref<3x32x8x64xf32, #tpu.memory_space<vmem>> -> memref<1x32x8x64xf32, #tpu.memory_space<vmem>>
        %dma_start3A_486 = tpu.memref_squeeze %dma_start3A_485 : memref<1x32x8x64xf32, #tpu.memory_space<vmem>> -> memref<32x8x64xf32, #tpu.memory_space<vmem>>
        %dma_start3A_487 = arith.constant 0 : i32
        %dma_start3A_488 = arith.constant 0 : i32
        %dma_start3A_489 = tpu.memref_slice %dma_start3A_486[%add3A_481, %dma_start3A_487, %dma_start3A_488] : memref<32x8x64xf32, #tpu.memory_space<vmem>> -> memref<1x8x64xf32, #tpu.memory_space<vmem>>
        %dma_start3A_490 = arith.constant 0 : i32
        %dma_start3A_491 = arith.constant 0 : i32
        %dma_start3A_492 = tpu.memref_slice %arg3[%select_n3A_477, %dma_start3A_490, %dma_start3A_491] : memref<125000x8x64xf32, #tpu.memory_space<hbm>> -> memref<1x8x64xf32, #tpu.memory_space<hbm>>
        %dma_start3A_493 = tpu.memref_slice %arg9[%rem3A_92] : memref<3x!tpu.dma_semaphore, #tpu.memory_space<semaphore_mem>> -> memref<1x!tpu.dma_semaphore, #tpu.memory_space<semaphore_mem>>
        %dma_start3A_494 = tpu.memref_squeeze %dma_start3A_493 : memref<1x!tpu.dma_semaphore, #tpu.memory_space<semaphore_mem>> -> memref<!tpu.dma_semaphore, #tpu.memory_space<semaphore_mem>>
        %dma_start3A_495 = arith.constant 0 : i32
        %dma_start3A_496 = arith.constant 0 : i32
        %dma_start3A_497 = arith.constant 0 : i32
        %dma_start3A_498 = tpu.memref_slice %arg7[%rem3A_92, %dma_start3A_495, %dma_start3A_496, %dma_start3A_497] : memref<3x32x8x64xf32, #tpu.memory_space<vmem>> -> memref<1x32x8x64xf32, #tpu.memory_space<vmem>>
        %dma_start3A_499 = tpu.memref_squeeze %dma_start3A_498 : memref<1x32x8x64xf32, #tpu.memory_space<vmem>> -> memref<32x8x64xf32, #tpu.memory_space<vmem>>
        %dma_start3A_500 = arith.constant 0 : i32
        %dma_start3A_501 = arith.constant 0 : i32
        %dma_start3A_502 = tpu.memref_slice %dma_start3A_499[%add3A_481, %dma_start3A_500, %dma_start3A_501] : memref<32x8x64xf32, #tpu.memory_space<vmem>> -> memref<1x8x64xf32, #tpu.memory_space<vmem>>
        %dma_start3A_503 = arith.constant 0 : i32
        %dma_start3A_504 = arith.constant 0 : i32
        %dma_start3A_505 = tpu.memref_slice %arg3[%select_n3A_477, %dma_start3A_503, %dma_start3A_504] : memref<125000x8x64xf32, #tpu.memory_space<hbm>> -> memref<1x8x64xf32, #tpu.memory_space<hbm>>
        tpu.enqueue_dma source(%dma_start3A_505 : memref<1x8x64xf32, #tpu.memory_space<hbm>>) target(%dma_start3A_502 : memref<1x8x64xf32, #tpu.memory_space<vmem>>) target_semaphore(%dma_start3A_494 : memref<!tpu.dma_semaphore, #tpu.memory_space<semaphore_mem>>)
        %slice3A_506 = vector.extract_strided_slice %select_n3A_124 {offsets = [7], sizes = [1], strides = [1]} : vector<16xi32> to vector<1xi32>
        %squeeze3A_507 = vector.extract %slice3A_506[0] : i32 from vector<1xi32>
        %jit3A_508 = arith.constant 8 : i32
        %div3A_509 = arith.divsi %squeeze3A_507, %jit3A_508 : i32
        %sign3A_510 = arith.constant 0 : i32
        %sign3A_511 = arith.cmpi sgt, %squeeze3A_507, %sign3A_510 : i32
        %sign3A_512 = arith.extui %sign3A_511 : i1 to i32
        %sign3A_513 = arith.constant 0 : i32
        %sign3A_514 = arith.cmpi slt, %squeeze3A_507, %sign3A_513 : i32
        %sign3A_515 = arith.extui %sign3A_514 : i1 to i32
        %sign3A_516 = arith.subi %sign3A_512, %sign3A_515 : i32
        %sign3A_517 = arith.constant 0 : i32
        %sign3A_518 = arith.cmpi sgt, %jit3A_508, %sign3A_517 : i32
        %sign3A_519 = arith.extui %sign3A_518 : i1 to i32
        %sign3A_520 = arith.constant 0 : i32
        %sign3A_521 = arith.cmpi slt, %jit3A_508, %sign3A_520 : i32
        %sign3A_522 = arith.extui %sign3A_521 : i1 to i32
        %sign3A_523 = arith.subi %sign3A_519, %sign3A_522 : i32
        %ne3A_524 = arith.cmpi ne, %sign3A_516, %sign3A_523 : i32
        %rem3A_525 = arith.remsi %squeeze3A_507, %jit3A_508 : i32
        %ne3A_526 = arith.constant 0 : i32
        %ne3A_527 = arith.cmpi ne, %rem3A_525, %ne3A_526 : i32
        %and3A_528 = arith.andi %ne3A_524, %ne3A_527 : i1
        %sub3A_529 = arith.constant 1 : i32
        %sub3A_530 = arith.subi %div3A_509, %sub3A_529 : i32
        %select_n3A_531 = arith.select %and3A_528, %sub3A_530, %div3A_509 : i32
        %mul3A_532 = arith.constant 16 : i32
        %mul3A_533 = arith.muli %scan3A_94, %mul3A_532 : i32
        %add3A_534 = arith.constant 7 : i32
        %add3A_535 = arith.addi %mul3A_533, %add3A_534 : i32
        %dma_start3A_536 = arith.constant 0 : i32
        %dma_start3A_537 = arith.constant 0 : i32
        %dma_start3A_538 = arith.constant 0 : i32
        %dma_start3A_539 = tpu.memref_slice %arg7[%rem3A_92, %dma_start3A_536, %dma_start3A_537, %dma_start3A_538] : memref<3x32x8x64xf32, #tpu.memory_space<vmem>> -> memref<1x32x8x64xf32, #tpu.memory_space<vmem>>
        %dma_start3A_540 = tpu.memref_squeeze %dma_start3A_539 : memref<1x32x8x64xf32, #tpu.memory_space<vmem>> -> memref<32x8x64xf32, #tpu.memory_space<vmem>>
        %dma_start3A_541 = arith.constant 0 : i32
        %dma_start3A_542 = arith.constant 0 : i32
        %dma_start3A_543 = tpu.memref_slice %dma_start3A_540[%add3A_535, %dma_start3A_541, %dma_start3A_542] : memref<32x8x64xf32, #tpu.memory_space<vmem>> -> memref<1x8x64xf32, #tpu.memory_space<vmem>>
        %dma_start3A_544 = arith.constant 0 : i32
        %dma_start3A_545 = arith.constant 0 : i32
        %dma_start3A_546 = tpu.memref_slice %arg3[%select_n3A_531, %dma_start3A_544, %dma_start3A_545] : memref<125000x8x64xf32, #tpu.memory_space<hbm>> -> memref<1x8x64xf32, #tpu.memory_space<hbm>>
        %dma_start3A_547 = tpu.memref_slice %arg9[%rem3A_92] : memref<3x!tpu.dma_semaphore, #tpu.memory_space<semaphore_mem>> -> memref<1x!tpu.dma_semaphore, #tpu.memory_space<semaphore_mem>>
        %dma_start3A_548 = tpu.memref_squeeze %dma_start3A_547 : memref<1x!tpu.dma_semaphore, #tpu.memory_space<semaphore_mem>> -> memref<!tpu.dma_semaphore, #tpu.memory_space<semaphore_mem>>
        %dma_start3A_549 = arith.constant 0 : i32
        %dma_start3A_550 = arith.constant 0 : i32
        %dma_start3A_551 = arith.constant 0 : i32
        %dma_start3A_552 = tpu.memref_slice %arg7[%rem3A_92, %dma_start3A_549, %dma_start3A_550, %dma_start3A_551] : memref<3x32x8x64xf32, #tpu.memory_space<vmem>> -> memref<1x32x8x64xf32, #tpu.memory_space<vmem>>
        %dma_start3A_553 = tpu.memref_squeeze %dma_start3A_552 : memref<1x32x8x64xf32, #tpu.memory_space<vmem>> -> memref<32x8x64xf32, #tpu.memory_space<vmem>>
        %dma_start3A_554 = arith.constant 0 : i32
        %dma_start3A_555 = arith.constant 0 : i32
        %dma_start3A_556 = tpu.memref_slice %dma_start3A_553[%add3A_535, %dma_start3A_554, %dma_start3A_555] : memref<32x8x64xf32, #tpu.memory_space<vmem>> -> memref<1x8x64xf32, #tpu.memory_space<vmem>>
        %dma_start3A_557 = arith.constant 0 : i32
        %dma_start3A_558 = arith.constant 0 : i32
        %dma_start3A_559 = tpu.memref_slice %arg3[%select_n3A_531, %dma_start3A_557, %dma_start3A_558] : memref<125000x8x64xf32, #tpu.memory_space<hbm>> -> memref<1x8x64xf32, #tpu.memory_space<hbm>>
        tpu.enqueue_dma source(%dma_start3A_559 : memref<1x8x64xf32, #tpu.memory_space<hbm>>) target(%dma_start3A_556 : memref<1x8x64xf32, #tpu.memory_space<vmem>>) target_semaphore(%dma_start3A_548 : memref<!tpu.dma_semaphore, #tpu.memory_space<semaphore_mem>>)
        %slice3A_560 = vector.extract_strided_slice %select_n3A_124 {offsets = [8], sizes = [1], strides = [1]} : vector<16xi32> to vector<1xi32>
        %squeeze3A_561 = vector.extract %slice3A_560[0] : i32 from vector<1xi32>
        %jit3A_562 = arith.constant 8 : i32
        %div3A_563 = arith.divsi %squeeze3A_561, %jit3A_562 : i32
        %sign3A_564 = arith.constant 0 : i32
        %sign3A_565 = arith.cmpi sgt, %squeeze3A_561, %sign3A_564 : i32
        %sign3A_566 = arith.extui %sign3A_565 : i1 to i32
        %sign3A_567 = arith.constant 0 : i32
        %sign3A_568 = arith.cmpi slt, %squeeze3A_561, %sign3A_567 : i32
        %sign3A_569 = arith.extui %sign3A_568 : i1 to i32
        %sign3A_570 = arith.subi %sign3A_566, %sign3A_569 : i32
        %sign3A_571 = arith.constant 0 : i32
        %sign3A_572 = arith.cmpi sgt, %jit3A_562, %sign3A_571 : i32
        %sign3A_573 = arith.extui %sign3A_572 : i1 to i32
        %sign3A_574 = arith.constant 0 : i32
        %sign3A_575 = arith.cmpi slt, %jit3A_562, %sign3A_574 : i32
        %sign3A_576 = arith.extui %sign3A_575 : i1 to i32
        %sign3A_577 = arith.subi %sign3A_573, %sign3A_576 : i32
        %ne3A_578 = arith.cmpi ne, %sign3A_570, %sign3A_577 : i32
        %rem3A_579 = arith.remsi %squeeze3A_561, %jit3A_562 : i32
        %ne3A_580 = arith.constant 0 : i32
        %ne3A_581 = arith.cmpi ne, %rem3A_579, %ne3A_580 : i32
        %and3A_582 = arith.andi %ne3A_578, %ne3A_581 : i1
        %sub3A_583 = arith.constant 1 : i32
        %sub3A_584 = arith.subi %div3A_563, %sub3A_583 : i32
        %select_n3A_585 = arith.select %and3A_582, %sub3A_584, %div3A_563 : i32
        %mul3A_586 = arith.constant 16 : i32
        %mul3A_587 = arith.muli %scan3A_94, %mul3A_586 : i32
        %add3A_588 = arith.constant 8 : i32
        %add3A_589 = arith.addi %mul3A_587, %add3A_588 : i32
        %dma_start3A_590 = arith.constant 0 : i32
        %dma_start3A_591 = arith.constant 0 : i32
        %dma_start3A_592 = arith.constant 0 : i32
        %dma_start3A_593 = tpu.memref_slice %arg7[%rem3A_92, %dma_start3A_590, %dma_start3A_591, %dma_start3A_592] : memref<3x32x8x64xf32, #tpu.memory_space<vmem>> -> memref<1x32x8x64xf32, #tpu.memory_space<vmem>>
        %dma_start3A_594 = tpu.memref_squeeze %dma_start3A_593 : memref<1x32x8x64xf32, #tpu.memory_space<vmem>> -> memref<32x8x64xf32, #tpu.memory_space<vmem>>
        %dma_start3A_595 = arith.constant 0 : i32
        %dma_start3A_596 = arith.constant 0 : i32
        %dma_start3A_597 = tpu.memref_slice %dma_start3A_594[%add3A_589, %dma_start3A_595, %dma_start3A_596] : memref<32x8x64xf32, #tpu.memory_space<vmem>> -> memref<1x8x64xf32, #tpu.memory_space<vmem>>
        %dma_start3A_598 = arith.constant 0 : i32
        %dma_start3A_599 = arith.constant 0 : i32
        %dma_start3A_600 = tpu.memref_slice %arg3[%select_n3A_585, %dma_start3A_598, %dma_start3A_599] : memref<125000x8x64xf32, #tpu.memory_space<hbm>> -> memref<1x8x64xf32, #tpu.memory_space<hbm>>
        %dma_start3A_601 = tpu.memref_slice %arg9[%rem3A_92] : memref<3x!tpu.dma_semaphore, #tpu.memory_space<semaphore_mem>> -> memref<1x!tpu.dma_semaphore, #tpu.memory_space<semaphore_mem>>
        %dma_start3A_602 = tpu.memref_squeeze %dma_start3A_601 : memref<1x!tpu.dma_semaphore, #tpu.memory_space<semaphore_mem>> -> memref<!tpu.dma_semaphore, #tpu.memory_space<semaphore_mem>>
        %dma_start3A_603 = arith.constant 0 : i32
        %dma_start3A_604 = arith.constant 0 : i32
        %dma_start3A_605 = arith.constant 0 : i32
        %dma_start3A_606 = tpu.memref_slice %arg7[%rem3A_92, %dma_start3A_603, %dma_start3A_604, %dma_start3A_605] : memref<3x32x8x64xf32, #tpu.memory_space<vmem>> -> memref<1x32x8x64xf32, #tpu.memory_space<vmem>>
        %dma_start3A_607 = tpu.memref_squeeze %dma_start3A_606 : memref<1x32x8x64xf32, #tpu.memory_space<vmem>> -> memref<32x8x64xf32, #tpu.memory_space<vmem>>
        %dma_start3A_608 = arith.constant 0 : i32
        %dma_start3A_609 = arith.constant 0 : i32
        %dma_start3A_610 = tpu.memref_slice %dma_start3A_607[%add3A_589, %dma_start3A_608, %dma_start3A_609] : memref<32x8x64xf32, #tpu.memory_space<vmem>> -> memref<1x8x64xf32, #tpu.memory_space<vmem>>
        %dma_start3A_611 = arith.constant 0 : i32
        %dma_start3A_612 = arith.constant 0 : i32
        %dma_start3A_613 = tpu.memref_slice %arg3[%select_n3A_585, %dma_start3A_611, %dma_start3A_612] : memref<125000x8x64xf32, #tpu.memory_space<hbm>> -> memref<1x8x64xf32, #tpu.memory_space<hbm>>
        tpu.enqueue_dma source(%dma_start3A_613 : memref<1x8x64xf32, #tpu.memory_space<hbm>>) target(%dma_start3A_610 : memref<1x8x64xf32, #tpu.memory_space<vmem>>) target_semaphore(%dma_start3A_602 : memref<!tpu.dma_semaphore, #tpu.memory_space<semaphore_mem>>)
        %slice3A_614 = vector.extract_strided_slice %select_n3A_124 {offsets = [9], sizes = [1], strides = [1]} : vector<16xi32> to vector<1xi32>
        %squeeze3A_615 = vector.extract %slice3A_614[0] : i32 from vector<1xi32>
        %jit3A_616 = arith.constant 8 : i32
        %div3A_617 = arith.divsi %squeeze3A_615, %jit3A_616 : i32
        %sign3A_618 = arith.constant 0 : i32
        %sign3A_619 = arith.cmpi sgt, %squeeze3A_615, %sign3A_618 : i32
        %sign3A_620 = arith.extui %sign3A_619 : i1 to i32
        %sign3A_621 = arith.constant 0 : i32
        %sign3A_622 = arith.cmpi slt, %squeeze3A_615, %sign3A_621 : i32
        %sign3A_623 = arith.extui %sign3A_622 : i1 to i32
        %sign3A_624 = arith.subi %sign3A_620, %sign3A_623 : i32
        %sign3A_625 = arith.constant 0 : i32
        %sign3A_626 = arith.cmpi sgt, %jit3A_616, %sign3A_625 : i32
        %sign3A_627 = arith.extui %sign3A_626 : i1 to i32
        %sign3A_628 = arith.constant 0 : i32
        %sign3A_629 = arith.cmpi slt, %jit3A_616, %sign3A_628 : i32
        %sign3A_630 = arith.extui %sign3A_629 : i1 to i32
        %sign3A_631 = arith.subi %sign3A_627, %sign3A_630 : i32
        %ne3A_632 = arith.cmpi ne, %sign3A_624, %sign3A_631 : i32
        %rem3A_633 = arith.remsi %squeeze3A_615, %jit3A_616 : i32
        %ne3A_634 = arith.constant 0 : i32
        %ne3A_635 = arith.cmpi ne, %rem3A_633, %ne3A_634 : i32
        %and3A_636 = arith.andi %ne3A_632, %ne3A_635 : i1
        %sub3A_637 = arith.constant 1 : i32
        %sub3A_638 = arith.subi %div3A_617, %sub3A_637 : i32
        %select_n3A_639 = arith.select %and3A_636, %sub3A_638, %div3A_617 : i32
        %mul3A_640 = arith.constant 16 : i32
        %mul3A_641 = arith.muli %scan3A_94, %mul3A_640 : i32
        %add3A_642 = arith.constant 9 : i32
        %add3A_643 = arith.addi %mul3A_641, %add3A_642 : i32
        %dma_start3A_644 = arith.constant 0 : i32
        %dma_start3A_645 = arith.constant 0 : i32
        %dma_start3A_646 = arith.constant 0 : i32
        %dma_start3A_647 = tpu.memref_slice %arg7[%rem3A_92, %dma_start3A_644, %dma_start3A_645, %dma_start3A_646] : memref<3x32x8x64xf32, #tpu.memory_space<vmem>> -> memref<1x32x8x64xf32, #tpu.memory_space<vmem>>
        %dma_start3A_648 = tpu.memref_squeeze %dma_start3A_647 : memref<1x32x8x64xf32, #tpu.memory_space<vmem>> -> memref<32x8x64xf32, #tpu.memory_space<vmem>>
        %dma_start3A_649 = arith.constant 0 : i32
        %dma_start3A_650 = arith.constant 0 : i32
        %dma_start3A_651 = tpu.memref_slice %dma_start3A_648[%add3A_643, %dma_start3A_649, %dma_start3A_650] : memref<32x8x64xf32, #tpu.memory_space<vmem>> -> memref<1x8x64xf32, #tpu.memory_space<vmem>>
        %dma_start3A_652 = arith.constant 0 : i32
        %dma_start3A_653 = arith.constant 0 : i32
        %dma_start3A_654 = tpu.memref_slice %arg3[%select_n3A_639, %dma_start3A_652, %dma_start3A_653] : memref<125000x8x64xf32, #tpu.memory_space<hbm>> -> memref<1x8x64xf32, #tpu.memory_space<hbm>>
        %dma_start3A_655 = tpu.memref_slice %arg9[%rem3A_92] : memref<3x!tpu.dma_semaphore, #tpu.memory_space<semaphore_mem>> -> memref<1x!tpu.dma_semaphore, #tpu.memory_space<semaphore_mem>>
        %dma_start3A_656 = tpu.memref_squeeze %dma_start3A_655 : memref<1x!tpu.dma_semaphore, #tpu.memory_space<semaphore_mem>> -> memref<!tpu.dma_semaphore, #tpu.memory_space<semaphore_mem>>
        %dma_start3A_657 = arith.constant 0 : i32
        %dma_start3A_658 = arith.constant 0 : i32
        %dma_start3A_659 = arith.constant 0 : i32
        %dma_start3A_660 = tpu.memref_slice %arg7[%rem3A_92, %dma_start3A_657, %dma_start3A_658, %dma_start3A_659] : memref<3x32x8x64xf32, #tpu.memory_space<vmem>> -> memref<1x32x8x64xf32, #tpu.memory_space<vmem>>
        %dma_start3A_661 = tpu.memref_squeeze %dma_start3A_660 : memref<1x32x8x64xf32, #tpu.memory_space<vmem>> -> memref<32x8x64xf32, #tpu.memory_space<vmem>>
        %dma_start3A_662 = arith.constant 0 : i32
        %dma_start3A_663 = arith.constant 0 : i32
        %dma_start3A_664 = tpu.memref_slice %dma_start3A_661[%add3A_643, %dma_start3A_662, %dma_start3A_663] : memref<32x8x64xf32, #tpu.memory_space<vmem>> -> memref<1x8x64xf32, #tpu.memory_space<vmem>>
        %dma_start3A_665 = arith.constant 0 : i32
        %dma_start3A_666 = arith.constant 0 : i32
        %dma_start3A_667 = tpu.memref_slice %arg3[%select_n3A_639, %dma_start3A_665, %dma_start3A_666] : memref<125000x8x64xf32, #tpu.memory_space<hbm>> -> memref<1x8x64xf32, #tpu.memory_space<hbm>>
        tpu.enqueue_dma source(%dma_start3A_667 : memref<1x8x64xf32, #tpu.memory_space<hbm>>) target(%dma_start3A_664 : memref<1x8x64xf32, #tpu.memory_space<vmem>>) target_semaphore(%dma_start3A_656 : memref<!tpu.dma_semaphore, #tpu.memory_space<semaphore_mem>>)
        %slice3A_668 = vector.extract_strided_slice %select_n3A_124 {offsets = [10], sizes = [1], strides = [1]} : vector<16xi32> to vector<1xi32>
        %squeeze3A_669 = vector.extract %slice3A_668[0] : i32 from vector<1xi32>
        %jit3A_670 = arith.constant 8 : i32
        %div3A_671 = arith.divsi %squeeze3A_669, %jit3A_670 : i32
        %sign3A_672 = arith.constant 0 : i32
        %sign3A_673 = arith.cmpi sgt, %squeeze3A_669, %sign3A_672 : i32
        %sign3A_674 = arith.extui %sign3A_673 : i1 to i32
        %sign3A_675 = arith.constant 0 : i32
        %sign3A_676 = arith.cmpi slt, %squeeze3A_669, %sign3A_675 : i32
        %sign3A_677 = arith.extui %sign3A_676 : i1 to i32
        %sign3A_678 = arith.subi %sign3A_674, %sign3A_677 : i32
        %sign3A_679 = arith.constant 0 : i32
        %sign3A_680 = arith.cmpi sgt, %jit3A_670, %sign3A_679 : i32
        %sign3A_681 = arith.extui %sign3A_680 : i1 to i32
        %sign3A_682 = arith.constant 0 : i32
        %sign3A_683 = arith.cmpi slt, %jit3A_670, %sign3A_682 : i32
        %sign3A_684 = arith.extui %sign3A_683 : i1 to i32
        %sign3A_685 = arith.subi %sign3A_681, %sign3A_684 : i32
        %ne3A_686 = arith.cmpi ne, %sign3A_678, %sign3A_685 : i32
        %rem3A_687 = arith.remsi %squeeze3A_669, %jit3A_670 : i32
        %ne3A_688 = arith.constant 0 : i32
        %ne3A_689 = arith.cmpi ne, %rem3A_687, %ne3A_688 : i32
        %and3A_690 = arith.andi %ne3A_686, %ne3A_689 : i1
        %sub3A_691 = arith.constant 1 : i32
        %sub3A_692 = arith.subi %div3A_671, %sub3A_691 : i32
        %select_n3A_693 = arith.select %and3A_690, %sub3A_692, %div3A_671 : i32
        %mul3A_694 = arith.constant 16 : i32
        %mul3A_695 = arith.muli %scan3A_94, %mul3A_694 : i32
        %add3A_696 = arith.constant 10 : i32
        %add3A_697 = arith.addi %mul3A_695, %add3A_696 : i32
        %dma_start3A_698 = arith.constant 0 : i32
        %dma_start3A_699 = arith.constant 0 : i32
        %dma_start3A_700 = arith.constant 0 : i32
        %dma_start3A_701 = tpu.memref_slice %arg7[%rem3A_92, %dma_start3A_698, %dma_start3A_699, %dma_start3A_700] : memref<3x32x8x64xf32, #tpu.memory_space<vmem>> -> memref<1x32x8x64xf32, #tpu.memory_space<vmem>>
        %dma_start3A_702 = tpu.memref_squeeze %dma_start3A_701 : memref<1x32x8x64xf32, #tpu.memory_space<vmem>> -> memref<32x8x64xf32, #tpu.memory_space<vmem>>
        %dma_start3A_703 = arith.constant 0 : i32
        %dma_start3A_704 = arith.constant 0 : i32
        %dma_start3A_705 = tpu.memref_slice %dma_start3A_702[%add3A_697, %dma_start3A_703, %dma_start3A_704] : memref<32x8x64xf32, #tpu.memory_space<vmem>> -> memref<1x8x64xf32, #tpu.memory_space<vmem>>
        %dma_start3A_706 = arith.constant 0 : i32
        %dma_start3A_707 = arith.constant 0 : i32
        %dma_start3A_708 = tpu.memref_slice %arg3[%select_n3A_693, %dma_start3A_706, %dma_start3A_707] : memref<125000x8x64xf32, #tpu.memory_space<hbm>> -> memref<1x8x64xf32, #tpu.memory_space<hbm>>
        %dma_start3A_709 = tpu.memref_slice %arg9[%rem3A_92] : memref<3x!tpu.dma_semaphore, #tpu.memory_space<semaphore_mem>> -> memref<1x!tpu.dma_semaphore, #tpu.memory_space<semaphore_mem>>
        %dma_start3A_710 = tpu.memref_squeeze %dma_start3A_709 : memref<1x!tpu.dma_semaphore, #tpu.memory_space<semaphore_mem>> -> memref<!tpu.dma_semaphore, #tpu.memory_space<semaphore_mem>>
        %dma_start3A_711 = arith.constant 0 : i32
        %dma_start3A_712 = arith.constant 0 : i32
        %dma_start3A_713 = arith.constant 0 : i32
        %dma_start3A_714 = tpu.memref_slice %arg7[%rem3A_92, %dma_start3A_711, %dma_start3A_712, %dma_start3A_713] : memref<3x32x8x64xf32, #tpu.memory_space<vmem>> -> memref<1x32x8x64xf32, #tpu.memory_space<vmem>>
        %dma_start3A_715 = tpu.memref_squeeze %dma_start3A_714 : memref<1x32x8x64xf32, #tpu.memory_space<vmem>> -> memref<32x8x64xf32, #tpu.memory_space<vmem>>
        %dma_start3A_716 = arith.constant 0 : i32
        %dma_start3A_717 = arith.constant 0 : i32
        %dma_start3A_718 = tpu.memref_slice %dma_start3A_715[%add3A_697, %dma_start3A_716, %dma_start3A_717] : memref<32x8x64xf32, #tpu.memory_space<vmem>> -> memref<1x8x64xf32, #tpu.memory_space<vmem>>
        %dma_start3A_719 = arith.constant 0 : i32
        %dma_start3A_720 = arith.constant 0 : i32
        %dma_start3A_721 = tpu.memref_slice %arg3[%select_n3A_693, %dma_start3A_719, %dma_start3A_720] : memref<125000x8x64xf32, #tpu.memory_space<hbm>> -> memref<1x8x64xf32, #tpu.memory_space<hbm>>
        tpu.enqueue_dma source(%dma_start3A_721 : memref<1x8x64xf32, #tpu.memory_space<hbm>>) target(%dma_start3A_718 : memref<1x8x64xf32, #tpu.memory_space<vmem>>) target_semaphore(%dma_start3A_710 : memref<!tpu.dma_semaphore, #tpu.memory_space<semaphore_mem>>)
        %slice3A_722 = vector.extract_strided_slice %select_n3A_124 {offsets = [11], sizes = [1], strides = [1]} : vector<16xi32> to vector<1xi32>
        %squeeze3A_723 = vector.extract %slice3A_722[0] : i32 from vector<1xi32>
        %jit3A_724 = arith.constant 8 : i32
        %div3A_725 = arith.divsi %squeeze3A_723, %jit3A_724 : i32
        %sign3A_726 = arith.constant 0 : i32
        %sign3A_727 = arith.cmpi sgt, %squeeze3A_723, %sign3A_726 : i32
        %sign3A_728 = arith.extui %sign3A_727 : i1 to i32
        %sign3A_729 = arith.constant 0 : i32
        %sign3A_730 = arith.cmpi slt, %squeeze3A_723, %sign3A_729 : i32
        %sign3A_731 = arith.extui %sign3A_730 : i1 to i32
        %sign3A_732 = arith.subi %sign3A_728, %sign3A_731 : i32
        %sign3A_733 = arith.constant 0 : i32
        %sign3A_734 = arith.cmpi sgt, %jit3A_724, %sign3A_733 : i32
        %sign3A_735 = arith.extui %sign3A_734 : i1 to i32
        %sign3A_736 = arith.constant 0 : i32
        %sign3A_737 = arith.cmpi slt, %jit3A_724, %sign3A_736 : i32
        %sign3A_738 = arith.extui %sign3A_737 : i1 to i32
        %sign3A_739 = arith.subi %sign3A_735, %sign3A_738 : i32
        %ne3A_740 = arith.cmpi ne, %sign3A_732, %sign3A_739 : i32
        %rem3A_741 = arith.remsi %squeeze3A_723, %jit3A_724 : i32
        %ne3A_742 = arith.constant 0 : i32
        %ne3A_743 = arith.cmpi ne, %rem3A_741, %ne3A_742 : i32
        %and3A_744 = arith.andi %ne3A_740, %ne3A_743 : i1
        %sub3A_745 = arith.constant 1 : i32
        %sub3A_746 = arith.subi %div3A_725, %sub3A_745 : i32
        %select_n3A_747 = arith.select %and3A_744, %sub3A_746, %div3A_725 : i32
        %mul3A_748 = arith.constant 16 : i32
        %mul3A_749 = arith.muli %scan3A_94, %mul3A_748 : i32
        %add3A_750 = arith.constant 11 : i32
        %add3A_751 = arith.addi %mul3A_749, %add3A_750 : i32
        %dma_start3A_752 = arith.constant 0 : i32
        %dma_start3A_753 = arith.constant 0 : i32
        %dma_start3A_754 = arith.constant 0 : i32
        %dma_start3A_755 = tpu.memref_slice %arg7[%rem3A_92, %dma_start3A_752, %dma_start3A_753, %dma_start3A_754] : memref<3x32x8x64xf32, #tpu.memory_space<vmem>> -> memref<1x32x8x64xf32, #tpu.memory_space<vmem>>
        %dma_start3A_756 = tpu.memref_squeeze %dma_start3A_755 : memref<1x32x8x64xf32, #tpu.memory_space<vmem>> -> memref<32x8x64xf32, #tpu.memory_space<vmem>>
        %dma_start3A_757 = arith.constant 0 : i32
        %dma_start3A_758 = arith.constant 0 : i32
        %dma_start3A_759 = tpu.memref_slice %dma_start3A_756[%add3A_751, %dma_start3A_757, %dma_start3A_758] : memref<32x8x64xf32, #tpu.memory_space<vmem>> -> memref<1x8x64xf32, #tpu.memory_space<vmem>>
        %dma_start3A_760 = arith.constant 0 : i32
        %dma_start3A_761 = arith.constant 0 : i32
        %dma_start3A_762 = tpu.memref_slice %arg3[%select_n3A_747, %dma_start3A_760, %dma_start3A_761] : memref<125000x8x64xf32, #tpu.memory_space<hbm>> -> memref<1x8x64xf32, #tpu.memory_space<hbm>>
        %dma_start3A_763 = tpu.memref_slice %arg9[%rem3A_92] : memref<3x!tpu.dma_semaphore, #tpu.memory_space<semaphore_mem>> -> memref<1x!tpu.dma_semaphore, #tpu.memory_space<semaphore_mem>>
        %dma_start3A_764 = tpu.memref_squeeze %dma_start3A_763 : memref<1x!tpu.dma_semaphore, #tpu.memory_space<semaphore_mem>> -> memref<!tpu.dma_semaphore, #tpu.memory_space<semaphore_mem>>
        %dma_start3A_765 = arith.constant 0 : i32
        %dma_start3A_766 = arith.constant 0 : i32
        %dma_start3A_767 = arith.constant 0 : i32
        %dma_start3A_768 = tpu.memref_slice %arg7[%rem3A_92, %dma_start3A_765, %dma_start3A_766, %dma_start3A_767] : memref<3x32x8x64xf32, #tpu.memory_space<vmem>> -> memref<1x32x8x64xf32, #tpu.memory_space<vmem>>
        %dma_start3A_769 = tpu.memref_squeeze %dma_start3A_768 : memref<1x32x8x64xf32, #tpu.memory_space<vmem>> -> memref<32x8x64xf32, #tpu.memory_space<vmem>>
        %dma_start3A_770 = arith.constant 0 : i32
        %dma_start3A_771 = arith.constant 0 : i32
        %dma_start3A_772 = tpu.memref_slice %dma_start3A_769[%add3A_751, %dma_start3A_770, %dma_start3A_771] : memref<32x8x64xf32, #tpu.memory_space<vmem>> -> memref<1x8x64xf32, #tpu.memory_space<vmem>>
        %dma_start3A_773 = arith.constant 0 : i32
        %dma_start3A_774 = arith.constant 0 : i32
        %dma_start3A_775 = tpu.memref_slice %arg3[%select_n3A_747, %dma_start3A_773, %dma_start3A_774] : memref<125000x8x64xf32, #tpu.memory_space<hbm>> -> memref<1x8x64xf32, #tpu.memory_space<hbm>>
        tpu.enqueue_dma source(%dma_start3A_775 : memref<1x8x64xf32, #tpu.memory_space<hbm>>) target(%dma_start3A_772 : memref<1x8x64xf32, #tpu.memory_space<vmem>>) target_semaphore(%dma_start3A_764 : memref<!tpu.dma_semaphore, #tpu.memory_space<semaphore_mem>>)
        %slice3A_776 = vector.extract_strided_slice %select_n3A_124 {offsets = [12], sizes = [1], strides = [1]} : vector<16xi32> to vector<1xi32>
        %squeeze3A_777 = vector.extract %slice3A_776[0] : i32 from vector<1xi32>
        %jit3A_778 = arith.constant 8 : i32
        %div3A_779 = arith.divsi %squeeze3A_777, %jit3A_778 : i32
        %sign3A_780 = arith.constant 0 : i32
        %sign3A_781 = arith.cmpi sgt, %squeeze3A_777, %sign3A_780 : i32
        %sign3A_782 = arith.extui %sign3A_781 : i1 to i32
        %sign3A_783 = arith.constant 0 : i32
        %sign3A_784 = arith.cmpi slt, %squeeze3A_777, %sign3A_783 : i32
        %sign3A_785 = arith.extui %sign3A_784 : i1 to i32
        %sign3A_786 = arith.subi %sign3A_782, %sign3A_785 : i32
        %sign3A_787 = arith.constant 0 : i32
        %sign3A_788 = arith.cmpi sgt, %jit3A_778, %sign3A_787 : i32
        %sign3A_789 = arith.extui %sign3A_788 : i1 to i32
        %sign3A_790 = arith.constant 0 : i32
        %sign3A_791 = arith.cmpi slt, %jit3A_778, %sign3A_790 : i32
        %sign3A_792 = arith.extui %sign3A_791 : i1 to i32
        %sign3A_793 = arith.subi %sign3A_789, %sign3A_792 : i32
        %ne3A_794 = arith.cmpi ne, %sign3A_786, %sign3A_793 : i32
        %rem3A_795 = arith.remsi %squeeze3A_777, %jit3A_778 : i32
        %ne3A_796 = arith.constant 0 : i32
        %ne3A_797 = arith.cmpi ne, %rem3A_795, %ne3A_796 : i32
        %and3A_798 = arith.andi %ne3A_794, %ne3A_797 : i1
        %sub3A_799 = arith.constant 1 : i32
        %sub3A_800 = arith.subi %div3A_779, %sub3A_799 : i32
        %select_n3A_801 = arith.select %and3A_798, %sub3A_800, %div3A_779 : i32
        %mul3A_802 = arith.constant 16 : i32
        %mul3A_803 = arith.muli %scan3A_94, %mul3A_802 : i32
        %add3A_804 = arith.constant 12 : i32
        %add3A_805 = arith.addi %mul3A_803, %add3A_804 : i32
        %dma_start3A_806 = arith.constant 0 : i32
        %dma_start3A_807 = arith.constant 0 : i32
        %dma_start3A_808 = arith.constant 0 : i32
        %dma_start3A_809 = tpu.memref_slice %arg7[%rem3A_92, %dma_start3A_806, %dma_start3A_807, %dma_start3A_808] : memref<3x32x8x64xf32, #tpu.memory_space<vmem>> -> memref<1x32x8x64xf32, #tpu.memory_space<vmem>>
        %dma_start3A_810 = tpu.memref_squeeze %dma_start3A_809 : memref<1x32x8x64xf32, #tpu.memory_space<vmem>> -> memref<32x8x64xf32, #tpu.memory_space<vmem>>
        %dma_start3A_811 = arith.constant 0 : i32
        %dma_start3A_812 = arith.constant 0 : i32
        %dma_start3A_813 = tpu.memref_slice %dma_start3A_810[%add3A_805, %dma_start3A_811, %dma_start3A_812] : memref<32x8x64xf32, #tpu.memory_space<vmem>> -> memref<1x8x64xf32, #tpu.memory_space<vmem>>
        %dma_start3A_814 = arith.constant 0 : i32
        %dma_start3A_815 = arith.constant 0 : i32
        %dma_start3A_816 = tpu.memref_slice %arg3[%select_n3A_801, %dma_start3A_814, %dma_start3A_815] : memref<125000x8x64xf32, #tpu.memory_space<hbm>> -> memref<1x8x64xf32, #tpu.memory_space<hbm>>
        %dma_start3A_817 = tpu.memref_slice %arg9[%rem3A_92] : memref<3x!tpu.dma_semaphore, #tpu.memory_space<semaphore_mem>> -> memref<1x!tpu.dma_semaphore, #tpu.memory_space<semaphore_mem>>
        %dma_start3A_818 = tpu.memref_squeeze %dma_start3A_817 : memref<1x!tpu.dma_semaphore, #tpu.memory_space<semaphore_mem>> -> memref<!tpu.dma_semaphore, #tpu.memory_space<semaphore_mem>>
        %dma_start3A_819 = arith.constant 0 : i32
        %dma_start3A_820 = arith.constant 0 : i32
        %dma_start3A_821 = arith.constant 0 : i32
        %dma_start3A_822 = tpu.memref_slice %arg7[%rem3A_92, %dma_start3A_819, %dma_start3A_820, %dma_start3A_821] : memref<3x32x8x64xf32, #tpu.memory_space<vmem>> -> memref<1x32x8x64xf32, #tpu.memory_space<vmem>>
        %dma_start3A_823 = tpu.memref_squeeze %dma_start3A_822 : memref<1x32x8x64xf32, #tpu.memory_space<vmem>> -> memref<32x8x64xf32, #tpu.memory_space<vmem>>
        %dma_start3A_824 = arith.constant 0 : i32
        %dma_start3A_825 = arith.constant 0 : i32
        %dma_start3A_826 = tpu.memref_slice %dma_start3A_823[%add3A_805, %dma_start3A_824, %dma_start3A_825] : memref<32x8x64xf32, #tpu.memory_space<vmem>> -> memref<1x8x64xf32, #tpu.memory_space<vmem>>
        %dma_start3A_827 = arith.constant 0 : i32
        %dma_start3A_828 = arith.constant 0 : i32
        %dma_start3A_829 = tpu.memref_slice %arg3[%select_n3A_801, %dma_start3A_827, %dma_start3A_828] : memref<125000x8x64xf32, #tpu.memory_space<hbm>> -> memref<1x8x64xf32, #tpu.memory_space<hbm>>
        tpu.enqueue_dma source(%dma_start3A_829 : memref<1x8x64xf32, #tpu.memory_space<hbm>>) target(%dma_start3A_826 : memref<1x8x64xf32, #tpu.memory_space<vmem>>) target_semaphore(%dma_start3A_818 : memref<!tpu.dma_semaphore, #tpu.memory_space<semaphore_mem>>)
        %slice3A_830 = vector.extract_strided_slice %select_n3A_124 {offsets = [13], sizes = [1], strides = [1]} : vector<16xi32> to vector<1xi32>
        %squeeze3A_831 = vector.extract %slice3A_830[0] : i32 from vector<1xi32>
        %jit3A_832 = arith.constant 8 : i32
        %div3A_833 = arith.divsi %squeeze3A_831, %jit3A_832 : i32
        %sign3A_834 = arith.constant 0 : i32
        %sign3A_835 = arith.cmpi sgt, %squeeze3A_831, %sign3A_834 : i32
        %sign3A_836 = arith.extui %sign3A_835 : i1 to i32
        %sign3A_837 = arith.constant 0 : i32
        %sign3A_838 = arith.cmpi slt, %squeeze3A_831, %sign3A_837 : i32
        %sign3A_839 = arith.extui %sign3A_838 : i1 to i32
        %sign3A_840 = arith.subi %sign3A_836, %sign3A_839 : i32
        %sign3A_841 = arith.constant 0 : i32
        %sign3A_842 = arith.cmpi sgt, %jit3A_832, %sign3A_841 : i32
        %sign3A_843 = arith.extui %sign3A_842 : i1 to i32
        %sign3A_844 = arith.constant 0 : i32
        %sign3A_845 = arith.cmpi slt, %jit3A_832, %sign3A_844 : i32
        %sign3A_846 = arith.extui %sign3A_845 : i1 to i32
        %sign3A_847 = arith.subi %sign3A_843, %sign3A_846 : i32
        %ne3A_848 = arith.cmpi ne, %sign3A_840, %sign3A_847 : i32
        %rem3A_849 = arith.remsi %squeeze3A_831, %jit3A_832 : i32
        %ne3A_850 = arith.constant 0 : i32
        %ne3A_851 = arith.cmpi ne, %rem3A_849, %ne3A_850 : i32
        %and3A_852 = arith.andi %ne3A_848, %ne3A_851 : i1
        %sub3A_853 = arith.constant 1 : i32
        %sub3A_854 = arith.subi %div3A_833, %sub3A_853 : i32
        %select_n3A_855 = arith.select %and3A_852, %sub3A_854, %div3A_833 : i32
        %mul3A_856 = arith.constant 16 : i32
        %mul3A_857 = arith.muli %scan3A_94, %mul3A_856 : i32
        %add3A_858 = arith.constant 13 : i32
        %add3A_859 = arith.addi %mul3A_857, %add3A_858 : i32
        %dma_start3A_860 = arith.constant 0 : i32
        %dma_start3A_861 = arith.constant 0 : i32
        %dma_start3A_862 = arith.constant 0 : i32
        %dma_start3A_863 = tpu.memref_slice %arg7[%rem3A_92, %dma_start3A_860, %dma_start3A_861, %dma_start3A_862] : memref<3x32x8x64xf32, #tpu.memory_space<vmem>> -> memref<1x32x8x64xf32, #tpu.memory_space<vmem>>
        %dma_start3A_864 = tpu.memref_squeeze %dma_start3A_863 : memref<1x32x8x64xf32, #tpu.memory_space<vmem>> -> memref<32x8x64xf32, #tpu.memory_space<vmem>>
        %dma_start3A_865 = arith.constant 0 : i32
        %dma_start3A_866 = arith.constant 0 : i32
        %dma_start3A_867 = tpu.memref_slice %dma_start3A_864[%add3A_859, %dma_start3A_865, %dma_start3A_866] : memref<32x8x64xf32, #tpu.memory_space<vmem>> -> memref<1x8x64xf32, #tpu.memory_space<vmem>>
        %dma_start3A_868 = arith.constant 0 : i32
        %dma_start3A_869 = arith.constant 0 : i32
        %dma_start3A_870 = tpu.memref_slice %arg3[%select_n3A_855, %dma_start3A_868, %dma_start3A_869] : memref<125000x8x64xf32, #tpu.memory_space<hbm>> -> memref<1x8x64xf32, #tpu.memory_space<hbm>>
        %dma_start3A_871 = tpu.memref_slice %arg9[%rem3A_92] : memref<3x!tpu.dma_semaphore, #tpu.memory_space<semaphore_mem>> -> memref<1x!tpu.dma_semaphore, #tpu.memory_space<semaphore_mem>>
        %dma_start3A_872 = tpu.memref_squeeze %dma_start3A_871 : memref<1x!tpu.dma_semaphore, #tpu.memory_space<semaphore_mem>> -> memref<!tpu.dma_semaphore, #tpu.memory_space<semaphore_mem>>
        %dma_start3A_873 = arith.constant 0 : i32
        %dma_start3A_874 = arith.constant 0 : i32
        %dma_start3A_875 = arith.constant 0 : i32
        %dma_start3A_876 = tpu.memref_slice %arg7[%rem3A_92, %dma_start3A_873, %dma_start3A_874, %dma_start3A_875] : memref<3x32x8x64xf32, #tpu.memory_space<vmem>> -> memref<1x32x8x64xf32, #tpu.memory_space<vmem>>
        %dma_start3A_877 = tpu.memref_squeeze %dma_start3A_876 : memref<1x32x8x64xf32, #tpu.memory_space<vmem>> -> memref<32x8x64xf32, #tpu.memory_space<vmem>>
        %dma_start3A_878 = arith.constant 0 : i32
        %dma_start3A_879 = arith.constant 0 : i32
        %dma_start3A_880 = tpu.memref_slice %dma_start3A_877[%add3A_859, %dma_start3A_878, %dma_start3A_879] : memref<32x8x64xf32, #tpu.memory_space<vmem>> -> memref<1x8x64xf32, #tpu.memory_space<vmem>>
        %dma_start3A_881 = arith.constant 0 : i32
        %dma_start3A_882 = arith.constant 0 : i32
        %dma_start3A_883 = tpu.memref_slice %arg3[%select_n3A_855, %dma_start3A_881, %dma_start3A_882] : memref<125000x8x64xf32, #tpu.memory_space<hbm>> -> memref<1x8x64xf32, #tpu.memory_space<hbm>>
        tpu.enqueue_dma source(%dma_start3A_883 : memref<1x8x64xf32, #tpu.memory_space<hbm>>) target(%dma_start3A_880 : memref<1x8x64xf32, #tpu.memory_space<vmem>>) target_semaphore(%dma_start3A_872 : memref<!tpu.dma_semaphore, #tpu.memory_space<semaphore_mem>>)
        %slice3A_884 = vector.extract_strided_slice %select_n3A_124 {offsets = [14], sizes = [1], strides = [1]} : vector<16xi32> to vector<1xi32>
        %squeeze3A_885 = vector.extract %slice3A_884[0] : i32 from vector<1xi32>
        %jit3A_886 = arith.constant 8 : i32
        %div3A_887 = arith.divsi %squeeze3A_885, %jit3A_886 : i32
        %sign3A_888 = arith.constant 0 : i32
        %sign3A_889 = arith.cmpi sgt, %squeeze3A_885, %sign3A_888 : i32
        %sign3A_890 = arith.extui %sign3A_889 : i1 to i32
        %sign3A_891 = arith.constant 0 : i32
        %sign3A_892 = arith.cmpi slt, %squeeze3A_885, %sign3A_891 : i32
        %sign3A_893 = arith.extui %sign3A_892 : i1 to i32
        %sign3A_894 = arith.subi %sign3A_890, %sign3A_893 : i32
        %sign3A_895 = arith.constant 0 : i32
        %sign3A_896 = arith.cmpi sgt, %jit3A_886, %sign3A_895 : i32
        %sign3A_897 = arith.extui %sign3A_896 : i1 to i32
        %sign3A_898 = arith.constant 0 : i32
        %sign3A_899 = arith.cmpi slt, %jit3A_886, %sign3A_898 : i32
        %sign3A_900 = arith.extui %sign3A_899 : i1 to i32
        %sign3A_901 = arith.subi %sign3A_897, %sign3A_900 : i32
        %ne3A_902 = arith.cmpi ne, %sign3A_894, %sign3A_901 : i32
        %rem3A_903 = arith.remsi %squeeze3A_885, %jit3A_886 : i32
        %ne3A_904 = arith.constant 0 : i32
        %ne3A_905 = arith.cmpi ne, %rem3A_903, %ne3A_904 : i32
        %and3A_906 = arith.andi %ne3A_902, %ne3A_905 : i1
        %sub3A_907 = arith.constant 1 : i32
        %sub3A_908 = arith.subi %div3A_887, %sub3A_907 : i32
        %select_n3A_909 = arith.select %and3A_906, %sub3A_908, %div3A_887 : i32
        %mul3A_910 = arith.constant 16 : i32
        %mul3A_911 = arith.muli %scan3A_94, %mul3A_910 : i32
        %add3A_912 = arith.constant 14 : i32
        %add3A_913 = arith.addi %mul3A_911, %add3A_912 : i32
        %dma_start3A_914 = arith.constant 0 : i32
        %dma_start3A_915 = arith.constant 0 : i32
        %dma_start3A_916 = arith.constant 0 : i32
        %dma_start3A_917 = tpu.memref_slice %arg7[%rem3A_92, %dma_start3A_914, %dma_start3A_915, %dma_start3A_916] : memref<3x32x8x64xf32, #tpu.memory_space<vmem>> -> memref<1x32x8x64xf32, #tpu.memory_space<vmem>>
        %dma_start3A_918 = tpu.memref_squeeze %dma_start3A_917 : memref<1x32x8x64xf32, #tpu.memory_space<vmem>> -> memref<32x8x64xf32, #tpu.memory_space<vmem>>
        %dma_start3A_919 = arith.constant 0 : i32
        %dma_start3A_920 = arith.constant 0 : i32
        %dma_start3A_921 = tpu.memref_slice %dma_start3A_918[%add3A_913, %dma_start3A_919, %dma_start3A_920] : memref<32x8x64xf32, #tpu.memory_space<vmem>> -> memref<1x8x64xf32, #tpu.memory_space<vmem>>
        %dma_start3A_922 = arith.constant 0 : i32
        %dma_start3A_923 = arith.constant 0 : i32
        %dma_start3A_924 = tpu.memref_slice %arg3[%select_n3A_909, %dma_start3A_922, %dma_start3A_923] : memref<125000x8x64xf32, #tpu.memory_space<hbm>> -> memref<1x8x64xf32, #tpu.memory_space<hbm>>
        %dma_start3A_925 = tpu.memref_slice %arg9[%rem3A_92] : memref<3x!tpu.dma_semaphore, #tpu.memory_space<semaphore_mem>> -> memref<1x!tpu.dma_semaphore, #tpu.memory_space<semaphore_mem>>
        %dma_start3A_926 = tpu.memref_squeeze %dma_start3A_925 : memref<1x!tpu.dma_semaphore, #tpu.memory_space<semaphore_mem>> -> memref<!tpu.dma_semaphore, #tpu.memory_space<semaphore_mem>>
        %dma_start3A_927 = arith.constant 0 : i32
        %dma_start3A_928 = arith.constant 0 : i32
        %dma_start3A_929 = arith.constant 0 : i32
        %dma_start3A_930 = tpu.memref_slice %arg7[%rem3A_92, %dma_start3A_927, %dma_start3A_928, %dma_start3A_929] : memref<3x32x8x64xf32, #tpu.memory_space<vmem>> -> memref<1x32x8x64xf32, #tpu.memory_space<vmem>>
        %dma_start3A_931 = tpu.memref_squeeze %dma_start3A_930 : memref<1x32x8x64xf32, #tpu.memory_space<vmem>> -> memref<32x8x64xf32, #tpu.memory_space<vmem>>
        %dma_start3A_932 = arith.constant 0 : i32
        %dma_start3A_933 = arith.constant 0 : i32
        %dma_start3A_934 = tpu.memref_slice %dma_start3A_931[%add3A_913, %dma_start3A_932, %dma_start3A_933] : memref<32x8x64xf32, #tpu.memory_space<vmem>> -> memref<1x8x64xf32, #tpu.memory_space<vmem>>
        %dma_start3A_935 = arith.constant 0 : i32
        %dma_start3A_936 = arith.constant 0 : i32
        %dma_start3A_937 = tpu.memref_slice %arg3[%select_n3A_909, %dma_start3A_935, %dma_start3A_936] : memref<125000x8x64xf32, #tpu.memory_space<hbm>> -> memref<1x8x64xf32, #tpu.memory_space<hbm>>
        tpu.enqueue_dma source(%dma_start3A_937 : memref<1x8x64xf32, #tpu.memory_space<hbm>>) target(%dma_start3A_934 : memref<1x8x64xf32, #tpu.memory_space<vmem>>) target_semaphore(%dma_start3A_926 : memref<!tpu.dma_semaphore, #tpu.memory_space<semaphore_mem>>)
        %slice3A_938 = vector.extract_strided_slice %select_n3A_124 {offsets = [15], sizes = [1], strides = [1]} : vector<16xi32> to vector<1xi32>
        %squeeze3A_939 = vector.extract %slice3A_938[0] : i32 from vector<1xi32>
        %jit3A_940 = arith.constant 8 : i32
        %div3A_941 = arith.divsi %squeeze3A_939, %jit3A_940 : i32
        %sign3A_942 = arith.constant 0 : i32
        %sign3A_943 = arith.cmpi sgt, %squeeze3A_939, %sign3A_942 : i32
        %sign3A_944 = arith.extui %sign3A_943 : i1 to i32
        %sign3A_945 = arith.constant 0 : i32
        %sign3A_946 = arith.cmpi slt, %squeeze3A_939, %sign3A_945 : i32
        %sign3A_947 = arith.extui %sign3A_946 : i1 to i32
        %sign3A_948 = arith.subi %sign3A_944, %sign3A_947 : i32
        %sign3A_949 = arith.constant 0 : i32
        %sign3A_950 = arith.cmpi sgt, %jit3A_940, %sign3A_949 : i32
        %sign3A_951 = arith.extui %sign3A_950 : i1 to i32
        %sign3A_952 = arith.constant 0 : i32
        %sign3A_953 = arith.cmpi slt, %jit3A_940, %sign3A_952 : i32
        %sign3A_954 = arith.extui %sign3A_953 : i1 to i32
        %sign3A_955 = arith.subi %sign3A_951, %sign3A_954 : i32
        %ne3A_956 = arith.cmpi ne, %sign3A_948, %sign3A_955 : i32
        %rem3A_957 = arith.remsi %squeeze3A_939, %jit3A_940 : i32
        %ne3A_958 = arith.constant 0 : i32
        %ne3A_959 = arith.cmpi ne, %rem3A_957, %ne3A_958 : i32
        %and3A_960 = arith.andi %ne3A_956, %ne3A_959 : i1
        %sub3A_961 = arith.constant 1 : i32
        %sub3A_962 = arith.subi %div3A_941, %sub3A_961 : i32
        %select_n3A_963 = arith.select %and3A_960, %sub3A_962, %div3A_941 : i32
        %mul3A_964 = arith.constant 16 : i32
        %mul3A_965 = arith.muli %scan3A_94, %mul3A_964 : i32
        %add3A_966 = arith.constant 15 : i32
        %add3A_967 = arith.addi %mul3A_965, %add3A_966 : i32
        %dma_start3A_968 = arith.constant 0 : i32
        %dma_start3A_969 = arith.constant 0 : i32
        %dma_start3A_970 = arith.constant 0 : i32
        %dma_start3A_971 = tpu.memref_slice %arg7[%rem3A_92, %dma_start3A_968, %dma_start3A_969, %dma_start3A_970] : memref<3x32x8x64xf32, #tpu.memory_space<vmem>> -> memref<1x32x8x64xf32, #tpu.memory_space<vmem>>
        %dma_start3A_972 = tpu.memref_squeeze %dma_start3A_971 : memref<1x32x8x64xf32, #tpu.memory_space<vmem>> -> memref<32x8x64xf32, #tpu.memory_space<vmem>>
        %dma_start3A_973 = arith.constant 0 : i32
        %dma_start3A_974 = arith.constant 0 : i32
        %dma_start3A_975 = tpu.memref_slice %dma_start3A_972[%add3A_967, %dma_start3A_973, %dma_start3A_974] : memref<32x8x64xf32, #tpu.memory_space<vmem>> -> memref<1x8x64xf32, #tpu.memory_space<vmem>>
        %dma_start3A_976 = arith.constant 0 : i32
        %dma_start3A_977 = arith.constant 0 : i32
        %dma_start3A_978 = tpu.memref_slice %arg3[%select_n3A_963, %dma_start3A_976, %dma_start3A_977] : memref<125000x8x64xf32, #tpu.memory_space<hbm>> -> memref<1x8x64xf32, #tpu.memory_space<hbm>>
        %dma_start3A_979 = tpu.memref_slice %arg9[%rem3A_92] : memref<3x!tpu.dma_semaphore, #tpu.memory_space<semaphore_mem>> -> memref<1x!tpu.dma_semaphore, #tpu.memory_space<semaphore_mem>>
        %dma_start3A_980 = tpu.memref_squeeze %dma_start3A_979 : memref<1x!tpu.dma_semaphore, #tpu.memory_space<semaphore_mem>> -> memref<!tpu.dma_semaphore, #tpu.memory_space<semaphore_mem>>
        %dma_start3A_981 = arith.constant 0 : i32
        %dma_start3A_982 = arith.constant 0 : i32
        %dma_start3A_983 = arith.constant 0 : i32
        %dma_start3A_984 = tpu.memref_slice %arg7[%rem3A_92, %dma_start3A_981, %dma_start3A_982, %dma_start3A_983] : memref<3x32x8x64xf32, #tpu.memory_space<vmem>> -> memref<1x32x8x64xf32, #tpu.memory_space<vmem>>
        %dma_start3A_985 = tpu.memref_squeeze %dma_start3A_984 : memref<1x32x8x64xf32, #tpu.memory_space<vmem>> -> memref<32x8x64xf32, #tpu.memory_space<vmem>>
        %dma_start3A_986 = arith.constant 0 : i32
        %dma_start3A_987 = arith.constant 0 : i32
        %dma_start3A_988 = tpu.memref_slice %dma_start3A_985[%add3A_967, %dma_start3A_986, %dma_start3A_987] : memref<32x8x64xf32, #tpu.memory_space<vmem>> -> memref<1x8x64xf32, #tpu.memory_space<vmem>>
        %dma_start3A_989 = arith.constant 0 : i32
        %dma_start3A_990 = arith.constant 0 : i32
        %dma_start3A_991 = tpu.memref_slice %arg3[%select_n3A_963, %dma_start3A_989, %dma_start3A_990] : memref<125000x8x64xf32, #tpu.memory_space<hbm>> -> memref<1x8x64xf32, #tpu.memory_space<hbm>>
        tpu.enqueue_dma source(%dma_start3A_991 : memref<1x8x64xf32, #tpu.memory_space<hbm>>) target(%dma_start3A_988 : memref<1x8x64xf32, #tpu.memory_space<vmem>>) target_semaphore(%dma_start3A_980 : memref<!tpu.dma_semaphore, #tpu.memory_space<semaphore_mem>>)
        %scan3A_992 = arith.constant 0 : i32
        %scan3A_993 = arith.constant 1 : i32
        %mul3A_994 = arith.constant 32 : i32
        %mul3A_995 = arith.muli %add3A_66, %mul3A_994 : i32
        %mul3A_996 = arith.constant 16 : i32
        %mul3A_997 = arith.muli %scan3A_993, %mul3A_996 : i32
        %add3A_998 = arith.addi %mul3A_995, %mul3A_997 : i32
        %get3A_999 = arith.index_cast %add3A_998 : i32 to index
        %get3A_1000 = tpu.vector_load %arg5[%get3A_999] {strides = array<i32>} : memref<3328xi32, #tpu.memory_space<vmem>>, vector<16xi32>,
        %add3A_1001 = vector.broadcast %mul3A_90 : i32 to vector<16xi32>
        %add3A_1002 = arith.addi %get3A_1000, %add3A_1001 : vector<16xi32>
        %jit3A_1003 = arith.constant 1000000 : i32
        %eq3A_1004 = arith.constant 0 : i32
        %eq3A_1005 = arith.cmpi eq, %jit3A_1003, %eq3A_1004 : i32
        %jit3A_1006 = arith.constant 1 : i32
        %select_n3A_1007 = arith.select %eq3A_1005, %jit3A_1006, %jit3A_1003 : i32
        %rem3A_1008 = vector.broadcast %select_n3A_1007 : i32 to vector<16xi32>
        %rem3A_1009 = arith.remsi %add3A_1002, %rem3A_1008 : vector<16xi32>
        %ne3A_1010 = arith.constant 0 : i32
        %ne3A_1011 = vector.broadcast %ne3A_1010 : i32 to vector<16xi32>
        %ne3A_1012 = arith.cmpi ne, %rem3A_1009, %ne3A_1011 : vector<16xi32>
        %lt3A_1013 = arith.constant 0 : i32
        %lt3A_1014 = vector.broadcast %lt3A_1013 : i32 to vector<16xi32>
        %lt3A_1015 = arith.cmpi slt, %rem3A_1009, %lt3A_1014 : vector<16xi32>
        %lt3A_1016 = arith.constant 0 : i32
        %lt3A_1017 = arith.cmpi slt, %select_n3A_1007, %lt3A_1016 : i32
        %ne3A_1018 = vector.broadcast %lt3A_1017 : i1 to vector<16xi1>
        %ne3A_1019 = vector.broadcast %ne3A_1018 : vector<16xi1> to vector<16xi1>
        %ne3A_1020 = arith.xori %lt3A_1015, %ne3A_1019 : vector<16xi1>
        %and3A_1021 = arith.andi %ne3A_1020, %ne3A_1012 : vector<16xi1>
        %add3A_1022 = vector.broadcast %select_n3A_1007 : i32 to vector<16xi32>
        %add3A_1023 = arith.addi %rem3A_1009, %add3A_1022 : vector<16xi32>
        %select_n3A_1024 = arith.select %and3A_1021, %add3A_1023, %rem3A_1009 : vector<16xi1>, vector<16xi32>
        %mul3A_1025 = arith.constant 32 : i32
        %mul3A_1026 = arith.muli %add3A_66, %mul3A_1025 : i32
        %mul3A_1027 = arith.constant 16 : i32
        %mul3A_1028 = arith.muli %scan3A_993, %mul3A_1027 : i32
        %add3A_1029 = arith.addi %mul3A_1026, %mul3A_1028 : i32
        %swap3A_1030 = arith.index_cast %add3A_1029 : i32 to index
        %swap3A_1031 = tpu.vector_load %arg6[%swap3A_1030] {strides = array<i32>} : memref<3328xi32, #tpu.memory_space<vmem>>, vector<16xi32>,
        tpu.vector_store %arg6[%swap3A_1030], %select_n3A_1024 {strides = array<i32>} : memref<3328xi32, #tpu.memory_space<vmem>>, vector<16xi32>,
        %slice3A_1032 = vector.extract_strided_slice %select_n3A_1024 {offsets = [0], sizes = [1], strides = [1]} : vector<16xi32> to vector<1xi32>
        %squeeze3A_1033 = vector.extract %slice3A_1032[0] : i32 from vector<1xi32>
        %jit3A_1034 = arith.constant 8 : i32
        %div3A_1035 = arith.divsi %squeeze3A_1033, %jit3A_1034 : i32
        %sign3A_1036 = arith.constant 0 : i32
        %sign3A_1037 = arith.cmpi sgt, %squeeze3A_1033, %sign3A_1036 : i32
        %sign3A_1038 = arith.extui %sign3A_1037 : i1 to i32
        %sign3A_1039 = arith.constant 0 : i32
        %sign3A_1040 = arith.cmpi slt, %squeeze3A_1033, %sign3A_1039 : i32
        %sign3A_1041 = arith.extui %sign3A_1040 : i1 to i32
        %sign3A_1042 = arith.subi %sign3A_1038, %sign3A_1041 : i32
        %sign3A_1043 = arith.constant 0 : i32
        %sign3A_1044 = arith.cmpi sgt, %jit3A_1034, %sign3A_1043 : i32
        %sign3A_1045 = arith.extui %sign3A_1044 : i1 to i32
        %sign3A_1046 = arith.constant 0 : i32
        %sign3A_1047 = arith.cmpi slt, %jit3A_1034, %sign3A_1046 : i32
        %sign3A_1048 = arith.extui %sign3A_1047 : i1 to i32
        %sign3A_1049 = arith.subi %sign3A_1045, %sign3A_1048 : i32
        %ne3A_1050 = arith.cmpi ne, %sign3A_1042, %sign3A_1049 : i32
        %rem3A_1051 = arith.remsi %squeeze3A_1033, %jit3A_1034 : i32
        %ne3A_1052 = arith.constant 0 : i32
        %ne3A_1053 = arith.cmpi ne, %rem3A_1051, %ne3A_1052 : i32
        %and3A_1054 = arith.andi %ne3A_1050, %ne3A_1053 : i1
        %sub3A_1055 = arith.constant 1 : i32
        %sub3A_1056 = arith.subi %div3A_1035, %sub3A_1055 : i32
        %select_n3A_1057 = arith.select %and3A_1054, %sub3A_1056, %div3A_1035 : i32
        %mul3A_1058 = arith.constant 16 : i32
        %mul3A_1059 = arith.muli %scan3A_993, %mul3A_1058 : i32
        %add3A_1060 = arith.constant 0 : i32
        %add3A_1061 = arith.addi %mul3A_1059, %add3A_1060 : i32
        %dma_start3A_1062 = arith.constant 0 : i32
        %dma_start3A_1063 = arith.constant 0 : i32
        %dma_start3A_1064 = arith.constant 0 : i32
        %dma_start3A_1065 = tpu.memref_slice %arg7[%rem3A_92, %dma_start3A_1062, %dma_start3A_1063, %dma_start3A_1064] : memref<3x32x8x64xf32, #tpu.memory_space<vmem>> -> memref<1x32x8x64xf32, #tpu.memory_space<vmem>>
        %dma_start3A_1066 = tpu.memref_squeeze %dma_start3A_1065 : memref<1x32x8x64xf32, #tpu.memory_space<vmem>> -> memref<32x8x64xf32, #tpu.memory_space<vmem>>
        %dma_start3A_1067 = arith.constant 0 : i32
        %dma_start3A_1068 = arith.constant 0 : i32
        %dma_start3A_1069 = tpu.memref_slice %dma_start3A_1066[%add3A_1061, %dma_start3A_1067, %dma_start3A_1068] : memref<32x8x64xf32, #tpu.memory_space<vmem>> -> memref<1x8x64xf32, #tpu.memory_space<vmem>>
        %dma_start3A_1070 = arith.constant 0 : i32
        %dma_start3A_1071 = arith.constant 0 : i32
        %dma_start3A_1072 = tpu.memref_slice %arg3[%select_n3A_1057, %dma_start3A_1070, %dma_start3A_1071] : memref<125000x8x64xf32, #tpu.memory_space<hbm>> -> memref<1x8x64xf32, #tpu.memory_space<hbm>>
        %dma_start3A_1073 = tpu.memref_slice %arg9[%rem3A_92] : memref<3x!tpu.dma_semaphore, #tpu.memory_space<semaphore_mem>> -> memref<1x!tpu.dma_semaphore, #tpu.memory_space<semaphore_mem>>
        %dma_start3A_1074 = tpu.memref_squeeze %dma_start3A_1073 : memref<1x!tpu.dma_semaphore, #tpu.memory_space<semaphore_mem>> -> memref<!tpu.dma_semaphore, #tpu.memory_space<semaphore_mem>>
        %dma_start3A_1075 = arith.constant 0 : i32
        %dma_start3A_1076 = arith.constant 0 : i32
        %dma_start3A_1077 = arith.constant 0 : i32
        %dma_start3A_1078 = tpu.memref_slice %arg7[%rem3A_92, %dma_start3A_1075, %dma_start3A_1076, %dma_start3A_1077] : memref<3x32x8x64xf32, #tpu.memory_space<vmem>> -> memref<1x32x8x64xf32, #tpu.memory_space<vmem>>
        %dma_start3A_1079 = tpu.memref_squeeze %dma_start3A_1078 : memref<1x32x8x64xf32, #tpu.memory_space<vmem>> -> memref<32x8x64xf32, #tpu.memory_space<vmem>>
        %dma_start3A_1080 = arith.constant 0 : i32
        %dma_start3A_1081 = arith.constant 0 : i32
        %dma_start3A_1082 = tpu.memref_slice %dma_start3A_1079[%add3A_1061, %dma_start3A_1080, %dma_start3A_1081] : memref<32x8x64xf32, #tpu.memory_space<vmem>> -> memref<1x8x64xf32, #tpu.memory_space<vmem>>
        %dma_start3A_1083 = arith.constant 0 : i32
        %dma_start3A_1084 = arith.constant 0 : i32
        %dma_start3A_1085 = tpu.memref_slice %arg3[%select_n3A_1057, %dma_start3A_1083, %dma_start3A_1084] : memref<125000x8x64xf32, #tpu.memory_space<hbm>> -> memref<1x8x64xf32, #tpu.memory_space<hbm>>
        tpu.enqueue_dma source(%dma_start3A_1085 : memref<1x8x64xf32, #tpu.memory_space<hbm>>) target(%dma_start3A_1082 : memref<1x8x64xf32, #tpu.memory_space<vmem>>) target_semaphore(%dma_start3A_1074 : memref<!tpu.dma_semaphore, #tpu.memory_space<semaphore_mem>>)
        %slice3A_1086 = vector.extract_strided_slice %select_n3A_1024 {offsets = [1], sizes = [1], strides = [1]} : vector<16xi32> to vector<1xi32>
        %squeeze3A_1087 = vector.extract %slice3A_1086[0] : i32 from vector<1xi32>
        %jit3A_1088 = arith.constant 8 : i32
        %div3A_1089 = arith.divsi %squeeze3A_1087, %jit3A_1088 : i32
        %sign3A_1090 = arith.constant 0 : i32
        %sign3A_1091 = arith.cmpi sgt, %squeeze3A_1087, %sign3A_1090 : i32
        %sign3A_1092 = arith.extui %sign3A_1091 : i1 to i32
        %sign3A_1093 = arith.constant 0 : i32
        %sign3A_1094 = arith.cmpi slt, %squeeze3A_1087, %sign3A_1093 : i32
        %sign3A_1095 = arith.extui %sign3A_1094 : i1 to i32
        %sign3A_1096 = arith.subi %sign3A_1092, %sign3A_1095 : i32
        %sign3A_1097 = arith.constant 0 : i32
        %sign3A_1098 = arith.cmpi sgt, %jit3A_1088, %sign3A_1097 : i32
        %sign3A_1099 = arith.extui %sign3A_1098 : i1 to i32
        %sign3A_1100 = arith.constant 0 : i32
        %sign3A_1101 = arith.cmpi slt, %jit3A_1088, %sign3A_1100 : i32
        %sign3A_1102 = arith.extui %sign3A_1101 : i1 to i32
        %sign3A_1103 = arith.subi %sign3A_1099, %sign3A_1102 : i32
        %ne3A_1104 = arith.cmpi ne, %sign3A_1096, %sign3A_1103 : i32
        %rem3A_1105 = arith.remsi %squeeze3A_1087, %jit3A_1088 : i32
        %ne3A_1106 = arith.constant 0 : i32
        %ne3A_1107 = arith.cmpi ne, %rem3A_1105, %ne3A_1106 : i32
        %and3A_1108 = arith.andi %ne3A_1104, %ne3A_1107 : i1
        %sub3A_1109 = arith.constant 1 : i32
        %sub3A_1110 = arith.subi %div3A_1089, %sub3A_1109 : i32
        %select_n3A_1111 = arith.select %and3A_1108, %sub3A_1110, %div3A_1089 : i32
        %mul3A_1112 = arith.constant 16 : i32
        %mul3A_1113 = arith.muli %scan3A_993, %mul3A_1112 : i32
        %add3A_1114 = arith.constant 1 : i32
        %add3A_1115 = arith.addi %mul3A_1113, %add3A_1114 : i32
        %dma_start3A_1116 = arith.constant 0 : i32
        %dma_start3A_1117 = arith.constant 0 : i32
        %dma_start3A_1118 = arith.constant 0 : i32
        %dma_start3A_1119 = tpu.memref_slice %arg7[%rem3A_92, %dma_start3A_1116, %dma_start3A_1117, %dma_start3A_1118] : memref<3x32x8x64xf32, #tpu.memory_space<vmem>> -> memref<1x32x8x64xf32, #tpu.memory_space<vmem>>
        %dma_start3A_1120 = tpu.memref_squeeze %dma_start3A_1119 : memref<1x32x8x64xf32, #tpu.memory_space<vmem>> -> memref<32x8x64xf32, #tpu.memory_space<vmem>>
        %dma_start3A_1121 = arith.constant 0 : i32
        %dma_start3A_1122 = arith.constant 0 : i32
        %dma_start3A_1123 = tpu.memref_slice %dma_start3A_1120[%add3A_1115, %dma_start3A_1121, %dma_start3A_1122] : memref<32x8x64xf32, #tpu.memory_space<vmem>> -> memref<1x8x64xf32, #tpu.memory_space<vmem>>
        %dma_start3A_1124 = arith.constant 0 : i32
        %dma_start3A_1125 = arith.constant 0 : i32
        %dma_start3A_1126 = tpu.memref_slice %arg3[%select_n3A_1111, %dma_start3A_1124, %dma_start3A_1125] : memref<125000x8x64xf32, #tpu.memory_space<hbm>> -> memref<1x8x64xf32, #tpu.memory_space<hbm>>
        %dma_start3A_1127 = tpu.memref_slice %arg9[%rem3A_92] : memref<3x!tpu.dma_semaphore, #tpu.memory_space<semaphore_mem>> -> memref<1x!tpu.dma_semaphore, #tpu.memory_space<semaphore_mem>>
        %dma_start3A_1128 = tpu.memref_squeeze %dma_start3A_1127 : memref<1x!tpu.dma_semaphore, #tpu.memory_space<semaphore_mem>> -> memref<!tpu.dma_semaphore, #tpu.memory_space<semaphore_mem>>
        %dma_start3A_1129 = arith.constant 0 : i32
        %dma_start3A_1130 = arith.constant 0 : i32
        %dma_start3A_1131 = arith.constant 0 : i32
        %dma_start3A_1132 = tpu.memref_slice %arg7[%rem3A_92, %dma_start3A_1129, %dma_start3A_1130, %dma_start3A_1131] : memref<3x32x8x64xf32, #tpu.memory_space<vmem>> -> memref<1x32x8x64xf32, #tpu.memory_space<vmem>>
        %dma_start3A_1133 = tpu.memref_squeeze %dma_start3A_1132 : memref<1x32x8x64xf32, #tpu.memory_space<vmem>> -> memref<32x8x64xf32, #tpu.memory_space<vmem>>
        %dma_start3A_1134 = arith.constant 0 : i32
        %dma_start3A_1135 = arith.constant 0 : i32
        %dma_start3A_1136 = tpu.memref_slice %dma_start3A_1133[%add3A_1115, %dma_start3A_1134, %dma_start3A_1135] : memref<32x8x64xf32, #tpu.memory_space<vmem>> -> memref<1x8x64xf32, #tpu.memory_space<vmem>>
        %dma_start3A_1137 = arith.constant 0 : i32
        %dma_start3A_1138 = arith.constant 0 : i32
        %dma_start3A_1139 = tpu.memref_slice %arg3[%select_n3A_1111, %dma_start3A_1137, %dma_start3A_1138] : memref<125000x8x64xf32, #tpu.memory_space<hbm>> -> memref<1x8x64xf32, #tpu.memory_space<hbm>>
        tpu.enqueue_dma source(%dma_start3A_1139 : memref<1x8x64xf32, #tpu.memory_space<hbm>>) target(%dma_start3A_1136 : memref<1x8x64xf32, #tpu.memory_space<vmem>>) target_semaphore(%dma_start3A_1128 : memref<!tpu.dma_semaphore, #tpu.memory_space<semaphore_mem>>)
        %slice3A_1140 = vector.extract_strided_slice %select_n3A_1024 {offsets = [2], sizes = [1], strides = [1]} : vector<16xi32> to vector<1xi32>
        %squeeze3A_1141 = vector.extract %slice3A_1140[0] : i32 from vector<1xi32>
        %jit3A_1142 = arith.constant 8 : i32
        %div3A_1143 = arith.divsi %squeeze3A_1141, %jit3A_1142 : i32
        %sign3A_1144 = arith.constant 0 : i32
        %sign3A_1145 = arith.cmpi sgt, %squeeze3A_1141, %sign3A_1144 : i32
        %sign3A_1146 = arith.extui %sign3A_1145 : i1 to i32
        %sign3A_1147 = arith.constant 0 : i32
        %sign3A_1148 = arith.cmpi slt, %squeeze3A_1141, %sign3A_1147 : i32
        %sign3A_1149 = arith.extui %sign3A_1148 : i1 to i32
        %sign3A_1150 = arith.subi %sign3A_1146, %sign3A_1149 : i32
        %sign3A_1151 = arith.constant 0 : i32
        %sign3A_1152 = arith.cmpi sgt, %jit3A_1142, %sign3A_1151 : i32
        %sign3A_1153 = arith.extui %sign3A_1152 : i1 to i32
        %sign3A_1154 = arith.constant 0 : i32
        %sign3A_1155 = arith.cmpi slt, %jit3A_1142, %sign3A_1154 : i32
        %sign3A_1156 = arith.extui %sign3A_1155 : i1 to i32
        %sign3A_1157 = arith.subi %sign3A_1153, %sign3A_1156 : i32
        %ne3A_1158 = arith.cmpi ne, %sign3A_1150, %sign3A_1157 : i32
        %rem3A_1159 = arith.remsi %squeeze3A_1141, %jit3A_1142 : i32
        %ne3A_1160 = arith.constant 0 : i32
        %ne3A_1161 = arith.cmpi ne, %rem3A_1159, %ne3A_1160 : i32
        %and3A_1162 = arith.andi %ne3A_1158, %ne3A_1161 : i1
        %sub3A_1163 = arith.constant 1 : i32
        %sub3A_1164 = arith.subi %div3A_1143, %sub3A_1163 : i32
        %select_n3A_1165 = arith.select %and3A_1162, %sub3A_1164, %div3A_1143 : i32
        %mul3A_1166 = arith.constant 16 : i32
        %mul3A_1167 = arith.muli %scan3A_993, %mul3A_1166 : i32
        %add3A_1168 = arith.constant 2 : i32
        %add3A_1169 = arith.addi %mul3A_1167, %add3A_1168 : i32
        %dma_start3A_1170 = arith.constant 0 : i32
        %dma_start3A_1171 = arith.constant 0 : i32
        %dma_start3A_1172 = arith.constant 0 : i32
        %dma_start3A_1173 = tpu.memref_slice %arg7[%rem3A_92, %dma_start3A_1170, %dma_start3A_1171, %dma_start3A_1172] : memref<3x32x8x64xf32, #tpu.memory_space<vmem>> -> memref<1x32x8x64xf32, #tpu.memory_space<vmem>>
        %dma_start3A_1174 = tpu.memref_squeeze %dma_start3A_1173 : memref<1x32x8x64xf32, #tpu.memory_space<vmem>> -> memref<32x8x64xf32, #tpu.memory_space<vmem>>
        %dma_start3A_1175 = arith.constant 0 : i32
        %dma_start3A_1176 = arith.constant 0 : i32
        %dma_start3A_1177 = tpu.memref_slice %dma_start3A_1174[%add3A_1169, %dma_start3A_1175, %dma_start3A_1176] : memref<32x8x64xf32, #tpu.memory_space<vmem>> -> memref<1x8x64xf32, #tpu.memory_space<vmem>>
        %dma_start3A_1178 = arith.constant 0 : i32
        %dma_start3A_1179 = arith.constant 0 : i32
        %dma_start3A_1180 = tpu.memref_slice %arg3[%select_n3A_1165, %dma_start3A_1178, %dma_start3A_1179] : memref<125000x8x64xf32, #tpu.memory_space<hbm>> -> memref<1x8x64xf32, #tpu.memory_space<hbm>>
        %dma_start3A_1181 = tpu.memref_slice %arg9[%rem3A_92] : memref<3x!tpu.dma_semaphore, #tpu.memory_space<semaphore_mem>> -> memref<1x!tpu.dma_semaphore, #tpu.memory_space<semaphore_mem>>
        %dma_start3A_1182 = tpu.memref_squeeze %dma_start3A_1181 : memref<1x!tpu.dma_semaphore, #tpu.memory_space<semaphore_mem>> -> memref<!tpu.dma_semaphore, #tpu.memory_space<semaphore_mem>>
        %dma_start3A_1183 = arith.constant 0 : i32
        %dma_start3A_1184 = arith.constant 0 : i32
        %dma_start3A_1185 = arith.constant 0 : i32
        %dma_start3A_1186 = tpu.memref_slice %arg7[%rem3A_92, %dma_start3A_1183, %dma_start3A_1184, %dma_start3A_1185] : memref<3x32x8x64xf32, #tpu.memory_space<vmem>> -> memref<1x32x8x64xf32, #tpu.memory_space<vmem>>
        %dma_start3A_1187 = tpu.memref_squeeze %dma_start3A_1186 : memref<1x32x8x64xf32, #tpu.memory_space<vmem>> -> memref<32x8x64xf32, #tpu.memory_space<vmem>>
        %dma_start3A_1188 = arith.constant 0 : i32
        %dma_start3A_1189 = arith.constant 0 : i32
        %dma_start3A_1190 = tpu.memref_slice %dma_start3A_1187[%add3A_1169, %dma_start3A_1188, %dma_start3A_1189] : memref<32x8x64xf32, #tpu.memory_space<vmem>> -> memref<1x8x64xf32, #tpu.memory_space<vmem>>
        %dma_start3A_1191 = arith.constant 0 : i32
        %dma_start3A_1192 = arith.constant 0 : i32
        %dma_start3A_1193 = tpu.memref_slice %arg3[%select_n3A_1165, %dma_start3A_1191, %dma_start3A_1192] : memref<125000x8x64xf32, #tpu.memory_space<hbm>> -> memref<1x8x64xf32, #tpu.memory_space<hbm>>
        tpu.enqueue_dma source(%dma_start3A_1193 : memref<1x8x64xf32, #tpu.memory_space<hbm>>) target(%dma_start3A_1190 : memref<1x8x64xf32, #tpu.memory_space<vmem>>) target_semaphore(%dma_start3A_1182 : memref<!tpu.dma_semaphore, #tpu.memory_space<semaphore_mem>>)
        %slice3A_1194 = vector.extract_strided_slice %select_n3A_1024 {offsets = [3], sizes = [1], strides = [1]} : vector<16xi32> to vector<1xi32>
        %squeeze3A_1195 = vector.extract %slice3A_1194[0] : i32 from vector<1xi32>
        %jit3A_1196 = arith.constant 8 : i32
        %div3A_1197 = arith.divsi %squeeze3A_1195, %jit3A_1196 : i32
        %sign3A_1198 = arith.constant 0 : i32
        %sign3A_1199 = arith.cmpi sgt, %squeeze3A_1195, %sign3A_1198 : i32
        %sign3A_1200 = arith.extui %sign3A_1199 : i1 to i32
        %sign3A_1201 = arith.constant 0 : i32
        %sign3A_1202 = arith.cmpi slt, %squeeze3A_1195, %sign3A_1201 : i32
        %sign3A_1203 = arith.extui %sign3A_1202 : i1 to i32
        %sign3A_1204 = arith.subi %sign3A_1200, %sign3A_1203 : i32
        %sign3A_1205 = arith.constant 0 : i32
        %sign3A_1206 = arith.cmpi sgt, %jit3A_1196, %sign3A_1205 : i32
        %sign3A_1207 = arith.extui %sign3A_1206 : i1 to i32
        %sign3A_1208 = arith.constant 0 : i32
        %sign3A_1209 = arith.cmpi slt, %jit3A_1196, %sign3A_1208 : i32
        %sign3A_1210 = arith.extui %sign3A_1209 : i1 to i32
        %sign3A_1211 = arith.subi %sign3A_1207, %sign3A_1210 : i32
        %ne3A_1212 = arith.cmpi ne, %sign3A_1204, %sign3A_1211 : i32
        %rem3A_1213 = arith.remsi %squeeze3A_1195, %jit3A_1196 : i32
        %ne3A_1214 = arith.constant 0 : i32
        %ne3A_1215 = arith.cmpi ne, %rem3A_1213, %ne3A_1214 : i32
        %and3A_1216 = arith.andi %ne3A_1212, %ne3A_1215 : i1
        %sub3A_1217 = arith.constant 1 : i32
        %sub3A_1218 = arith.subi %div3A_1197, %sub3A_1217 : i32
        %select_n3A_1219 = arith.select %and3A_1216, %sub3A_1218, %div3A_1197 : i32
        %mul3A_1220 = arith.constant 16 : i32
        %mul3A_1221 = arith.muli %scan3A_993, %mul3A_1220 : i32
        %add3A_1222 = arith.constant 3 : i32
        %add3A_1223 = arith.addi %mul3A_1221, %add3A_1222 : i32
        %dma_start3A_1224 = arith.constant 0 : i32
        %dma_start3A_1225 = arith.constant 0 : i32
        %dma_start3A_1226 = arith.constant 0 : i32
        %dma_start3A_1227 = tpu.memref_slice %arg7[%rem3A_92, %dma_start3A_1224, %dma_start3A_1225, %dma_start3A_1226] : memref<3x32x8x64xf32, #tpu.memory_space<vmem>> -> memref<1x32x8x64xf32, #tpu.memory_space<vmem>>
        %dma_start3A_1228 = tpu.memref_squeeze %dma_start3A_1227 : memref<1x32x8x64xf32, #tpu.memory_space<vmem>> -> memref<32x8x64xf32, #tpu.memory_space<vmem>>
        %dma_start3A_1229 = arith.constant 0 : i32
        %dma_start3A_1230 = arith.constant 0 : i32
        %dma_start3A_1231 = tpu.memref_slice %dma_start3A_1228[%add3A_1223, %dma_start3A_1229, %dma_start3A_1230] : memref<32x8x64xf32, #tpu.memory_space<vmem>> -> memref<1x8x64xf32, #tpu.memory_space<vmem>>
        %dma_start3A_1232 = arith.constant 0 : i32
        %dma_start3A_1233 = arith.constant 0 : i32
        %dma_start3A_1234 = tpu.memref_slice %arg3[%select_n3A_1219, %dma_start3A_1232, %dma_start3A_1233] : memref<125000x8x64xf32, #tpu.memory_space<hbm>> -> memref<1x8x64xf32, #tpu.memory_space<hbm>>
        %dma_start3A_1235 = tpu.memref_slice %arg9[%rem3A_92] : memref<3x!tpu.dma_semaphore, #tpu.memory_space<semaphore_mem>> -> memref<1x!tpu.dma_semaphore, #tpu.memory_space<semaphore_mem>>
        %dma_start3A_1236 = tpu.memref_squeeze %dma_start3A_1235 : memref<1x!tpu.dma_semaphore, #tpu.memory_space<semaphore_mem>> -> memref<!tpu.dma_semaphore, #tpu.memory_space<semaphore_mem>>
        %dma_start3A_1237 = arith.constant 0 : i32
        %dma_start3A_1238 = arith.constant 0 : i32
        %dma_start3A_1239 = arith.constant 0 : i32
        %dma_start3A_1240 = tpu.memref_slice %arg7[%rem3A_92, %dma_start3A_1237, %dma_start3A_1238, %dma_start3A_1239] : memref<3x32x8x64xf32, #tpu.memory_space<vmem>> -> memref<1x32x8x64xf32, #tpu.memory_space<vmem>>
        %dma_start3A_1241 = tpu.memref_squeeze %dma_start3A_1240 : memref<1x32x8x64xf32, #tpu.memory_space<vmem>> -> memref<32x8x64xf32, #tpu.memory_space<vmem>>
        %dma_start3A_1242 = arith.constant 0 : i32
        %dma_start3A_1243 = arith.constant 0 : i32
        %dma_start3A_1244 = tpu.memref_slice %dma_start3A_1241[%add3A_1223, %dma_start3A_1242, %dma_start3A_1243] : memref<32x8x64xf32, #tpu.memory_space<vmem>> -> memref<1x8x64xf32, #tpu.memory_space<vmem>>
        %dma_start3A_1245 = arith.constant 0 : i32
        %dma_start3A_1246 = arith.constant 0 : i32
        %dma_start3A_1247 = tpu.memref_slice %arg3[%select_n3A_1219, %dma_start3A_1245, %dma_start3A_1246] : memref<125000x8x64xf32, #tpu.memory_space<hbm>> -> memref<1x8x64xf32, #tpu.memory_space<hbm>>
        tpu.enqueue_dma source(%dma_start3A_1247 : memref<1x8x64xf32, #tpu.memory_space<hbm>>) target(%dma_start3A_1244 : memref<1x8x64xf32, #tpu.memory_space<vmem>>) target_semaphore(%dma_start3A_1236 : memref<!tpu.dma_semaphore, #tpu.memory_space<semaphore_mem>>)
        %slice3A_1248 = vector.extract_strided_slice %select_n3A_1024 {offsets = [4], sizes = [1], strides = [1]} : vector<16xi32> to vector<1xi32>
        %squeeze3A_1249 = vector.extract %slice3A_1248[0] : i32 from vector<1xi32>
        %jit3A_1250 = arith.constant 8 : i32
        %div3A_1251 = arith.divsi %squeeze3A_1249, %jit3A_1250 : i32
        %sign3A_1252 = arith.constant 0 : i32
        %sign3A_1253 = arith.cmpi sgt, %squeeze3A_1249, %sign3A_1252 : i32
        %sign3A_1254 = arith.extui %sign3A_1253 : i1 to i32
        %sign3A_1255 = arith.constant 0 : i32
        %sign3A_1256 = arith.cmpi slt, %squeeze3A_1249, %sign3A_1255 : i32
        %sign3A_1257 = arith.extui %sign3A_1256 : i1 to i32
        %sign3A_1258 = arith.subi %sign3A_1254, %sign3A_1257 : i32
        %sign3A_1259 = arith.constant 0 : i32
        %sign3A_1260 = arith.cmpi sgt, %jit3A_1250, %sign3A_1259 : i32
        %sign3A_1261 = arith.extui %sign3A_1260 : i1 to i32
        %sign3A_1262 = arith.constant 0 : i32
        %sign3A_1263 = arith.cmpi slt, %jit3A_1250, %sign3A_1262 : i32
        %sign3A_1264 = arith.extui %sign3A_1263 : i1 to i32
        %sign3A_1265 = arith.subi %sign3A_1261, %sign3A_1264 : i32
        %ne3A_1266 = arith.cmpi ne, %sign3A_1258, %sign3A_1265 : i32
        %rem3A_1267 = arith.remsi %squeeze3A_1249, %jit3A_1250 : i32
        %ne3A_1268 = arith.constant 0 : i32
        %ne3A_1269 = arith.cmpi ne, %rem3A_1267, %ne3A_1268 : i32
        %and3A_1270 = arith.andi %ne3A_1266, %ne3A_1269 : i1
        %sub3A_1271 = arith.constant 1 : i32
        %sub3A_1272 = arith.subi %div3A_1251, %sub3A_1271 : i32
        %select_n3A_1273 = arith.select %and3A_1270, %sub3A_1272, %div3A_1251 : i32
        %mul3A_1274 = arith.constant 16 : i32
        %mul3A_1275 = arith.muli %scan3A_993, %mul3A_1274 : i32
        %add3A_1276 = arith.constant 4 : i32
        %add3A_1277 = arith.addi %mul3A_1275, %add3A_1276 : i32
        %dma_start3A_1278 = arith.constant 0 : i32
        %dma_start3A_1279 = arith.constant 0 : i32
        %dma_start3A_1280 = arith.constant 0 : i32
        %dma_start3A_1281 = tpu.memref_slice %arg7[%rem3A_92, %dma_start3A_1278, %dma_start3A_1279, %dma_start3A_1280] : memref<3x32x8x64xf32, #tpu.memory_space<vmem>> -> memref<1x32x8x64xf32, #tpu.memory_space<vmem>>
        %dma_start3A_1282 = tpu.memref_squeeze %dma_start3A_1281 : memref<1x32x8x64xf32, #tpu.memory_space<vmem>> -> memref<32x8x64xf32, #tpu.memory_space<vmem>>
        %dma_start3A_1283 = arith.constant 0 : i32
        %dma_start3A_1284 = arith.constant 0 : i32
        %dma_start3A_1285 = tpu.memref_slice %dma_start3A_1282[%add3A_1277, %dma_start3A_1283, %dma_start3A_1284] : memref<32x8x64xf32, #tpu.memory_space<vmem>> -> memref<1x8x64xf32, #tpu.memory_space<vmem>>
        %dma_start3A_1286 = arith.constant 0 : i32
        %dma_start3A_1287 = arith.constant 0 : i32
        %dma_start3A_1288 = tpu.memref_slice %arg3[%select_n3A_1273, %dma_start3A_1286, %dma_start3A_1287] : memref<125000x8x64xf32, #tpu.memory_space<hbm>> -> memref<1x8x64xf32, #tpu.memory_space<hbm>>
        %dma_start3A_1289 = tpu.memref_slice %arg9[%rem3A_92] : memref<3x!tpu.dma_semaphore, #tpu.memory_space<semaphore_mem>> -> memref<1x!tpu.dma_semaphore, #tpu.memory_space<semaphore_mem>>
        %dma_start3A_1290 = tpu.memref_squeeze %dma_start3A_1289 : memref<1x!tpu.dma_semaphore, #tpu.memory_space<semaphore_mem>> -> memref<!tpu.dma_semaphore, #tpu.memory_space<semaphore_mem>>
        %dma_start3A_1291 = arith.constant 0 : i32
        %dma_start3A_1292 = arith.constant 0 : i32
        %dma_start3A_1293 = arith.constant 0 : i32
        %dma_start3A_1294 = tpu.memref_slice %arg7[%rem3A_92, %dma_start3A_1291, %dma_start3A_1292, %dma_start3A_1293] : memref<3x32x8x64xf32, #tpu.memory_space<vmem>> -> memref<1x32x8x64xf32, #tpu.memory_space<vmem>>
        %dma_start3A_1295 = tpu.memref_squeeze %dma_start3A_1294 : memref<1x32x8x64xf32, #tpu.memory_space<vmem>> -> memref<32x8x64xf32, #tpu.memory_space<vmem>>
        %dma_start3A_1296 = arith.constant 0 : i32
        %dma_start3A_1297 = arith.constant 0 : i32
        %dma_start3A_1298 = tpu.memref_slice %dma_start3A_1295[%add3A_1277, %dma_start3A_1296, %dma_start3A_1297] : memref<32x8x64xf32, #tpu.memory_space<vmem>> -> memref<1x8x64xf32, #tpu.memory_space<vmem>>
        %dma_start3A_1299 = arith.constant 0 : i32
        %dma_start3A_1300 = arith.constant 0 : i32
        %dma_start3A_1301 = tpu.memref_slice %arg3[%select_n3A_1273, %dma_start3A_1299, %dma_start3A_1300] : memref<125000x8x64xf32, #tpu.memory_space<hbm>> -> memref<1x8x64xf32, #tpu.memory_space<hbm>>
        tpu.enqueue_dma source(%dma_start3A_1301 : memref<1x8x64xf32, #tpu.memory_space<hbm>>) target(%dma_start3A_1298 : memref<1x8x64xf32, #tpu.memory_space<vmem>>) target_semaphore(%dma_start3A_1290 : memref<!tpu.dma_semaphore, #tpu.memory_space<semaphore_mem>>)
        %slice3A_1302 = vector.extract_strided_slice %select_n3A_1024 {offsets = [5], sizes = [1], strides = [1]} : vector<16xi32> to vector<1xi32>
        %squeeze3A_1303 = vector.extract %slice3A_1302[0] : i32 from vector<1xi32>
        %jit3A_1304 = arith.constant 8 : i32
        %div3A_1305 = arith.divsi %squeeze3A_1303, %jit3A_1304 : i32
        %sign3A_1306 = arith.constant 0 : i32
        %sign3A_1307 = arith.cmpi sgt, %squeeze3A_1303, %sign3A_1306 : i32
        %sign3A_1308 = arith.extui %sign3A_1307 : i1 to i32
        %sign3A_1309 = arith.constant 0 : i32
        %sign3A_1310 = arith.cmpi slt, %squeeze3A_1303, %sign3A_1309 : i32
        %sign3A_1311 = arith.extui %sign3A_1310 : i1 to i32
        %sign3A_1312 = arith.subi %sign3A_1308, %sign3A_1311 : i32
        %sign3A_1313 = arith.constant 0 : i32
        %sign3A_1314 = arith.cmpi sgt, %jit3A_1304, %sign3A_1313 : i32
        %sign3A_1315 = arith.extui %sign3A_1314 : i1 to i32
        %sign3A_1316 = arith.constant 0 : i32
        %sign3A_1317 = arith.cmpi slt, %jit3A_1304, %sign3A_1316 : i32
        %sign3A_1318 = arith.extui %sign3A_1317 : i1 to i32
        %sign3A_1319 = arith.subi %sign3A_1315, %sign3A_1318 : i32
        %ne3A_1320 = arith.cmpi ne, %sign3A_1312, %sign3A_1319 : i32
        %rem3A_1321 = arith.remsi %squeeze3A_1303, %jit3A_1304 : i32
        %ne3A_1322 = arith.constant 0 : i32
        %ne3A_1323 = arith.cmpi ne, %rem3A_1321, %ne3A_1322 : i32
        %and3A_1324 = arith.andi %ne3A_1320, %ne3A_1323 : i1
        %sub3A_1325 = arith.constant 1 : i32
        %sub3A_1326 = arith.subi %div3A_1305, %sub3A_1325 : i32
        %select_n3A_1327 = arith.select %and3A_1324, %sub3A_1326, %div3A_1305 : i32
        %mul3A_1328 = arith.constant 16 : i32
        %mul3A_1329 = arith.muli %scan3A_993, %mul3A_1328 : i32
        %add3A_1330 = arith.constant 5 : i32
        %add3A_1331 = arith.addi %mul3A_1329, %add3A_1330 : i32
        %dma_start3A_1332 = arith.constant 0 : i32
        %dma_start3A_1333 = arith.constant 0 : i32
        %dma_start3A_1334 = arith.constant 0 : i32
        %dma_start3A_1335 = tpu.memref_slice %arg7[%rem3A_92, %dma_start3A_1332, %dma_start3A_1333, %dma_start3A_1334] : memref<3x32x8x64xf32, #tpu.memory_space<vmem>> -> memref<1x32x8x64xf32, #tpu.memory_space<vmem>>
        %dma_start3A_1336 = tpu.memref_squeeze %dma_start3A_1335 : memref<1x32x8x64xf32, #tpu.memory_space<vmem>> -> memref<32x8x64xf32, #tpu.memory_space<vmem>>
        %dma_start3A_1337 = arith.constant 0 : i32
        %dma_start3A_1338 = arith.constant 0 : i32
        %dma_start3A_1339 = tpu.memref_slice %dma_start3A_1336[%add3A_1331, %dma_start3A_1337, %dma_start3A_1338] : memref<32x8x64xf32, #tpu.memory_space<vmem>> -> memref<1x8x64xf32, #tpu.memory_space<vmem>>
        %dma_start3A_1340 = arith.constant 0 : i32
        %dma_start3A_1341 = arith.constant 0 : i32
        %dma_start3A_1342 = tpu.memref_slice %arg3[%select_n3A_1327, %dma_start3A_1340, %dma_start3A_1341] : memref<125000x8x64xf32, #tpu.memory_space<hbm>> -> memref<1x8x64xf32, #tpu.memory_space<hbm>>
        %dma_start3A_1343 = tpu.memref_slice %arg9[%rem3A_92] : memref<3x!tpu.dma_semaphore, #tpu.memory_space<semaphore_mem>> -> memref<1x!tpu.dma_semaphore, #tpu.memory_space<semaphore_mem>>
        %dma_start3A_1344 = tpu.memref_squeeze %dma_start3A_1343 : memref<1x!tpu.dma_semaphore, #tpu.memory_space<semaphore_mem>> -> memref<!tpu.dma_semaphore, #tpu.memory_space<semaphore_mem>>
        %dma_start3A_1345 = arith.constant 0 : i32
        %dma_start3A_1346 = arith.constant 0 : i32
        %dma_start3A_1347 = arith.constant 0 : i32
        %dma_start3A_1348 = tpu.memref_slice %arg7[%rem3A_92, %dma_start3A_1345, %dma_start3A_1346, %dma_start3A_1347] : memref<3x32x8x64xf32, #tpu.memory_space<vmem>> -> memref<1x32x8x64xf32, #tpu.memory_space<vmem>>
        %dma_start3A_1349 = tpu.memref_squeeze %dma_start3A_1348 : memref<1x32x8x64xf32, #tpu.memory_space<vmem>> -> memref<32x8x64xf32, #tpu.memory_space<vmem>>
        %dma_start3A_1350 = arith.constant 0 : i32
        %dma_start3A_1351 = arith.constant 0 : i32
        %dma_start3A_1352 = tpu.memref_slice %dma_start3A_1349[%add3A_1331, %dma_start3A_1350, %dma_start3A_1351] : memref<32x8x64xf32, #tpu.memory_space<vmem>> -> memref<1x8x64xf32, #tpu.memory_space<vmem>>
        %dma_start3A_1353 = arith.constant 0 : i32
        %dma_start3A_1354 = arith.constant 0 : i32
        %dma_start3A_1355 = tpu.memref_slice %arg3[%select_n3A_1327, %dma_start3A_1353, %dma_start3A_1354] : memref<125000x8x64xf32, #tpu.memory_space<hbm>> -> memref<1x8x64xf32, #tpu.memory_space<hbm>>
        tpu.enqueue_dma source(%dma_start3A_1355 : memref<1x8x64xf32, #tpu.memory_space<hbm>>) target(%dma_start3A_1352 : memref<1x8x64xf32, #tpu.memory_space<vmem>>) target_semaphore(%dma_start3A_1344 : memref<!tpu.dma_semaphore, #tpu.memory_space<semaphore_mem>>)
        %slice3A_1356 = vector.extract_strided_slice %select_n3A_1024 {offsets = [6], sizes = [1], strides = [1]} : vector<16xi32> to vector<1xi32>
        %squeeze3A_1357 = vector.extract %slice3A_1356[0] : i32 from vector<1xi32>
        %jit3A_1358 = arith.constant 8 : i32
        %div3A_1359 = arith.divsi %squeeze3A_1357, %jit3A_1358 : i32
        %sign3A_1360 = arith.constant 0 : i32
        %sign3A_1361 = arith.cmpi sgt, %squeeze3A_1357, %sign3A_1360 : i32
        %sign3A_1362 = arith.extui %sign3A_1361 : i1 to i32
        %sign3A_1363 = arith.constant 0 : i32
        %sign3A_1364 = arith.cmpi slt, %squeeze3A_1357, %sign3A_1363 : i32
        %sign3A_1365 = arith.extui %sign3A_1364 : i1 to i32
        %sign3A_1366 = arith.subi %sign3A_1362, %sign3A_1365 : i32
        %sign3A_1367 = arith.constant 0 : i32
        %sign3A_1368 = arith.cmpi sgt, %jit3A_1358, %sign3A_1367 : i32
        %sign3A_1369 = arith.extui %sign3A_1368 : i1 to i32
        %sign3A_1370 = arith.constant 0 : i32
        %sign3A_1371 = arith.cmpi slt, %jit3A_1358, %sign3A_1370 : i32
        %sign3A_1372 = arith.extui %sign3A_1371 : i1 to i32
        %sign3A_1373 = arith.subi %sign3A_1369, %sign3A_1372 : i32
        %ne3A_1374 = arith.cmpi ne, %sign3A_1366, %sign3A_1373 : i32
        %rem3A_1375 = arith.remsi %squeeze3A_1357, %jit3A_1358 : i32
        %ne3A_1376 = arith.constant 0 : i32
        %ne3A_1377 = arith.cmpi ne, %rem3A_1375, %ne3A_1376 : i32
        %and3A_1378 = arith.andi %ne3A_1374, %ne3A_1377 : i1
        %sub3A_1379 = arith.constant 1 : i32
        %sub3A_1380 = arith.subi %div3A_1359, %sub3A_1379 : i32
        %select_n3A_1381 = arith.select %and3A_1378, %sub3A_1380, %div3A_1359 : i32
        %mul3A_1382 = arith.constant 16 : i32
        %mul3A_1383 = arith.muli %scan3A_993, %mul3A_1382 : i32
        %add3A_1384 = arith.constant 6 : i32
        %add3A_1385 = arith.addi %mul3A_1383, %add3A_1384 : i32
        %dma_start3A_1386 = arith.constant 0 : i32
        %dma_start3A_1387 = arith.constant 0 : i32
        %dma_start3A_1388 = arith.constant 0 : i32
        %dma_start3A_1389 = tpu.memref_slice %arg7[%rem3A_92, %dma_start3A_1386, %dma_start3A_1387, %dma_start3A_1388] : memref<3x32x8x64xf32, #tpu.memory_space<vmem>> -> memref<1x32x8x64xf32, #tpu.memory_space<vmem>>
        %dma_start3A_1390 = tpu.memref_squeeze %dma_start3A_1389 : memref<1x32x8x64xf32, #tpu.memory_space<vmem>> -> memref<32x8x64xf32, #tpu.memory_space<vmem>>
        %dma_start3A_1391 = arith.constant 0 : i32
        %dma_start3A_1392 = arith.constant 0 : i32
        %dma_start3A_1393 = tpu.memref_slice %dma_start3A_1390[%add3A_1385, %dma_start3A_1391, %dma_start3A_1392] : memref<32x8x64xf32, #tpu.memory_space<vmem>> -> memref<1x8x64xf32, #tpu.memory_space<vmem>>
        %dma_start3A_1394 = arith.constant 0 : i32
        %dma_start3A_1395 = arith.constant 0 : i32
        %dma_start3A_1396 = tpu.memref_slice %arg3[%select_n3A_1381, %dma_start3A_1394, %dma_start3A_1395] : memref<125000x8x64xf32, #tpu.memory_space<hbm>> -> memref<1x8x64xf32, #tpu.memory_space<hbm>>
        %dma_start3A_1397 = tpu.memref_slice %arg9[%rem3A_92] : memref<3x!tpu.dma_semaphore, #tpu.memory_space<semaphore_mem>> -> memref<1x!tpu.dma_semaphore, #tpu.memory_space<semaphore_mem>>
        %dma_start3A_1398 = tpu.memref_squeeze %dma_start3A_1397 : memref<1x!tpu.dma_semaphore, #tpu.memory_space<semaphore_mem>> -> memref<!tpu.dma_semaphore, #tpu.memory_space<semaphore_mem>>
        %dma_start3A_1399 = arith.constant 0 : i32
        %dma_start3A_1400 = arith.constant 0 : i32
        %dma_start3A_1401 = arith.constant 0 : i32
        %dma_start3A_1402 = tpu.memref_slice %arg7[%rem3A_92, %dma_start3A_1399, %dma_start3A_1400, %dma_start3A_1401] : memref<3x32x8x64xf32, #tpu.memory_space<vmem>> -> memref<1x32x8x64xf32, #tpu.memory_space<vmem>>
        %dma_start3A_1403 = tpu.memref_squeeze %dma_start3A_1402 : memref<1x32x8x64xf32, #tpu.memory_space<vmem>> -> memref<32x8x64xf32, #tpu.memory_space<vmem>>
        %dma_start3A_1404 = arith.constant 0 : i32
        %dma_start3A_1405 = arith.constant 0 : i32
        %dma_start3A_1406 = tpu.memref_slice %dma_start3A_1403[%add3A_1385, %dma_start3A_1404, %dma_start3A_1405] : memref<32x8x64xf32, #tpu.memory_space<vmem>> -> memref<1x8x64xf32, #tpu.memory_space<vmem>>
        %dma_start3A_1407 = arith.constant 0 : i32
        %dma_start3A_1408 = arith.constant 0 : i32
        %dma_start3A_1409 = tpu.memref_slice %arg3[%select_n3A_1381, %dma_start3A_1407, %dma_start3A_1408] : memref<125000x8x64xf32, #tpu.memory_space<hbm>> -> memref<1x8x64xf32, #tpu.memory_space<hbm>>
        tpu.enqueue_dma source(%dma_start3A_1409 : memref<1x8x64xf32, #tpu.memory_space<hbm>>) target(%dma_start3A_1406 : memref<1x8x64xf32, #tpu.memory_space<vmem>>) target_semaphore(%dma_start3A_1398 : memref<!tpu.dma_semaphore, #tpu.memory_space<semaphore_mem>>)
        %slice3A_1410 = vector.extract_strided_slice %select_n3A_1024 {offsets = [7], sizes = [1], strides = [1]} : vector<16xi32> to vector<1xi32>
        %squeeze3A_1411 = vector.extract %slice3A_1410[0] : i32 from vector<1xi32>
        %jit3A_1412 = arith.constant 8 : i32
        %div3A_1413 = arith.divsi %squeeze3A_1411, %jit3A_1412 : i32
        %sign3A_1414 = arith.constant 0 : i32
        %sign3A_1415 = arith.cmpi sgt, %squeeze3A_1411, %sign3A_1414 : i32
        %sign3A_1416 = arith.extui %sign3A_1415 : i1 to i32
        %sign3A_1417 = arith.constant 0 : i32
        %sign3A_1418 = arith.cmpi slt, %squeeze3A_1411, %sign3A_1417 : i32
        %sign3A_1419 = arith.extui %sign3A_1418 : i1 to i32
        %sign3A_1420 = arith.subi %sign3A_1416, %sign3A_1419 : i32
        %sign3A_1421 = arith.constant 0 : i32
        %sign3A_1422 = arith.cmpi sgt, %jit3A_1412, %sign3A_1421 : i32
        %sign3A_1423 = arith.extui %sign3A_1422 : i1 to i32
        %sign3A_1424 = arith.constant 0 : i32
        %sign3A_1425 = arith.cmpi slt, %jit3A_1412, %sign3A_1424 : i32
        %sign3A_1426 = arith.extui %sign3A_1425 : i1 to i32
        %sign3A_1427 = arith.subi %sign3A_1423, %sign3A_1426 : i32
        %ne3A_1428 = arith.cmpi ne, %sign3A_1420, %sign3A_1427 : i32
        %rem3A_1429 = arith.remsi %squeeze3A_1411, %jit3A_1412 : i32
        %ne3A_1430 = arith.constant 0 : i32
        %ne3A_1431 = arith.cmpi ne, %rem3A_1429, %ne3A_1430 : i32
        %and3A_1432 = arith.andi %ne3A_1428, %ne3A_1431 : i1
        %sub3A_1433 = arith.constant 1 : i32
        %sub3A_1434 = arith.subi %div3A_1413, %sub3A_1433 : i32
        %select_n3A_1435 = arith.select %and3A_1432, %sub3A_1434, %div3A_1413 : i32
        %mul3A_1436 = arith.constant 16 : i32
        %mul3A_1437 = arith.muli %scan3A_993, %mul3A_1436 : i32
        %add3A_1438 = arith.constant 7 : i32
        %add3A_1439 = arith.addi %mul3A_1437, %add3A_1438 : i32
        %dma_start3A_1440 = arith.constant 0 : i32
        %dma_start3A_1441 = arith.constant 0 : i32
        %dma_start3A_1442 = arith.constant 0 : i32
        %dma_start3A_1443 = tpu.memref_slice %arg7[%rem3A_92, %dma_start3A_1440, %dma_start3A_1441, %dma_start3A_1442] : memref<3x32x8x64xf32, #tpu.memory_space<vmem>> -> memref<1x32x8x64xf32, #tpu.memory_space<vmem>>
        %dma_start3A_1444 = tpu.memref_squeeze %dma_start3A_1443 : memref<1x32x8x64xf32, #tpu.memory_space<vmem>> -> memref<32x8x64xf32, #tpu.memory_space<vmem>>
        %dma_start3A_1445 = arith.constant 0 : i32
        %dma_start3A_1446 = arith.constant 0 : i32
        %dma_start3A_1447 = tpu.memref_slice %dma_start3A_1444[%add3A_1439, %dma_start3A_1445, %dma_start3A_1446] : memref<32x8x64xf32, #tpu.memory_space<vmem>> -> memref<1x8x64xf32, #tpu.memory_space<vmem>>
        %dma_start3A_1448 = arith.constant 0 : i32
        %dma_start3A_1449 = arith.constant 0 : i32
        %dma_start3A_1450 = tpu.memref_slice %arg3[%select_n3A_1435, %dma_start3A_1448, %dma_start3A_1449] : memref<125000x8x64xf32, #tpu.memory_space<hbm>> -> memref<1x8x64xf32, #tpu.memory_space<hbm>>
        %dma_start3A_1451 = tpu.memref_slice %arg9[%rem3A_92] : memref<3x!tpu.dma_semaphore, #tpu.memory_space<semaphore_mem>> -> memref<1x!tpu.dma_semaphore, #tpu.memory_space<semaphore_mem>>
        %dma_start3A_1452 = tpu.memref_squeeze %dma_start3A_1451 : memref<1x!tpu.dma_semaphore, #tpu.memory_space<semaphore_mem>> -> memref<!tpu.dma_semaphore, #tpu.memory_space<semaphore_mem>>
        %dma_start3A_1453 = arith.constant 0 : i32
        %dma_start3A_1454 = arith.constant 0 : i32
        %dma_start3A_1455 = arith.constant 0 : i32
        %dma_start3A_1456 = tpu.memref_slice %arg7[%rem3A_92, %dma_start3A_1453, %dma_start3A_1454, %dma_start3A_1455] : memref<3x32x8x64xf32, #tpu.memory_space<vmem>> -> memref<1x32x8x64xf32, #tpu.memory_space<vmem>>
        %dma_start3A_1457 = tpu.memref_squeeze %dma_start3A_1456 : memref<1x32x8x64xf32, #tpu.memory_space<vmem>> -> memref<32x8x64xf32, #tpu.memory_space<vmem>>
        %dma_start3A_1458 = arith.constant 0 : i32
        %dma_start3A_1459 = arith.constant 0 : i32
        %dma_start3A_1460 = tpu.memref_slice %dma_start3A_1457[%add3A_1439, %dma_start3A_1458, %dma_start3A_1459] : memref<32x8x64xf32, #tpu.memory_space<vmem>> -> memref<1x8x64xf32, #tpu.memory_space<vmem>>
        %dma_start3A_1461 = arith.constant 0 : i32
        %dma_start3A_1462 = arith.constant 0 : i32
        %dma_start3A_1463 = tpu.memref_slice %arg3[%select_n3A_1435, %dma_start3A_1461, %dma_start3A_1462] : memref<125000x8x64xf32, #tpu.memory_space<hbm>> -> memref<1x8x64xf32, #tpu.memory_space<hbm>>
        tpu.enqueue_dma source(%dma_start3A_1463 : memref<1x8x64xf32, #tpu.memory_space<hbm>>) target(%dma_start3A_1460 : memref<1x8x64xf32, #tpu.memory_space<vmem>>) target_semaphore(%dma_start3A_1452 : memref<!tpu.dma_semaphore, #tpu.memory_space<semaphore_mem>>)
        %slice3A_1464 = vector.extract_strided_slice %select_n3A_1024 {offsets = [8], sizes = [1], strides = [1]} : vector<16xi32> to vector<1xi32>
        %squeeze3A_1465 = vector.extract %slice3A_1464[0] : i32 from vector<1xi32>
        %jit3A_1466 = arith.constant 8 : i32
        %div3A_1467 = arith.divsi %squeeze3A_1465, %jit3A_1466 : i32
        %sign3A_1468 = arith.constant 0 : i32
        %sign3A_1469 = arith.cmpi sgt, %squeeze3A_1465, %sign3A_1468 : i32
        %sign3A_1470 = arith.extui %sign3A_1469 : i1 to i32
        %sign3A_1471 = arith.constant 0 : i32
        %sign3A_1472 = arith.cmpi slt, %squeeze3A_1465, %sign3A_1471 : i32
        %sign3A_1473 = arith.extui %sign3A_1472 : i1 to i32
        %sign3A_1474 = arith.subi %sign3A_1470, %sign3A_1473 : i32
        %sign3A_1475 = arith.constant 0 : i32
        %sign3A_1476 = arith.cmpi sgt, %jit3A_1466, %sign3A_1475 : i32
        %sign3A_1477 = arith.extui %sign3A_1476 : i1 to i32
        %sign3A_1478 = arith.constant 0 : i32
        %sign3A_1479 = arith.cmpi slt, %jit3A_1466, %sign3A_1478 : i32
        %sign3A_1480 = arith.extui %sign3A_1479 : i1 to i32
        %sign3A_1481 = arith.subi %sign3A_1477, %sign3A_1480 : i32
        %ne3A_1482 = arith.cmpi ne, %sign3A_1474, %sign3A_1481 : i32
        %rem3A_1483 = arith.remsi %squeeze3A_1465, %jit3A_1466 : i32
        %ne3A_1484 = arith.constant 0 : i32
        %ne3A_1485 = arith.cmpi ne, %rem3A_1483, %ne3A_1484 : i32
        %and3A_1486 = arith.andi %ne3A_1482, %ne3A_1485 : i1
        %sub3A_1487 = arith.constant 1 : i32
        %sub3A_1488 = arith.subi %div3A_1467, %sub3A_1487 : i32
        %select_n3A_1489 = arith.select %and3A_1486, %sub3A_1488, %div3A_1467 : i32
        %mul3A_1490 = arith.constant 16 : i32
        %mul3A_1491 = arith.muli %scan3A_993, %mul3A_1490 : i32
        %add3A_1492 = arith.constant 8 : i32
        %add3A_1493 = arith.addi %mul3A_1491, %add3A_1492 : i32
        %dma_start3A_1494 = arith.constant 0 : i32
        %dma_start3A_1495 = arith.constant 0 : i32
        %dma_start3A_1496 = arith.constant 0 : i32
        %dma_start3A_1497 = tpu.memref_slice %arg7[%rem3A_92, %dma_start3A_1494, %dma_start3A_1495, %dma_start3A_1496] : memref<3x32x8x64xf32, #tpu.memory_space<vmem>> -> memref<1x32x8x64xf32, #tpu.memory_space<vmem>>
        %dma_start3A_1498 = tpu.memref_squeeze %dma_start3A_1497 : memref<1x32x8x64xf32, #tpu.memory_space<vmem>> -> memref<32x8x64xf32, #tpu.memory_space<vmem>>
        %dma_start3A_1499 = arith.constant 0 : i32
        %dma_start3A_1500 = arith.constant 0 : i32
        %dma_start3A_1501 = tpu.memref_slice %dma_start3A_1498[%add3A_1493, %dma_start3A_1499, %dma_start3A_1500] : memref<32x8x64xf32, #tpu.memory_space<vmem>> -> memref<1x8x64xf32, #tpu.memory_space<vmem>>
        %dma_start3A_1502 = arith.constant 0 : i32
        %dma_start3A_1503 = arith.constant 0 : i32
        %dma_start3A_1504 = tpu.memref_slice %arg3[%select_n3A_1489, %dma_start3A_1502, %dma_start3A_1503] : memref<125000x8x64xf32, #tpu.memory_space<hbm>> -> memref<1x8x64xf32, #tpu.memory_space<hbm>>
        %dma_start3A_1505 = tpu.memref_slice %arg9[%rem3A_92] : memref<3x!tpu.dma_semaphore, #tpu.memory_space<semaphore_mem>> -> memref<1x!tpu.dma_semaphore, #tpu.memory_space<semaphore_mem>>
        %dma_start3A_1506 = tpu.memref_squeeze %dma_start3A_1505 : memref<1x!tpu.dma_semaphore, #tpu.memory_space<semaphore_mem>> -> memref<!tpu.dma_semaphore, #tpu.memory_space<semaphore_mem>>
        %dma_start3A_1507 = arith.constant 0 : i32
        %dma_start3A_1508 = arith.constant 0 : i32
        %dma_start3A_1509 = arith.constant 0 : i32
        %dma_start3A_1510 = tpu.memref_slice %arg7[%rem3A_92, %dma_start3A_1507, %dma_start3A_1508, %dma_start3A_1509] : memref<3x32x8x64xf32, #tpu.memory_space<vmem>> -> memref<1x32x8x64xf32, #tpu.memory_space<vmem>>
        %dma_start3A_1511 = tpu.memref_squeeze %dma_start3A_1510 : memref<1x32x8x64xf32, #tpu.memory_space<vmem>> -> memref<32x8x64xf32, #tpu.memory_space<vmem>>
        %dma_start3A_1512 = arith.constant 0 : i32
        %dma_start3A_1513 = arith.constant 0 : i32
        %dma_start3A_1514 = tpu.memref_slice %dma_start3A_1511[%add3A_1493, %dma_start3A_1512, %dma_start3A_1513] : memref<32x8x64xf32, #tpu.memory_space<vmem>> -> memref<1x8x64xf32, #tpu.memory_space<vmem>>
        %dma_start3A_1515 = arith.constant 0 : i32
        %dma_start3A_1516 = arith.constant 0 : i32
        %dma_start3A_1517 = tpu.memref_slice %arg3[%select_n3A_1489, %dma_start3A_1515, %dma_start3A_1516] : memref<125000x8x64xf32, #tpu.memory_space<hbm>> -> memref<1x8x64xf32, #tpu.memory_space<hbm>>
        tpu.enqueue_dma source(%dma_start3A_1517 : memref<1x8x64xf32, #tpu.memory_space<hbm>>) target(%dma_start3A_1514 : memref<1x8x64xf32, #tpu.memory_space<vmem>>) target_semaphore(%dma_start3A_1506 : memref<!tpu.dma_semaphore, #tpu.memory_space<semaphore_mem>>)
        %slice3A_1518 = vector.extract_strided_slice %select_n3A_1024 {offsets = [9], sizes = [1], strides = [1]} : vector<16xi32> to vector<1xi32>
        %squeeze3A_1519 = vector.extract %slice3A_1518[0] : i32 from vector<1xi32>
        %jit3A_1520 = arith.constant 8 : i32
        %div3A_1521 = arith.divsi %squeeze3A_1519, %jit3A_1520 : i32
        %sign3A_1522 = arith.constant 0 : i32
        %sign3A_1523 = arith.cmpi sgt, %squeeze3A_1519, %sign3A_1522 : i32
        %sign3A_1524 = arith.extui %sign3A_1523 : i1 to i32
        %sign3A_1525 = arith.constant 0 : i32
        %sign3A_1526 = arith.cmpi slt, %squeeze3A_1519, %sign3A_1525 : i32
        %sign3A_1527 = arith.extui %sign3A_1526 : i1 to i32
        %sign3A_1528 = arith.subi %sign3A_1524, %sign3A_1527 : i32
        %sign3A_1529 = arith.constant 0 : i32
        %sign3A_1530 = arith.cmpi sgt, %jit3A_1520, %sign3A_1529 : i32
        %sign3A_1531 = arith.extui %sign3A_1530 : i1 to i32
        %sign3A_1532 = arith.constant 0 : i32
        %sign3A_1533 = arith.cmpi slt, %jit3A_1520, %sign3A_1532 : i32
        %sign3A_1534 = arith.extui %sign3A_1533 : i1 to i32
        %sign3A_1535 = arith.subi %sign3A_1531, %sign3A_1534 : i32
        %ne3A_1536 = arith.cmpi ne, %sign3A_1528, %sign3A_1535 : i32
        %rem3A_1537 = arith.remsi %squeeze3A_1519, %jit3A_1520 : i32
        %ne3A_1538 = arith.constant 0 : i32
        %ne3A_1539 = arith.cmpi ne, %rem3A_1537, %ne3A_1538 : i32
        %and3A_1540 = arith.andi %ne3A_1536, %ne3A_1539 : i1
        %sub3A_1541 = arith.constant 1 : i32
        %sub3A_1542 = arith.subi %div3A_1521, %sub3A_1541 : i32
        %select_n3A_1543 = arith.select %and3A_1540, %sub3A_1542, %div3A_1521 : i32
        %mul3A_1544 = arith.constant 16 : i32
        %mul3A_1545 = arith.muli %scan3A_993, %mul3A_1544 : i32
        %add3A_1546 = arith.constant 9 : i32
        %add3A_1547 = arith.addi %mul3A_1545, %add3A_1546 : i32
        %dma_start3A_1548 = arith.constant 0 : i32
        %dma_start3A_1549 = arith.constant 0 : i32
        %dma_start3A_1550 = arith.constant 0 : i32
        %dma_start3A_1551 = tpu.memref_slice %arg7[%rem3A_92, %dma_start3A_1548, %dma_start3A_1549, %dma_start3A_1550] : memref<3x32x8x64xf32, #tpu.memory_space<vmem>> -> memref<1x32x8x64xf32, #tpu.memory_space<vmem>>
        %dma_start3A_1552 = tpu.memref_squeeze %dma_start3A_1551 : memref<1x32x8x64xf32, #tpu.memory_space<vmem>> -> memref<32x8x64xf32, #tpu.memory_space<vmem>>
        %dma_start3A_1553 = arith.constant 0 : i32
        %dma_start3A_1554 = arith.constant 0 : i32
        %dma_start3A_1555 = tpu.memref_slice %dma_start3A_1552[%add3A_1547, %dma_start3A_1553, %dma_start3A_1554] : memref<32x8x64xf32, #tpu.memory_space<vmem>> -> memref<1x8x64xf32, #tpu.memory_space<vmem>>
        %dma_start3A_1556 = arith.constant 0 : i32
        %dma_start3A_1557 = arith.constant 0 : i32
        %dma_start3A_1558 = tpu.memref_slice %arg3[%select_n3A_1543, %dma_start3A_1556, %dma_start3A_1557] : memref<125000x8x64xf32, #tpu.memory_space<hbm>> -> memref<1x8x64xf32, #tpu.memory_space<hbm>>
        %dma_start3A_1559 = tpu.memref_slice %arg9[%rem3A_92] : memref<3x!tpu.dma_semaphore, #tpu.memory_space<semaphore_mem>> -> memref<1x!tpu.dma_semaphore, #tpu.memory_space<semaphore_mem>>
        %dma_start3A_1560 = tpu.memref_squeeze %dma_start3A_1559 : memref<1x!tpu.dma_semaphore, #tpu.memory_space<semaphore_mem>> -> memref<!tpu.dma_semaphore, #tpu.memory_space<semaphore_mem>>
        %dma_start3A_1561 = arith.constant 0 : i32
        %dma_start3A_1562 = arith.constant 0 : i32
        %dma_start3A_1563 = arith.constant 0 : i32
        %dma_start3A_1564 = tpu.memref_slice %arg7[%rem3A_92, %dma_start3A_1561, %dma_start3A_1562, %dma_start3A_1563] : memref<3x32x8x64xf32, #tpu.memory_space<vmem>> -> memref<1x32x8x64xf32, #tpu.memory_space<vmem>>
        %dma_start3A_1565 = tpu.memref_squeeze %dma_start3A_1564 : memref<1x32x8x64xf32, #tpu.memory_space<vmem>> -> memref<32x8x64xf32, #tpu.memory_space<vmem>>
        %dma_start3A_1566 = arith.constant 0 : i32
        %dma_start3A_1567 = arith.constant 0 : i32
        %dma_start3A_1568 = tpu.memref_slice %dma_start3A_1565[%add3A_1547, %dma_start3A_1566, %dma_start3A_1567] : memref<32x8x64xf32, #tpu.memory_space<vmem>> -> memref<1x8x64xf32, #tpu.memory_space<vmem>>
        %dma_start3A_1569 = arith.constant 0 : i32
        %dma_start3A_1570 = arith.constant 0 : i32
        %dma_start3A_1571 = tpu.memref_slice %arg3[%select_n3A_1543, %dma_start3A_1569, %dma_start3A_1570] : memref<125000x8x64xf32, #tpu.memory_space<hbm>> -> memref<1x8x64xf32, #tpu.memory_space<hbm>>
        tpu.enqueue_dma source(%dma_start3A_1571 : memref<1x8x64xf32, #tpu.memory_space<hbm>>) target(%dma_start3A_1568 : memref<1x8x64xf32, #tpu.memory_space<vmem>>) target_semaphore(%dma_start3A_1560 : memref<!tpu.dma_semaphore, #tpu.memory_space<semaphore_mem>>)
        %slice3A_1572 = vector.extract_strided_slice %select_n3A_1024 {offsets = [10], sizes = [1], strides = [1]} : vector<16xi32> to vector<1xi32>
        %squeeze3A_1573 = vector.extract %slice3A_1572[0] : i32 from vector<1xi32>
        %jit3A_1574 = arith.constant 8 : i32
        %div3A_1575 = arith.divsi %squeeze3A_1573, %jit3A_1574 : i32
        %sign3A_1576 = arith.constant 0 : i32
        %sign3A_1577 = arith.cmpi sgt, %squeeze3A_1573, %sign3A_1576 : i32
        %sign3A_1578 = arith.extui %sign3A_1577 : i1 to i32
        %sign3A_1579 = arith.constant 0 : i32
        %sign3A_1580 = arith.cmpi slt, %squeeze3A_1573, %sign3A_1579 : i32
        %sign3A_1581 = arith.extui %sign3A_1580 : i1 to i32
        %sign3A_1582 = arith.subi %sign3A_1578, %sign3A_1581 : i32
        %sign3A_1583 = arith.constant 0 : i32
        %sign3A_1584 = arith.cmpi sgt, %jit3A_1574, %sign3A_1583 : i32
        %sign3A_1585 = arith.extui %sign3A_1584 : i1 to i32
        %sign3A_1586 = arith.constant 0 : i32
        %sign3A_1587 = arith.cmpi slt, %jit3A_1574, %sign3A_1586 : i32
        %sign3A_1588 = arith.extui %sign3A_1587 : i1 to i32
        %sign3A_1589 = arith.subi %sign3A_1585, %sign3A_1588 : i32
        %ne3A_1590 = arith.cmpi ne, %sign3A_1582, %sign3A_1589 : i32
        %rem3A_1591 = arith.remsi %squeeze3A_1573, %jit3A_1574 : i32
        %ne3A_1592 = arith.constant 0 : i32
        %ne3A_1593 = arith.cmpi ne, %rem3A_1591, %ne3A_1592 : i32
        %and3A_1594 = arith.andi %ne3A_1590, %ne3A_1593 : i1
        %sub3A_1595 = arith.constant 1 : i32
        %sub3A_1596 = arith.subi %div3A_1575, %sub3A_1595 : i32
        %select_n3A_1597 = arith.select %and3A_1594, %sub3A_1596, %div3A_1575 : i32
        %mul3A_1598 = arith.constant 16 : i32
        %mul3A_1599 = arith.muli %scan3A_993, %mul3A_1598 : i32
        %add3A_1600 = arith.constant 10 : i32
        %add3A_1601 = arith.addi %mul3A_1599, %add3A_1600 : i32
        %dma_start3A_1602 = arith.constant 0 : i32
        %dma_start3A_1603 = arith.constant 0 : i32
        %dma_start3A_1604 = arith.constant 0 : i32
        %dma_start3A_1605 = tpu.memref_slice %arg7[%rem3A_92, %dma_start3A_1602, %dma_start3A_1603, %dma_start3A_1604] : memref<3x32x8x64xf32, #tpu.memory_space<vmem>> -> memref<1x32x8x64xf32, #tpu.memory_space<vmem>>
        %dma_start3A_1606 = tpu.memref_squeeze %dma_start3A_1605 : memref<1x32x8x64xf32, #tpu.memory_space<vmem>> -> memref<32x8x64xf32, #tpu.memory_space<vmem>>
        %dma_start3A_1607 = arith.constant 0 : i32
        %dma_start3A_1608 = arith.constant 0 : i32
        %dma_start3A_1609 = tpu.memref_slice %dma_start3A_1606[%add3A_1601, %dma_start3A_1607, %dma_start3A_1608] : memref<32x8x64xf32, #tpu.memory_space<vmem>> -> memref<1x8x64xf32, #tpu.memory_space<vmem>>
        %dma_start3A_1610 = arith.constant 0 : i32
        %dma_start3A_1611 = arith.constant 0 : i32
        %dma_start3A_1612 = tpu.memref_slice %arg3[%select_n3A_1597, %dma_start3A_1610, %dma_start3A_1611] : memref<125000x8x64xf32, #tpu.memory_space<hbm>> -> memref<1x8x64xf32, #tpu.memory_space<hbm>>
        %dma_start3A_1613 = tpu.memref_slice %arg9[%rem3A_92] : memref<3x!tpu.dma_semaphore, #tpu.memory_space<semaphore_mem>> -> memref<1x!tpu.dma_semaphore, #tpu.memory_space<semaphore_mem>>
        %dma_start3A_1614 = tpu.memref_squeeze %dma_start3A_1613 : memref<1x!tpu.dma_semaphore, #tpu.memory_space<semaphore_mem>> -> memref<!tpu.dma_semaphore, #tpu.memory_space<semaphore_mem>>
        %dma_start3A_1615 = arith.constant 0 : i32
        %dma_start3A_1616 = arith.constant 0 : i32
        %dma_start3A_1617 = arith.constant 0 : i32
        %dma_start3A_1618 = tpu.memref_slice %arg7[%rem3A_92, %dma_start3A_1615, %dma_start3A_1616, %dma_start3A_1617] : memref<3x32x8x64xf32, #tpu.memory_space<vmem>> -> memref<1x32x8x64xf32, #tpu.memory_space<vmem>>
        %dma_start3A_1619 = tpu.memref_squeeze %dma_start3A_1618 : memref<1x32x8x64xf32, #tpu.memory_space<vmem>> -> memref<32x8x64xf32, #tpu.memory_space<vmem>>
        %dma_start3A_1620 = arith.constant 0 : i32
        %dma_start3A_1621 = arith.constant 0 : i32
        %dma_start3A_1622 = tpu.memref_slice %dma_start3A_1619[%add3A_1601, %dma_start3A_1620, %dma_start3A_1621] : memref<32x8x64xf32, #tpu.memory_space<vmem>> -> memref<1x8x64xf32, #tpu.memory_space<vmem>>
        %dma_start3A_1623 = arith.constant 0 : i32
        %dma_start3A_1624 = arith.constant 0 : i32
        %dma_start3A_1625 = tpu.memref_slice %arg3[%select_n3A_1597, %dma_start3A_1623, %dma_start3A_1624] : memref<125000x8x64xf32, #tpu.memory_space<hbm>> -> memref<1x8x64xf32, #tpu.memory_space<hbm>>
        tpu.enqueue_dma source(%dma_start3A_1625 : memref<1x8x64xf32, #tpu.memory_space<hbm>>) target(%dma_start3A_1622 : memref<1x8x64xf32, #tpu.memory_space<vmem>>) target_semaphore(%dma_start3A_1614 : memref<!tpu.dma_semaphore, #tpu.memory_space<semaphore_mem>>)
        %slice3A_1626 = vector.extract_strided_slice %select_n3A_1024 {offsets = [11], sizes = [1], strides = [1]} : vector<16xi32> to vector<1xi32>
        %squeeze3A_1627 = vector.extract %slice3A_1626[0] : i32 from vector<1xi32>
        %jit3A_1628 = arith.constant 8 : i32
        %div3A_1629 = arith.divsi %squeeze3A_1627, %jit3A_1628 : i32
        %sign3A_1630 = arith.constant 0 : i32
        %sign3A_1631 = arith.cmpi sgt, %squeeze3A_1627, %sign3A_1630 : i32
        %sign3A_1632 = arith.extui %sign3A_1631 : i1 to i32
        %sign3A_1633 = arith.constant 0 : i32
        %sign3A_1634 = arith.cmpi slt, %squeeze3A_1627, %sign3A_1633 : i32
        %sign3A_1635 = arith.extui %sign3A_1634 : i1 to i32
        %sign3A_1636 = arith.subi %sign3A_1632, %sign3A_1635 : i32
        %sign3A_1637 = arith.constant 0 : i32
        %sign3A_1638 = arith.cmpi sgt, %jit3A_1628, %sign3A_1637 : i32
        %sign3A_1639 = arith.extui %sign3A_1638 : i1 to i32
        %sign3A_1640 = arith.constant 0 : i32
        %sign3A_1641 = arith.cmpi slt, %jit3A_1628, %sign3A_1640 : i32
        %sign3A_1642 = arith.extui %sign3A_1641 : i1 to i32
        %sign3A_1643 = arith.subi %sign3A_1639, %sign3A_1642 : i32
        %ne3A_1644 = arith.cmpi ne, %sign3A_1636, %sign3A_1643 : i32
        %rem3A_1645 = arith.remsi %squeeze3A_1627, %jit3A_1628 : i32
        %ne3A_1646 = arith.constant 0 : i32
        %ne3A_1647 = arith.cmpi ne, %rem3A_1645, %ne3A_1646 : i32
        %and3A_1648 = arith.andi %ne3A_1644, %ne3A_1647 : i1
        %sub3A_1649 = arith.constant 1 : i32
        %sub3A_1650 = arith.subi %div3A_1629, %sub3A_1649 : i32
        %select_n3A_1651 = arith.select %and3A_1648, %sub3A_1650, %div3A_1629 : i32
        %mul3A_1652 = arith.constant 16 : i32
        %mul3A_1653 = arith.muli %scan3A_993, %mul3A_1652 : i32
        %add3A_1654 = arith.constant 11 : i32
        %add3A_1655 = arith.addi %mul3A_1653, %add3A_1654 : i32
        %dma_start3A_1656 = arith.constant 0 : i32
        %dma_start3A_1657 = arith.constant 0 : i32
        %dma_start3A_1658 = arith.constant 0 : i32
        %dma_start3A_1659 = tpu.memref_slice %arg7[%rem3A_92, %dma_start3A_1656, %dma_start3A_1657, %dma_start3A_1658] : memref<3x32x8x64xf32, #tpu.memory_space<vmem>> -> memref<1x32x8x64xf32, #tpu.memory_space<vmem>>
        %dma_start3A_1660 = tpu.memref_squeeze %dma_start3A_1659 : memref<1x32x8x64xf32, #tpu.memory_space<vmem>> -> memref<32x8x64xf32, #tpu.memory_space<vmem>>
        %dma_start3A_1661 = arith.constant 0 : i32
        %dma_start3A_1662 = arith.constant 0 : i32
        %dma_start3A_1663 = tpu.memref_slice %dma_start3A_1660[%add3A_1655, %dma_start3A_1661, %dma_start3A_1662] : memref<32x8x64xf32, #tpu.memory_space<vmem>> -> memref<1x8x64xf32, #tpu.memory_space<vmem>>
        %dma_start3A_1664 = arith.constant 0 : i32
        %dma_start3A_1665 = arith.constant 0 : i32
        %dma_start3A_1666 = tpu.memref_slice %arg3[%select_n3A_1651, %dma_start3A_1664, %dma_start3A_1665] : memref<125000x8x64xf32, #tpu.memory_space<hbm>> -> memref<1x8x64xf32, #tpu.memory_space<hbm>>
        %dma_start3A_1667 = tpu.memref_slice %arg9[%rem3A_92] : memref<3x!tpu.dma_semaphore, #tpu.memory_space<semaphore_mem>> -> memref<1x!tpu.dma_semaphore, #tpu.memory_space<semaphore_mem>>
        %dma_start3A_1668 = tpu.memref_squeeze %dma_start3A_1667 : memref<1x!tpu.dma_semaphore, #tpu.memory_space<semaphore_mem>> -> memref<!tpu.dma_semaphore, #tpu.memory_space<semaphore_mem>>
        %dma_start3A_1669 = arith.constant 0 : i32
        %dma_start3A_1670 = arith.constant 0 : i32
        %dma_start3A_1671 = arith.constant 0 : i32
        %dma_start3A_1672 = tpu.memref_slice %arg7[%rem3A_92, %dma_start3A_1669, %dma_start3A_1670, %dma_start3A_1671] : memref<3x32x8x64xf32, #tpu.memory_space<vmem>> -> memref<1x32x8x64xf32, #tpu.memory_space<vmem>>
        %dma_start3A_1673 = tpu.memref_squeeze %dma_start3A_1672 : memref<1x32x8x64xf32, #tpu.memory_space<vmem>> -> memref<32x8x64xf32, #tpu.memory_space<vmem>>
        %dma_start3A_1674 = arith.constant 0 : i32
        %dma_start3A_1675 = arith.constant 0 : i32
        %dma_start3A_1676 = tpu.memref_slice %dma_start3A_1673[%add3A_1655, %dma_start3A_1674, %dma_start3A_1675] : memref<32x8x64xf32, #tpu.memory_space<vmem>> -> memref<1x8x64xf32, #tpu.memory_space<vmem>>
        %dma_start3A_1677 = arith.constant 0 : i32
        %dma_start3A_1678 = arith.constant 0 : i32
        %dma_start3A_1679 = tpu.memref_slice %arg3[%select_n3A_1651, %dma_start3A_1677, %dma_start3A_1678] : memref<125000x8x64xf32, #tpu.memory_space<hbm>> -> memref<1x8x64xf32, #tpu.memory_space<hbm>>
        tpu.enqueue_dma source(%dma_start3A_1679 : memref<1x8x64xf32, #tpu.memory_space<hbm>>) target(%dma_start3A_1676 : memref<1x8x64xf32, #tpu.memory_space<vmem>>) target_semaphore(%dma_start3A_1668 : memref<!tpu.dma_semaphore, #tpu.memory_space<semaphore_mem>>)
        %slice3A_1680 = vector.extract_strided_slice %select_n3A_1024 {offsets = [12], sizes = [1], strides = [1]} : vector<16xi32> to vector<1xi32>
        %squeeze3A_1681 = vector.extract %slice3A_1680[0] : i32 from vector<1xi32>
        %jit3A_1682 = arith.constant 8 : i32
        %div3A_1683 = arith.divsi %squeeze3A_1681, %jit3A_1682 : i32
        %sign3A_1684 = arith.constant 0 : i32
        %sign3A_1685 = arith.cmpi sgt, %squeeze3A_1681, %sign3A_1684 : i32
        %sign3A_1686 = arith.extui %sign3A_1685 : i1 to i32
        %sign3A_1687 = arith.constant 0 : i32
        %sign3A_1688 = arith.cmpi slt, %squeeze3A_1681, %sign3A_1687 : i32
        %sign3A_1689 = arith.extui %sign3A_1688 : i1 to i32
        %sign3A_1690 = arith.subi %sign3A_1686, %sign3A_1689 : i32
        %sign3A_1691 = arith.constant 0 : i32
        %sign3A_1692 = arith.cmpi sgt, %jit3A_1682, %sign3A_1691 : i32
        %sign3A_1693 = arith.extui %sign3A_1692 : i1 to i32
        %sign3A_1694 = arith.constant 0 : i32
        %sign3A_1695 = arith.cmpi slt, %jit3A_1682, %sign3A_1694 : i32
        %sign3A_1696 = arith.extui %sign3A_1695 : i1 to i32
        %sign3A_1697 = arith.subi %sign3A_1693, %sign3A_1696 : i32
        %ne3A_1698 = arith.cmpi ne, %sign3A_1690, %sign3A_1697 : i32
        %rem3A_1699 = arith.remsi %squeeze3A_1681, %jit3A_1682 : i32
        %ne3A_1700 = arith.constant 0 : i32
        %ne3A_1701 = arith.cmpi ne, %rem3A_1699, %ne3A_1700 : i32
        %and3A_1702 = arith.andi %ne3A_1698, %ne3A_1701 : i1
        %sub3A_1703 = arith.constant 1 : i32
        %sub3A_1704 = arith.subi %div3A_1683, %sub3A_1703 : i32
        %select_n3A_1705 = arith.select %and3A_1702, %sub3A_1704, %div3A_1683 : i32
        %mul3A_1706 = arith.constant 16 : i32
        %mul3A_1707 = arith.muli %scan3A_993, %mul3A_1706 : i32
        %add3A_1708 = arith.constant 12 : i32
        %add3A_1709 = arith.addi %mul3A_1707, %add3A_1708 : i32
        %dma_start3A_1710 = arith.constant 0 : i32
        %dma_start3A_1711 = arith.constant 0 : i32
        %dma_start3A_1712 = arith.constant 0 : i32
        %dma_start3A_1713 = tpu.memref_slice %arg7[%rem3A_92, %dma_start3A_1710, %dma_start3A_1711, %dma_start3A_1712] : memref<3x32x8x64xf32, #tpu.memory_space<vmem>> -> memref<1x32x8x64xf32, #tpu.memory_space<vmem>>
        %dma_start3A_1714 = tpu.memref_squeeze %dma_start3A_1713 : memref<1x32x8x64xf32, #tpu.memory_space<vmem>> -> memref<32x8x64xf32, #tpu.memory_space<vmem>>
        %dma_start3A_1715 = arith.constant 0 : i32
        %dma_start3A_1716 = arith.constant 0 : i32
        %dma_start3A_1717 = tpu.memref_slice %dma_start3A_1714[%add3A_1709, %dma_start3A_1715, %dma_start3A_1716] : memref<32x8x64xf32, #tpu.memory_space<vmem>> -> memref<1x8x64xf32, #tpu.memory_space<vmem>>
        %dma_start3A_1718 = arith.constant 0 : i32
        %dma_start3A_1719 = arith.constant 0 : i32
        %dma_start3A_1720 = tpu.memref_slice %arg3[%select_n3A_1705, %dma_start3A_1718, %dma_start3A_1719] : memref<125000x8x64xf32, #tpu.memory_space<hbm>> -> memref<1x8x64xf32, #tpu.memory_space<hbm>>
        %dma_start3A_1721 = tpu.memref_slice %arg9[%rem3A_92] : memref<3x!tpu.dma_semaphore, #tpu.memory_space<semaphore_mem>> -> memref<1x!tpu.dma_semaphore, #tpu.memory_space<semaphore_mem>>
        %dma_start3A_1722 = tpu.memref_squeeze %dma_start3A_1721 : memref<1x!tpu.dma_semaphore, #tpu.memory_space<semaphore_mem>> -> memref<!tpu.dma_semaphore, #tpu.memory_space<semaphore_mem>>
        %dma_start3A_1723 = arith.constant 0 : i32
        %dma_start3A_1724 = arith.constant 0 : i32
        %dma_start3A_1725 = arith.constant 0 : i32
        %dma_start3A_1726 = tpu.memref_slice %arg7[%rem3A_92, %dma_start3A_1723, %dma_start3A_1724, %dma_start3A_1725] : memref<3x32x8x64xf32, #tpu.memory_space<vmem>> -> memref<1x32x8x64xf32, #tpu.memory_space<vmem>>
        %dma_start3A_1727 = tpu.memref_squeeze %dma_start3A_1726 : memref<1x32x8x64xf32, #tpu.memory_space<vmem>> -> memref<32x8x64xf32, #tpu.memory_space<vmem>>
        %dma_start3A_1728 = arith.constant 0 : i32
        %dma_start3A_1729 = arith.constant 0 : i32
        %dma_start3A_1730 = tpu.memref_slice %dma_start3A_1727[%add3A_1709, %dma_start3A_1728, %dma_start3A_1729] : memref<32x8x64xf32, #tpu.memory_space<vmem>> -> memref<1x8x64xf32, #tpu.memory_space<vmem>>
        %dma_start3A_1731 = arith.constant 0 : i32
        %dma_start3A_1732 = arith.constant 0 : i32
        %dma_start3A_1733 = tpu.memref_slice %arg3[%select_n3A_1705, %dma_start3A_1731, %dma_start3A_1732] : memref<125000x8x64xf32, #tpu.memory_space<hbm>> -> memref<1x8x64xf32, #tpu.memory_space<hbm>>
        tpu.enqueue_dma source(%dma_start3A_1733 : memref<1x8x64xf32, #tpu.memory_space<hbm>>) target(%dma_start3A_1730 : memref<1x8x64xf32, #tpu.memory_space<vmem>>) target_semaphore(%dma_start3A_1722 : memref<!tpu.dma_semaphore, #tpu.memory_space<semaphore_mem>>)
        %slice3A_1734 = vector.extract_strided_slice %select_n3A_1024 {offsets = [13], sizes = [1], strides = [1]} : vector<16xi32> to vector<1xi32>
        %squeeze3A_1735 = vector.extract %slice3A_1734[0] : i32 from vector<1xi32>
        %jit3A_1736 = arith.constant 8 : i32
        %div3A_1737 = arith.divsi %squeeze3A_1735, %jit3A_1736 : i32
        %sign3A_1738 = arith.constant 0 : i32
        %sign3A_1739 = arith.cmpi sgt, %squeeze3A_1735, %sign3A_1738 : i32
        %sign3A_1740 = arith.extui %sign3A_1739 : i1 to i32
        %sign3A_1741 = arith.constant 0 : i32
        %sign3A_1742 = arith.cmpi slt, %squeeze3A_1735, %sign3A_1741 : i32
        %sign3A_1743 = arith.extui %sign3A_1742 : i1 to i32
        %sign3A_1744 = arith.subi %sign3A_1740, %sign3A_1743 : i32
        %sign3A_1745 = arith.constant 0 : i32
        %sign3A_1746 = arith.cmpi sgt, %jit3A_1736, %sign3A_1745 : i32
        %sign3A_1747 = arith.extui %sign3A_1746 : i1 to i32
        %sign3A_1748 = arith.constant 0 : i32
        %sign3A_1749 = arith.cmpi slt, %jit3A_1736, %sign3A_1748 : i32
        %sign3A_1750 = arith.extui %sign3A_1749 : i1 to i32
        %sign3A_1751 = arith.subi %sign3A_1747, %sign3A_1750 : i32
        %ne3A_1752 = arith.cmpi ne, %sign3A_1744, %sign3A_1751 : i32
        %rem3A_1753 = arith.remsi %squeeze3A_1735, %jit3A_1736 : i32
        %ne3A_1754 = arith.constant 0 : i32
        %ne3A_1755 = arith.cmpi ne, %rem3A_1753, %ne3A_1754 : i32
        %and3A_1756 = arith.andi %ne3A_1752, %ne3A_1755 : i1
        %sub3A_1757 = arith.constant 1 : i32
        %sub3A_1758 = arith.subi %div3A_1737, %sub3A_1757 : i32
        %select_n3A_1759 = arith.select %and3A_1756, %sub3A_1758, %div3A_1737 : i32
        %mul3A_1760 = arith.constant 16 : i32
        %mul3A_1761 = arith.muli %scan3A_993, %mul3A_1760 : i32
        %add3A_1762 = arith.constant 13 : i32
        %add3A_1763 = arith.addi %mul3A_1761, %add3A_1762 : i32
        %dma_start3A_1764 = arith.constant 0 : i32
        %dma_start3A_1765 = arith.constant 0 : i32
        %dma_start3A_1766 = arith.constant 0 : i32
        %dma_start3A_1767 = tpu.memref_slice %arg7[%rem3A_92, %dma_start3A_1764, %dma_start3A_1765, %dma_start3A_1766] : memref<3x32x8x64xf32, #tpu.memory_space<vmem>> -> memref<1x32x8x64xf32, #tpu.memory_space<vmem>>
        %dma_start3A_1768 = tpu.memref_squeeze %dma_start3A_1767 : memref<1x32x8x64xf32, #tpu.memory_space<vmem>> -> memref<32x8x64xf32, #tpu.memory_space<vmem>>
        %dma_start3A_1769 = arith.constant 0 : i32
        %dma_start3A_1770 = arith.constant 0 : i32
        %dma_start3A_1771 = tpu.memref_slice %dma_start3A_1768[%add3A_1763, %dma_start3A_1769, %dma_start3A_1770] : memref<32x8x64xf32, #tpu.memory_space<vmem>> -> memref<1x8x64xf32, #tpu.memory_space<vmem>>
        %dma_start3A_1772 = arith.constant 0 : i32
        %dma_start3A_1773 = arith.constant 0 : i32
        %dma_start3A_1774 = tpu.memref_slice %arg3[%select_n3A_1759, %dma_start3A_1772, %dma_start3A_1773] : memref<125000x8x64xf32, #tpu.memory_space<hbm>> -> memref<1x8x64xf32, #tpu.memory_space<hbm>>
        %dma_start3A_1775 = tpu.memref_slice %arg9[%rem3A_92] : memref<3x!tpu.dma_semaphore, #tpu.memory_space<semaphore_mem>> -> memref<1x!tpu.dma_semaphore, #tpu.memory_space<semaphore_mem>>
        %dma_start3A_1776 = tpu.memref_squeeze %dma_start3A_1775 : memref<1x!tpu.dma_semaphore, #tpu.memory_space<semaphore_mem>> -> memref<!tpu.dma_semaphore, #tpu.memory_space<semaphore_mem>>
        %dma_start3A_1777 = arith.constant 0 : i32
        %dma_start3A_1778 = arith.constant 0 : i32
        %dma_start3A_1779 = arith.constant 0 : i32
        %dma_start3A_1780 = tpu.memref_slice %arg7[%rem3A_92, %dma_start3A_1777, %dma_start3A_1778, %dma_start3A_1779] : memref<3x32x8x64xf32, #tpu.memory_space<vmem>> -> memref<1x32x8x64xf32, #tpu.memory_space<vmem>>
        %dma_start3A_1781 = tpu.memref_squeeze %dma_start3A_1780 : memref<1x32x8x64xf32, #tpu.memory_space<vmem>> -> memref<32x8x64xf32, #tpu.memory_space<vmem>>
        %dma_start3A_1782 = arith.constant 0 : i32
        %dma_start3A_1783 = arith.constant 0 : i32
        %dma_start3A_1784 = tpu.memref_slice %dma_start3A_1781[%add3A_1763, %dma_start3A_1782, %dma_start3A_1783] : memref<32x8x64xf32, #tpu.memory_space<vmem>> -> memref<1x8x64xf32, #tpu.memory_space<vmem>>
        %dma_start3A_1785 = arith.constant 0 : i32
        %dma_start3A_1786 = arith.constant 0 : i32
        %dma_start3A_1787 = tpu.memref_slice %arg3[%select_n3A_1759, %dma_start3A_1785, %dma_start3A_1786] : memref<125000x8x64xf32, #tpu.memory_space<hbm>> -> memref<1x8x64xf32, #tpu.memory_space<hbm>>
        tpu.enqueue_dma source(%dma_start3A_1787 : memref<1x8x64xf32, #tpu.memory_space<hbm>>) target(%dma_start3A_1784 : memref<1x8x64xf32, #tpu.memory_space<vmem>>) target_semaphore(%dma_start3A_1776 : memref<!tpu.dma_semaphore, #tpu.memory_space<semaphore_mem>>)
        %slice3A_1788 = vector.extract_strided_slice %select_n3A_1024 {offsets = [14], sizes = [1], strides = [1]} : vector<16xi32> to vector<1xi32>
        %squeeze3A_1789 = vector.extract %slice3A_1788[0] : i32 from vector<1xi32>
        %jit3A_1790 = arith.constant 8 : i32
        %div3A_1791 = arith.divsi %squeeze3A_1789, %jit3A_1790 : i32
        %sign3A_1792 = arith.constant 0 : i32
        %sign3A_1793 = arith.cmpi sgt, %squeeze3A_1789, %sign3A_1792 : i32
        %sign3A_1794 = arith.extui %sign3A_1793 : i1 to i32
        %sign3A_1795 = arith.constant 0 : i32
        %sign3A_1796 = arith.cmpi slt, %squeeze3A_1789, %sign3A_1795 : i32
        %sign3A_1797 = arith.extui %sign3A_1796 : i1 to i32
        %sign3A_1798 = arith.subi %sign3A_1794, %sign3A_1797 : i32
        %sign3A_1799 = arith.constant 0 : i32
        %sign3A_1800 = arith.cmpi sgt, %jit3A_1790, %sign3A_1799 : i32
        %sign3A_1801 = arith.extui %sign3A_1800 : i1 to i32
        %sign3A_1802 = arith.constant 0 : i32
        %sign3A_1803 = arith.cmpi slt, %jit3A_1790, %sign3A_1802 : i32
        %sign3A_1804 = arith.extui %sign3A_1803 : i1 to i32
        %sign3A_1805 = arith.subi %sign3A_1801, %sign3A_1804 : i32
        %ne3A_1806 = arith.cmpi ne, %sign3A_1798, %sign3A_1805 : i32
        %rem3A_1807 = arith.remsi %squeeze3A_1789, %jit3A_1790 : i32
        %ne3A_1808 = arith.constant 0 : i32
        %ne3A_1809 = arith.cmpi ne, %rem3A_1807, %ne3A_1808 : i32
        %and3A_1810 = arith.andi %ne3A_1806, %ne3A_1809 : i1
        %sub3A_1811 = arith.constant 1 : i32
        %sub3A_1812 = arith.subi %div3A_1791, %sub3A_1811 : i32
        %select_n3A_1813 = arith.select %and3A_1810, %sub3A_1812, %div3A_1791 : i32
        %mul3A_1814 = arith.constant 16 : i32
        %mul3A_1815 = arith.muli %scan3A_993, %mul3A_1814 : i32
        %add3A_1816 = arith.constant 14 : i32
        %add3A_1817 = arith.addi %mul3A_1815, %add3A_1816 : i32
        %dma_start3A_1818 = arith.constant 0 : i32
        %dma_start3A_1819 = arith.constant 0 : i32
        %dma_start3A_1820 = arith.constant 0 : i32
        %dma_start3A_1821 = tpu.memref_slice %arg7[%rem3A_92, %dma_start3A_1818, %dma_start3A_1819, %dma_start3A_1820] : memref<3x32x8x64xf32, #tpu.memory_space<vmem>> -> memref<1x32x8x64xf32, #tpu.memory_space<vmem>>
        %dma_start3A_1822 = tpu.memref_squeeze %dma_start3A_1821 : memref<1x32x8x64xf32, #tpu.memory_space<vmem>> -> memref<32x8x64xf32, #tpu.memory_space<vmem>>
        %dma_start3A_1823 = arith.constant 0 : i32
        %dma_start3A_1824 = arith.constant 0 : i32
        %dma_start3A_1825 = tpu.memref_slice %dma_start3A_1822[%add3A_1817, %dma_start3A_1823, %dma_start3A_1824] : memref<32x8x64xf32, #tpu.memory_space<vmem>> -> memref<1x8x64xf32, #tpu.memory_space<vmem>>
        %dma_start3A_1826 = arith.constant 0 : i32
        %dma_start3A_1827 = arith.constant 0 : i32
        %dma_start3A_1828 = tpu.memref_slice %arg3[%select_n3A_1813, %dma_start3A_1826, %dma_start3A_1827] : memref<125000x8x64xf32, #tpu.memory_space<hbm>> -> memref<1x8x64xf32, #tpu.memory_space<hbm>>
        %dma_start3A_1829 = tpu.memref_slice %arg9[%rem3A_92] : memref<3x!tpu.dma_semaphore, #tpu.memory_space<semaphore_mem>> -> memref<1x!tpu.dma_semaphore, #tpu.memory_space<semaphore_mem>>
        %dma_start3A_1830 = tpu.memref_squeeze %dma_start3A_1829 : memref<1x!tpu.dma_semaphore, #tpu.memory_space<semaphore_mem>> -> memref<!tpu.dma_semaphore, #tpu.memory_space<semaphore_mem>>
        %dma_start3A_1831 = arith.constant 0 : i32
        %dma_start3A_1832 = arith.constant 0 : i32
        %dma_start3A_1833 = arith.constant 0 : i32
        %dma_start3A_1834 = tpu.memref_slice %arg7[%rem3A_92, %dma_start3A_1831, %dma_start3A_1832, %dma_start3A_1833] : memref<3x32x8x64xf32, #tpu.memory_space<vmem>> -> memref<1x32x8x64xf32, #tpu.memory_space<vmem>>
        %dma_start3A_1835 = tpu.memref_squeeze %dma_start3A_1834 : memref<1x32x8x64xf32, #tpu.memory_space<vmem>> -> memref<32x8x64xf32, #tpu.memory_space<vmem>>
        %dma_start3A_1836 = arith.constant 0 : i32
        %dma_start3A_1837 = arith.constant 0 : i32
        %dma_start3A_1838 = tpu.memref_slice %dma_start3A_1835[%add3A_1817, %dma_start3A_1836, %dma_start3A_1837] : memref<32x8x64xf32, #tpu.memory_space<vmem>> -> memref<1x8x64xf32, #tpu.memory_space<vmem>>
        %dma_start3A_1839 = arith.constant 0 : i32
        %dma_start3A_1840 = arith.constant 0 : i32
        %dma_start3A_1841 = tpu.memref_slice %arg3[%select_n3A_1813, %dma_start3A_1839, %dma_start3A_1840] : memref<125000x8x64xf32, #tpu.memory_space<hbm>> -> memref<1x8x64xf32, #tpu.memory_space<hbm>>
        tpu.enqueue_dma source(%dma_start3A_1841 : memref<1x8x64xf32, #tpu.memory_space<hbm>>) target(%dma_start3A_1838 : memref<1x8x64xf32, #tpu.memory_space<vmem>>) target_semaphore(%dma_start3A_1830 : memref<!tpu.dma_semaphore, #tpu.memory_space<semaphore_mem>>)
        %slice3A_1842 = vector.extract_strided_slice %select_n3A_1024 {offsets = [15], sizes = [1], strides = [1]} : vector<16xi32> to vector<1xi32>
        %squeeze3A_1843 = vector.extract %slice3A_1842[0] : i32 from vector<1xi32>
        %jit3A_1844 = arith.constant 8 : i32
        %div3A_1845 = arith.divsi %squeeze3A_1843, %jit3A_1844 : i32
        %sign3A_1846 = arith.constant 0 : i32
        %sign3A_1847 = arith.cmpi sgt, %squeeze3A_1843, %sign3A_1846 : i32
        %sign3A_1848 = arith.extui %sign3A_1847 : i1 to i32
        %sign3A_1849 = arith.constant 0 : i32
        %sign3A_1850 = arith.cmpi slt, %squeeze3A_1843, %sign3A_1849 : i32
        %sign3A_1851 = arith.extui %sign3A_1850 : i1 to i32
        %sign3A_1852 = arith.subi %sign3A_1848, %sign3A_1851 : i32
        %sign3A_1853 = arith.constant 0 : i32
        %sign3A_1854 = arith.cmpi sgt, %jit3A_1844, %sign3A_1853 : i32
        %sign3A_1855 = arith.extui %sign3A_1854 : i1 to i32
        %sign3A_1856 = arith.constant 0 : i32
        %sign3A_1857 = arith.cmpi slt, %jit3A_1844, %sign3A_1856 : i32
        %sign3A_1858 = arith.extui %sign3A_1857 : i1 to i32
        %sign3A_1859 = arith.subi %sign3A_1855, %sign3A_1858 : i32
        %ne3A_1860 = arith.cmpi ne, %sign3A_1852, %sign3A_1859 : i32
        %rem3A_1861 = arith.remsi %squeeze3A_1843, %jit3A_1844 : i32
        %ne3A_1862 = arith.constant 0 : i32
        %ne3A_1863 = arith.cmpi ne, %rem3A_1861, %ne3A_1862 : i32
        %and3A_1864 = arith.andi %ne3A_1860, %ne3A_1863 : i1
        %sub3A_1865 = arith.constant 1 : i32
        %sub3A_1866 = arith.subi %div3A_1845, %sub3A_1865 : i32
        %select_n3A_1867 = arith.select %and3A_1864, %sub3A_1866, %div3A_1845 : i32
        %mul3A_1868 = arith.constant 16 : i32
        %mul3A_1869 = arith.muli %scan3A_993, %mul3A_1868 : i32
        %add3A_1870 = arith.constant 15 : i32
        %add3A_1871 = arith.addi %mul3A_1869, %add3A_1870 : i32
        %dma_start3A_1872 = arith.constant 0 : i32
        %dma_start3A_1873 = arith.constant 0 : i32
        %dma_start3A_1874 = arith.constant 0 : i32
        %dma_start3A_1875 = tpu.memref_slice %arg7[%rem3A_92, %dma_start3A_1872, %dma_start3A_1873, %dma_start3A_1874] : memref<3x32x8x64xf32, #tpu.memory_space<vmem>> -> memref<1x32x8x64xf32, #tpu.memory_space<vmem>>
        %dma_start3A_1876 = tpu.memref_squeeze %dma_start3A_1875 : memref<1x32x8x64xf32, #tpu.memory_space<vmem>> -> memref<32x8x64xf32, #tpu.memory_space<vmem>>
        %dma_start3A_1877 = arith.constant 0 : i32
        %dma_start3A_1878 = arith.constant 0 : i32
        %dma_start3A_1879 = tpu.memref_slice %dma_start3A_1876[%add3A_1871, %dma_start3A_1877, %dma_start3A_1878] : memref<32x8x64xf32, #tpu.memory_space<vmem>> -> memref<1x8x64xf32, #tpu.memory_space<vmem>>
        %dma_start3A_1880 = arith.constant 0 : i32
        %dma_start3A_1881 = arith.constant 0 : i32
        %dma_start3A_1882 = tpu.memref_slice %arg3[%select_n3A_1867, %dma_start3A_1880, %dma_start3A_1881] : memref<125000x8x64xf32, #tpu.memory_space<hbm>> -> memref<1x8x64xf32, #tpu.memory_space<hbm>>
        %dma_start3A_1883 = tpu.memref_slice %arg9[%rem3A_92] : memref<3x!tpu.dma_semaphore, #tpu.memory_space<semaphore_mem>> -> memref<1x!tpu.dma_semaphore, #tpu.memory_space<semaphore_mem>>
        %dma_start3A_1884 = tpu.memref_squeeze %dma_start3A_1883 : memref<1x!tpu.dma_semaphore, #tpu.memory_space<semaphore_mem>> -> memref<!tpu.dma_semaphore, #tpu.memory_space<semaphore_mem>>
        %dma_start3A_1885 = arith.constant 0 : i32
        %dma_start3A_1886 = arith.constant 0 : i32
        %dma_start3A_1887 = arith.constant 0 : i32
        %dma_start3A_1888 = tpu.memref_slice %arg7[%rem3A_92, %dma_start3A_1885, %dma_start3A_1886, %dma_start3A_1887] : memref<3x32x8x64xf32, #tpu.memory_space<vmem>> -> memref<1x32x8x64xf32, #tpu.memory_space<vmem>>
        %dma_start3A_1889 = tpu.memref_squeeze %dma_start3A_1888 : memref<1x32x8x64xf32, #tpu.memory_space<vmem>> -> memref<32x8x64xf32, #tpu.memory_space<vmem>>
        %dma_start3A_1890 = arith.constant 0 : i32
        %dma_start3A_1891 = arith.constant 0 : i32
        %dma_start3A_1892 = tpu.memref_slice %dma_start3A_1889[%add3A_1871, %dma_start3A_1890, %dma_start3A_1891] : memref<32x8x64xf32, #tpu.memory_space<vmem>> -> memref<1x8x64xf32, #tpu.memory_space<vmem>>
        %dma_start3A_1893 = arith.constant 0 : i32
        %dma_start3A_1894 = arith.constant 0 : i32
        %dma_start3A_1895 = tpu.memref_slice %arg3[%select_n3A_1867, %dma_start3A_1893, %dma_start3A_1894] : memref<125000x8x64xf32, #tpu.memory_space<hbm>> -> memref<1x8x64xf32, #tpu.memory_space<hbm>>
        tpu.enqueue_dma source(%dma_start3A_1895 : memref<1x8x64xf32, #tpu.memory_space<hbm>>) target(%dma_start3A_1892 : memref<1x8x64xf32, #tpu.memory_space<vmem>>) target_semaphore(%dma_start3A_1884 : memref<!tpu.dma_semaphore, #tpu.memory_space<semaphore_mem>>)
        %scan3A_1896 = arith.constant 0 : i32
        %scan3A_1897 = arith.constant 2 : i32
      } else {
      }
      %rem3A_58 = arith.constant 8 : i32
      %rem3A_59 = arith.remsi %scan3A_16, %rem3A_58 : i32
      %eq3A = arith.constant 7 : i32
      %eq3A_60 = arith.cmpi eq, %rem3A_59, %eq3A : i32
      %convert_element_type3A_61 = arith.extui %eq3A_60 : i1 to i32
      %cond3A_62 = arith.constant 0 : i32
      %cond3A_63 = arith.cmpi ne, %convert_element_type3A_61, %cond3A_62 : i32
      scf.if %cond3A_63 {
        %sub3A = arith.constant 7 : i32
        %sub3A_65 = arith.subi %scan3A_16, %sub3A : i32
        %mul3A_66 = arith.constant 32 : i32
        %mul3A_67 = arith.muli %sub3A_65, %mul3A_66 : i32
        %add3A_68 = arith.addi %mul3A_2, %mul3A_67 : i32
        %jit3A = arith.constant 4096 : i32
        %div3A = arith.divsi %add3A_68, %jit3A : i32
        %sign3A = arith.constant 0 : i32
        %sign3A_69 = arith.cmpi sgt, %add3A_68, %sign3A : i32
        %sign3A_70 = arith.extui %sign3A_69 : i1 to i32
        %sign3A_71 = arith.constant 0 : i32
        %sign3A_72 = arith.cmpi slt, %add3A_68, %sign3A_71 : i32
        %sign3A_73 = arith.extui %sign3A_72 : i1 to i32
        %sign3A_74 = arith.subi %sign3A_70, %sign3A_73 : i32
        %sign3A_75 = arith.constant 0 : i32
        %sign3A_76 = arith.cmpi sgt, %jit3A, %sign3A_75 : i32
        %sign3A_77 = arith.extui %sign3A_76 : i1 to i32
        %sign3A_78 = arith.constant 0 : i32
        %sign3A_79 = arith.cmpi slt, %jit3A, %sign3A_78 : i32
        %sign3A_80 = arith.extui %sign3A_79 : i1 to i32
        %sign3A_81 = arith.subi %sign3A_77, %sign3A_80 : i32
        %ne3A = arith.cmpi ne, %sign3A_74, %sign3A_81 : i32
        %rem3A_82 = arith.remsi %add3A_68, %jit3A : i32
        %ne3A_83 = arith.constant 0 : i32
        %ne3A_84 = arith.cmpi ne, %rem3A_82, %ne3A_83 : i32
        %and3A = arith.andi %ne3A, %ne3A_84 : i1
        %sub3A_85 = arith.constant 1 : i32
        %sub3A_86 = arith.subi %div3A, %sub3A_85 : i32
        %select_n3A = arith.select %and3A, %sub3A_86, %div3A : i32
        %mul3A_87 = arith.constant 4096 : i32
        %mul3A_88 = arith.muli %select_n3A, %mul3A_87 : i32
        %sub3A_89 = arith.subi %add3A_68, %mul3A_88 : i32
        %multiple_of3A = tpu.assume_multiple %sub3A_89, 256 : i32
        "tpu.region"() ({
          %run_scoped3A = tpu.sem_alloc : memref<!tpu.dma_semaphore, #tpu.memory_space<semaphore_mem>>
          %dma_start3A = arith.constant 0 : i32
          %dma_start3A_90 = arith.constant 0 : i32
          %dma_start3A_91 = tpu.memref_slice %arg4[%select_n3A, %dma_start3A, %dma_start3A_90] : memref<26x64x4096xf32, #tpu.memory_space<hbm>> -> memref<1x64x4096xf32, #tpu.memory_space<hbm>>
          %dma_start3A_92 = tpu.memref_squeeze %dma_start3A_91 : memref<1x64x4096xf32, #tpu.memory_space<hbm>> -> memref<64x4096xf32, #tpu.memory_space<hbm>>
          %dma_start3A_93 = arith.constant 0 : i32
          %dma_start3A_94 = tpu.memref_slice %dma_start3A_92[%dma_start3A_93, %multiple_of3A] : memref<64x4096xf32, #tpu.memory_space<hbm>> -> memref<64x256xf32, #tpu.memory_space<hbm>>
          %dma_start3A_95 = arith.constant 0 : i32
          %dma_start3A_96 = arith.constant 0 : i32
          %dma_start3A_97 = tpu.memref_slice %arg4[%select_n3A, %dma_start3A_95, %dma_start3A_96] : memref<26x64x4096xf32, #tpu.memory_space<hbm>> -> memref<1x64x4096xf32, #tpu.memory_space<hbm>>
          %dma_start3A_98 = tpu.memref_squeeze %dma_start3A_97 : memref<1x64x4096xf32, #tpu.memory_space<hbm>> -> memref<64x4096xf32, #tpu.memory_space<hbm>>
          %dma_start3A_99 = arith.constant 0 : i32
          %dma_start3A_100 = tpu.memref_slice %dma_start3A_98[%dma_start3A_99, %multiple_of3A] : memref<64x4096xf32, #tpu.memory_space<hbm>> -> memref<64x256xf32, #tpu.memory_space<hbm>>
          tpu.enqueue_dma source(%arg8 : memref<64x256xf32, #tpu.memory_space<vmem>>) target(%dma_start3A_100 : memref<64x256xf32, #tpu.memory_space<hbm>>) target_semaphore(%run_scoped3A : memref<!tpu.dma_semaphore, #tpu.memory_space<semaphore_mem>>)
          %dma_wait3A_101 = arith.constant 0 : i32
          %dma_wait3A_102 = arith.constant 0 : i32
          %dma_wait3A_103 = tpu.memref_slice %arg4[%select_n3A, %dma_wait3A_101, %dma_wait3A_102] : memref<26x64x4096xf32, #tpu.memory_space<hbm>> -> memref<1x64x4096xf32, #tpu.memory_space<hbm>>
          %dma_wait3A_104 = tpu.memref_squeeze %dma_wait3A_103 : memref<1x64x4096xf32, #tpu.memory_space<hbm>> -> memref<64x4096xf32, #tpu.memory_space<hbm>>
          %dma_wait3A_105 = arith.constant 0 : i32
          %dma_wait3A_106 = tpu.memref_slice %dma_wait3A_104[%dma_wait3A_105, %multiple_of3A] : memref<64x4096xf32, #tpu.memory_space<hbm>> -> memref<64x256xf32, #tpu.memory_space<hbm>>
          %dma_wait3A_107 = arith.constant 0 : i32
          %dma_wait3A_108 = arith.constant 0 : i32
          %dma_wait3A_109 = tpu.memref_slice %arg4[%select_n3A, %dma_wait3A_107, %dma_wait3A_108] : memref<26x64x4096xf32, #tpu.memory_space<hbm>> -> memref<1x64x4096xf32, #tpu.memory_space<hbm>>
          %dma_wait3A_110 = tpu.memref_squeeze %dma_wait3A_109 : memref<1x64x4096xf32, #tpu.memory_space<hbm>> -> memref<64x4096xf32, #tpu.memory_space<hbm>>
          %dma_wait3A_111 = arith.constant 0 : i32
          %dma_wait3A_112 = tpu.memref_slice %dma_wait3A_110[%dma_wait3A_111, %multiple_of3A] : memref<64x4096xf32, #tpu.memory_space<hbm>> -> memref<64x256xf32, #tpu.memory_space<hbm>>
          tpu.wait_dma2 semaphore(%run_scoped3A : memref<!tpu.dma_semaphore, #tpu.memory_space<semaphore_mem>>) src(%arg8 : memref<64x256xf32, #tpu.memory_space<vmem>>) dst(%dma_wait3A_112 : memref<64x256xf32, #tpu.memory_space<hbm>>)
          tpu.yield
        }) : () -> ()
      } else {
      }
      %scan3A_64 = arith.constant 0 : i32
      scf.yield %scan3A_64 : i32
    }
    %scan3A_15 = arith.constant 104 : i32
    return
  }
}

</mosaic_0001>

<sc_bundles>
// kernel: kernel.3.cloned.1.call-start
scs
__scs_entry_jumppad:
0x0: {  	(pc) =	sbr.rel $0x88, $3  }
0x1: {  	(tag) =	ssettag $0x0;
	lr =	simm.s32 $0x1  }
0x2: {  	[smem:$0x3F9F] =	sst lr;
	_ =	strace $0xD0000000  }
0x3: {  	_ = 	snop  }
0x4: {  	_ = 	snop  }
0x5: {  	_ = 	snop  }
0x6: {  	_ = 	snop  }
0x7: {  	_ = 	snop  }
__scs_overlays_trampoline_lowered:
0x8: {  	[smem:$0x3FAE] =	sst s0  }
0x9: {  	[smem:$0x3FAF] =	sst s1  }
0xa: {  	[smem:$0x3FB0] =	sst s2  }
0xb: {  	[smem:$0x3FB1] =	sst s3  }
0xc: {  	[smem:$0x3FB2] =	sst s4  }
0xd: {  	[smem:$0x3FB3] =	sst s5  }
0xe: {  	[smem:$0x3FB4] =	sst s6  }
0xf: {  	[smem:$0x3FB5] =	sst s7  }
0x10: {  	[smem:$0x3FB6] =	sst s8  }
0x11: {  	[smem:$0x3FB7] =	sst s9;
	s0 =	simm.s32 @!p0 $0x0  }
0x12: {  	s1 =	sld [smem:$0x3F9D];
	s0 =	simm.s32 @p0 $0x1  }
0x13: {  	[smem:$0x3FB8] =	sst s0;
	s0 =	simm.s32 @!p1 $0x0  }
0x14: {  	s2 =	sld [smem:$0x3F9C];
	s0 =	simm.s32 @p1 $0x1  }
0x15: {  	[smem:$0x3FB9] =	sst s0;
	s0 =	simm.s32 @!p2 $0x0  }
0x16: {  	s3 =	sld [smem:$0x3FDB];
	s0 =	simm.s32 @p2 $0x1  }
0x17: {  	s4 =	simm.s32 $0x1BF5;
	[smem:$0x3FBB] =	sst s0  }
0x18: {  	s0 =	sld [smem:$0x3F9E];
	_ =	swait.ge [sflag:s4], $0x0  }
0x19: {  	s7 =	sld [smem:$0x3F9F]  }
0x1a: {  	s8 =	sadd.s32 $0xFFFFE003, lr  }
0x1b: {  	s9 =	sadd.s32 $0xFFFFFEF7, lr;
	s5 =	simm.s32 $0xFFFFFFFF;
	p2 =	slt.u32 s8, $0xFFFFF086  }
0x1c: {  	p1 =	slt.u32 s9, $0xF7A;
	s5 =	simm.s32 @!p2 $0x0  }
0x1d: {  	s5 =	simm.s32 @p1 $0x1;
	p0 =	seq.s32 s7, s2  }
0x1e: {  	s7 =	smul.u32 @!p0 $0xF7A, s2;
	p2 =	seq.s32 @!p0 s5, $0x0  }
0x1f: {  	s9 =	smul.u32 $0xF7A, s1;
	s8 =	simm.s32 @!p0 $0x1BF5;
	p2 =	por !p2, p0  }
0x20: {  	[sflag:s8] =	ssyncset.s32 @!p0 $0xFFFFF086;
	s6 =	sadd.s32 @!p0 s3, s7;
	s7 =	simm.s32 @!p0 $0x108  }
0x21: {  	s3 =	sadd.s32 s3, s9;
	s6 =	sadd.s32 @!p0 $0x88, s6;
	s7 =	simm.s32 @p2 $0x1082  }
0x22: {  	[simem:s7], [sflag:s8] =	dma.local @!p0 [hbm:s6], $0xF7A  }
0x23: {  	s9 =	sor.u32 $0xD0000000, s2;
	s6 =	simm.s32 $0x108;
	_ =	swait.ge @!p0 [sflag:s8], $0x0  }
0x24: {  	s3 =	sadd.s32 $0x88, s3;
	s6 =	simm.s32 @!p1 $0x1082;
	[sflag:s4] =	ssyncset.s32 $0xFFFFF086  }
0x25: {  	[simem:s6], [sflag:s4] =	dma.local [hbm:s3], $0xF7A  }
0x26: {  	[smem:$0x3F9F] =	sst s1;
	(tag) =	ssettag s2;
	_ =	strace s9  }
0x27: {  	s1 =	sld [smem:$0x3FAF]  }
0x28: {  	s2 =	sld [smem:$0x3FB0]  }
0x29: {  	s4 =	sld [smem:$0x3FB2]  }
0x2a: {  	p0 =	seq.s32 s5, $0x0;
	s5 =	sld [smem:$0x3FB3]  }
0x2b: {  	s6 =	sld [smem:$0x3FB4]  }
0x2c: {  	s7 =	sld [smem:$0x3FB5]  }
0x2d: {  	s3 =	simm.s32 $0x108;
	s8 =	sld [smem:$0x3FB6]  }
0x2e: {  	s3 =	simm.s32 @!p0 $0x1082;
	s9 =	sld [smem:$0x3FB7]  }
0x2f: {  	lr =	sadd.s32 s0, s3;
	s0 =	sld [smem:$0x3FAE]  }
0x30: {  	s3 =	sld [smem:$0x3FB1]  }
0x31: {  	[smem:$0x3FBA] =	sst s10  }
0x32: {  	s10 =	sld [smem:$0x3FB8];
	_ =	sdelay $0x3  }
0x33: {  	p0 =	seq.s32 s10, $0x1;
	s10 =	sld [smem:$0x3FBA];
	_ =	sdelay $0x3  }
0x34: {  	[smem:$0x3FBA] =	sst s10  }
0x35: {  	s10 =	sld [smem:$0x3FB9];
	_ =	sdelay $0x3  }
0x36: {  	p1 =	seq.s32 s10, $0x1;
	s10 =	sld [smem:$0x3FBA];
	_ =	sdelay $0x3  }
0x37: {  	[smem:$0x3FBA] =	sst s10  }
0x38: {  	s10 =	sld [smem:$0x3FBB]  }
0x39: {  	_ = 	snop;
	(pc) =	sbr.ind lr, $3  }
0x3a: {  	_ = 	snop  }
0x3b: {  	_ = 	snop  }
0x3c: {  	p2 =	seq.s32 s10, $0x1;
	s10 =	sld [smem:$0x3FBA]  }
0x3d: {  	_ =	shalt  }
0x3e: {  	_ =	shalt  }
0x3f: {  	_ =	shalt  }
0x40: {  	_ =	shalt  }
0x41: {  	_ =	shalt  }
0x42: {  	_ =	shalt  }
0x43: {  	_ =	shalt  }
0x44: {  	_ =	shalt  }
0x45: {  	_ =	shalt  }
0x46: {  	_ =	shalt  }
0x47: {  	_ =	shalt  }
0x48: {  	_ =	shalt  }
0x49: {  	_ =	shalt  }
0x4a: {  	_ =	shalt  }
0x4b: {  	_ =	shalt  }
0x4c: {  	_ =	shalt  }
0x4d: {  	_ =	shalt  }
0x4e: {  	_ =	shalt  }
0x4f: {  	_ =	shalt  }
0x50: {  	_ =	shalt  }
0x51: {  	_ =	shalt  }
0x52: {  	_ =	shalt  }
0x53: {  	_ =	shalt  }
0x54: {  	_ =	shalt  }
0x55: {  	_ =	shalt  }
0x56: {  	_ =	shalt  }
0x57: {  	_ =	shalt  }
0x58: {  	_ =	shalt  }
0x59: {  	_ =	shalt  }
0x5a: {  	_ =	shalt  }
0x5b: {  	_ =	shalt  }
0x5c: {  	_ =	shalt  }
0x5d: {  	_ =	shalt  }
0x5e: {  	_ =	shalt  }
0x5f: {  	_ =	shalt  }
0x60: {  	_ =	shalt  }
0x61: {  	_ =	shalt  }
0x62: {  	_ =	shalt  }
0x63: {  	_ =	shalt  }
0x64: {  	_ =	shalt  }
0x65: {  	_ =	shalt  }
0x66: {  	_ =	shalt  }
0x67: {  	_ =	shalt  }
0x68: {  	_ =	shalt  }
0x69: {  	_ =	shalt  }
0x6a: {  	_ =	shalt  }
0x6b: {  	_ =	shalt  }
0x6c: {  	_ =	shalt  }
0x6d: {  	_ =	shalt  }
0x6e: {  	_ =	shalt  }
0x6f: {  	_ =	shalt  }
0x70: {  	_ =	shalt  }
0x71: {  	_ =	shalt  }
0x72: {  	_ =	shalt  }
0x73: {  	_ =	shalt  }
0x74: {  	_ =	shalt  }
0x75: {  	_ =	shalt  }
0x76: {  	_ =	shalt  }
0x77: {  	_ =	shalt  }
0x78: {  	_ =	shalt  }
0x79: {  	_ =	shalt  }
0x7a: {  	_ =	shalt  }
0x7b: {  	_ =	shalt  }
0x7c: {  	_ =	shalt  }
0x7d: {  	_ =	shalt  }
0x7e: {  	_ =	shalt  }
0x7f: {  	_ =	shalt  }
0x80: {  	_ =	shalt  }
0x81: {  	_ =	shalt  }
0x82: {  	_ =	shalt  }
0x83: {  	_ =	shalt  }
0x84: {  	_ =	shalt  }
0x85: {  	_ =	shalt  }
0x86: {  	_ =	shalt  }
0x87: {  	_ =	shalt  }
.Lfunc_end0:
.L_simem_size_0:
called_computation_lowered:
.L_overlay_start_0:
0x88: {  	s2 =	sld [smem:$0x3FD9]  }
0x89: {  	s3 =	sld [smem:$0x3FFE];
	_ =	sdelay $0x1  }
0x8a: {  	s1 =	srdreg.scid  }
0x8b: {  	s0 =	sand.u32 $0x1, s1  }
0x8c: {  	s17 =	sshll.u32 s0, $0xA;
	s2 =	sadd.s32 s3, s2  }
0x8d: {  	s2 =	sadd.s32 s2, s17  }
0x8e: {  	[smem:$0x3FC6] =	sst s2  }
0x8f: {  	_ = 	snop  }
0x90: {  	s2 =	sld [smem:$0x3FC9]  }
0x91: {  	s18 =	sld [smem:$0x3FD0];
	(tm) =	ssettm $0x1  }
0x92: {  	s4 =	sld [smem:$0x3FFB];
	_ =	sdelay $0x3  }
0x93: {  	_ =	strace s4  }
0x94: {  	s4 =	sld [smem:$0x3FFC];
	_ =	sdelay $0x3  }
0x95: {  	_ =	strace s4  }
0x96: {  	s4 =	sld [smem:$0x3FFD];
	_ =	sdelay $0x3  }
0x97: {  	_ =	strace s4  }
0x98: {  	_ =	strace $0x8FFFFFFF  }
0x99: {  	s19 =	sld [smem:$0x3FDB];
	_ =	sdelay $0x1  }
0x9a: {  	s5 =	simm.s32 $_scs_section_size  }
0x9b: {  	s6 =	simm.s32 $_size__tile_overlayer_lowered;
	s7 =	simm.s32 $_tile_overlayer_lowered  }
0x9c: {  	s22 =	simm.s32 $0x1BFF;
	s21 =	sshll.u32 s7, $0x1;
	s4 =	sadd.s32 s5, s19  }
0x9d: {  	s8 =	simm.s32 $0x0;
	s20 =	sshll.u32 s6, $0x1;
	s6 =	sadd.s32 s21, s4  }
0x9e: {  	[timem:s8], [sflag:s22] =	dma.local [hbm:s6], s20  }
0x9f: {  	_ =	swait.ge [sflag:s22], s20  }
0xa0: {  	s5 =	ssub.s32 $0x0, s20;
	[sflag:s22] =	ssyncset.done $0x0  }
0xa1: {  	[sflag:s22] =	ssyncadd.s32 s5;
	_ =	sdelay $0x1  }
0xa2: {  	s23 =	simm.s32 $0x1B8B  }
0xa3: {  	_ =	swait.ge [sflag:s23], $0x1  }
0xa4: {  	[sflag:s23] =	ssyncset.done $0x0  }
0xa5: {  	s25 =	simm.s32 $0x1B8E;
	s24 =	sld [smem:$0x3FFE];
	[sflag:s23] =	ssyncadd.s32 $0xFFFFFFFF  }
0xa6: {  	s26 =	simm.s32 $execute0_lowered;
	[smem:$0x3FD2] =	sst s25  }
0xa7: {  	s6 =	sshll.u32 s26, $0x1;
	_ =	strace $0x80000046;
	[dreg:$0x1] =	wrdreg $0xFFFFFFFF  }
0xa8: {  	s28 =	simm.s32 $_size_execute0_lowered;
	s4 =	sadd.s32 s4, s6;
	[dreg:$0x0] =	wrdreg $0x0  }
0xa9: {  	s6 =	sshll.u32 s28, $0x1;
	[dreg:$0x2] =	wrdreg s4  }
0xaa: {  	[dreg:$0x3] =	wrdreg s6  }
0xab: {  	[dreg:$0x4] =	wrdreg $0xC0  }
0xac: {  	_ =	task [dreg:s8], $0x5FFFF  }
0xad: {  	[dreg:$0x1] =	wrdreg $0xFFFFFFFF  }
0xae: {  	[dreg:$0x0] =	wrdreg $0x60  }
0xaf: {  	[dreg:$0x2] =	wrdreg s2  }
0xb0: {  	[dreg:$0x3] =	wrdreg s24  }
0xb1: {  	[dreg:$0x4] =	wrdreg s18  }
0xb2: {  	[dreg:$0x5] =	wrdreg $0x9  }
0xb3: {  	_ =	task.clear_ibuf [dreg:s8], $0x6FFFF;
	_ =	strace $0x90000046  }
0xb4: {  	s29 =	simm.s32 $0x9;
	_ =	strace $0x80000048  }
0xb5: {  	_ =	swait.ge [sflag:s29], $0x1  }
0xb6: {  	[sflag:s29] =	ssyncadd.s32 $0xFFFFFFFF  }
0xb7: {  	_ =	strace $0x90000048  }
0xb8: {  	_ =	sfence  }
0xb9: {  	s30 =	sld [smem:$0x0];
	_ =	sdelay $0x2  }
0xba: {  	s31 =	sshll.u32 s1, $0xD;
	s1 =	sshrl.u32 s1, $0x2  }
0xbb: {  	s3 =	sand.u32 $0x4000, s31;
	s1 =	sadd.s32 s1, s30  }
0xbc: {  	s0 =	sor.u32 s3, s0;
	s1 =	sshll.u32 s1, $0x11  }
0xbd: {  	s0 =	sor.u32 s1, s0  }
0xbe: {  	s0 =	sadd.s32 $0x8F2B, s0  }
0xbf: {  	[sflag:s0] =	ssyncadd.remote.s32 $0x1  }
0xc0: {  	_ =	sfence.sel $0xFFFF  }
0xc1: {  	[dreg:$0x0] =	wrdreg $0xFFFFFFFF;
	(pc) =	sbr.abs _section_cstart, $3  }
0xc2: {  	[dreg:$0x1] =	wrdreg $0xFFFFFFFF  }
0xc3: {  	_ =	task.clear_ibuf [dreg:s8], $0x2FFFF;
	_ =	strace $0x9FFFFFFF  }
0xc4: {  	(tm) =	ssettm $0x7FFFFFFF  }
0xc5: {  	_ =	shalt  }
tec
execute0_lowered:
.L_overlay_start_1:
0x0: {  	(tag) =	ssettag $0x1  }
0x1: {  	s1 =	srdreg.scid;
	s6 =	rddreg [dreg:$0x0]  }
0x2: {  	s0 =	stileid.u32;
	s7 =	rddreg [dreg:$0x1]  }
0x3: {  	s28 =	simm.s32 $0x0;
	s5 =	sand.u32 $0x1, s1;
	s25 =	sshll.u32 s0, $0x1  }
0x4: {  	[smem:$0x7FF] =	sst s28;
	s1 =	sor.u32 s5, s25  }
0x5: {  	s8 =	ssub.s32 $0x2, s5;
	s5 =	sadd.s32 $0x400, s7;
	s26 =	smul.u32 $0xD00, s1  }
0x6: {  	v0 =	vimm.s32 $0xECA86420;
	vm0 =	vcmask $0xB08;
	vm1 =	vcmask $0x1310;
	_ =	strace $0x80000047;
	s9 =	sshrl.u32 s8, $0x1;
	[dreg:$0x5] =	wrdreg s5  }
.Ltmp0:
0x7: {  	vm2 =	vcmask $0x1B18;
	vm4 =	vcmask $0x300;
	vm5 =	vcmask $0x2320;
	s8 =	ssub.s32 s8, s9;
	s2 =	sshrl.u32 s26, $0xC;
	(pc) =	sbr.rel .LBB2_1-.Ltmp0, $4  }
0x8: {  	vm6 =	vcmask $0x2B28;
	v3 =	vlaneseq.u32;
	vm7 =	vcmask $0x3330;
	[dreg:$0x4] =	wrdreg s26;
	s0 =	sadd.s32 $0xFFFFFF20, s26;
	s2 =	smul.u32 $0xF4243, s2  }
0x9: {  	vm8 =	vcmask $0x3B38;
	vm15 =	vmmov $0xff;
	v1 =	vunpack.c.l.s4.s8 v0;
	s29 =	sshrl.u32 s26, $0x3;
	s31 =	smax.u32 s8, $0x1;
	[dreg:$0x7] =	wrdreg s0  }
0xa: {  	vm3 =	vcmask $0x704;
	vm12 =	vcmask $0x1714;
	v2 =	vmul.u32 $0x2, v3;
	s30 =	sadd.s32 s6, s29;
	[dreg:$0x8] =	wrdreg s31;
	s2 =	sadd.s32 $0xF4243, s2  }
0xb: {  	s10 =	simm.s32 $0x1A00;
	v3 =	vmul.u32 $0x400, v3;
	v1 =	vunpack.c.0.s8.s32 v1;
	s1 =	simm.s32 $0x0;
	[dreg:$0x6] =	wrdreg s30;
	v0 =	vmov s2  }
.LBB2_9:
0xc: {  	s1 =	rddreg [dreg:$0x9]  }
0xd: {  	s0 =	rddreg [dreg:$0x8];
	s1 =	sadd.s32 $0x1, s1  }
0xe: {  	p0 =	sne.s32 s1, s0  }
.Ltmp1:
0xf: {  	_ = 	snop;
	(pc) =	sbr.rel @!p0 .LBB2_10-.Ltmp1, $1  }
0x10: {  	_ =	sdelay $0x3  }
.LBB2_1:
0x11: {  	[dreg:$0x9] =	wrdreg s1  }
0x12: {  	s0 =	simm.s32 $0x0;
	s28 =	rddreg [dreg:$0x6];
	s29 =	simm.s32 $0x4  }
0x13: {  	[tilespmem:s0], [sflag:$0x4] =	stream.linear.gather [hbm4b:s28+s0], $0xD00, $0x38;
	[tilespmem:$0x1DA00] =	vst v63  }
0x14: {  	s30 =	simm.s32 $0xD10;
	s15 =	simm.s32 $0x1;
	_ =	swait.ge [sflag:s29], $0xD00  }
0x15: {  	s31 =	simm.s32 $0x0;
	[dreg:$0xd] =	wrdreg s30;
	[sflag:s29] =	ssyncset.done $0x0  }
0x16: {  	vm10 =	vmmov vm15;
	s0 =	simm.s32 $0x10;
	[dreg:$0xe] =	wrdreg s31;
	[sflag:s29] =	ssyncadd.s32 $0xFFFFF300  }
.LBB2_2:
0x17: {  	v4 =	vld [tilespmem:s0+$0xFFFFFFF0];
	_ =	sdelay $0x4  }
0x18: {  	v4 =	vadd.s32 v0, v4  }
0x19: {  	(v2sf) =	vpush v4, $0xD;
	_ =	sdelay $0x1  }
0x1a: {  	(v2sf) =	vpush v4, $0xC;
	_ =	sdelay $0x1  }
0x1b: {  	(v2sf) =	vpush v4, $0xE;
	_ =	sdelay $0x1  }
0x1c: {  	(v2sf) =	vpush v4, $0xF;
	_ =	sdelay $0x1  }
0x1d: {  	(v2sf) =	vpush v4, $0x9;
	_ =	sdelay $0x1  }
0x1e: {  	(v2sf) =	vpush v4, $0x8;
	_ =	sdelay $0x1  }
0x1f: {  	(v2sf) =	vpush v4, $0xA;
	_ =	sdelay $0x1  }
0x20: {  	(v2sf) =	vpush v4, $0xB  }
0x21: {  	s12 =	spop (v2sf)  }
0x22: {  	(v2sf) =	vpush v4, $0x0;
	s17 =	smulhi.u32 $0x431BDE83, s12;
	s12 =	sshra.s32 s12, $0x1F  }
0x23: {  	s18 =	spop (v2sf);
	s12 =	smul.u32 $0x431BDE83, s12  }
0x24: {  	(v2sf) =	vpush v4, $0x1;
	s19 =	smulhi.u32 $0x431BDE83, s18;
	s18 =	sshra.s32 s18, $0x1F  }
0x25: {  	(v2sf) =	vpush v4, $0x2;
	s20 =	spop (v2sf);
	s18 =	smul.u32 $0x431BDE83, s18  }
0x26: {  	(v2sf) =	vpush v4, $0x3;
	s21 =	smulhi.u32 $0x431BDE83, s20;
	s20 =	sshra.s32 s20, $0x1F  }
0x27: {  	s22 =	spop (v2sf);
	(v2sf) =	vpush v4, $0x4;
	s20 =	smul.u32 $0x431BDE83, s20  }
0x28: {  	[dreg:$0xc] =	wrdreg s0;
	s23 =	smulhi.u32 $0x431BDE83, s22;
	s3 =	sshra.s32 s22, $0x1F;
	(v2sf) =	vpush v4, $0x5  }
0x29: {  	s4 =	spop (v2sf);
	s22 =	smul.u32 $0x431BDE83, s3;
	(v2sf) =	vpush v4, $0x6  }
0x2a: {  	s12 =	sadd.s32 s12, s17;
	s24 =	smulhi.u32 $0x431BDE83, s4;
	s17 =	sshra.s32 s4, $0x1F;
	(v2sf) =	vpush v4, $0x7  }
0x2b: {  	s6 =	spop (v2sf);
	s26 =	smul.u32 $0x431BDE83, s17  }
0x2c: {  	s19 =	sadd.s32 s18, s19;
	s7 =	smulhi.u32 $0x431BDE83, s6;
	s18 =	sshra.s32 s6, $0x1F  }
0x2d: {  	s29 =	spop (v2sf);
	s31 =	smul.u32 $0x431BDE83, s18  }
0x2e: {  	s17 =	sadd.s32 s20, s21;
	s0 =	smulhi.u32 $0x431BDE83, s29;
	s20 =	sshra.s32 s29, $0x1F  }
0x2f: {  	s25 =	sshrl.u32 s12, $0x1F;
	s14 =	spop (v2sf);
	s2 =	smul.u32 $0x431BDE83, s20  }
0x30: {  	s18 =	sadd.s32 s22, s23;
	s16 =	smulhi.u32 $0x431BDE83, s14;
	s23 =	sshra.s32 s14, $0x1F  }
0x31: {  	s30 =	sshrl.u32 s19, $0x1F;
	s6 =	smul.u32 $0x431BDE83, s23;
	s11 =	spop (v2sf)  }
0x32: {  	s20 =	sadd.s32 s26, s24;
	s8 =	smulhi.u32 $0x431BDE83, s11;
	s13 =	sshra.s32 s11, $0x1F  }
0x33: {  	s23 =	sadd.s32 s31, s7;
	s9 =	spop (v2sf);
	s31 =	smul.u32 $0x431BDE83, s13  }
0x34: {  	s14 =	spop (v2sf);
	s11 =	smulhi.u32 $0x431BDE83, s9;
	s9 =	sshra.s32 s9, $0x1F  }
0x35: {  	s24 =	sadd.s32 s2, s0;
	s3 =	spop (v2sf);
	s9 =	smul.u32 $0x431BDE83, s9  }
0x36: {  	s4 =	smulhi.u32 $0x431BDE83, s14;
	s21 =	sshra.s32 s14, $0x1F;
	s7 =	spop (v2sf)  }
0x37: {  	s2 =	smul.u32 $0x431BDE83, s21;
	s21 =	sadd.s32 s6, s16;
	s13 =	spop (v2sf)  }
0x38: {  	s16 =	smulhi.u32 $0x431BDE83, s3;
	s3 =	sshra.s32 s3, $0x1F;
	s14 =	spop (v2sf)  }
0x39: {  	s28 =	sshrl.u32 s17, $0x1F;
	s3 =	smul.u32 $0x431BDE83, s3;
	s22 =	spop (v2sf)  }
0x3a: {  	s8 =	sadd.s32 s31, s8;
	s31 =	smulhi.u32 $0x431BDE83, s22;
	s6 =	sshra.s32 s22, $0x1F  }
0x3b: {  	s29 =	sshrl.u32 s18, $0x1F;
	s26 =	sshrl.u32 s20, $0x1F;
	s6 =	smul.u32 $0x431BDE83, s6  }
0x3c: {  	s1 =	sshrl.u32 s23, $0x1F;
	s9 =	sadd.s32 s9, s11;
	s11 =	sshrl.u32 s24, $0x1F  }
0x3d: {  	s2 =	sadd.s32 s2, s4;
	s0 =	sadd.s32 s3, s16;
	s22 =	sadd.s32 s6, s31  }
0x3e: {  	vm13 =	vcmask $0xF0C;
	v6 =	vmov s30;
	s3 =	smulhi.u32 $0x431BDE83, s7;
	s7 =	sshra.s32 s7, $0x1F;
	s16 =	sshra.s32 s22, $0x1F  }
0x3f: {  	vm11 =	vcmask $0x1F1C;
	v6 =	vsel vm0, s25, v6;
	s4 =	sshrl.u32 s21, $0x1F;
	s7 =	smul.u32 $0x431BDE83, s7;
	v5 =	vmov s16;
	s16 =	sshra.s32 s8, $0x12  }
0x40: {  	v6 =	vsel vm1, s28, v6;
	v8 =	vmov s1;
	s30 =	sshra.s32 s9, $0x12;
	s6 =	sshrl.u32 s8, $0x1F;
	s8 =	sshra.s32 s8, $0x1F;
	v5 =	vsel vm4, s16, v5  }
0x41: {  	v8 =	vsel vm0, s26, v8;
	s25 =	sshrl.u32 s0, $0x1F;
	s28 =	sadd.s32 s7, s3;
	s31 =	sshrl.u32 s9, $0x1F;
	v7 =	vmov s6;
	v5 =	vsel vm3, s8, v5  }
0x42: {  	v8 =	vsel vm1, s11, v8;
	s7 =	sshrl.u32 s28, $0x1F;
	s11 =	sshra.s32 s28, $0x1F;
	v7 =	vnsel vm4, $0x0, v7;
	v5 =	vsel vm0, s30, v5;
	s30 =	sshra.s32 s9, $0x1F  }
0x43: {  	vm15 =	vcmask $0x2724;
	s6 =	smulhi.u32 $0x431BDE83, s13;
	s13 =	sshra.s32 s13, $0x1F;
	v7 =	vsel vm0, s31, v7;
	s31 =	sshra.s32 s2, $0x12;
	v5 =	vsel vm13, s30, v5  }
0x44: {  	vm14 =	vcmask $0x2F2C;
	v6 =	vsel vm2, s29, v6;
	s13 =	smul.u32 $0x431BDE83, s13;
	s16 =	sshrl.u32 s2, $0x1F;
	s2 =	sshra.s32 s2, $0x1F;
	v5 =	vsel vm1, s31, v5  }
0x45: {  	v8 =	vsel vm2, s4, v8;
	v7 =	vsel vm1, s16, v7;
	s9 =	smulhi.u32 $0x431BDE83, s14;
	s14 =	sshra.s32 s14, $0x1F;
	s30 =	sshra.s32 s0, $0x12;
	v5 =	vsel vm12, s2, v5  }
0x46: {  	v6 =	vcombine.low v8, v6;
	s8 =	sshra.s32 s19, $0x12;
	v7 =	vsel vm2, s25, v7;
	s29 =	smul.u32 $0x431BDE83, s14;
	s0 =	sshra.s32 s0, $0x1F;
	v5 =	vsel vm2, s30, v5  }
0x47: {  	s6 =	sadd.s32 s13, s6;
	s13 =	sshra.s32 s12, $0x12;
	v58 =	vmov s8;
	v7 =	vsel vm5, s7, v7;
	s7 =	sshra.s32 s28, $0x12;
	v5 =	vsel vm11, s0, v5  }
0x48: {  	s19 =	sshra.s32 s17, $0x12;
	vm3 =	vcmask $0x3734;
	v8 =	vsel vm0, s13, v58;
	s3 =	sadd.s32 s29, s9;
	s9 =	sshra.s32 s23, $0x12;
	v5 =	vsel vm5, s7, v5  }
0x49: {  	s16 =	sshra.s32 s6, $0x12;
	s14 =	sshra.s32 s20, $0x12;
	s31 =	sshrl.u32 s6, $0x1F;
	v8 =	vsel vm1, s19, v8;
	v9 =	vmov s9;
	v5 =	vsel vm15, s11, v5  }
0x4a: {  	s20 =	sshra.s32 s24, $0x12;
	s24 =	sshra.s32 s18, $0x12;
	v7 =	vsel vm6, s31, v7;
	s23 =	sshra.s32 s6, $0x1F;
	v9 =	vsel vm0, s14, v9;
	v5 =	vsel vm6, s16, v5  }
0x4b: {  	s25 =	sshra.s32 s21, $0x12;
	v8 =	vsel vm2, s24, v8;
	s4 =	sshrl.u32 s3, $0x1F;
	s26 =	sshra.s32 s3, $0x12;
	v9 =	vsel vm1, s20, v9;
	v5 =	vsel vm14, s23, v5  }
0x4c: {  	s28 =	sshrl.u32 s22, $0x1F;
	s29 =	sshra.s32 s3, $0x1F;
	v7 =	vsel vm7, s4, v7;
	v9 =	vsel vm2, s25, v9;
	v5 =	vsel vm7, s26, v5  }
0x4d: {  	s30 =	sshra.s32 s22, $0x12;
	v7 =	vsel vm8, s28, v7;
	v8 =	vcombine.low v9, v8;
	v5 =	vsel vm3, s29, v5  }
0x4e: {  	v6 =	vperm.xlane v6, v1;
	v7 =	vperm.xlane v7, v2;
	v5 =	vsel vm8, s30, v5  }
0x4f: {  	v8 =	vperm.xlane v8, v1;
	v5 =	vperm.xlane v5, v2;
	_ =	sdelay $0x1  }
0x50: {  	v6 =	vsel vm10, v7, v6;
	v5 =	vsel vm10, v5, v8  }
0x51: {  	v5 =	vadd.s32 v6, v5  }
0x52: {  	v5 =	vmul.u32 $0xF4240, v5;
	_ =	sdelay $0x1  }
0x53: {  	v4 =	vsub.s32 v4, v5  }
0x54: {  	vm9 =	vlt.s32 v4, $0x0;
	v5 =	vadd.s32 $0xF4240, v4  }
0x55: {  	v4 =	vsel vm9, v5, v4  }
0x56: {  	(v2sf) =	vpush v4, $0x0;
	_ =	sdelay $0x5  }
0x57: {  	(v2sf) =	vpush v4, $0x1;
	_ =	sdelay $0x6  }
0x58: {  	(v2sf) =	vpush v4, $0x2;
	_ =	sdelay $0x1  }
0x59: {  	s31 =	spop (v2sf)  }
0x5a: {  	s1 =	simm.s32 $0x1;
	s8 =	rddreg [dreg:$0xd];
	s3 =	sand.u32 $0x7, s31  }
0x5b: {  	s4 =	sshra.s32 s31, $0x1F;
	p0 =	slt.s32 s31, $0x1;
	p1 =	sne.s32 s3, $0x0  }
0x5c: {  	s7 =	rddreg [dreg:$0xe];
	s6 =	sshrl.u32 s4, $0x1D;
	p0 =	por !p0, !p1  }
0x5d: {  	s17 =	sshra.s32 s7, $0x2;
	s0 =	sadd.s32 s6, s31;
	p0 =	por !p0, !p0  }
0x5e: {  	s9 =	sadd.s32 $0x1A00, s17;
	(v2sf) =	vpush v4, $0x3;
	s0 =	sshrl.u32 s0, $0x3;
	s1 =	simm.s32 @!p0 $0x0  }
0x5f: {  	s11 =	spop (v2sf);
	s3 =	simm.s32 $0x0;
	s0 =	ssub.s32 s0, s1  }
0x60: {  	s12 =	sand.u32 $0x7, s11;
	s13 =	sshra.s32 s11, $0x1F;
	s0 =	sshll.u32 s0, $0x7  }
0x61: {  	p5 =	slt.s32 s11, $0x1;
	p6 =	sne.s32 s12, $0x0;
	s0 =	sand.u32 $0x1FFFFF80, s0  }
0x62: {  	[tilespmem:s8+$0xFFFFFFF0] =	vst v4;
	s14 =	sshrl.u32 s13, $0x1D;
	p0 =	por !p5, !p6;
	s0 =	sadd.s32 s5, s0  }
0x63: {  	[tilespmem:s9], [sflag:s15] =	stream.linear.gather [hbm4b:s0+s3], $0x400, $0x38;
	[tilespmem:$0x1DA00] =	vst v63  }
0x64: {  	p0 =	por !p0, !p0;
	s1 =	simm.s32 $0x1;
	s0 =	sadd.s32 s14, s11  }
0x65: {  	(v2sf) =	vpush v4, $0x4;
	s1 =	simm.s32 @!p0 $0x0;
	s0 =	sshrl.u32 s0, $0x3  }
0x66: {  	s16 =	sadd.s32 $0x1E00, s17;
	s18 =	spop (v2sf);
	s0 =	ssub.s32 s0, s1  }
0x67: {  	s19 =	sand.u32 $0x7, s18;
	s20 =	sshra.s32 s18, $0x1F;
	s0 =	sshll.u32 s0, $0x7  }
0x68: {  	p1 =	slt.s32 s18, $0x1;
	p2 =	sne.s32 s19, $0x0;
	s0 =	sand.u32 $0x1FFFFF80, s0  }
0x69: {  	s21 =	sshrl.u32 s20, $0x1D;
	p0 =	por !p1, !p2;
	s0 =	sadd.s32 s5, s0  }
0x6a: {  	[tilespmem:s16], [sflag:s15] =	stream.linear.gather [hbm4b:s0+s3], $0x400, $0x38;
	[tilespmem:$0x1DA00] =	vst v63  }
0x6b: {  	p0 =	por !p0, !p0;
	s1 =	simm.s32 $0x1;
	s0 =	sadd.s32 s21, s18  }
0x6c: {  	(v2sf) =	vpush v4, $0x5;
	s1 =	simm.s32 @!p0 $0x0;
	s0 =	sshrl.u32 s0, $0x3  }
0x6d: {  	s22 =	sadd.s32 $0x2200, s17;
	s23 =	spop (v2sf);
	s0 =	ssub.s32 s0, s1  }
0x6e: {  	s24 =	sand.u32 $0x7, s23;
	s25 =	sshra.s32 s23, $0x1F;
	s0 =	sshll.u32 s0, $0x7  }
0x6f: {  	p3 =	slt.s32 s23, $0x1;
	p4 =	sne.s32 s24, $0x0;
	s0 =	sand.u32 $0x1FFFFF80, s0  }
0x70: {  	s26 =	sshrl.u32 s25, $0x1D;
	p0 =	por !p3, !p4;
	s0 =	sadd.s32 s5, s0  }
0x71: {  	[tilespmem:s22], [sflag:s15] =	stream.linear.gather [hbm4b:s0+s3], $0x400, $0x38;
	[tilespmem:$0x1DA00] =	vst v63  }
0x72: {  	p0 =	por !p0, !p0;
	s1 =	simm.s32 $0x1;
	s0 =	sadd.s32 s26, s23  }
0x73: {  	[dreg:$0xd] =	wrdreg s8;
	(v2sf) =	vpush v4, $0x6;
	s1 =	simm.s32 @!p0 $0x0;
	s0 =	sshrl.u32 s0, $0x3  }
0x74: {  	s28 =	sadd.s32 $0x2600, s17;
	s29 =	spop (v2sf);
	s0 =	ssub.s32 s0, s1  }
0x75: {  	s30 =	sand.u32 $0x7, s29;
	s31 =	sshra.s32 s29, $0x1F;
	s0 =	sshll.u32 s0, $0x7  }
0x76: {  	p5 =	slt.s32 s29, $0x1;
	p6 =	sne.s32 s30, $0x0;
	s0 =	sand.u32 $0x1FFFFF80, s0  }
0x77: {  	s4 =	sshrl.u32 s31, $0x1D;
	p0 =	por !p5, !p6;
	s0 =	sadd.s32 s5, s0  }
0x78: {  	[tilespmem:s28], [sflag:s15] =	stream.linear.gather [hbm4b:s0+s3], $0x400, $0x38;
	[tilespmem:$0x1DA00] =	vst v63  }
0x79: {  	p0 =	por !p0, !p0;
	s1 =	simm.s32 $0x1;
	s0 =	sadd.s32 s4, s29  }
0x7a: {  	[dreg:$0xe] =	wrdreg s7;
	(v2sf) =	vpush v4, $0x7;
	s1 =	simm.s32 @!p0 $0x0;
	s0 =	sshrl.u32 s0, $0x3  }
0x7b: {  	s6 =	sadd.s32 $0x2A00, s17;
	s7 =	spop (v2sf);
	s0 =	ssub.s32 s0, s1  }
0x7c: {  	s8 =	sand.u32 $0x7, s7;
	p1 =	slt.s32 s7, $0x1;
	s0 =	sshll.u32 s0, $0x7  }
0x7d: {  	p2 =	sne.s32 s8, $0x0;
	s9 =	sshra.s32 s7, $0x1F;
	s0 =	sand.u32 $0x1FFFFF80, s0  }
0x7e: {  	s11 =	sshrl.u32 s9, $0x1D;
	p0 =	por !p1, !p2;
	s0 =	sadd.s32 s5, s0  }
0x7f: {  	[tilespmem:s6], [sflag:s15] =	stream.linear.gather [hbm4b:s0+s3], $0x400, $0x38;
	[tilespmem:$0x1DA00] =	vst v63  }
0x80: {  	p0 =	por !p0, !p0;
	s1 =	simm.s32 $0x1;
	s0 =	sadd.s32 s11, s7  }
0x81: {  	(v2sf) =	vpush v4, $0x8;
	s1 =	simm.s32 @!p0 $0x0;
	s0 =	sshrl.u32 s0, $0x3  }
0x82: {  	s12 =	sadd.s32 $0x2E00, s17;
	s13 =	spop (v2sf);
	s0 =	ssub.s32 s0, s1  }
0x83: {  	s14 =	sand.u32 $0x7, s13;
	p3 =	slt.s32 s13, $0x1;
	s0 =	sshll.u32 s0, $0x7  }
0x84: {  	p4 =	sne.s32 s14, $0x0;
	s16 =	sshra.s32 s13, $0x1F;
	s0 =	sand.u32 $0x1FFFFF80, s0  }
0x85: {  	s18 =	sshrl.u32 s16, $0x1D;
	p0 =	por !p3, !p4;
	s0 =	sadd.s32 s5, s0  }
0x86: {  	[tilespmem:s12], [sflag:s15] =	stream.linear.gather [hbm4b:s0+s3], $0x400, $0x38;
	[tilespmem:$0x1DA00] =	vst v63  }
0x87: {  	p0 =	por !p0, !p0;
	s1 =	simm.s32 $0x1;
	s0 =	sadd.s32 s18, s13  }
0x88: {  	(v2sf) =	vpush v4, $0x9;
	s1 =	simm.s32 @!p0 $0x0;
	s0 =	sshrl.u32 s0, $0x3  }
0x89: {  	s19 =	sadd.s32 $0x3200, s17;
	s20 =	spop (v2sf);
	s0 =	ssub.s32 s0, s1  }
0x8a: {  	s21 =	sand.u32 $0x7, s20;
	p5 =	slt.s32 s20, $0x1;
	s0 =	sshll.u32 s0, $0x7  }
0x8b: {  	p6 =	sne.s32 s21, $0x0;
	s22 =	sshra.s32 s20, $0x1F;
	s0 =	sand.u32 $0x1FFFFF80, s0  }
0x8c: {  	s23 =	sshrl.u32 s22, $0x1D;
	p0 =	por !p5, !p6;
	s0 =	sadd.s32 s5, s0  }
0x8d: {  	[tilespmem:s19], [sflag:s15] =	stream.linear.gather [hbm4b:s0+s3], $0x400, $0x38;
	[tilespmem:$0x1DA00] =	vst v63  }
0x8e: {  	p0 =	por !p0, !p0;
	s1 =	simm.s32 $0x1;
	s0 =	sadd.s32 s23, s20  }
0x8f: {  	(v2sf) =	vpush v4, $0xA;
	s1 =	simm.s32 @!p0 $0x0;
	s0 =	sshrl.u32 s0, $0x3  }
0x90: {  	s24 =	sadd.s32 $0x3600, s17;
	s25 =	spop (v2sf);
	s0 =	ssub.s32 s0, s1  }
0x91: {  	s26 =	sand.u32 $0x7, s25;
	p1 =	slt.s32 s25, $0x1;
	s0 =	sshll.u32 s0, $0x7  }
0x92: {  	p2 =	sne.s32 s26, $0x0;
	s28 =	sshra.s32 s25, $0x1F;
	s0 =	sand.u32 $0x1FFFFF80, s0  }
0x93: {  	s29 =	sshrl.u32 s28, $0x1D;
	p0 =	por !p1, !p2;
	s0 =	sadd.s32 s5, s0  }
0x94: {  	[tilespmem:s24], [sflag:s15] =	stream.linear.gather [hbm4b:s0+s3], $0x400, $0x38;
	[tilespmem:$0x1DA00] =	vst v63  }
0x95: {  	p0 =	por !p0, !p0;
	s1 =	simm.s32 $0x1;
	s0 =	sadd.s32 s29, s25  }
0x96: {  	(v2sf) =	vpush v4, $0xB;
	s1 =	simm.s32 @!p0 $0x0;
	s0 =	sshrl.u32 s0, $0x3  }
0x97: {  	s30 =	sadd.s32 $0x3A00, s17;
	s31 =	spop (v2sf);
	s0 =	ssub.s32 s0, s1  }
0x98: {  	s4 =	sand.u32 $0x7, s31;
	p3 =	slt.s32 s31, $0x1;
	s0 =	sshll.u32 s0, $0x7  }
0x99: {  	p4 =	sne.s32 s4, $0x0;
	s6 =	sshra.s32 s31, $0x1F;
	s0 =	sand.u32 $0x1FFFFF80, s0  }
0x9a: {  	s7 =	sshrl.u32 s6, $0x1D;
	p0 =	por !p3, !p4;
	s0 =	sadd.s32 s5, s0  }
0x9b: {  	[tilespmem:s30], [sflag:s15] =	stream.linear.gather [hbm4b:s0+s3], $0x400, $0x38;
	[tilespmem:$0x1DA00] =	vst v63  }
0x9c: {  	p0 =	por !p0, !p0;
	s1 =	simm.s32 $0x1;
	s0 =	sadd.s32 s7, s31  }
0x9d: {  	(v2sf) =	vpush v4, $0xC;
	s1 =	simm.s32 @!p0 $0x0;
	s0 =	sshrl.u32 s0, $0x3  }
0x9e: {  	s8 =	sadd.s32 $0x3E00, s17;
	s9 =	spop (v2sf);
	s0 =	ssub.s32 s0, s1  }
0x9f: {  	s11 =	sand.u32 $0x7, s9;
	p5 =	slt.s32 s9, $0x1;
	s0 =	sshll.u32 s0, $0x7  }
0xa0: {  	p6 =	sne.s32 s11, $0x0;
	s12 =	sshra.s32 s9, $0x1F;
	s0 =	sand.u32 $0x1FFFFF80, s0  }
0xa1: {  	s13 =	sshrl.u32 s12, $0x1D;
	p0 =	por !p5, !p6;
	s0 =	sadd.s32 s5, s0  }
0xa2: {  	[tilespmem:s8], [sflag:s15] =	stream.linear.gather [hbm4b:s0+s3], $0x400, $0x38;
	[tilespmem:$0x1DA00] =	vst v63  }
0xa3: {  	p0 =	por !p0, !p0;
	s1 =	simm.s32 $0x1;
	s0 =	sadd.s32 s13, s9  }
0xa4: {  	(v2sf) =	vpush v4, $0xD;
	s1 =	simm.s32 @!p0 $0x0;
	s0 =	sshrl.u32 s0, $0x3  }
0xa5: {  	s14 =	sadd.s32 $0x4200, s17;
	s16 =	spop (v2sf);
	s0 =	ssub.s32 s0, s1  }
0xa6: {  	s18 =	sand.u32 $0x7, s16;
	p1 =	slt.s32 s16, $0x1;
	s0 =	sshll.u32 s0, $0x7  }
0xa7: {  	p2 =	sne.s32 s18, $0x0;
	s19 =	sshra.s32 s16, $0x1F;
	s0 =	sand.u32 $0x1FFFFF80, s0  }
0xa8: {  	s20 =	sshrl.u32 s19, $0x1D;
	p0 =	por !p1, !p2;
	s0 =	sadd.s32 s5, s0  }
0xa9: {  	[tilespmem:s14], [sflag:s15] =	stream.linear.gather [hbm4b:s0+s3], $0x400, $0x38;
	[tilespmem:$0x1DA00] =	vst v63  }
0xaa: {  	p0 =	por !p0, !p0;
	s1 =	simm.s32 $0x1;
	s0 =	sadd.s32 s20, s16  }
0xab: {  	(v2sf) =	vpush v4, $0xE;
	s1 =	simm.s32 @!p0 $0x0;
	s0 =	sshrl.u32 s0, $0x3  }
0xac: {  	s21 =	sadd.s32 $0x4600, s17;
	s22 =	spop (v2sf);
	s0 =	ssub.s32 s0, s1  }
0xad: {  	s23 =	sand.u32 $0x7, s22;
	p3 =	slt.s32 s22, $0x1;
	s0 =	sshll.u32 s0, $0x7  }
0xae: {  	p4 =	sne.s32 s23, $0x0;
	s24 =	sshra.s32 s22, $0x1F;
	s0 =	sand.u32 $0x1FFFFF80, s0  }
0xaf: {  	s25 =	sshrl.u32 s24, $0x1D;
	p0 =	por !p3, !p4;
	s0 =	sadd.s32 s5, s0  }
0xb0: {  	[tilespmem:s21], [sflag:s15] =	stream.linear.gather [hbm4b:s0+s3], $0x400, $0x38;
	[tilespmem:$0x1DA00] =	vst v63  }
0xb1: {  	(v2sf) =	vpush v4, $0xF;
	p0 =	por !p0, !p0;
	s1 =	simm.s32 $0x1;
	s0 =	sadd.s32 s25, s22  }
0xb2: {  	s1 =	simm.s32 @!p0 $0x0;
	s0 =	sshrl.u32 s0, $0x3  }
0xb3: {  	s26 =	sadd.s32 $0x4A00, s17;
	s28 =	spop (v2sf);
	s0 =	ssub.s32 s0, s1  }
0xb4: {  	s29 =	sand.u32 $0x7, s28;
	p5 =	slt.s32 s28, $0x1;
	s0 =	sshll.u32 s0, $0x7  }
0xb5: {  	p6 =	sne.s32 s29, $0x0;
	s30 =	sshra.s32 s28, $0x1F;
	s0 =	sand.u32 $0x1FFFFF80, s0  }
0xb6: {  	s31 =	sshrl.u32 s30, $0x1D;
	p0 =	por !p5, !p6;
	s0 =	sadd.s32 s5, s0  }
0xb7: {  	[tilespmem:s26], [sflag:s15] =	stream.linear.gather [hbm4b:s0+s3], $0x400, $0x38;
	[tilespmem:$0x1DA00] =	vst v63  }
0xb8: {  	p0 =	por !p0, !p0;
	s1 =	simm.s32 $0x1;
	s0 =	sadd.s32 s31, s28  }
0xb9: {  	s1 =	simm.s32 @!p0 $0x0;
	s0 =	sshrl.u32 s0, $0x3  }
0xba: {  	s2 =	sadd.s32 $0x4E00, s17;
	s4 =	spop (v2sf);
	s0 =	ssub.s32 s0, s1  }
0xbb: {  	s6 =	sand.u32 $0x7, s4;
	s7 =	sshra.s32 s4, $0x1F;
	s0 =	sshll.u32 s0, $0x7  }
0xbc: {  	p1 =	slt.s32 s4, $0x1;
	p2 =	sne.s32 s6, $0x0;
	s0 =	sand.u32 $0x1FFFFF80, s0  }
0xbd: {  	s8 =	sshrl.u32 s7, $0x1D;
	p0 =	por !p1, !p2;
	s0 =	sadd.s32 s5, s0  }
0xbe: {  	[tilespmem:s2], [sflag:s15] =	stream.linear.gather [hbm4b:s0+s3], $0x400, $0x38;
	[tilespmem:$0x1DA00] =	vst v63  }
0xbf: {  	p0 =	por !p0, !p0;
	s1 =	simm.s32 $0x1;
	s0 =	sadd.s32 s8, s4  }
0xc0: {  	s11 =	spop (v2sf);
	s1 =	simm.s32 @!p0 $0x0;
	s0 =	sshrl.u32 s0, $0x3  }
0xc1: {  	s12 =	sand.u32 $0x7, s11;
	s0 =	ssub.s32 s0, s1  }
0xc2: {  	s9 =	sadd.s32 $0x5200, s17;
	s13 =	sshra.s32 s11, $0x1F;
	s0 =	sshll.u32 s0, $0x7  }
0xc3: {  	p3 =	slt.s32 s11, $0x1;
	p4 =	sne.s32 s12, $0x0;
	s0 =	sand.u32 $0x1FFFFF80, s0  }
0xc4: {  	s14 =	sshrl.u32 s13, $0x1D;
	p0 =	por !p3, !p4;
	s0 =	sadd.s32 s5, s0  }
0xc5: {  	[tilespmem:s9], [sflag:s15] =	stream.linear.gather [hbm4b:s0+s3], $0x400, $0x38;
	[tilespmem:$0x1DA00] =	vst v63  }
0xc6: {  	p0 =	por !p0, !p0;
	s1 =	simm.s32 $0x1;
	s0 =	sadd.s32 s14, s11  }
0xc7: {  	s1 =	simm.s32 @!p0 $0x0;
	s0 =	sshrl.u32 s0, $0x3  }
0xc8: {  	s0 =	ssub.s32 s0, s1  }
0xc9: {  	s0 =	sshll.u32 s0, $0x7  }
0xca: {  	s0 =	sand.u32 $0x1FFFFF80, s0  }
0xcb: {  	s18 =	rddreg [dreg:$0xc];
	s16 =	sadd.s32 $0x5600, s17;
	s0 =	sadd.s32 s5, s0  }
0xcc: {  	[tilespmem:s16], [sflag:s15] =	stream.linear.gather [hbm4b:s0+s3], $0x400, $0x38;
	[tilespmem:$0x1DA00] =	vst v63  }
0xcd: {  	v4 =	vld [tilespmem:s18+$0x0];
	_ =	sdelay $0x4  }
0xce: {  	v4 =	vadd.s32 v0, v4  }
0xcf: {  	(v2sf) =	vpush v4, $0xD;
	_ =	sdelay $0x1  }
0xd0: {  	(v2sf) =	vpush v4, $0xC;
	_ =	sdelay $0x1  }
0xd1: {  	(v2sf) =	vpush v4, $0xE;
	_ =	sdelay $0x1  }
0xd2: {  	(v2sf) =	vpush v4, $0xF;
	_ =	sdelay $0x1  }
0xd3: {  	(v2sf) =	vpush v4, $0x9;
	_ =	sdelay $0x1  }
0xd4: {  	(v2sf) =	vpush v4, $0x8;
	_ =	sdelay $0x1  }
0xd5: {  	(v2sf) =	vpush v4, $0xA;
	_ =	sdelay $0x1  }
0xd6: {  	(v2sf) =	vpush v4, $0xB  }
0xd7: {  	s19 =	spop (v2sf)  }
0xd8: {  	(v2sf) =	vpush v4, $0x0;
	s20 =	smulhi.u32 $0x431BDE83, s19;
	s0 =	sshra.s32 s19, $0x1F  }
0xd9: {  	s21 =	spop (v2sf);
	s0 =	smul.u32 $0x431BDE83, s0  }
0xda: {  	(v2sf) =	vpush v4, $0x1;
	s22 =	smulhi.u32 $0x431BDE83, s21;
	s2 =	sshra.s32 s21, $0x1F  }
0xdb: {  	s25 =	spop (v2sf);
	s2 =	smul.u32 $0x431BDE83, s2  }
0xdc: {  	(v2sf) =	vpush v4, $0x2;
	s6 =	smulhi.u32 $0x431BDE83, s25;
	s4 =	sshra.s32 s25, $0x1F  }
0xdd: {  	(v2sf) =	vpush v4, $0x3;
	s26 =	spop (v2sf);
	s4 =	smul.u32 $0x431BDE83, s4  }
0xde: {  	(v2sf) =	vpush v4, $0x4;
	s8 =	smulhi.u32 $0x431BDE83, s26;
	s7 =	sshra.s32 s26, $0x1F  }
0xdf: {  	(v2sf) =	vpush v4, $0x5;
	s28 =	spop (v2sf);
	s7 =	smul.u32 $0x431BDE83, s7  }
0xe0: {  	(v2sf) =	vpush v4, $0x6;
	s11 =	smulhi.u32 $0x431BDE83, s28;
	s9 =	sshra.s32 s28, $0x1F  }
0xe1: {  	(v2sf) =	vpush v4, $0x7;
	s29 =	spop (v2sf);
	s9 =	smul.u32 $0x431BDE83, s9  }
0xe2: {  	s21 =	smulhi.u32 $0x431BDE83, s29;
	s13 =	sshra.s32 s29, $0x1F  }
0xe3: {  	s30 =	spop (v2sf);
	s13 =	smul.u32 $0x431BDE83, s13  }
0xe4: {  	s23 =	smulhi.u32 $0x431BDE83, s30;
	s14 =	sshra.s32 s30, $0x1F  }
0xe5: {  	s19 =	sadd.s32 s0, s20;
	s31 =	spop (v2sf);
	s14 =	smul.u32 $0x431BDE83, s14  }
0xe6: {  	s22 =	sadd.s32 s2, s22;
	s29 =	smulhi.u32 $0x431BDE83, s31;
	s16 =	sshra.s32 s31, $0x1F  }
0xe7: {  	s20 =	sadd.s32 s4, s6;
	s5 =	spop (v2sf);
	s16 =	smul.u32 $0x431BDE83, s16  }
0xe8: {  	s18 =	sadd.s32 s7, s8;
	s0 =	smulhi.u32 $0x431BDE83, s5;
	s25 =	sshra.s32 s5, $0x1F  }
0xe9: {  	s7 =	sshrl.u32 s20, $0x1F;
	s12 =	spop (v2sf);
	s1 =	smul.u32 $0x431BDE83, s25  }
0xea: {  	s5 =	sshrl.u32 s19, $0x1F;
	s2 =	smulhi.u32 $0x431BDE83, s12;
	s26 =	sshra.s32 s12, $0x1F  }
0xeb: {  	s24 =	spop (v2sf);
	s12 =	sshrl.u32 s22, $0x1F;
	s3 =	smul.u32 $0x431BDE83, s26  }
0xec: {  	s28 =	spop (v2sf);
	s4 =	smulhi.u32 $0x431BDE83, s24;
	s8 =	sshra.s32 s24, $0x1F  }
0xed: {  	s26 =	sadd.s32 s13, s21;
	s6 =	smul.u32 $0x431BDE83, s8;
	s30 =	spop (v2sf)  }
0xee: {  	s13 =	smulhi.u32 $0x431BDE83, s28;
	s28 =	sshra.s32 s28, $0x1F;
	s31 =	spop (v2sf)  }
0xef: {  	s25 =	sadd.s32 s9, s11;
	s9 =	smul.u32 $0x431BDE83, s28;
	s11 =	spop (v2sf)  }
0xf0: {  	s21 =	sadd.s32 s16, s29;
	s29 =	smulhi.u32 $0x431BDE83, s30;
	s16 =	spop (v2sf)  }
0xf1: {  	s24 =	sadd.s32 s14, s23;
	s23 =	smulhi.u32 $0x431BDE83, s16;
	s14 =	sshra.s32 s16, $0x1F  }
0xf2: {  	s0 =	sadd.s32 s1, s0;
	s28 =	sshra.s32 s30, $0x1F;
	s14 =	smul.u32 $0x431BDE83, s14  }
0xf3: {  	s1 =	sshrl.u32 s26, $0x1F;
	s2 =	sadd.s32 s3, s2;
	s3 =	smul.u32 $0x431BDE83, s28  }
0xf4: {  	s4 =	sadd.s32 s6, s4;
	s6 =	sshrl.u32 s25, $0x1F;
	s23 =	sadd.s32 s14, s23  }
0xf5: {  	v59 =	vmov s12;
	s8 =	sadd.s32 s9, s13;
	s3 =	sadd.s32 s3, s29;
	s29 =	sshra.s32 s23, $0x1F  }
0xf6: {  	v6 =	vsel vm0, s5, v59;
	s13 =	sshrl.u32 s24, $0x1F;
	s9 =	sshrl.u32 s21, $0x1F;
	s30 =	sshra.s32 s0, $0x12;
	v5 =	vmov s29  }
0xf7: {  	vm9 =	vcmask $0x704;
	v6 =	vsel vm1, s7, v6;
	s7 =	sshrl.u32 s4, $0x1F;
	s28 =	sshrl.u32 s0, $0x1F;
	s0 =	sshra.s32 s0, $0x1F;
	v5 =	vsel vm4, s30, v5  }
0xf8: {  	v61 =	vmov s1;
	s5 =	smulhi.u32 $0x431BDE83, s31;
	v60 =	vmov s28;
	s30 =	sshra.s32 s31, $0x1F;
	s31 =	sshra.s32 s2, $0x12;
	v5 =	vsel vm9, s0, v5  }
0xf9: {  	v8 =	vsel vm0, s6, v61;
	s6 =	sshra.s32 s8, $0x12;
	v7 =	vnsel vm4, $0x0, v60;
	s29 =	sshrl.u32 s2, $0x1F;
	s2 =	sshra.s32 s2, $0x1F;
	v5 =	vsel vm0, s31, v5  }
0xfa: {  	s28 =	smulhi.u32 $0x431BDE83, s11;
	s11 =	sshra.s32 s11, $0x1F;
	v7 =	vsel vm0, s29, v7;
	s29 =	sshra.s32 s4, $0x12;
	v5 =	vsel vm13, s2, v5  }
0xfb: {  	v8 =	vsel vm1, s13, v8;
	s16 =	sshrl.u32 s18, $0x1F;
	s13 =	sshra.s32 s3, $0x12;
	s4 =	sshra.s32 s4, $0x1F;
	v5 =	vsel vm1, s29, v5  }
0xfc: {  	v8 =	vsel vm2, s9, v8;
	v6 =	vsel vm2, s16, v6;
	s16 =	sshra.s32 s26, $0x12;
	s26 =	sshra.s32 s19, $0x12;
	s12 =	smul.u32 $0x431BDE83, s30;
	v5 =	vsel vm12, s4, v5  }
0xfd: {  	v6 =	vcombine.low v8, v6;
	v63 =	vmov s16;
	s14 =	sshra.s32 s22, $0x12;
	s31 =	smul.u32 $0x431BDE83, s11;
	s11 =	sshra.s32 s8, $0x1F;
	v5 =	vsel vm2, s6, v5  }
0xfe: {  	s22 =	sshra.s32 s3, $0x1F;
	v62 =	vmov s14;
	v7 =	vsel vm1, s7, v7;
	s30 =	sshrl.u32 s8, $0x1F;
	s0 =	sadd.s32 s12, s5;
	v5 =	vsel vm11, s11, v5  }
0xff: {  	v8 =	vsel vm0, s26, v62;
	v7 =	vsel vm2, s30, v7;
	s30 =	sshra.s32 s20, $0x12;
	s5 =	sshrl.u32 s3, $0x1F;
	s7 =	sshrl.u32 s0, $0x1F;
	v5 =	vsel vm5, s13, v5  }
0x100: {  	v8 =	vsel vm1, s30, v8;
	v7 =	vsel vm5, s5, v7;
	s1 =	sadd.s32 s31, s28;
	s28 =	sshra.s32 s25, $0x12;
	s29 =	sshra.s32 s0, $0x12;
	v5 =	vsel vm15, s22, v5  }
0x101: {  	s31 =	sshra.s32 s24, $0x12;
	s0 =	sshra.s32 s0, $0x1F;
	v7 =	vsel vm6, s7, v7;
	s12 =	sshrl.u32 s1, $0x1F;
	v9 =	vsel vm0, s28, v63;
	v5 =	vsel vm6, s29, v5  }
0x102: {  	s7 =	sshra.s32 s21, $0x12;
	s8 =	sshra.s32 s1, $0x12;
	v7 =	vsel vm7, s12, v7;
	s6 =	sshra.s32 s18, $0x12;
	v9 =	vsel vm1, s31, v9;
	v5 =	vsel vm14, s0, v5  }
0x103: {  	s9 =	sshrl.u32 s23, $0x1F;
	v8 =	vsel vm2, s6, v8;
	v9 =	vsel vm2, s7, v9;
	s11 =	sshra.s32 s1, $0x1F;
	v5 =	vsel vm7, s8, v5  }
0x104: {  	s12 =	sshra.s32 s23, $0x12;
	v7 =	vsel vm8, s9, v7;
	v8 =	vcombine.low v9, v8;
	v5 =	vsel vm3, s11, v5  }
0x105: {  	v6 =	vperm.xlane v6, v1;
	v7 =	vperm.xlane v7, v2;
	v5 =	vsel vm8, s12, v5  }
0x106: {  	v8 =	vperm.xlane v8, v1;
	v5 =	vperm.xlane v5, v2;
	_ =	sdelay $0x1  }
0x107: {  	v6 =	vsel vm10, v7, v6;
	v5 =	vsel vm10, v5, v8  }
0x108: {  	v5 =	vadd.s32 v6, v5  }
0x109: {  	v5 =	vmul.u32 $0xF4240, v5;
	_ =	sdelay $0x1  }
0x10a: {  	v4 =	vsub.s32 v4, v5  }
0x10b: {  	vm9 =	vlt.s32 v4, $0x0;
	v5 =	vadd.s32 $0xF4240, v4  }
0x10c: {  	v4 =	vsel vm9, v5, v4  }
0x10d: {  	(v2sf) =	vpush v4, $0x0;
	_ =	sdelay $0x5  }
0x10e: {  	(v2sf) =	vpush v4, $0x1;
	_ =	sdelay $0x8  }
0x10f: {  	s13 =	spop (v2sf)  }
0x110: {  	s19 =	sadd.s32 $0x5A00, s17;
	(v2sf) =	vpush v4, $0x2;
	s14 =	sand.u32 $0x7, s13  }
0x111: {  	s16 =	sshra.s32 s13, $0x1F;
	p5 =	slt.s32 s13, $0x1;
	p6 =	sne.s32 s14, $0x0  }
0x112: {  	s3 =	rddreg [dreg:$0xd];
	s18 =	sshrl.u32 s16, $0x1D;
	p0 =	por !p5, !p6  }
0x113: {  	s1 =	simm.s32 $0x1;
	s0 =	sadd.s32 s18, s13;
	p0 =	por !p0, !p0  }
0x114: {  	s5 =	rddreg [dreg:$0x5];
	s0 =	sshrl.u32 s0, $0x3;
	s1 =	simm.s32 @!p0 $0x0  }
0x115: {  	s4 =	simm.s32 $0x0;
	s20 =	spop (v2sf);
	s0 =	ssub.s32 s0, s1  }
0x116: {  	s21 =	sand.u32 $0x7, s20;
	s22 =	sshra.s32 s20, $0x1F;
	s0 =	sshll.u32 s0, $0x7  }
0x117: {  	(v2sf) =	vpush v4, $0x3;
	p1 =	slt.s32 s20, $0x1;
	p2 =	sne.s32 s21, $0x0;
	s0 =	sand.u32 $0x1FFFFF80, s0  }
0x118: {  	[tilespmem:s3+$0x0] =	vst v4;
	s23 =	sshrl.u32 s22, $0x1D;
	p0 =	por !p1, !p2;
	s0 =	sadd.s32 s5, s0  }
0x119: {  	[tilespmem:s19], [sflag:s15] =	stream.linear.gather [hbm4b:s0+s4], $0x400, $0x38;
	[tilespmem:$0x1DA00] =	vst v63  }
0x11a: {  	p0 =	por !p0, !p0;
	s1 =	simm.s32 $0x1;
	s0 =	sadd.s32 s23, s20  }
0x11b: {  	s1 =	simm.s32 @!p0 $0x0;
	s0 =	sshrl.u32 s0, $0x3  }
0x11c: {  	s0 =	ssub.s32 s0, s1  }
0x11d: {  	s0 =	sshll.u32 s0, $0x7  }
0x11e: {  	s0 =	sand.u32 $0x1FFFFF80, s0  }
0x11f: {  	s24 =	sadd.s32 $0x5E00, s17;
	s0 =	sadd.s32 s5, s0;
	s25 =	spop (v2sf)  }
0x120: {  	[tilespmem:s24], [sflag:s15] =	stream.linear.gather [hbm4b:s0+s4], $0x400, $0x38;
	[tilespmem:$0x1DA00] =	vst v63  }
0x121: {  	(v2sf) =	vpush v4, $0x4;
	s26 =	sand.u32 $0x7, s25  }
0x122: {  	s28 =	sshra.s32 s25, $0x1F;
	p3 =	slt.s32 s25, $0x1;
	p4 =	sne.s32 s26, $0x0  }
0x123: {  	s29 =	sshrl.u32 s28, $0x1D;
	p0 =	por !p3, !p4  }
0x124: {  	s1 =	simm.s32 $0x1;
	s0 =	sadd.s32 s29, s25;
	p0 =	por !p0, !p0  }
0x125: {  	s0 =	sshrl.u32 s0, $0x3;
	s1 =	simm.s32 @!p0 $0x0  }
0x126: {  	s30 =	sadd.s32 $0x6200, s17;
	s31 =	spop (v2sf);
	s0 =	ssub.s32 s0, s1  }
0x127: {  	s6 =	sand.u32 $0x7, s31;
	s7 =	sshra.s32 s31, $0x1F;
	s0 =	sshll.u32 s0, $0x7  }
0x128: {  	(v2sf) =	vpush v4, $0x5;
	p5 =	slt.s32 s31, $0x1;
	p6 =	sne.s32 s6, $0x0;
	s0 =	sand.u32 $0x1FFFFF80, s0  }
0x129: {  	s8 =	sshrl.u32 s7, $0x1D;
	p0 =	por !p5, !p6;
	s0 =	sadd.s32 s5, s0  }
0x12a: {  	[tilespmem:s30], [sflag:s15] =	stream.linear.gather [hbm4b:s0+s4], $0x400, $0x38;
	[tilespmem:$0x1DA00] =	vst v63  }
0x12b: {  	p0 =	por !p0, !p0;
	s1 =	simm.s32 $0x1;
	s0 =	sadd.s32 s8, s31  }
0x12c: {  	s1 =	simm.s32 @!p0 $0x0;
	s0 =	sshrl.u32 s0, $0x3  }
0x12d: {  	s0 =	ssub.s32 s0, s1  }
0x12e: {  	s0 =	sshll.u32 s0, $0x7  }
0x12f: {  	s0 =	sand.u32 $0x1FFFFF80, s0  }
0x130: {  	s9 =	sadd.s32 $0x6600, s17;
	s0 =	sadd.s32 s5, s0;
	s11 =	spop (v2sf)  }
0x131: {  	[tilespmem:s9], [sflag:s15] =	stream.linear.gather [hbm4b:s0+s4], $0x400, $0x38;
	[tilespmem:$0x1DA00] =	vst v63  }
0x132: {  	(v2sf) =	vpush v4, $0x6;
	s12 =	sand.u32 $0x7, s11  }
0x133: {  	s13 =	sshra.s32 s11, $0x1F;
	p1 =	slt.s32 s11, $0x1;
	p2 =	sne.s32 s12, $0x0  }
0x134: {  	s14 =	sshrl.u32 s13, $0x1D;
	p0 =	por !p1, !p2  }
0x135: {  	s1 =	simm.s32 $0x1;
	s0 =	sadd.s32 s14, s11;
	p0 =	por !p0, !p0  }
0x136: {  	s0 =	sshrl.u32 s0, $0x3;
	s1 =	simm.s32 @!p0 $0x0  }
0x137: {  	s16 =	sadd.s32 $0x6A00, s17;
	s18 =	spop (v2sf);
	s0 =	ssub.s32 s0, s1  }
0x138: {  	s19 =	sand.u32 $0x7, s18;
	s20 =	sshra.s32 s18, $0x1F;
	s0 =	sshll.u32 s0, $0x7  }
0x139: {  	(v2sf) =	vpush v4, $0x7;
	p3 =	slt.s32 s18, $0x1;
	p4 =	sne.s32 s19, $0x0;
	s0 =	sand.u32 $0x1FFFFF80, s0  }
0x13a: {  	s21 =	sshrl.u32 s20, $0x1D;
	p0 =	por !p3, !p4;
	s0 =	sadd.s32 s5, s0  }
0x13b: {  	[tilespmem:s16], [sflag:s15] =	stream.linear.gather [hbm4b:s0+s4], $0x400, $0x38;
	[tilespmem:$0x1DA00] =	vst v63  }
0x13c: {  	p0 =	por !p0, !p0;
	s1 =	simm.s32 $0x1;
	s0 =	sadd.s32 s21, s18  }
0x13d: {  	s1 =	simm.s32 @!p0 $0x0;
	s0 =	sshrl.u32 s0, $0x3  }
0x13e: {  	s0 =	ssub.s32 s0, s1  }
0x13f: {  	s0 =	sshll.u32 s0, $0x7  }
0x140: {  	s0 =	sand.u32 $0x1FFFFF80, s0  }
0x141: {  	s22 =	sadd.s32 $0x6E00, s17;
	s0 =	sadd.s32 s5, s0;
	s23 =	spop (v2sf)  }
0x142: {  	[tilespmem:s22], [sflag:s15] =	stream.linear.gather [hbm4b:s0+s4], $0x400, $0x38;
	[tilespmem:$0x1DA00] =	vst v63  }
0x143: {  	(v2sf) =	vpush v4, $0x8;
	s24 =	sand.u32 $0x7, s23  }
0x144: {  	s25 =	sshra.s32 s23, $0x1F;
	p5 =	slt.s32 s23, $0x1;
	p6 =	sne.s32 s24, $0x0  }
0x145: {  	s26 =	sshrl.u32 s25, $0x1D;
	p0 =	por !p5, !p6  }
0x146: {  	s1 =	simm.s32 $0x1;
	s0 =	sadd.s32 s26, s23;
	p0 =	por !p0, !p0  }
0x147: {  	s0 =	sshrl.u32 s0, $0x3;
	s1 =	simm.s32 @!p0 $0x0  }
0x148: {  	s28 =	sadd.s32 $0x7200, s17;
	s29 =	spop (v2sf);
	s0 =	ssub.s32 s0, s1  }
0x149: {  	s30 =	sand.u32 $0x7, s29;
	s31 =	sshra.s32 s29, $0x1F;
	s0 =	sshll.u32 s0, $0x7  }
0x14a: {  	(v2sf) =	vpush v4, $0x9;
	p1 =	slt.s32 s29, $0x1;
	p2 =	sne.s32 s30, $0x0;
	s0 =	sand.u32 $0x1FFFFF80, s0  }
0x14b: {  	s2 =	sshrl.u32 s31, $0x1D;
	p0 =	por !p1, !p2;
	s0 =	sadd.s32 s5, s0  }
0x14c: {  	[tilespmem:s28], [sflag:s15] =	stream.linear.gather [hbm4b:s0+s4], $0x400, $0x38;
	[tilespmem:$0x1DA00] =	vst v63  }
0x14d: {  	p0 =	por !p0, !p0;
	s1 =	simm.s32 $0x1;
	s0 =	sadd.s32 s2, s29  }
0x14e: {  	s1 =	simm.s32 @!p0 $0x0;
	s0 =	sshrl.u32 s0, $0x3  }
0x14f: {  	s0 =	ssub.s32 s0, s1  }
0x150: {  	s0 =	sshll.u32 s0, $0x7  }
0x151: {  	s0 =	sand.u32 $0x1FFFFF80, s0  }
0x152: {  	s6 =	sadd.s32 $0x7600, s17;
	s0 =	sadd.s32 s5, s0;
	s7 =	spop (v2sf)  }
0x153: {  	[tilespmem:s6], [sflag:s15] =	stream.linear.gather [hbm4b:s0+s4], $0x400, $0x38;
	[tilespmem:$0x1DA00] =	vst v63  }
0x154: {  	(v2sf) =	vpush v4, $0xA;
	s8 =	sand.u32 $0x7, s7  }
0x155: {  	s9 =	sshra.s32 s7, $0x1F;
	p3 =	slt.s32 s7, $0x1;
	p4 =	sne.s32 s8, $0x0  }
0x156: {  	s11 =	sshrl.u32 s9, $0x1D;
	p0 =	por !p3, !p4  }
0x157: {  	s1 =	simm.s32 $0x1;
	s0 =	sadd.s32 s11, s7;
	p0 =	por !p0, !p0  }
0x158: {  	s0 =	sshrl.u32 s0, $0x3;
	s1 =	simm.s32 @!p0 $0x0  }
0x159: {  	s12 =	sadd.s32 $0x7A00, s17;
	s13 =	spop (v2sf);
	s0 =	ssub.s32 s0, s1  }
0x15a: {  	s14 =	sand.u32 $0x7, s13;
	s16 =	sshra.s32 s13, $0x1F;
	s0 =	sshll.u32 s0, $0x7  }
0x15b: {  	(v2sf) =	vpush v4, $0xB;
	p5 =	slt.s32 s13, $0x1;
	p6 =	sne.s32 s14, $0x0;
	s0 =	sand.u32 $0x1FFFFF80, s0  }
0x15c: {  	s18 =	sshrl.u32 s16, $0x1D;
	p0 =	por !p5, !p6;
	s0 =	sadd.s32 s5, s0  }
0x15d: {  	[tilespmem:s12], [sflag:s15] =	stream.linear.gather [hbm4b:s0+s4], $0x400, $0x38;
	[tilespmem:$0x1DA00] =	vst v63  }
0x15e: {  	p0 =	por !p0, !p0;
	s1 =	simm.s32 $0x1;
	s0 =	sadd.s32 s18, s13  }
0x15f: {  	s1 =	simm.s32 @!p0 $0x0;
	s0 =	sshrl.u32 s0, $0x3  }
0x160: {  	s0 =	ssub.s32 s0, s1  }
0x161: {  	s0 =	sshll.u32 s0, $0x7  }
0x162: {  	s0 =	sand.u32 $0x1FFFFF80, s0  }
0x163: {  	s19 =	sadd.s32 $0x7E00, s17;
	s0 =	sadd.s32 s5, s0;
	s20 =	spop (v2sf)  }
0x164: {  	[tilespmem:s19], [sflag:s15] =	stream.linear.gather [hbm4b:s0+s4], $0x400, $0x38;
	[tilespmem:$0x1DA00] =	vst v63  }
0x165: {  	(v2sf) =	vpush v4, $0xC;
	s21 =	sand.u32 $0x7, s20  }
0x166: {  	s22 =	sshra.s32 s20, $0x1F;
	p1 =	slt.s32 s20, $0x1;
	p2 =	sne.s32 s21, $0x0  }
0x167: {  	s23 =	sshrl.u32 s22, $0x1D;
	p0 =	por !p1, !p2  }
0x168: {  	s1 =	simm.s32 $0x1;
	s0 =	sadd.s32 s23, s20;
	p0 =	por !p0, !p0  }
0x169: {  	s0 =	sshrl.u32 s0, $0x3;
	s1 =	simm.s32 @!p0 $0x0  }
0x16a: {  	s24 =	sadd.s32 $0x8200, s17;
	s25 =	spop (v2sf);
	s0 =	ssub.s32 s0, s1  }
0x16b: {  	s26 =	sand.u32 $0x7, s25;
	s28 =	sshra.s32 s25, $0x1F;
	s0 =	sshll.u32 s0, $0x7  }
0x16c: {  	(v2sf) =	vpush v4, $0xD;
	p3 =	slt.s32 s25, $0x1;
	p4 =	sne.s32 s26, $0x0;
	s0 =	sand.u32 $0x1FFFFF80, s0  }
0x16d: {  	s29 =	sshrl.u32 s28, $0x1D;
	p0 =	por !p3, !p4;
	s0 =	sadd.s32 s5, s0  }
0x16e: {  	[tilespmem:s24], [sflag:s15] =	stream.linear.gather [hbm4b:s0+s4], $0x400, $0x38;
	[tilespmem:$0x1DA00] =	vst v63  }
0x16f: {  	p0 =	por !p0, !p0;
	s1 =	simm.s32 $0x1;
	s0 =	sadd.s32 s29, s25  }
0x170: {  	s1 =	simm.s32 @!p0 $0x0;
	s0 =	sshrl.u32 s0, $0x3  }
0x171: {  	s0 =	ssub.s32 s0, s1  }
0x172: {  	s0 =	sshll.u32 s0, $0x7  }
0x173: {  	s0 =	sand.u32 $0x1FFFFF80, s0  }
0x174: {  	s30 =	sadd.s32 $0x8600, s17;
	s0 =	sadd.s32 s5, s0;
	s31 =	spop (v2sf)  }
0x175: {  	[tilespmem:s30], [sflag:s15] =	stream.linear.gather [hbm4b:s0+s4], $0x400, $0x38;
	[tilespmem:$0x1DA00] =	vst v63  }
0x176: {  	(v2sf) =	vpush v4, $0xE;
	s6 =	sand.u32 $0x7, s31  }
0x177: {  	s7 =	sshra.s32 s31, $0x1F;
	p5 =	slt.s32 s31, $0x1;
	p6 =	sne.s32 s6, $0x0  }
0x178: {  	s8 =	sshrl.u32 s7, $0x1D;
	p0 =	por !p5, !p6  }
0x179: {  	s1 =	simm.s32 $0x1;
	s0 =	sadd.s32 s8, s31;
	p0 =	por !p0, !p0  }
0x17a: {  	s0 =	sshrl.u32 s0, $0x3;
	s1 =	simm.s32 @!p0 $0x0  }
0x17b: {  	s9 =	sadd.s32 $0x8A00, s17;
	s11 =	spop (v2sf);
	s0 =	ssub.s32 s0, s1  }
0x17c: {  	s12 =	sand.u32 $0x7, s11;
	s13 =	sshra.s32 s11, $0x1F;
	s0 =	sshll.u32 s0, $0x7  }
0x17d: {  	(v2sf) =	vpush v4, $0xF;
	p1 =	slt.s32 s11, $0x1;
	p2 =	sne.s32 s12, $0x0;
	s0 =	sand.u32 $0x1FFFFF80, s0  }
0x17e: {  	s14 =	sshrl.u32 s13, $0x1D;
	p0 =	por !p1, !p2;
	s0 =	sadd.s32 s5, s0  }
0x17f: {  	[tilespmem:s9], [sflag:s15] =	stream.linear.gather [hbm4b:s0+s4], $0x400, $0x38;
	[tilespmem:$0x1DA00] =	vst v63  }
0x180: {  	p0 =	por !p0, !p0;
	s1 =	simm.s32 $0x1;
	s0 =	sadd.s32 s14, s11  }
0x181: {  	s1 =	simm.s32 @!p0 $0x0;
	s0 =	sshrl.u32 s0, $0x3  }
0x182: {  	s0 =	ssub.s32 s0, s1  }
0x183: {  	s0 =	sshll.u32 s0, $0x7  }
0x184: {  	s0 =	sand.u32 $0x1FFFFF80, s0  }
0x185: {  	s18 =	sadd.s32 $0x8E00, s17;
	s16 =	spop (v2sf);
	s0 =	sadd.s32 s5, s0  }
0x186: {  	[tilespmem:s18], [sflag:s15] =	stream.linear.gather [hbm4b:s0+s4], $0x400, $0x38;
	[tilespmem:$0x1DA00] =	vst v63  }
0x187: {  	s19 =	sand.u32 $0x7, s16  }
0x188: {  	s20 =	sshra.s32 s16, $0x1F;
	p3 =	slt.s32 s16, $0x1;
	p4 =	sne.s32 s19, $0x0  }
0x189: {  	s21 =	sshrl.u32 s20, $0x1D;
	p0 =	por !p3, !p4  }
0x18a: {  	s1 =	simm.s32 $0x1;
	s0 =	sadd.s32 s21, s16;
	p0 =	por !p0, !p0  }
0x18b: {  	s0 =	sshrl.u32 s0, $0x3;
	s1 =	simm.s32 @!p0 $0x0  }
0x18c: {  	s22 =	sadd.s32 $0x9200, s17;
	s23 =	spop (v2sf);
	s0 =	ssub.s32 s0, s1  }
0x18d: {  	s24 =	sand.u32 $0x7, s23;
	s25 =	sshra.s32 s23, $0x1F;
	s0 =	sshll.u32 s0, $0x7  }
0x18e: {  	p5 =	slt.s32 s23, $0x1;
	p6 =	sne.s32 s24, $0x0;
	s0 =	sand.u32 $0x1FFFFF80, s0  }
0x18f: {  	s26 =	sshrl.u32 s25, $0x1D;
	p0 =	por !p5, !p6;
	s0 =	sadd.s32 s5, s0  }
0x190: {  	[tilespmem:s22], [sflag:s15] =	stream.linear.gather [hbm4b:s0+s4], $0x400, $0x38;
	[tilespmem:$0x1DA00] =	vst v63  }
0x191: {  	p0 =	por !p0, !p0;
	s1 =	simm.s32 $0x1;
	s0 =	sadd.s32 s26, s23  }
0x192: {  	s30 =	rddreg [dreg:$0xe];
	s1 =	simm.s32 @!p0 $0x0;
	s0 =	sshrl.u32 s0, $0x3  }
0x193: {  	p0 =	sne.s32 s30, $0x40000;
	s0 =	ssub.s32 s0, s1  }
.Ltmp2:
0x194: {  	s28 =	sadd.s32 $0x9600, s17;
	s0 =	sshll.u32 s0, $0x7;
	(pc) =	sbr.rel @p0 .LBB2_2-.Ltmp2, $4  }
0x195: {  	s29 =	rddreg [dreg:$0xc];
	s31 =	sadd.s32 $0x20, s3;
	s0 =	sand.u32 $0x1FFFFF80, s0  }
0x196: {  	[dreg:$0xd] =	wrdreg s31;
	s1 =	sadd.s32 $0x20000, s30;
	s0 =	sadd.s32 s5, s0  }
0x197: {  	[tilespmem:s28], [sflag:s15] =	stream.linear.gather [hbm4b:s0+s4], $0x400, $0x38;
	[tilespmem:$0x1DA00] =	vst v63  }
0x198: {  	vm3 =	vcmask $0x704;
	[dreg:$0xe] =	wrdreg s1;
	s15 =	sadd.s32 $0x1, s15;
	s0 =	sadd.s32 $0x20, s29  }
.Ltmp3:
0x199: {  	(pc) =	sbr.rel .LBB2_4-.Ltmp3, $3  }
0x19a: {  	_ =	sdelay $0x1  }
0x19b: {  	vm13 =	vcmask $0x2724  }
0x19c: {  	vm11 =	vcmask $0x2F2C;
	vm14 =	vcmask $0x3734;
	vm15 =	vmmov vm10  }
.LBB2_8:
0x19d: {  	p0 =	sne.s32 s6, $0x7  }
0x19e: {  	s1 =	rddreg [dreg:$0x7];
	s0 =	sshll.u32 @!p0 s4, $0x5  }
0x19f: {  	s0 =	sadd.s32 @!p0 s0, s1  }
0x1a0: {  	s1 =	sand.u32 @!p0 $0xF00, s0  }
0x1a1: {  	p1 =	slt.s32 @!p0 s0, $0x1;
	p2 =	sne.s32 @!p0 s1, $0x0  }
0x1a2: {  	p1 =	por @!p0 !p1, !p2  }
0x1a3: {  	p1 =	por @!p0 !p1, !p1  }
0x1a4: {  	s1 =	simm.s32 @!p0 $0x1;
	p1 =	por !p1, p0  }
0x1a5: {  	s2 =	sshrl.u32 @!p0 s0, $0xC;
	s1 =	simm.s32 @p1 $0x0  }
0x1a6: {  	s3 =	simm.s32 @!p0 $0x19A00;
	s1 =	ssub.s32 @!p0 s2, s1  }
0x1a7: {  	s4 =	sadd.s32 $0x1, s4;
	s0 =	sshll.u32 @!p0 s0, $0x3;
	s1 =	sshll.u32 @!p0 s1, $0xF  }
0x1a8: {  	s2 =	sand.u32 @!p0 $0x1FFF8000, s1;
	s0 =	ssub.s32 @!p0 s0, s1;
	s1 =	rddreg [dreg:$0x2]  }
0x1a9: {  	p1 =	sne.s32 s4, $0x68;
	s1 =	sadd.s32 @!p0 s1, s2;
	s0 =	sshrl.u32 @!p0 s0, $0x3  }
0x1aa: {  	s2 =	simm.s32 @!p0 $0x8000;
	s0 =	sadd.s32 @!p0 s0, s1;
	s1 =	simm.s32 @!p0 $0x800  }
0x1ab: {  	[hbm4b:s0+s1] =	stream.strided.scatter @!p0 [tilespmem:s3], [sflag:$0x4], $0x4000, s2, s1, $0x38;
	[tilespmem:$0x1DA00] =	vst v63  }
.Ltmp4:
0x1ac: {  	_ = 	snop;
	(pc) =	sbr.rel @!p1 .LBB2_9-.Ltmp4, $4  }
0x1ad: {  	s0 =	simm.s32 @!p0 $0x4  }
0x1ae: {  	_ =	swait.ge @!p0 [sflag:s0], $0x4000  }
0x1af: {  	[sflag:s0] =	ssyncset.done @!p0 $0x0  }
0x1b0: {  	[sflag:s0] =	ssyncadd.s32 @!p0 $0xFFFFC000  }
.LBB2_4:
0x1b1: {  	s0 =	smul.u32 $0xAB, s4;
	_ =	sdelay $0x1  }
0x1b2: {  	s0 =	sshrl.u32 s0, $0x9  }
0x1b3: {  	s0 =	sand.u32 $0x7F, s0  }
0x1b4: {  	s0 =	smul.u32 $0x3, s0;
	_ =	sdelay $0x1  }
0x1b5: {  	s0 =	ssub.s32 s4, s0  }
0x1b6: {  	s0 =	sand.u32 $0xFF, s0  }
0x1b7: {  	s1 =	sadd.s32 $0x1, s0  }
0x1b8: {  	s2 =	sshll.u32 s4, $0x5;
	_ =	swait.ge [sflag:s1], $0x8000  }
0x1b9: {  	s31 =	sand.u32 $0x3FFFFFE0, s2;
	[sflag:s1] =	ssyncset.done $0x0  }
0x1ba: {  	[sflag:s1] =	ssyncadd.s32 $0xFFFF8000;
	s1 =	sadd.s32 $0xD00, s31  }
0x1bb: {  	v5 =	vmov s1;
	_ =	sdelay $0x2  }
0x1bc: {  	s6 =	sand.u32 $0x7, s4;
	s0 =	sshll.u32 s0, $0xF  }
0x1bd: {  	p0 =	por $0x1, $0x1;
	s15 =	simm.s32 $0x0;
	s14 =	sshll.u32 s6, $0x5;
	v4 =	vmov s0  }
.LBB2_5:
0x1be: {  	v6 =	vld.idx.msk [tilespmem:v5+s15+$0x0 ss:$0x1], $0xffff;
	_ =	sdelay $0x4  }
0x1bf: {  	v7 =	vshra.s32 v6, $0x1F  }
0x1c0: {  	v7 =	vshrl.u32 v7, $0x1D  }
0x1c1: {  	v7 =	vadd.s32 v7, v6  }
0x1c2: {  	v8 =	vmov s15;
	v7 =	vshrl.u32 v7, $0x3  }
0x1c3: {  	v8 =	vshll.u32 v8, $0xA;
	v7 =	vshll.u32 v7, $0x3  }
0x1c4: {  	v6 =	vsub.s32 v6, v7;
	v7 =	vor.u32 v3, v8  }
0x1c5: {  	v7 =	vor.u32 v4, v7;
	v6 =	vshll.u32 v6, $0x7  }
0x1c6: {  	v6 =	vadd.s32 v6, v7;
	_ =	sdelay $0x4  }
0x1c7: {  	v7 =	vld.idx.msk [tilespmem:v6+s10+$0x0], $0xffff  }
0x1c8: {  	s0 =	sor.u32 s14, s15;
	v54 =	vor.u32 $0x1, v6  }
0x1c9: {  	s1 =	sshll.u32 s0, $0x3  }
0x1ca: {  	s2 =	sand.u32 $0x70, s0;
	s3 =	sand.u32 $0x400, s1  }
0x1cb: {  	s31 =	sor.u32 s2, s3  }
0x1cc: {  	[tilespmem:s31+$0x19A00] =	vst v7  }
0x1cd: {  	v7 =	vld.idx.msk [tilespmem:v54+s10+$0x0], $0xffff  }
0x1ce: {  	v55 =	vor.u32 $0x2, v6;
	_ =	sdelay $0x3  }
0x1cf: {  	[tilespmem:s31+$0x19A80] =	vst v7  }
0x1d0: {  	v7 =	vld.idx.msk [tilespmem:v55+s10+$0x0], $0xffff  }
0x1d1: {  	v56 =	vor.u32 $0x3, v6;
	_ =	sdelay $0x3  }
0x1d2: {  	[tilespmem:s31+$0x19B00] =	vst v7  }
0x1d3: {  	v7 =	vld.idx.msk [tilespmem:v56+s10+$0x0], $0xffff  }
0x1d4: {  	v57 =	vor.u32 $0x4, v6;
	_ =	sdelay $0x3  }
0x1d5: {  	[tilespmem:s31+$0x19B80] =	vst v7  }
0x1d6: {  	v7 =	vld.idx.msk [tilespmem:v57+s10+$0x0], $0xffff  }
0x1d7: {  	v58 =	vor.u32 $0x5, v6;
	_ =	sdelay $0x3  }
0x1d8: {  	[tilespmem:s31+$0x19C00] =	vst v7  }
0x1d9: {  	v7 =	vld.idx.msk [tilespmem:v58+s10+$0x0], $0xffff  }
0x1da: {  	v59 =	vor.u32 $0x6, v6;
	_ =	sdelay $0x3  }
0x1db: {  	[tilespmem:s31+$0x19C80] =	vst v7  }
0x1dc: {  	v7 =	vld.idx.msk [tilespmem:v59+s10+$0x0], $0xffff  }
0x1dd: {  	v60 =	vor.u32 $0x7, v6;
	_ =	sdelay $0x3  }
0x1de: {  	[tilespmem:s31+$0x19D00] =	vst v7  }
0x1df: {  	v7 =	vld.idx.msk [tilespmem:v60+s10+$0x0], $0xffff  }
0x1e0: {  	v61 =	vor.u32 $0x8, v6;
	_ =	sdelay $0x1  }
0x1e1: {  	s0 =	sor.u32 s1, s0  }
0x1e2: {  	s0 =	sor.u32 $0x380, s0  }
0x1e3: {  	[tilespmem:s0+$0x19A00] =	vst v7  }
0x1e4: {  	v7 =	vld.idx.msk [tilespmem:v61+s10+$0x0], $0xffff  }
0x1e5: {  	v62 =	vor.u32 $0x9, v6;
	_ =	sdelay $0x3  }
0x1e6: {  	[tilespmem:s31+$0x1A200] =	vst v7  }
0x1e7: {  	v7 =	vld.idx.msk [tilespmem:v62+s10+$0x0], $0xffff  }
0x1e8: {  	v63 =	vor.u32 $0xA, v6;
	_ =	sdelay $0x3  }
0x1e9: {  	[tilespmem:s31+$0x1A280] =	vst v7  }
0x1ea: {  	v7 =	vld.idx.msk [tilespmem:v63+s10+$0x0], $0xffff  }
0x1eb: {  	v12 =	vor.u32 $0xB, v6;
	_ =	sdelay $0x3  }
0x1ec: {  	[tilespmem:s31+$0x1A300] =	vst v7  }
0x1ed: {  	v7 =	vld.idx.msk [tilespmem:v12+s10+$0x0], $0xffff  }
0x1ee: {  	v13 =	vor.u32 $0xC, v6;
	_ =	sdelay $0x3  }
0x1ef: {  	[tilespmem:s31+$0x1A380] =	vst v7  }
0x1f0: {  	v7 =	vld.idx.msk [tilespmem:v13+s10+$0x0], $0xffff  }
0x1f1: {  	v14 =	vor.u32 $0xD, v6;
	_ =	sdelay $0x3  }
0x1f2: {  	[tilespmem:s31+$0x1A400] =	vst v7  }
0x1f3: {  	v7 =	vld.idx.msk [tilespmem:v14+s10+$0x0], $0xffff  }
0x1f4: {  	v15 =	vor.u32 $0xE, v6;
	_ =	sdelay $0x3  }
0x1f5: {  	[tilespmem:s31+$0x1A480] =	vst v7  }
0x1f6: {  	v7 =	vld.idx.msk [tilespmem:v15+s10+$0x0], $0xffff  }
0x1f7: {  	v16 =	vor.u32 $0xF, v6;
	_ =	sdelay $0x3  }
0x1f8: {  	[tilespmem:s31+$0x1A500] =	vst v7  }
0x1f9: {  	v7 =	vld.idx.msk [tilespmem:v16+s10+$0x0], $0xffff  }
0x1fa: {  	v17 =	vor.u32 $0x10, v6;
	_ =	sdelay $0x3  }
0x1fb: {  	[tilespmem:s31+$0x1A580] =	vst v7  }
0x1fc: {  	v7 =	vld.idx.msk [tilespmem:v17+s10+$0x0], $0xffff  }
0x1fd: {  	v18 =	vor.u32 $0x11, v6;
	_ =	sdelay $0x3  }
0x1fe: {  	[tilespmem:s31+$0x1AA00] =	vst v7  }
0x1ff: {  	v7 =	vld.idx.msk [tilespmem:v18+s10+$0x0], $0xffff  }
0x200: {  	v19 =	vor.u32 $0x12, v6;
	_ =	sdelay $0x3  }
0x201: {  	[tilespmem:s31+$0x1AA80] =	vst v7  }
0x202: {  	v7 =	vld.idx.msk [tilespmem:v19+s10+$0x0], $0xffff  }
0x203: {  	v20 =	vor.u32 $0x13, v6;
	_ =	sdelay $0x3  }
0x204: {  	[tilespmem:s31+$0x1AB00] =	vst v7  }
0x205: {  	v7 =	vld.idx.msk [tilespmem:v20+s10+$0x0], $0xffff  }
0x206: {  	v21 =	vor.u32 $0x14, v6;
	_ =	sdelay $0x3  }
0x207: {  	[tilespmem:s31+$0x1AB80] =	vst v7  }
0x208: {  	v7 =	vld.idx.msk [tilespmem:v21+s10+$0x0], $0xffff  }
0x209: {  	v22 =	vor.u32 $0x15, v6;
	_ =	sdelay $0x3  }
0x20a: {  	[tilespmem:s31+$0x1AC00] =	vst v7  }
0x20b: {  	v7 =	vld.idx.msk [tilespmem:v22+s10+$0x0], $0xffff  }
0x20c: {  	v23 =	vor.u32 $0x16, v6;
	_ =	sdelay $0x3  }
0x20d: {  	[tilespmem:s31+$0x1AC80] =	vst v7  }
0x20e: {  	v7 =	vld.idx.msk [tilespmem:v23+s10+$0x0], $0xffff  }
0x20f: {  	v24 =	vor.u32 $0x17, v6;
	_ =	sdelay $0x3  }
0x210: {  	[tilespmem:s31+$0x1AD00] =	vst v7  }
0x211: {  	v7 =	vld.idx.msk [tilespmem:v24+s10+$0x0], $0xffff  }
0x212: {  	v25 =	vor.u32 $0x18, v6;
	_ =	sdelay $0x3  }
0x213: {  	[tilespmem:s31+$0x1AD80] =	vst v7  }
0x214: {  	v7 =	vld.idx.msk [tilespmem:v25+s10+$0x0], $0xffff  }
0x215: {  	v26 =	vor.u32 $0x19, v6;
	_ =	sdelay $0x3  }
0x216: {  	[tilespmem:s31+$0x1B200] =	vst v7  }
0x217: {  	v7 =	vld.idx.msk [tilespmem:v26+s10+$0x0], $0xffff  }
0x218: {  	v27 =	vor.u32 $0x1A, v6;
	_ =	sdelay $0x3  }
0x219: {  	[tilespmem:s31+$0x1B280] =	vst v7  }
0x21a: {  	v7 =	vld.idx.msk [tilespmem:v27+s10+$0x0], $0xffff  }
0x21b: {  	v28 =	vor.u32 $0x1B, v6;
	_ =	sdelay $0x3  }
0x21c: {  	[tilespmem:s31+$0x1B300] =	vst v7  }
0x21d: {  	v7 =	vld.idx.msk [tilespmem:v28+s10+$0x0], $0xffff  }
0x21e: {  	v29 =	vor.u32 $0x1C, v6;
	_ =	sdelay $0x3  }
0x21f: {  	[tilespmem:s31+$0x1B380] =	vst v7  }
0x220: {  	v7 =	vld.idx.msk [tilespmem:v29+s10+$0x0], $0xffff  }
0x221: {  	v30 =	vor.u32 $0x1D, v6;
	_ =	sdelay $0x3  }
0x222: {  	[tilespmem:s31+$0x1B400] =	vst v7  }
0x223: {  	v7 =	vld.idx.msk [tilespmem:v30+s10+$0x0], $0xffff  }
0x224: {  	v31 =	vor.u32 $0x1E, v6;
	_ =	sdelay $0x3  }
0x225: {  	[tilespmem:s31+$0x1B480] =	vst v7  }
0x226: {  	v7 =	vld.idx.msk [tilespmem:v31+s10+$0x0], $0xffff  }
0x227: {  	v32 =	vor.u32 $0x1F, v6;
	_ =	sdelay $0x3  }
0x228: {  	[tilespmem:s31+$0x1B500] =	vst v7  }
0x229: {  	v7 =	vld.idx.msk [tilespmem:v32+s10+$0x0], $0xffff  }
0x22a: {  	v33 =	vor.u32 $0x20, v6;
	_ =	sdelay $0x3  }
0x22b: {  	[tilespmem:s31+$0x1B580] =	vst v7  }
0x22c: {  	v7 =	vld.idx.msk [tilespmem:v33+s10+$0x0], $0xffff  }
0x22d: {  	v34 =	vor.u32 $0x21, v6;
	_ =	sdelay $0x3  }
0x22e: {  	[tilespmem:s31+$0x1BA00] =	vst v7  }
0x22f: {  	v7 =	vld.idx.msk [tilespmem:v34+s10+$0x0], $0xffff  }
0x230: {  	v35 =	vor.u32 $0x22, v6;
	_ =	sdelay $0x3  }
0x231: {  	[tilespmem:s31+$0x1BA80] =	vst v7  }
0x232: {  	v7 =	vld.idx.msk [tilespmem:v35+s10+$0x0], $0xffff  }
0x233: {  	v36 =	vor.u32 $0x23, v6;
	_ =	sdelay $0x3  }
0x234: {  	[tilespmem:s31+$0x1BB00] =	vst v7  }
0x235: {  	v7 =	vld.idx.msk [tilespmem:v36+s10+$0x0], $0xffff  }
0x236: {  	v37 =	vor.u32 $0x24, v6;
	_ =	sdelay $0x3  }
0x237: {  	[tilespmem:s31+$0x1BB80] =	vst v7  }
0x238: {  	v7 =	vld.idx.msk [tilespmem:v37+s10+$0x0], $0xffff  }
0x239: {  	v38 =	vor.u32 $0x25, v6;
	_ =	sdelay $0x3  }
0x23a: {  	[tilespmem:s31+$0x1BC00] =	vst v7  }
0x23b: {  	v7 =	vld.idx.msk [tilespmem:v38+s10+$0x0], $0xffff  }
0x23c: {  	v39 =	vor.u32 $0x26, v6;
	_ =	sdelay $0x3  }
0x23d: {  	[tilespmem:s31+$0x1BC80] =	vst v7  }
0x23e: {  	v7 =	vld.idx.msk [tilespmem:v39+s10+$0x0], $0xffff  }
0x23f: {  	v40 =	vor.u32 $0x27, v6;
	_ =	sdelay $0x3  }
0x240: {  	[tilespmem:s31+$0x1BD00] =	vst v7  }
0x241: {  	v7 =	vld.idx.msk [tilespmem:v40+s10+$0x0], $0xffff  }
0x242: {  	v41 =	vor.u32 $0x28, v6;
	_ =	sdelay $0x3  }
0x243: {  	[tilespmem:s31+$0x1BD80] =	vst v7  }
0x244: {  	v7 =	vld.idx.msk [tilespmem:v41+s10+$0x0], $0xffff  }
0x245: {  	v42 =	vor.u32 $0x29, v6;
	_ =	sdelay $0x3  }
0x246: {  	[tilespmem:s31+$0x1C200] =	vst v7  }
0x247: {  	v7 =	vld.idx.msk [tilespmem:v42+s10+$0x0], $0xffff  }
0x248: {  	v43 =	vor.u32 $0x2A, v6;
	_ =	sdelay $0x3  }
0x249: {  	[tilespmem:s31+$0x1C280] =	vst v7  }
0x24a: {  	v7 =	vld.idx.msk [tilespmem:v43+s10+$0x0], $0xffff  }
0x24b: {  	v44 =	vor.u32 $0x2B, v6;
	_ =	sdelay $0x3  }
0x24c: {  	[tilespmem:s31+$0x1C300] =	vst v7  }
0x24d: {  	v7 =	vld.idx.msk [tilespmem:v44+s10+$0x0], $0xffff  }
0x24e: {  	v45 =	vor.u32 $0x2C, v6;
	_ =	sdelay $0x3  }
0x24f: {  	[tilespmem:s31+$0x1C380] =	vst v7  }
0x250: {  	v7 =	vld.idx.msk [tilespmem:v45+s10+$0x0], $0xffff  }
0x251: {  	v46 =	vor.u32 $0x2D, v6;
	_ =	sdelay $0x3  }
0x252: {  	[tilespmem:s31+$0x1C400] =	vst v7  }
0x253: {  	v7 =	vld.idx.msk [tilespmem:v46+s10+$0x0], $0xffff  }
0x254: {  	v47 =	vor.u32 $0x2E, v6;
	_ =	sdelay $0x3  }
0x255: {  	[tilespmem:s31+$0x1C480] =	vst v7  }
0x256: {  	v7 =	vld.idx.msk [tilespmem:v47+s10+$0x0], $0xffff  }
0x257: {  	v48 =	vor.u32 $0x2F, v6;
	_ =	sdelay $0x3  }
0x258: {  	[tilespmem:s31+$0x1C500] =	vst v7  }
0x259: {  	v7 =	vld.idx.msk [tilespmem:v48+s10+$0x0], $0xffff  }
0x25a: {  	v49 =	vor.u32 $0x30, v6;
	_ =	sdelay $0x3  }
0x25b: {  	[tilespmem:s31+$0x1C580] =	vst v7  }
0x25c: {  	v7 =	vld.idx.msk [tilespmem:v49+s10+$0x0], $0xffff  }
0x25d: {  	v50 =	vor.u32 $0x31, v6;
	_ =	sdelay $0x3  }
0x25e: {  	[tilespmem:s31+$0x1CA00] =	vst v7  }
0x25f: {  	v7 =	vld.idx.msk [tilespmem:v50+s10+$0x0], $0xffff  }
0x260: {  	v51 =	vor.u32 $0x32, v6;
	_ =	sdelay $0x3  }
0x261: {  	[tilespmem:s31+$0x1CA80] =	vst v7  }
0x262: {  	v7 =	vld.idx.msk [tilespmem:v51+s10+$0x0], $0xffff  }
0x263: {  	v52 =	vor.u32 $0x33, v6;
	_ =	sdelay $0x3  }
0x264: {  	[tilespmem:s31+$0x1CB00] =	vst v7  }
0x265: {  	v7 =	vld.idx.msk [tilespmem:v52+s10+$0x0], $0xffff  }
0x266: {  	v53 =	vor.u32 $0x34, v6;
	_ =	sdelay $0x3  }
0x267: {  	[tilespmem:s31+$0x1CB80] =	vst v7  }
0x268: {  	v7 =	vld.idx.msk [tilespmem:v53+s10+$0x0], $0xffff  }
0x269: {  	v54 =	vor.u32 $0x35, v6;
	_ =	sdelay $0x3  }
0x26a: {  	[tilespmem:s31+$0x1CC00] =	vst v7  }
0x26b: {  	v7 =	vld.idx.msk [tilespmem:v54+s10+$0x0], $0xffff  }
0x26c: {  	v55 =	vor.u32 $0x36, v6;
	_ =	sdelay $0x3  }
0x26d: {  	[tilespmem:s31+$0x1CC80] =	vst v7  }
0x26e: {  	v7 =	vld.idx.msk [tilespmem:v55+s10+$0x0], $0xffff  }
0x26f: {  	v56 =	vor.u32 $0x37, v6;
	_ =	sdelay $0x3  }
0x270: {  	[tilespmem:s31+$0x1CD00] =	vst v7  }
0x271: {  	v7 =	vld.idx.msk [tilespmem:v56+s10+$0x0], $0xffff  }
0x272: {  	v57 =	vor.u32 $0x38, v6;
	_ =	sdelay $0x3  }
0x273: {  	[tilespmem:s31+$0x1CD80] =	vst v7  }
0x274: {  	v7 =	vld.idx.msk [tilespmem:v57+s10+$0x0], $0xffff  }
0x275: {  	v58 =	vor.u32 $0x39, v6;
	_ =	sdelay $0x3  }
0x276: {  	[tilespmem:s31+$0x1D200] =	vst v7  }
0x277: {  	v7 =	vld.idx.msk [tilespmem:v58+s10+$0x0], $0xffff  }
0x278: {  	v59 =	vor.u32 $0x3A, v6;
	_ =	sdelay $0x3  }
0x279: {  	[tilespmem:s31+$0x1D280] =	vst v7  }
0x27a: {  	v7 =	vld.idx.msk [tilespmem:v59+s10+$0x0], $0xffff  }
0x27b: {  	v60 =	vor.u32 $0x3B, v6;
	_ =	sdelay $0x3  }
0x27c: {  	[tilespmem:s31+$0x1D300] =	vst v7  }
0x27d: {  	v7 =	vld.idx.msk [tilespmem:v60+s10+$0x0], $0xffff  }
0x27e: {  	v61 =	vor.u32 $0x3C, v6;
	_ =	sdelay $0x3  }
0x27f: {  	[tilespmem:s31+$0x1D380] =	vst v7  }
0x280: {  	v7 =	vld.idx.msk [tilespmem:v61+s10+$0x0], $0xffff  }
0x281: {  	v62 =	vor.u32 $0x3D, v6;
	_ =	sdelay $0x3  }
0x282: {  	[tilespmem:s31+$0x1D400] =	vst v7  }
0x283: {  	v7 =	vld.idx.msk [tilespmem:v62+s10+$0x0], $0xffff  }
0x284: {  	v63 =	vor.u32 $0x3E, v6;
	_ =	sdelay $0x3  }
0x285: {  	[tilespmem:s31+$0x1D480] =	vst v7  }
0x286: {  	v7 =	vld.idx.msk [tilespmem:v63+s10+$0x0], $0xffff  }
0x287: {  	v6 =	vor.u32 $0x3F, v6;
	_ =	sdelay $0x3  }
0x288: {  	[tilespmem:s31+$0x1D500] =	vst v7  }
0x289: {  	p1 =	por p0, p0;
	v6 =	vld.idx.msk [tilespmem:v6+s10+$0x0], $0xffff  }
.Ltmp5:
0x28a: {  	_ = 	snop;
	(pc) =	sbr.rel @p1 .LBB2_5-.Ltmp5, $2  }
0x28b: {  	_ =	sdelay $0x2  }
0x28c: {  	s15 =	simm.s32 $0x10;
	p0 =	por $0x0, $0x0;
	[tilespmem:s31+$0x1D580] =	vst v6  }
0x28d: {  	p0 =	sgt.u32 s4, $0x64  }
.Ltmp6:
0x28e: {  	_ = 	snop;
	(pc) =	sbr.rel @p0 .LBB2_8-.Ltmp6, $1  }
0x28f: {  	_ =	sdelay $0x3  }
0x290: {  	s14 =	sadd.s32 $0x3, s4  }
0x291: {  	s0 =	rddreg [dreg:$0x4];
	s13 =	sshll.u32 s14, $0x5  }
0x292: {  	s0 =	sadd.s32 s0, s13;
	v4 =	vld [tilespmem:s13+$0x0]  }
0x293: {  	s0 =	sshrl.u32 s0, $0xC  }
0x294: {  	s0 =	smul.u32 $0xF4243, s0;
	_ =	sdelay $0x1  }
0x295: {  	s17 =	sadd.s32 $0xF4243, s0  }
0x296: {  	v4 =	vadd.s32 s17, v4  }
0x297: {  	(v2sf) =	vpush v4, $0xD;
	_ =	sdelay $0x1  }
0x298: {  	(v2sf) =	vpush v4, $0xC;
	_ =	sdelay $0x1  }
0x299: {  	(v2sf) =	vpush v4, $0xE;
	_ =	sdelay $0x1  }
0x29a: {  	(v2sf) =	vpush v4, $0xF;
	_ =	sdelay $0x1  }
0x29b: {  	(v2sf) =	vpush v4, $0x9;
	_ =	sdelay $0x1  }
0x29c: {  	(v2sf) =	vpush v4, $0x8;
	_ =	sdelay $0x1  }
0x29d: {  	(v2sf) =	vpush v4, $0xA;
	_ =	sdelay $0x1  }
0x29e: {  	(v2sf) =	vpush v4, $0xB  }
0x29f: {  	s11 =	spop (v2sf)  }
0x2a0: {  	(v2sf) =	vpush v4, $0x0;
	s1 =	smulhi.u32 $0x431BDE83, s11;
	s0 =	sshra.s32 s11, $0x1F  }
0x2a1: {  	s2 =	spop (v2sf);
	s0 =	smul.u32 $0x431BDE83, s0  }
0x2a2: {  	(v2sf) =	vpush v4, $0x1;
	s3 =	smulhi.u32 $0x431BDE83, s2;
	s2 =	sshra.s32 s2, $0x1F  }
0x2a3: {  	s12 =	spop (v2sf);
	s2 =	smul.u32 $0x431BDE83, s2  }
0x2a4: {  	[dreg:$0xa] =	wrdreg s4;
	(v2sf) =	vpush v4, $0x2;
	s5 =	smulhi.u32 $0x431BDE83, s12;
	s4 =	sshra.s32 s12, $0x1F  }
0x2a5: {  	s15 =	spop (v2sf);
	(v2sf) =	vpush v4, $0x3;
	s4 =	smul.u32 $0x431BDE83, s4  }
0x2a6: {  	[dreg:$0xb] =	wrdreg s6;
	s7 =	smulhi.u32 $0x431BDE83, s15;
	s6 =	sshra.s32 s15, $0x1F;
	(v2sf) =	vpush v4, $0x4  }
0x2a7: {  	s8 =	spop (v2sf);
	s6 =	smul.u32 $0x431BDE83, s6;
	(v2sf) =	vpush v4, $0x5  }
0x2a8: {  	s9 =	smulhi.u32 $0x431BDE83, s8;
	s8 =	sshra.s32 s8, $0x1F;
	(v2sf) =	vpush v4, $0x6  }
0x2a9: {  	s11 =	spop (v2sf);
	s8 =	smul.u32 $0x431BDE83, s8;
	(v2sf) =	vpush v4, $0x7  }
0x2aa: {  	s12 =	smulhi.u32 $0x431BDE83, s11;
	s11 =	sshra.s32 s11, $0x1F  }
0x2ab: {  	s18 =	spop (v2sf);
	s11 =	smul.u32 $0x431BDE83, s11  }
0x2ac: {  	s16 =	smulhi.u32 $0x431BDE83, s18;
	s20 =	sshra.s32 s18, $0x1F  }
0x2ad: {  	s15 =	sadd.s32 s0, s1;
	s21 =	spop (v2sf);
	s1 =	smul.u32 $0x431BDE83, s20  }
0x2ae: {  	s20 =	sadd.s32 s2, s3;
	s2 =	smulhi.u32 $0x431BDE83, s21;
	s22 =	sshra.s32 s21, $0x1F  }
0x2af: {  	s26 =	sshrl.u32 s15, $0x1F;
	s3 =	smul.u32 $0x431BDE83, s22;
	s23 =	spop (v2sf)  }
0x2b0: {  	s19 =	sadd.s32 s4, s5;
	s4 =	smulhi.u32 $0x431BDE83, s23;
	s24 =	sshra.s32 s23, $0x1F  }
0x2b1: {  	s18 =	sadd.s32 s6, s7;
	s25 =	spop (v2sf);
	s5 =	smul.u32 $0x431BDE83, s24  }
0x2b2: {  	s21 =	sadd.s32 s8, s9;
	s29 =	smulhi.u32 $0x431BDE83, s25;
	s6 =	sshra.s32 s25, $0x1F  }
0x2b3: {  	s22 =	sadd.s32 s1, s16;
	s30 =	spop (v2sf);
	s6 =	smul.u32 $0x431BDE83, s6  }
0x2b4: {  	s9 =	smulhi.u32 $0x431BDE83, s30;
	s8 =	sshra.s32 s30, $0x1F;
	s31 =	spop (v2sf)  }
0x2b5: {  	s24 =	sadd.s32 s11, s12;
	s0 =	smul.u32 $0x431BDE83, s8;
	s8 =	spop (v2sf)  }
0x2b6: {  	s12 =	smulhi.u32 $0x431BDE83, s31;
	s11 =	sshra.s32 s31, $0x1F;
	s16 =	spop (v2sf)  }
0x2b7: {  	s23 =	sadd.s32 s3, s2;
	s25 =	smul.u32 $0x431BDE83, s11;
	s3 =	spop (v2sf)  }
0x2b8: {  	s4 =	sadd.s32 s5, s4;
	s5 =	smulhi.u32 $0x431BDE83, s8;
	s30 =	spop (v2sf)  }
0x2b9: {  	s28 =	sshrl.u32 s20, $0x1F;
	s31 =	smulhi.u32 $0x431BDE83, s30;
	s11 =	sshra.s32 s30, $0x1F  }
0x2ba: {  	v6 =	vmov s28;
	s28 =	sshrl.u32 s22, $0x1F;
	s6 =	sadd.s32 s6, s29;
	s11 =	smul.u32 $0x431BDE83, s11  }
0x2bb: {  	s29 =	sshrl.u32 s19, $0x1F;
	s1 =	sshra.s32 s8, $0x1F;
	s0 =	sadd.s32 s0, s9  }
0x2bc: {  	s1 =	smul.u32 $0x431BDE83, s1;
	s2 =	sadd.s32 s25, s12;
	s25 =	sadd.s32 s11, s31  }
0x2bd: {  	vm10 =	vmmov vm13;
	s9 =	sshrl.u32 s4, $0x1F;
	s8 =	smulhi.u32 $0x431BDE83, s16;
	s31 =	sshra.s32 s25, $0x1F  }
0x2be: {  	vm13 =	vmmov vm11;
	vm11 =	vcmask $0xF0C;
	s7 =	sshra.s32 s16, $0x1F;
	s16 =	sshra.s32 s4, $0x12;
	s4 =	sshra.s32 s4, $0x1F;
	v5 =	vmov s31  }
0x2bf: {  	v6 =	vsel vm0, s26, v6;
	s26 =	sshra.s32 s6, $0x12;
	s12 =	sshrl.u32 s18, $0x1F;
	v7 =	vmov s9;
	s9 =	sshrl.u32 s0, $0x1F;
	v5 =	vsel vm4, s16, v5  }
0x2c0: {  	vm9 =	vcmask $0x1714;
	v6 =	vsel vm1, s29, v6;
	s29 =	sshra.s32 s0, $0x12;
	s30 =	sshrl.u32 s21, $0x1F;
	s11 =	sshrl.u32 s24, $0x1F;
	v5 =	vsel vm3, s4, v5  }
0x2c1: {  	v7 =	vnsel vm4, $0x0, v7;
	s1 =	sadd.s32 s1, s5;
	v8 =	vmov s11;
	s16 =	sshrl.u32 s6, $0x1F;
	s6 =	sshra.s32 s6, $0x1F;
	v5 =	vsel vm0, s26, v5  }
0x2c2: {  	s0 =	sshra.s32 s0, $0x1F;
	v6 =	vsel vm2, s12, v6;
	s12 =	sshra.s32 s2, $0x1F;
	s5 =	sshrl.u32 s1, $0x1F;
	v8 =	vsel vm0, s30, v8;
	v5 =	vsel vm11, s6, v5  }
0x2c3: {  	s31 =	sshrl.u32 s23, $0x1F;
	s30 =	sshra.s32 s1, $0x1F;
	v8 =	vsel vm1, s28, v8;
	s4 =	smul.u32 $0x431BDE83, s7;
	v7 =	vsel vm0, s16, v7;
	v5 =	vsel vm1, s29, v5  }
0x2c4: {  	s28 =	sshra.s32 s20, $0x12;
	s16 =	smulhi.u32 $0x431BDE83, s3;
	v8 =	vsel vm2, s31, v8;
	v7 =	vsel vm1, s9, v7;
	s9 =	sshra.s32 s2, $0x12;
	v5 =	vsel vm9, s0, v5  }
0x2c5: {  	s3 =	sshra.s32 s3, $0x1F;
	s31 =	sshra.s32 s15, $0x12;
	v58 =	vmov s28;
	s26 =	sshrl.u32 s2, $0x1F;
	vm9 =	vcmask $0x1F1C;
	v5 =	vsel vm2, s9, v5  }
0x2c6: {  	s3 =	smul.u32 $0x431BDE83, s3;
	v6 =	vcombine.low v8, v6;
	v7 =	vsel vm2, s26, v7;
	s4 =	sadd.s32 s4, s8;
	s26 =	sshra.s32 s1, $0x12;
	v5 =	vsel vm9, s12, v5  }
0x2c7: {  	v8 =	vsel vm0, s31, v58;
	s6 =	sshra.s32 s21, $0x12;
	s8 =	sshra.s32 s19, $0x12;
	v7 =	vsel vm5, s5, v7;
	s29 =	sshra.s32 s24, $0x12;
	v5 =	vsel vm5, s26, v5  }
0x2c8: {  	s11 =	sshrl.u32 s4, $0x1F;
	s3 =	sadd.s32 s3, s16;
	s7 =	sshra.s32 s4, $0x12;
	v8 =	vsel vm1, s8, v8;
	v9 =	vmov s29;
	v5 =	vsel vm10, s30, v5  }
0x2c9: {  	v7 =	vsel vm6, s11, v7;
	s16 =	sshrl.u32 s3, $0x1F;
	s11 =	sshra.s32 s4, $0x1F;
	v9 =	vsel vm0, s6, v9;
	s9 =	sshra.s32 s22, $0x12;
	v5 =	vsel vm6, s7, v5  }
0x2ca: {  	s15 =	sshra.s32 s23, $0x12;
	v7 =	vsel vm7, s16, v7;
	s16 =	sshra.s32 s3, $0x12;
	s12 =	sshra.s32 s18, $0x12;
	v9 =	vsel vm1, s9, v9;
	v5 =	vsel vm13, s11, v5  }
0x2cb: {  	s19 =	sshra.s32 s3, $0x1F;
	s18 =	sshrl.u32 s25, $0x1F;
	v8 =	vsel vm2, s12, v8;
	v9 =	vsel vm2, s15, v9;
	v5 =	vsel vm7, s16, v5  }
0x2cc: {  	s20 =	sshra.s32 s25, $0x12;
	v7 =	vsel vm8, s18, v7;
	v8 =	vcombine.low v9, v8;
	v5 =	vsel vm14, s19, v5  }
0x2cd: {  	v6 =	vperm.xlane v6, v1;
	v7 =	vperm.xlane v7, v2;
	v5 =	vsel vm8, s20, v5  }
0x2ce: {  	v8 =	vperm.xlane v8, v1;
	v5 =	vperm.xlane v5, v2;
	_ =	sdelay $0x1  }
0x2cf: {  	v6 =	vsel vm15, v7, v6;
	v5 =	vsel vm15, v5, v8  }
0x2d0: {  	v5 =	vadd.s32 v6, v5  }
0x2d1: {  	v5 =	vmul.u32 $0xF4240, v5;
	_ =	sdelay $0x1  }
0x2d2: {  	v4 =	vsub.s32 v4, v5  }
0x2d3: {  	vm9 =	vlt.s32 v4, $0x0;
	v5 =	vadd.s32 $0xF4240, v4  }
0x2d4: {  	v4 =	vsel vm9, v5, v4  }
0x2d5: {  	(v2sf) =	vpush v4, $0x0;
	_ =	sdelay $0x5  }
0x2d6: {  	(v2sf) =	vpush v4, $0x1;
	_ =	sdelay $0x2  }
0x2d7: {  	s21 =	smul.u32 $0xAB, s14;
	_ =	sdelay $0x1  }
0x2d8: {  	s0 =	sshrl.u32 s21, $0x9  }
0x2d9: {  	s0 =	sand.u32 $0x7F, s0  }
0x2da: {  	s0 =	smul.u32 $0x3, s0;
	(v2sf) =	vpush v4, $0x2;
	_ =	sdelay $0x1  }
0x2db: {  	s28 =	rddreg [dreg:$0x5];
	s0 =	ssub.s32 s14, s0;
	s22 =	spop (v2sf)  }
0x2dc: {  	s2 =	simm.s32 $0x1;
	s0 =	sand.u32 $0xFF, s0;
	s23 =	sand.u32 $0x7, s22  }
0x2dd: {  	s24 =	sshra.s32 s22, $0x1F;
	p0 =	slt.s32 s22, $0x1;
	p1 =	sne.s32 s23, $0x0  }
0x2de: {  	s14 =	sshll.u32 s0, $0xF;
	s25 =	sshrl.u32 s24, $0x1D;
	p0 =	por !p0, !p1  }
0x2df: {  	s15 =	sadd.s32 $0x1, s0;
	s1 =	sadd.s32 s25, s22;
	p0 =	por !p0, !p0  }
0x2e0: {  	s26 =	sor.u32 $0x1A00, s14;
	(v2sf) =	vpush v4, $0x3;
	s1 =	sshrl.u32 s1, $0x3;
	s2 =	simm.s32 @!p0 $0x0  }
0x2e1: {  	s16 =	simm.s32 $0x0;
	s29 =	spop (v2sf);
	s1 =	ssub.s32 s1, s2  }
0x2e2: {  	s30 =	sand.u32 $0x7, s29;
	s31 =	sshra.s32 s29, $0x1F;
	s1 =	sshll.u32 s1, $0x7  }
0x2e3: {  	p5 =	slt.s32 s29, $0x1;
	p6 =	sne.s32 s30, $0x0;
	s1 =	sand.u32 $0x1FFFFF80, s1  }
0x2e4: {  	[tilespmem:s13+$0xD00] =	vst v4;
	s3 =	sshrl.u32 s31, $0x1D;
	p0 =	por !p5, !p6;
	s1 =	sadd.s32 s28, s1  }
0x2e5: {  	[tilespmem:s26], [sflag:s15] =	stream.linear.gather [hbm4b:s1+s16], $0x400, $0x38;
	[tilespmem:$0x1DA00] =	vst v63  }
0x2e6: {  	s0 =	sadd.s32 s3, s29;
	p0 =	por !p0, !p0;
	s1 =	simm.s32 $0x1  }
0x2e7: {  	s5 =	rddreg [dreg:$0x5];
	(v2sf) =	vpush v4, $0x4;
	s0 =	sshrl.u32 s0, $0x3;
	s1 =	simm.s32 @!p0 $0x0  }
0x2e8: {  	s4 =	sor.u32 $0x1E00, s14;
	s6 =	spop (v2sf);
	s0 =	ssub.s32 s0, s1  }
0x2e9: {  	s7 =	sand.u32 $0x7, s6;
	s8 =	sshra.s32 s6, $0x1F;
	s0 =	sshll.u32 s0, $0x7  }
0x2ea: {  	p1 =	slt.s32 s6, $0x1;
	p2 =	sne.s32 s7, $0x0;
	s0 =	sand.u32 $0x1FFFFF80, s0  }
0x2eb: {  	s9 =	sshrl.u32 s8, $0x1D;
	p0 =	por !p1, !p2;
	s0 =	sadd.s32 s5, s0  }
0x2ec: {  	[tilespmem:s4], [sflag:s15] =	stream.linear.gather [hbm4b:s0+s16], $0x400, $0x38;
	[tilespmem:$0x1DA00] =	vst v63  }
0x2ed: {  	p0 =	por !p0, !p0;
	s1 =	simm.s32 $0x1;
	s0 =	sadd.s32 s9, s6  }
0x2ee: {  	s12 =	rddreg [dreg:$0x5];
	(v2sf) =	vpush v4, $0x5;
	s1 =	simm.s32 @!p0 $0x0;
	s0 =	sshrl.u32 s0, $0x3  }
0x2ef: {  	s11 =	sor.u32 $0x2200, s14;
	s18 =	spop (v2sf);
	s0 =	ssub.s32 s0, s1  }
0x2f0: {  	s19 =	sand.u32 $0x7, s18;
	s20 =	sshra.s32 s18, $0x1F;
	s0 =	sshll.u32 s0, $0x7  }
0x2f1: {  	p3 =	slt.s32 s18, $0x1;
	p4 =	sne.s32 s19, $0x0;
	s0 =	sand.u32 $0x1FFFFF80, s0  }
0x2f2: {  	s21 =	sshrl.u32 s20, $0x1D;
	p0 =	por !p3, !p4;
	s0 =	sadd.s32 s12, s0  }
0x2f3: {  	[tilespmem:s11], [sflag:s15] =	stream.linear.gather [hbm4b:s0+s16], $0x400, $0x38;
	[tilespmem:$0x1DA00] =	vst v63  }
0x2f4: {  	(v2sf) =	vpush v4, $0x6;
	p0 =	por !p0, !p0;
	s1 =	simm.s32 $0x1;
	s0 =	sadd.s32 s21, s18  }
0x2f5: {  	s23 =	rddreg [dreg:$0x5];
	s1 =	simm.s32 @!p0 $0x0;
	s0 =	sshrl.u32 s0, $0x3  }
0x2f6: {  	s22 =	sor.u32 $0x2600, s14;
	s24 =	spop (v2sf);
	s0 =	ssub.s32 s0, s1  }
0x2f7: {  	s25 =	sand.u32 $0x7, s24;
	p5 =	slt.s32 s24, $0x1;
	s0 =	sshll.u32 s0, $0x7  }
0x2f8: {  	p6 =	sne.s32 s25, $0x0;
	s26 =	sshra.s32 s24, $0x1F;
	s0 =	sand.u32 $0x1FFFFF80, s0  }
0x2f9: {  	s28 =	sshrl.u32 s26, $0x1D;
	p0 =	por !p5, !p6;
	s0 =	sadd.s32 s23, s0  }
0x2fa: {  	[tilespmem:s22], [sflag:s15] =	stream.linear.gather [hbm4b:s0+s16], $0x400, $0x38;
	[tilespmem:$0x1DA00] =	vst v63  }
0x2fb: {  	(v2sf) =	vpush v4, $0x7;
	p0 =	por !p0, !p0;
	s1 =	simm.s32 $0x1;
	s0 =	sadd.s32 s28, s24  }
0x2fc: {  	s30 =	rddreg [dreg:$0x5];
	s1 =	simm.s32 @!p0 $0x0;
	s0 =	sshrl.u32 s0, $0x3  }
0x2fd: {  	s29 =	sor.u32 $0x2A00, s14;
	s31 =	spop (v2sf);
	s0 =	ssub.s32 s0, s1  }
0x2fe: {  	s3 =	sand.u32 $0x7, s31;
	p1 =	slt.s32 s31, $0x1;
	s0 =	sshll.u32 s0, $0x7  }
0x2ff: {  	p2 =	sne.s32 s3, $0x0;
	s4 =	sshra.s32 s31, $0x1F;
	s0 =	sand.u32 $0x1FFFFF80, s0  }
0x300: {  	s5 =	sshrl.u32 s4, $0x1D;
	p0 =	por !p1, !p2;
	s0 =	sadd.s32 s30, s0  }
0x301: {  	[tilespmem:s29], [sflag:s15] =	stream.linear.gather [hbm4b:s0+s16], $0x400, $0x38;
	[tilespmem:$0x1DA00] =	vst v63  }
0x302: {  	(v2sf) =	vpush v4, $0x8;
	p0 =	por !p0, !p0;
	s1 =	simm.s32 $0x1;
	s0 =	sadd.s32 s5, s31  }
0x303: {  	s8 =	spop (v2sf);
	s1 =	simm.s32 @!p0 $0x0;
	s0 =	sshrl.u32 s0, $0x3  }
0x304: {  	s7 =	rddreg [dreg:$0x5];
	p3 =	slt.s32 s8, $0x1;
	s0 =	ssub.s32 s0, s1  }
0x305: {  	s6 =	sor.u32 $0x2E00, s14;
	s9 =	sand.u32 $0x7, s8;
	s0 =	sshll.u32 s0, $0x7  }
0x306: {  	p4 =	sne.s32 s9, $0x0;
	s11 =	sshra.s32 s8, $0x1F;
	s0 =	sand.u32 $0x1FFFFF80, s0  }
0x307: {  	s12 =	sshrl.u32 s11, $0x1D;
	p0 =	por !p3, !p4;
	s0 =	sadd.s32 s7, s0  }
0x308: {  	[tilespmem:s6], [sflag:s15] =	stream.linear.gather [hbm4b:s0+s16], $0x400, $0x38;
	[tilespmem:$0x1DA00] =	vst v63  }
0x309: {  	(v2sf) =	vpush v4, $0x9;
	p0 =	por !p0, !p0;
	s1 =	simm.s32 $0x1;
	s0 =	sadd.s32 s12, s8  }
0x30a: {  	s20 =	spop (v2sf);
	s1 =	simm.s32 @!p0 $0x0;
	s0 =	sshrl.u32 s0, $0x3  }
0x30b: {  	s19 =	rddreg [dreg:$0x5];
	p5 =	slt.s32 s20, $0x1;
	s0 =	ssub.s32 s0, s1  }
0x30c: {  	s18 =	sor.u32 $0x3200, s14;
	s21 =	sand.u32 $0x7, s20;
	s0 =	sshll.u32 s0, $0x7  }
0x30d: {  	p6 =	sne.s32 s21, $0x0;
	s22 =	sshra.s32 s20, $0x1F;
	s0 =	sand.u32 $0x1FFFFF80, s0  }
0x30e: {  	s23 =	sshrl.u32 s22, $0x1D;
	p0 =	por !p5, !p6;
	s0 =	sadd.s32 s19, s0  }
0x30f: {  	[tilespmem:s18], [sflag:s15] =	stream.linear.gather [hbm4b:s0+s16], $0x400, $0x38;
	[tilespmem:$0x1DA00] =	vst v63  }
0x310: {  	(v2sf) =	vpush v4, $0xA;
	p0 =	por !p0, !p0;
	s1 =	simm.s32 $0x1;
	s0 =	sadd.s32 s23, s20  }
0x311: {  	s26 =	spop (v2sf);
	s1 =	simm.s32 @!p0 $0x0;
	s0 =	sshrl.u32 s0, $0x3  }
0x312: {  	s25 =	rddreg [dreg:$0x5];
	p1 =	slt.s32 s26, $0x1;
	s0 =	ssub.s32 s0, s1  }
0x313: {  	s24 =	sor.u32 $0x3600, s14;
	s28 =	sand.u32 $0x7, s26;
	s0 =	sshll.u32 s0, $0x7  }
0x314: {  	p2 =	sne.s32 s28, $0x0;
	s29 =	sshra.s32 s26, $0x1F;
	s0 =	sand.u32 $0x1FFFFF80, s0  }
0x315: {  	s30 =	sshrl.u32 s29, $0x1D;
	p0 =	por !p1, !p2;
	s0 =	sadd.s32 s25, s0  }
0x316: {  	[tilespmem:s24], [sflag:s15] =	stream.linear.gather [hbm4b:s0+s16], $0x400, $0x38;
	[tilespmem:$0x1DA00] =	vst v63  }
0x317: {  	(v2sf) =	vpush v4, $0xB;
	p0 =	por !p0, !p0;
	s1 =	simm.s32 $0x1;
	s0 =	sadd.s32 s30, s26  }
0x318: {  	s4 =	spop (v2sf);
	s1 =	simm.s32 @!p0 $0x0;
	s0 =	sshrl.u32 s0, $0x3  }
0x319: {  	s3 =	rddreg [dreg:$0x5];
	p3 =	slt.s32 s4, $0x1;
	s0 =	ssub.s32 s0, s1  }
0x31a: {  	s31 =	sor.u32 $0x3A00, s14;
	s5 =	sand.u32 $0x7, s4;
	s0 =	sshll.u32 s0, $0x7  }
0x31b: {  	p4 =	sne.s32 s5, $0x0;
	s6 =	sshra.s32 s4, $0x1F;
	s0 =	sand.u32 $0x1FFFFF80, s0  }
0x31c: {  	s7 =	sshrl.u32 s6, $0x1D;
	p0 =	por !p3, !p4;
	s0 =	sadd.s32 s3, s0  }
0x31d: {  	[tilespmem:s31], [sflag:s15] =	stream.linear.gather [hbm4b:s0+s16], $0x400, $0x38;
	[tilespmem:$0x1DA00] =	vst v63  }
0x31e: {  	(v2sf) =	vpush v4, $0xC;
	p0 =	por !p0, !p0;
	s1 =	simm.s32 $0x1;
	s0 =	sadd.s32 s7, s4  }
0x31f: {  	s11 =	spop (v2sf);
	s1 =	simm.s32 @!p0 $0x0;
	s0 =	sshrl.u32 s0, $0x3  }
0x320: {  	s9 =	rddreg [dreg:$0x5];
	p5 =	slt.s32 s11, $0x1;
	s0 =	ssub.s32 s0, s1  }
0x321: {  	s8 =	sor.u32 $0x3E00, s14;
	s12 =	sand.u32 $0x7, s11;
	s0 =	sshll.u32 s0, $0x7  }
0x322: {  	p6 =	sne.s32 s12, $0x0;
	s18 =	sshra.s32 s11, $0x1F;
	s0 =	sand.u32 $0x1FFFFF80, s0  }
0x323: {  	s19 =	sshrl.u32 s18, $0x1D;
	p0 =	por !p5, !p6;
	s0 =	sadd.s32 s9, s0  }
0x324: {  	[tilespmem:s8], [sflag:s15] =	stream.linear.gather [hbm4b:s0+s16], $0x400, $0x38;
	[tilespmem:$0x1DA00] =	vst v63  }
0x325: {  	(v2sf) =	vpush v4, $0xD;
	p0 =	por !p0, !p0;
	s1 =	simm.s32 $0x1;
	s0 =	sadd.s32 s19, s11  }
0x326: {  	s22 =	spop (v2sf);
	s1 =	simm.s32 @!p0 $0x0;
	s0 =	sshrl.u32 s0, $0x3  }
0x327: {  	s21 =	rddreg [dreg:$0x5];
	p1 =	slt.s32 s22, $0x1;
	s0 =	ssub.s32 s0, s1  }
0x328: {  	s20 =	sor.u32 $0x4200, s14;
	s23 =	sand.u32 $0x7, s22;
	s0 =	sshll.u32 s0, $0x7  }
0x329: {  	p2 =	sne.s32 s23, $0x0;
	s24 =	sshra.s32 s22, $0x1F;
	s0 =	sand.u32 $0x1FFFFF80, s0  }
0x32a: {  	s25 =	sshrl.u32 s24, $0x1D;
	p0 =	por !p1, !p2;
	s0 =	sadd.s32 s21, s0  }
0x32b: {  	[tilespmem:s20], [sflag:s15] =	stream.linear.gather [hbm4b:s0+s16], $0x400, $0x38;
	[tilespmem:$0x1DA00] =	vst v63  }
0x32c: {  	(v2sf) =	vpush v4, $0xE;
	p0 =	por !p0, !p0;
	s1 =	simm.s32 $0x1;
	s0 =	sadd.s32 s25, s22  }
0x32d: {  	s29 =	spop (v2sf);
	s1 =	simm.s32 @!p0 $0x0;
	s0 =	sshrl.u32 s0, $0x3  }
0x32e: {  	s28 =	rddreg [dreg:$0x5];
	p3 =	slt.s32 s29, $0x1;
	s0 =	ssub.s32 s0, s1  }
0x32f: {  	s26 =	sor.u32 $0x4600, s14;
	s30 =	sand.u32 $0x7, s29;
	s0 =	sshll.u32 s0, $0x7  }
0x330: {  	p4 =	sne.s32 s30, $0x0;
	s31 =	sshra.s32 s29, $0x1F;
	s0 =	sand.u32 $0x1FFFFF80, s0  }
0x331: {  	s2 =	sshrl.u32 s31, $0x1D;
	p0 =	por !p3, !p4;
	s0 =	sadd.s32 s28, s0  }
0x332: {  	[tilespmem:s26], [sflag:s15] =	stream.linear.gather [hbm4b:s0+s16], $0x400, $0x38;
	[tilespmem:$0x1DA00] =	vst v63  }
0x333: {  	(v2sf) =	vpush v4, $0xF;
	p0 =	por !p0, !p0;
	s1 =	simm.s32 $0x1;
	s0 =	sadd.s32 s2, s29  }
0x334: {  	s5 =	spop (v2sf);
	s1 =	simm.s32 @!p0 $0x0;
	s0 =	sshrl.u32 s0, $0x3  }
0x335: {  	s6 =	sand.u32 $0x7, s5;
	p5 =	slt.s32 s5, $0x1;
	s0 =	ssub.s32 s0, s1  }
0x336: {  	p6 =	sne.s32 s6, $0x0;
	s3 =	sor.u32 $0x4A00, s14;
	s0 =	sshll.u32 s0, $0x7  }
0x337: {  	s4 =	rddreg [dreg:$0x5];
	s7 =	sshra.s32 s5, $0x1F;
	s0 =	sand.u32 $0x1FFFFF80, s0  }
0x338: {  	s8 =	sshrl.u32 s7, $0x1D;
	p0 =	por !p5, !p6;
	s0 =	sadd.s32 s4, s0  }
0x339: {  	[tilespmem:s3], [sflag:s15] =	stream.linear.gather [hbm4b:s0+s16], $0x400, $0x38;
	[tilespmem:$0x1DA00] =	vst v63  }
0x33a: {  	p0 =	por !p0, !p0;
	s1 =	simm.s32 $0x1;
	s0 =	sadd.s32 s8, s5  }
0x33b: {  	s12 =	spop (v2sf);
	s1 =	simm.s32 @!p0 $0x0;
	s0 =	sshrl.u32 s0, $0x3  }
0x33c: {  	s18 =	sand.u32 $0x7, s12;
	p1 =	slt.s32 s12, $0x1;
	s0 =	ssub.s32 s0, s1  }
0x33d: {  	p2 =	sne.s32 s18, $0x0;
	s9 =	sor.u32 $0x4E00, s14;
	s0 =	sshll.u32 s0, $0x7  }
0x33e: {  	s11 =	rddreg [dreg:$0x5];
	s19 =	sshra.s32 s12, $0x1F;
	s0 =	sand.u32 $0x1FFFFF80, s0  }
0x33f: {  	s20 =	sshrl.u32 s19, $0x1D;
	p0 =	por !p1, !p2;
	s0 =	sadd.s32 s11, s0  }
0x340: {  	[tilespmem:s9], [sflag:s15] =	stream.linear.gather [hbm4b:s0+s16], $0x400, $0x38;
	[tilespmem:$0x1DA00] =	vst v63  }
0x341: {  	p0 =	por !p0, !p0;
	s1 =	simm.s32 $0x1;
	s0 =	sadd.s32 s20, s12  }
0x342: {  	s23 =	spop (v2sf);
	s1 =	simm.s32 @!p0 $0x0;
	s0 =	sshrl.u32 s0, $0x3  }
0x343: {  	s24 =	sand.u32 $0x7, s23;
	p3 =	slt.s32 s23, $0x1;
	s0 =	ssub.s32 s0, s1  }
0x344: {  	p4 =	sne.s32 s24, $0x0;
	s21 =	sor.u32 $0x5200, s14;
	s0 =	sshll.u32 s0, $0x7  }
0x345: {  	s22 =	rddreg [dreg:$0x5];
	s25 =	sshra.s32 s23, $0x1F;
	s0 =	sand.u32 $0x1FFFFF80, s0  }
0x346: {  	s26 =	sshrl.u32 s25, $0x1D;
	p0 =	por !p3, !p4;
	s0 =	sadd.s32 s22, s0  }
0x347: {  	[tilespmem:s21], [sflag:s15] =	stream.linear.gather [hbm4b:s0+s16], $0x400, $0x38;
	[tilespmem:$0x1DA00] =	vst v63  }
0x348: {  	p0 =	por !p0, !p0;
	s1 =	simm.s32 $0x1;
	s0 =	sadd.s32 s26, s23  }
0x349: {  	s1 =	simm.s32 @!p0 $0x0;
	s0 =	sshrl.u32 s0, $0x3  }
0x34a: {  	s0 =	ssub.s32 s0, s1  }
0x34b: {  	s0 =	sshll.u32 s0, $0x7  }
0x34c: {  	s29 =	rddreg [dreg:$0x5];
	s0 =	sand.u32 $0x1FFFFF80, s0  }
0x34d: {  	s28 =	sor.u32 $0x5600, s14;
	s0 =	sadd.s32 s29, s0  }
0x34e: {  	[tilespmem:s28], [sflag:s15] =	stream.linear.gather [hbm4b:s0+s16], $0x400, $0x38;
	[tilespmem:$0x1DA00] =	vst v63  }
0x34f: {  	v4 =	vld [tilespmem:s13+$0x10];
	_ =	sdelay $0x4  }
0x350: {  	v4 =	vadd.s32 s17, v4  }
0x351: {  	(v2sf) =	vpush v4, $0xD;
	_ =	sdelay $0x1  }
0x352: {  	(v2sf) =	vpush v4, $0xC;
	_ =	sdelay $0x1  }
0x353: {  	(v2sf) =	vpush v4, $0xE;
	_ =	sdelay $0x1  }
0x354: {  	(v2sf) =	vpush v4, $0xF;
	_ =	sdelay $0x1  }
0x355: {  	(v2sf) =	vpush v4, $0x9;
	_ =	sdelay $0x1  }
0x356: {  	(v2sf) =	vpush v4, $0x8;
	_ =	sdelay $0x1  }
0x357: {  	(v2sf) =	vpush v4, $0xA;
	_ =	sdelay $0x1  }
0x358: {  	(v2sf) =	vpush v4, $0xB  }
0x359: {  	(v2sf) =	vpush v4, $0x0;
	s30 =	spop (v2sf)  }
0x35a: {  	s31 =	smulhi.u32 $0x431BDE83, s30;
	s0 =	sshra.s32 s30, $0x1F  }
0x35b: {  	(v2sf) =	vpush v4, $0x1;
	s9 =	spop (v2sf);
	s0 =	smul.u32 $0x431BDE83, s0  }
0x35c: {  	(v2sf) =	vpush v4, $0x2;
	s3 =	smulhi.u32 $0x431BDE83, s9;
	s2 =	sshra.s32 s9, $0x1F  }
0x35d: {  	s11 =	spop (v2sf);
	s2 =	smul.u32 $0x431BDE83, s2  }
0x35e: {  	s5 =	smulhi.u32 $0x431BDE83, s11;
	s4 =	sshra.s32 s11, $0x1F  }
0x35f: {  	(v2sf) =	vpush v4, $0x3;
	s12 =	spop (v2sf);
	s4 =	smul.u32 $0x431BDE83, s4  }
0x360: {  	[dreg:$0xf] =	wrdreg s13;
	(v2sf) =	vpush v4, $0x4;
	s7 =	smulhi.u32 $0x431BDE83, s12;
	s6 =	sshra.s32 s12, $0x1F  }
0x361: {  	(v2sf) =	vpush v4, $0x5;
	s13 =	spop (v2sf);
	s6 =	smul.u32 $0x431BDE83, s6  }
0x362: {  	(v2sf) =	vpush v4, $0x6;
	s9 =	smulhi.u32 $0x431BDE83, s13;
	s8 =	sshra.s32 s13, $0x1F  }
0x363: {  	(v2sf) =	vpush v4, $0x7;
	s17 =	spop (v2sf);
	s8 =	smul.u32 $0x431BDE83, s8  }
0x364: {  	s20 =	smulhi.u32 $0x431BDE83, s17;
	s11 =	sshra.s32 s17, $0x1F  }
0x365: {  	s18 =	spop (v2sf);
	s11 =	smul.u32 $0x431BDE83, s11  }
0x366: {  	s23 =	smulhi.u32 $0x431BDE83, s18;
	s12 =	sshra.s32 s18, $0x1F  }
0x367: {  	s19 =	spop (v2sf);
	s18 =	sadd.s32 s0, s31;
	s12 =	smul.u32 $0x431BDE83, s12  }
0x368: {  	s22 =	spop (v2sf);
	s28 =	smulhi.u32 $0x431BDE83, s19;
	s17 =	sshra.s32 s19, $0x1F  }
0x369: {  	s13 =	sshrl.u32 s18, $0x1F;
	s19 =	sadd.s32 s4, s5;
	s30 =	smul.u32 $0x431BDE83, s17  }
0x36a: {  	s21 =	spop (v2sf);
	s0 =	smulhi.u32 $0x431BDE83, s22;
	s25 =	sshra.s32 s22, $0x1F  }
0x36b: {  	s22 =	sadd.s32 s2, s3;
	s24 =	spop (v2sf);
	s1 =	smul.u32 $0x431BDE83, s25  }
0x36c: {  	s2 =	smulhi.u32 $0x431BDE83, s21;
	s17 =	sshra.s32 s21, $0x1F;
	s4 =	sshrl.u32 s22, $0x1F  }
0x36d: {  	s25 =	sadd.s32 s11, s20;
	s22 =	sshra.s32 s22, $0x12;
	s3 =	smul.u32 $0x431BDE83, s17  }
0x36e: {  	s26 =	spop (v2sf);
	s17 =	sadd.s32 s6, s7;
	s5 =	smulhi.u32 $0x431BDE83, s24  }
0x36f: {  	s21 =	sshra.s32 s24, $0x1F;
	s24 =	sadd.s32 s8, s9;
	s29 =	spop (v2sf)  }
0x370: {  	s20 =	sadd.s32 s30, s28;
	s6 =	smul.u32 $0x431BDE83, s21;
	s31 =	spop (v2sf)  }
0x371: {  	s7 =	smulhi.u32 $0x431BDE83, s26;
	s26 =	sshra.s32 s26, $0x1F;
	s9 =	spop (v2sf)  }
0x372: {  	s21 =	sadd.s32 s12, s23;
	s8 =	smul.u32 $0x431BDE83, s26;
	s28 =	spop (v2sf)  }
0x373: {  	s0 =	sadd.s32 s1, s0;
	s30 =	smulhi.u32 $0x431BDE83, s28;
	s11 =	sshra.s32 s28, $0x1F  }
0x374: {  	v59 =	vmov s4;
	s12 =	sshrl.u32 s19, $0x1F;
	s4 =	sshrl.u32 s20, $0x1F;
	s11 =	smul.u32 $0x431BDE83, s11  }
0x375: {  	s2 =	sadd.s32 s3, s2;
	s3 =	sshrl.u32 s25, $0x1F;
	s25 =	sshra.s32 s25, $0x12  }
0x376: {  	s5 =	sadd.s32 s6, s5;
	s6 =	sshrl.u32 s17, $0x1F;
	s23 =	sadd.s32 s11, s30  }
0x377: {  	s7 =	sadd.s32 s8, s7;
	s8 =	sshrl.u32 s24, $0x1F;
	s11 =	sshra.s32 s23, $0x1F  }
0x378: {  	vm12 =	vcmask $0x1714;
	vm3 =	vcmask $0x704;
	s1 =	smulhi.u32 $0x431BDE83, s29;
	s26 =	sshra.s32 s29, $0x1F;
	s30 =	sshra.s32 s0, $0x12;
	v5 =	vmov s11  }
0x379: {  	vm9 =	vcmask $0x1F1C;
	v61 =	vmov s3;
	s29 =	sshrl.u32 s0, $0x1F;
	s28 =	smul.u32 $0x431BDE83, s26;
	s0 =	sshra.s32 s0, $0x1F;
	v5 =	vsel vm4, s30, v5  }
0x37a: {  	v8 =	vsel vm0, s8, v61;
	s8 =	sshra.s32 s7, $0x12;
	v60 =	vmov s29;
	s29 =	sshra.s32 s31, $0x1F;
	s30 =	sshra.s32 s2, $0x12;
	v5 =	vsel vm3, s0, v5  }
0x37b: {  	v62 =	vmov s22;
	v7 =	vnsel vm4, $0x0, v60;
	s1 =	sadd.s32 s28, s1;
	s28 =	sshrl.u32 s2, $0x1F;
	s2 =	sshra.s32 s2, $0x1F;
	v5 =	vsel vm0, s30, v5  }
0x37c: {  	v6 =	vsel vm0, s13, v59;
	s13 =	smul.u32 $0x431BDE83, s29;
	v7 =	vsel vm0, s28, v7;
	s28 =	sshra.s32 s5, $0x12;
	s11 =	sshrl.u32 s21, $0x1F;
	v5 =	vsel vm11, s2, v5  }
0x37d: {  	v6 =	vsel vm1, s12, v6;
	v63 =	vmov s25;
	s0 =	smulhi.u32 $0x431BDE83, s31;
	s31 =	sshrl.u32 s5, $0x1F;
	s5 =	sshra.s32 s5, $0x1F;
	v5 =	vsel vm1, s28, v5  }
0x37e: {  	v6 =	vsel vm2, s6, v6;
	s29 =	sshrl.u32 s7, $0x1F;
	s26 =	smulhi.u32 $0x431BDE83, s9;
	s9 =	sshra.s32 s9, $0x1F;
	v8 =	vsel vm1, s11, v8;
	v5 =	vsel vm12, s5, v5  }
0x37f: {  	s11 =	sshra.s32 s7, $0x1F;
	v8 =	vsel vm2, s4, v8;
	v7 =	vsel vm1, s31, v7;
	s30 =	smul.u32 $0x431BDE83, s9;
	s31 =	sshrl.u32 s1, $0x1F;
	v5 =	vsel vm2, s8, v5  }
0x380: {  	v6 =	vcombine.low v8, v6;
	v7 =	vsel vm2, s29, v7;
	s0 =	sadd.s32 s13, s0;
	s13 =	sshra.s32 s1, $0x12;
	s1 =	sshra.s32 s1, $0x1F;
	v5 =	vsel vm9, s11, v5  }
0x381: {  	vm11 =	vmmov vm13;
	v7 =	vsel vm5, s31, v7;
	s9 =	sshrl.u32 s0, $0x1F;
	s3 =	sadd.s32 s30, s26;
	s26 =	sshra.s32 s18, $0x12;
	v5 =	vsel vm5, s13, v5  }
0x382: {  	s28 =	sshra.s32 s24, $0x12;
	s29 =	sshra.s32 s0, $0x12;
	v7 =	vsel vm6, s9, v7;
	s12 =	sshrl.u32 s3, $0x1F;
	v8 =	vsel vm0, s26, v62;
	v5 =	vsel vm10, s1, v5  }
0x383: {  	s30 =	sshra.s32 s19, $0x12;
	s31 =	sshra.s32 s21, $0x12;
	s0 =	sshra.s32 s0, $0x1F;
	v9 =	vsel vm0, s28, v63;
	v7 =	vsel vm7, s12, v7;
	v5 =	vsel vm6, s29, v5  }
0x384: {  	s7 =	sshra.s32 s20, $0x12;
	s4 =	sshra.s32 s17, $0x12;
	v8 =	vsel vm1, s30, v8;
	v9 =	vsel vm1, s31, v9;
	s8 =	sshra.s32 s3, $0x12;
	v5 =	vsel vm11, s0, v5  }
0x385: {  	s9 =	sshrl.u32 s23, $0x1F;
	v8 =	vsel vm2, s4, v8;
	v9 =	vsel vm2, s7, v9;
	s11 =	sshra.s32 s3, $0x1F;
	v5 =	vsel vm7, s8, v5  }
0x386: {  	s12 =	sshra.s32 s23, $0x12;
	v7 =	vsel vm8, s9, v7;
	v8 =	vcombine.low v9, v8;
	v5 =	vsel vm14, s11, v5  }
0x387: {  	v6 =	vperm.xlane v6, v1;
	v7 =	vperm.xlane v7, v2;
	v5 =	vsel vm8, s12, v5  }
0x388: {  	v8 =	vperm.xlane v8, v1;
	v5 =	vperm.xlane v5, v2;
	_ =	sdelay $0x1  }
0x389: {  	v6 =	vsel vm15, v7, v6;
	v5 =	vsel vm15, v5, v8  }
0x38a: {  	v5 =	vadd.s32 v6, v5  }
0x38b: {  	v5 =	vmul.u32 $0xF4240, v5;
	_ =	sdelay $0x1  }
0x38c: {  	v4 =	vsub.s32 v4, v5  }
0x38d: {  	vm9 =	vlt.s32 v4, $0x0;
	v5 =	vadd.s32 $0xF4240, v4  }
0x38e: {  	v4 =	vsel vm9, v5, v4  }
0x38f: {  	(v2sf) =	vpush v4, $0x0;
	_ =	sdelay $0x5  }
0x390: {  	(v2sf) =	vpush v4, $0x1;
	_ =	sdelay $0x8  }
0x391: {  	s13 =	spop (v2sf)  }
0x392: {  	(v2sf) =	vpush v4, $0x2;
	s17 =	sand.u32 $0x7, s13  }
0x393: {  	s18 =	sshra.s32 s13, $0x1F;
	p5 =	slt.s32 s13, $0x1;
	p6 =	sne.s32 s17, $0x0  }
0x394: {  	s20 =	rddreg [dreg:$0xf];
	s19 =	sshrl.u32 s18, $0x1D;
	p0 =	por !p5, !p6  }
0x395: {  	s1 =	simm.s32 $0x1;
	s0 =	sadd.s32 s19, s13;
	p0 =	por !p0, !p0  }
0x396: {  	s21 =	sor.u32 $0x5A00, s14;
	s0 =	sshrl.u32 s0, $0x3;
	s1 =	simm.s32 @!p0 $0x0  }
0x397: {  	s5 =	rddreg [dreg:$0x5];
	s22 =	spop (v2sf);
	s0 =	ssub.s32 s0, s1  }
0x398: {  	s23 =	sand.u32 $0x7, s22;
	s24 =	sshra.s32 s22, $0x1F;
	s0 =	sshll.u32 s0, $0x7  }
0x399: {  	(v2sf) =	vpush v4, $0x3;
	p1 =	slt.s32 s22, $0x1;
	p2 =	sne.s32 s23, $0x0;
	s0 =	sand.u32 $0x1FFFFF80, s0  }
0x39a: {  	[tilespmem:s20+$0xD10] =	vst v4;
	s25 =	sshrl.u32 s24, $0x1D;
	p0 =	por !p1, !p2;
	s0 =	sadd.s32 s5, s0  }
0x39b: {  	[tilespmem:s21], [sflag:s15] =	stream.linear.gather [hbm4b:s0+s16], $0x400, $0x38;
	[tilespmem:$0x1DA00] =	vst v63  }
0x39c: {  	p0 =	por !p0, !p0;
	s1 =	simm.s32 $0x1;
	s0 =	sadd.s32 s25, s22  }
0x39d: {  	s1 =	simm.s32 @!p0 $0x0;
	s0 =	sshrl.u32 s0, $0x3  }
0x39e: {  	s0 =	ssub.s32 s0, s1  }
0x39f: {  	s0 =	sshll.u32 s0, $0x7  }
0x3a0: {  	s0 =	sand.u32 $0x1FFFFF80, s0  }
0x3a1: {  	s26 =	sor.u32 $0x5E00, s14;
	s0 =	sadd.s32 s5, s0;
	s28 =	spop (v2sf)  }
0x3a2: {  	[tilespmem:s26], [sflag:s15] =	stream.linear.gather [hbm4b:s0+s16], $0x400, $0x38;
	[tilespmem:$0x1DA00] =	vst v63  }
0x3a3: {  	(v2sf) =	vpush v4, $0x4;
	s29 =	sand.u32 $0x7, s28  }
0x3a4: {  	s30 =	sshra.s32 s28, $0x1F;
	p3 =	slt.s32 s28, $0x1;
	p4 =	sne.s32 s29, $0x0  }
0x3a5: {  	s31 =	sshrl.u32 s30, $0x1D;
	p0 =	por !p3, !p4  }
0x3a6: {  	s1 =	simm.s32 $0x1;
	s0 =	sadd.s32 s31, s28;
	p0 =	por !p0, !p0  }
0x3a7: {  	s0 =	sshrl.u32 s0, $0x3;
	s1 =	simm.s32 @!p0 $0x0  }
0x3a8: {  	s2 =	sor.u32 $0x6200, s14;
	s3 =	spop (v2sf);
	s0 =	ssub.s32 s0, s1  }
0x3a9: {  	s7 =	sand.u32 $0x7, s3;
	s8 =	sshra.s32 s3, $0x1F;
	s0 =	sshll.u32 s0, $0x7  }
0x3aa: {  	(v2sf) =	vpush v4, $0x5;
	p5 =	slt.s32 s3, $0x1;
	p6 =	sne.s32 s7, $0x0;
	s0 =	sand.u32 $0x1FFFFF80, s0  }
0x3ab: {  	s9 =	sshrl.u32 s8, $0x1D;
	p0 =	por !p5, !p6;
	s0 =	sadd.s32 s5, s0  }
0x3ac: {  	[tilespmem:s2], [sflag:s15] =	stream.linear.gather [hbm4b:s0+s16], $0x400, $0x38;
	[tilespmem:$0x1DA00] =	vst v63  }
0x3ad: {  	p0 =	por !p0, !p0;
	s1 =	simm.s32 $0x1;
	s0 =	sadd.s32 s9, s3  }
0x3ae: {  	s1 =	simm.s32 @!p0 $0x0;
	s0 =	sshrl.u32 s0, $0x3  }
0x3af: {  	s0 =	ssub.s32 s0, s1  }
0x3b0: {  	s0 =	sshll.u32 s0, $0x7  }
0x3b1: {  	s0 =	sand.u32 $0x1FFFFF80, s0  }
0x3b2: {  	s11 =	sor.u32 $0x6600, s14;
	s0 =	sadd.s32 s5, s0;
	s12 =	spop (v2sf)  }
0x3b3: {  	[tilespmem:s11], [sflag:s15] =	stream.linear.gather [hbm4b:s0+s16], $0x400, $0x38;
	[tilespmem:$0x1DA00] =	vst v63  }
0x3b4: {  	(v2sf) =	vpush v4, $0x6;
	s13 =	sand.u32 $0x7, s12  }
0x3b5: {  	s17 =	sshra.s32 s12, $0x1F;
	p1 =	slt.s32 s12, $0x1;
	p2 =	sne.s32 s13, $0x0  }
0x3b6: {  	s18 =	sshrl.u32 s17, $0x1D;
	p0 =	por !p1, !p2  }
0x3b7: {  	s1 =	simm.s32 $0x1;
	s0 =	sadd.s32 s18, s12;
	p0 =	por !p0, !p0  }
0x3b8: {  	s0 =	sshrl.u32 s0, $0x3;
	s1 =	simm.s32 @!p0 $0x0  }
0x3b9: {  	s19 =	sor.u32 $0x6A00, s14;
	s20 =	spop (v2sf);
	s0 =	ssub.s32 s0, s1  }
0x3ba: {  	s21 =	sand.u32 $0x7, s20;
	s22 =	sshra.s32 s20, $0x1F;
	s0 =	sshll.u32 s0, $0x7  }
0x3bb: {  	(v2sf) =	vpush v4, $0x7;
	p3 =	slt.s32 s20, $0x1;
	p4 =	sne.s32 s21, $0x0;
	s0 =	sand.u32 $0x1FFFFF80, s0  }
0x3bc: {  	s23 =	sshrl.u32 s22, $0x1D;
	p0 =	por !p3, !p4;
	s0 =	sadd.s32 s5, s0  }
0x3bd: {  	[tilespmem:s19], [sflag:s15] =	stream.linear.gather [hbm4b:s0+s16], $0x400, $0x38;
	[tilespmem:$0x1DA00] =	vst v63  }
0x3be: {  	p0 =	por !p0, !p0;
	s1 =	simm.s32 $0x1;
	s0 =	sadd.s32 s23, s20  }
0x3bf: {  	s1 =	simm.s32 @!p0 $0x0;
	s0 =	sshrl.u32 s0, $0x3  }
0x3c0: {  	s0 =	ssub.s32 s0, s1  }
0x3c1: {  	s0 =	sshll.u32 s0, $0x7  }
0x3c2: {  	s0 =	sand.u32 $0x1FFFFF80, s0  }
0x3c3: {  	s24 =	sor.u32 $0x6E00, s14;
	s0 =	sadd.s32 s5, s0;
	s25 =	spop (v2sf)  }
0x3c4: {  	[tilespmem:s24], [sflag:s15] =	stream.linear.gather [hbm4b:s0+s16], $0x400, $0x38;
	[tilespmem:$0x1DA00] =	vst v63  }
0x3c5: {  	(v2sf) =	vpush v4, $0x8;
	s26 =	sand.u32 $0x7, s25  }
0x3c6: {  	s28 =	sshra.s32 s25, $0x1F;
	p5 =	slt.s32 s25, $0x1;
	p6 =	sne.s32 s26, $0x0  }
0x3c7: {  	s29 =	sshrl.u32 s28, $0x1D;
	p0 =	por !p5, !p6  }
0x3c8: {  	s1 =	simm.s32 $0x1;
	s0 =	sadd.s32 s29, s25;
	p0 =	por !p0, !p0  }
0x3c9: {  	s0 =	sshrl.u32 s0, $0x3;
	s1 =	simm.s32 @!p0 $0x0  }
0x3ca: {  	s30 =	sor.u32 $0x7200, s14;
	s31 =	spop (v2sf);
	s0 =	ssub.s32 s0, s1  }
0x3cb: {  	s2 =	sand.u32 $0x7, s31;
	s3 =	sshra.s32 s31, $0x1F;
	s0 =	sshll.u32 s0, $0x7  }
0x3cc: {  	(v2sf) =	vpush v4, $0x9;
	p1 =	slt.s32 s31, $0x1;
	p2 =	sne.s32 s2, $0x0;
	s0 =	sand.u32 $0x1FFFFF80, s0  }
0x3cd: {  	s7 =	sshrl.u32 s3, $0x1D;
	p0 =	por !p1, !p2;
	s0 =	sadd.s32 s5, s0  }
0x3ce: {  	[tilespmem:s30], [sflag:s15] =	stream.linear.gather [hbm4b:s0+s16], $0x400, $0x38;
	[tilespmem:$0x1DA00] =	vst v63  }
0x3cf: {  	p0 =	por !p0, !p0;
	s1 =	simm.s32 $0x1;
	s0 =	sadd.s32 s7, s31  }
0x3d0: {  	s1 =	simm.s32 @!p0 $0x0;
	s0 =	sshrl.u32 s0, $0x3  }
0x3d1: {  	s0 =	ssub.s32 s0, s1  }
0x3d2: {  	s0 =	sshll.u32 s0, $0x7  }
0x3d3: {  	s0 =	sand.u32 $0x1FFFFF80, s0  }
0x3d4: {  	s8 =	sor.u32 $0x7600, s14;
	s0 =	sadd.s32 s5, s0;
	s9 =	spop (v2sf)  }
0x3d5: {  	[tilespmem:s8], [sflag:s15] =	stream.linear.gather [hbm4b:s0+s16], $0x400, $0x38;
	[tilespmem:$0x1DA00] =	vst v63  }
0x3d6: {  	(v2sf) =	vpush v4, $0xA;
	s11 =	sand.u32 $0x7, s9  }
0x3d7: {  	s12 =	sshra.s32 s9, $0x1F;
	p3 =	slt.s32 s9, $0x1;
	p4 =	sne.s32 s11, $0x0  }
0x3d8: {  	s13 =	sshrl.u32 s12, $0x1D;
	p0 =	por !p3, !p4  }
0x3d9: {  	s1 =	simm.s32 $0x1;
	s0 =	sadd.s32 s13, s9;
	p0 =	por !p0, !p0  }
0x3da: {  	s0 =	sshrl.u32 s0, $0x3;
	s1 =	simm.s32 @!p0 $0x0  }
0x3db: {  	s17 =	sor.u32 $0x7A00, s14;
	s18 =	spop (v2sf);
	s0 =	ssub.s32 s0, s1  }
0x3dc: {  	s19 =	sand.u32 $0x7, s18;
	s20 =	sshra.s32 s18, $0x1F;
	s0 =	sshll.u32 s0, $0x7  }
0x3dd: {  	(v2sf) =	vpush v4, $0xB;
	p5 =	slt.s32 s18, $0x1;
	p6 =	sne.s32 s19, $0x0;
	s0 =	sand.u32 $0x1FFFFF80, s0  }
0x3de: {  	s21 =	sshrl.u32 s20, $0x1D;
	p0 =	por !p5, !p6;
	s0 =	sadd.s32 s5, s0  }
0x3df: {  	[tilespmem:s17], [sflag:s15] =	stream.linear.gather [hbm4b:s0+s16], $0x400, $0x38;
	[tilespmem:$0x1DA00] =	vst v63  }
0x3e0: {  	p0 =	por !p0, !p0;
	s1 =	simm.s32 $0x1;
	s0 =	sadd.s32 s21, s18  }
0x3e1: {  	s1 =	simm.s32 @!p0 $0x0;
	s0 =	sshrl.u32 s0, $0x3  }
0x3e2: {  	s0 =	ssub.s32 s0, s1  }
0x3e3: {  	s0 =	sshll.u32 s0, $0x7  }
0x3e4: {  	s0 =	sand.u32 $0x1FFFFF80, s0  }
0x3e5: {  	s22 =	sor.u32 $0x7E00, s14;
	s0 =	sadd.s32 s5, s0;
	s23 =	spop (v2sf)  }
0x3e6: {  	[tilespmem:s22], [sflag:s15] =	stream.linear.gather [hbm4b:s0+s16], $0x400, $0x38;
	[tilespmem:$0x1DA00] =	vst v63  }
0x3e7: {  	(v2sf) =	vpush v4, $0xC;
	s24 =	sand.u32 $0x7, s23  }
0x3e8: {  	s25 =	sshra.s32 s23, $0x1F;
	p1 =	slt.s32 s23, $0x1;
	p2 =	sne.s32 s24, $0x0  }
0x3e9: {  	s26 =	sshrl.u32 s25, $0x1D;
	p0 =	por !p1, !p2  }
0x3ea: {  	s1 =	simm.s32 $0x1;
	s0 =	sadd.s32 s26, s23;
	p0 =	por !p0, !p0  }
0x3eb: {  	s0 =	sshrl.u32 s0, $0x3;
	s1 =	simm.s32 @!p0 $0x0  }
0x3ec: {  	s28 =	sadd.s32 $0x8200, s14;
	s29 =	spop (v2sf);
	s0 =	ssub.s32 s0, s1  }
0x3ed: {  	s30 =	sand.u32 $0x7, s29;
	s31 =	sshra.s32 s29, $0x1F;
	s0 =	sshll.u32 s0, $0x7  }
0x3ee: {  	(v2sf) =	vpush v4, $0xD;
	p3 =	slt.s32 s29, $0x1;
	p4 =	sne.s32 s30, $0x0;
	s0 =	sand.u32 $0x1FFFFF80, s0  }
0x3ef: {  	s2 =	sshrl.u32 s31, $0x1D;
	p0 =	por !p3, !p4;
	s0 =	sadd.s32 s5, s0  }
0x3f0: {  	[tilespmem:s28], [sflag:s15] =	stream.linear.gather [hbm4b:s0+s16], $0x400, $0x38;
	[tilespmem:$0x1DA00] =	vst v63  }
0x3f1: {  	p0 =	por !p0, !p0;
	s1 =	simm.s32 $0x1;
	s0 =	sadd.s32 s2, s29  }
0x3f2: {  	s1 =	simm.s32 @!p0 $0x0;
	s0 =	sshrl.u32 s0, $0x3  }
0x3f3: {  	s0 =	ssub.s32 s0, s1  }
0x3f4: {  	s0 =	sshll.u32 s0, $0x7  }
0x3f5: {  	s0 =	sand.u32 $0x1FFFFF80, s0  }
0x3f6: {  	s3 =	sadd.s32 $0x8600, s14;
	s0 =	sadd.s32 s5, s0;
	s7 =	spop (v2sf)  }
0x3f7: {  	[tilespmem:s3], [sflag:s15] =	stream.linear.gather [hbm4b:s0+s16], $0x400, $0x38;
	[tilespmem:$0x1DA00] =	vst v63  }
0x3f8: {  	(v2sf) =	vpush v4, $0xE;
	s8 =	sand.u32 $0x7, s7  }
0x3f9: {  	s9 =	sshra.s32 s7, $0x1F;
	p5 =	slt.s32 s7, $0x1;
	p6 =	sne.s32 s8, $0x0  }
0x3fa: {  	s11 =	sshrl.u32 s9, $0x1D;
	p0 =	por !p5, !p6  }
0x3fb: {  	s1 =	simm.s32 $0x1;
	s0 =	sadd.s32 s11, s7;
	p0 =	por !p0, !p0  }
0x3fc: {  	s0 =	sshrl.u32 s0, $0x3;
	s1 =	simm.s32 @!p0 $0x0  }
0x3fd: {  	s12 =	sadd.s32 $0x8A00, s14;
	s13 =	spop (v2sf);
	s0 =	ssub.s32 s0, s1  }
0x3fe: {  	s17 =	sand.u32 $0x7, s13;
	s18 =	sshra.s32 s13, $0x1F;
	s0 =	sshll.u32 s0, $0x7  }
0x3ff: {  	(v2sf) =	vpush v4, $0xF;
	p1 =	slt.s32 s13, $0x1;
	p2 =	sne.s32 s17, $0x0;
	s0 =	sand.u32 $0x1FFFFF80, s0  }
0x400: {  	s19 =	sshrl.u32 s18, $0x1D;
	p0 =	por !p1, !p2;
	s0 =	sadd.s32 s5, s0  }
0x401: {  	[tilespmem:s12], [sflag:s15] =	stream.linear.gather [hbm4b:s0+s16], $0x400, $0x38;
	[tilespmem:$0x1DA00] =	vst v63  }
0x402: {  	p0 =	por !p0, !p0;
	s1 =	simm.s32 $0x1;
	s0 =	sadd.s32 s19, s13  }
0x403: {  	s1 =	simm.s32 @!p0 $0x0;
	s0 =	sshrl.u32 s0, $0x3  }
0x404: {  	s0 =	ssub.s32 s0, s1  }
0x405: {  	s0 =	sshll.u32 s0, $0x7  }
0x406: {  	s0 =	sand.u32 $0x1FFFFF80, s0  }
0x407: {  	s21 =	sadd.s32 $0x8E00, s14;
	s20 =	spop (v2sf);
	s0 =	sadd.s32 s5, s0  }
0x408: {  	[tilespmem:s21], [sflag:s15] =	stream.linear.gather [hbm4b:s0+s16], $0x400, $0x38;
	[tilespmem:$0x1DA00] =	vst v63  }
0x409: {  	s22 =	sand.u32 $0x7, s20  }
0x40a: {  	s23 =	sshra.s32 s20, $0x1F;
	p3 =	slt.s32 s20, $0x1;
	p4 =	sne.s32 s22, $0x0  }
0x40b: {  	s24 =	sshrl.u32 s23, $0x1D;
	p0 =	por !p3, !p4  }
0x40c: {  	s1 =	simm.s32 $0x1;
	s0 =	sadd.s32 s24, s20;
	p0 =	por !p0, !p0  }
0x40d: {  	s0 =	sshrl.u32 s0, $0x3;
	s1 =	simm.s32 @!p0 $0x0  }
0x40e: {  	s25 =	sadd.s32 $0x9200, s14;
	s26 =	spop (v2sf);
	s0 =	ssub.s32 s0, s1  }
0x40f: {  	s28 =	sand.u32 $0x7, s26;
	s29 =	sshra.s32 s26, $0x1F;
	s0 =	sshll.u32 s0, $0x7  }
0x410: {  	p5 =	slt.s32 s26, $0x1;
	p6 =	sne.s32 s28, $0x0;
	s0 =	sand.u32 $0x1FFFFF80, s0  }
0x411: {  	s30 =	sshrl.u32 s29, $0x1D;
	p0 =	por !p5, !p6;
	s0 =	sadd.s32 s5, s0  }
0x412: {  	[tilespmem:s25], [sflag:s15] =	stream.linear.gather [hbm4b:s0+s16], $0x400, $0x38;
	[tilespmem:$0x1DA00] =	vst v63  }
0x413: {  	p0 =	por !p0, !p0;
	s1 =	simm.s32 $0x1;
	s0 =	sadd.s32 s30, s26  }
0x414: {  	s1 =	simm.s32 @!p0 $0x0;
	s0 =	sshrl.u32 s0, $0x3  }
.Ltmp7:
0x415: {  	s0 =	ssub.s32 s0, s1;
	(pc) =	sbr.rel .LBB2_8-.Ltmp7, $4  }
0x416: {  	s0 =	sshll.u32 s0, $0x7  }
0x417: {  	s6 =	rddreg [dreg:$0xb];
	s0 =	sand.u32 $0x1FFFFF80, s0  }
0x418: {  	s4 =	rddreg [dreg:$0xa];
	s31 =	sadd.s32 $0x9600, s14;
	s0 =	sadd.s32 s5, s0  }
0x419: {  	vm3 =	vcmask $0x704;
	vm13 =	vmmov vm10;
	[tilespmem:s31], [sflag:s15] =	stream.linear.gather [hbm4b:s0+s16], $0x400, $0x38;
	[tilespmem:$0x1DA00] =	vst v63  }
.LBB2_10:
0x41a: {  	_ =	sfence.sel $0x180000  }
0x41b: {  	[bflag:$0x0] =	sbarrier.arrive $0xFFFF  }
0x41c: {  	_ =	strace $0x90000047  }
0x41d: {  	s0 =	stileid.u32;
	[bflag:$0x2] =	sbarrier.arrive $0xFFFF  }
0x41e: {  	p0 =	sne.s32 s0, $0x0;
	s0 =	rddreg [dreg:$0x3]  }
0x41f: {  	s0 =	sadd.s32 @!p0 $0x100000, s0  }
0x420: {  	[sflag:s0] =	ssyncadd.tile.s32 @!p0 $0x1;
	_ =	shalt  }
.Lfunc_end2:
_tile_overlayer_lowered:
.L_overlay_start_2:
0x421: {  	(tag) =	ssettag $0x2  }
0x422: {  	s0 =	rddreg [dreg:$0x0];
	s2 =	stileid.u32  }
0x423: {  	s1 =	rddreg [dreg:$0x1];
	p0 =	sne.s32 s2, $0x0  }
0x424: {  	s3 =	rddreg [dreg:$0x2];
	[bflag:$0x3] =	sbarrier.arrive $0xFFFF;
	s2 =	simm.s32 @!p0 $0x1C04  }
0x425: {  	[timem:s3], [sflag:s2] =	dma.local @!p0 [hbm:s0], s1  }
0x426: {  	s0 =	simm.s32 @!p0 $0x4  }
0x427: {  	_ =	swait.ge @!p0 [sflag:s0], s1  }
0x428: {  	s1 =	ssub.s32 @!p0 $0x0, s1;
	[sflag:s0] =	ssyncset.done @!p0 $0x0  }
0x429: {  	[sflag:s0] =	ssyncadd.s32 @!p0 s1  }
0x42a: {  	[bflag:$0x3] =	sbarrier.arrive $0xFFFF  }
0x42b: {  	_ =	shalt  }

</sc_bundles>
